<compile_context>
chip_gen: v7x
topology: tpu7x:2x2x1
jax: 0.10.2.dev20260603
libtpu: 0.0.44.dev20260713+nightly
codegen_flags: <defaults>
</compile_context>

<pallas_src>
import functools

import jax
import jax.numpy as jnp
import numpy as np
from jax import lax
from jax.experimental import pallas as pl
from jax.experimental.pallas import tpu as pltpu
from jax.experimental.pallas import tpu_sc as plsc

N = 10000
E = 320000
D = 128
H = 16
EF = 16
DH = D // H

NC = 2
NS = 16
NW = NC * NS
CH = 128
ZCH = 80
NZ = N // ZCH

_S_NP = np.kron(np.eye(H, dtype=np.float32), np.ones((DH, 1), dtype=np.float32))
_B8 = np.kron(np.eye(H // 2, dtype=np.float32), np.ones((1, DH), dtype=np.float32))
_B0_NP = np.vstack([_B8, np.zeros_like(_B8)])
_B1_NP = np.vstack([np.zeros_like(_B8), _B8])
_B0E_NP = np.hstack([_B0_NP, np.eye(H, dtype=np.float32),
                     np.zeros((H, D - D // 2 - H), np.float32)])
_B1E_NP = np.hstack([_B1_NP, np.eye(H, dtype=np.float32),
                     np.zeros((H, D - D // 2 - H), np.float32)])

EB = 2000
NB = 2000

EHALF = E // 2
EPWH = EHALF // NW
NFULLH = EPWH // CH
TAILH = EPWH - NFULLH * CH
RING = 3
RINGS = 2
EPTH = EHALF // NS
NF2H = EPTH // CH
TAIL2H = EPTH - NF2H * CH


def _ln_relu(t, g, be):
    mu = jnp.mean(t, axis=-1, keepdims=True)
    var = jnp.mean((t - mu) * (t - mu), axis=-1, keepdims=True)
    return jax.nn.relu((t - mu) * lax.rsqrt(var + 1e-5) * g + be)



def _q_body(h_ref, w1, b1, g, be, w2, b2, q_ref):
    t = jnp.dot(h_ref[...], w1[...], preferred_element_type=jnp.float32) + b1[...]
    t = _ln_relu(t, g[...], be[...])
    q_ref[...] = jnp.dot(t, w2[...], preferred_element_type=jnp.float32) + b2[...]


def _tc_q(h, w1, b1, g, be, w2, b2):
    full = lambda shape: pl.BlockSpec(shape, lambda i: (0, 0))
    return pl.pallas_call(
        _q_body,
        grid=(N // NB,),
        in_specs=[
            pl.BlockSpec((NB, D), lambda i: (i, 0)),
            full((D, D)), full((1, D)), full((1, D)), full((1, D)),
            full((D, D)), full((1, D)),
        ],
        out_specs=pl.BlockSpec((NB, D), lambda i: (i, 0)),
        out_shape=jax.ShapeDtypeStruct((N, D), jnp.float32),
    )(h, w1, b1, g, be, w2, b2)



def _make_gather_body(e0):
    def body(h_hbm, q_hbm, src_hbm, dst_hbm, hs_out, qd_out,
             idxsrc, idxdst, hsrows, qdrows,
             gh0, gh1, gh2, gq0, gq1, gq2, wh0, wh1, wh2, wq0, wq1, wq2):
        c = lax.axis_index("c")
        s = lax.axis_index("s")
        w = c * NS + s
        obase = w * EPWH
        ebase = e0 + obase

        pltpu.sync_copy(src_hbm.at[pl.ds(ebase, EPWH)], idxsrc)
        pltpu.sync_copy(dst_hbm.at[pl.ds(ebase, EPWH)], idxdst)

        ghs = (gh0, gh1, gh2)
        gqs = (gq0, gq1, gq2)
        whs = (wh0, wh1, wh2)
        wqs = (wq0, wq1, wq2)

        def batchbody(i, carry):
            gs = []
            for b in range(RING):
                off = (RING * i + b) * CH
                gs.append(pltpu.async_copy(
                    h_hbm.at[idxsrc.at[pl.ds(off, CH)]], hsrows.at[b], ghs[b]))
                gs.append(pltpu.async_copy(
                    q_hbm.at[idxdst.at[pl.ds(off, CH)]], qdrows.at[b], gqs[b]))
            ws = []
            for b in range(RING):
                base = obase + (RING * i + b) * CH
                gs[2 * b].wait()
                ws.append(pltpu.async_copy(
                    hsrows.at[b], hs_out.at[pl.ds(base, CH)], whs[b]))
                gs[2 * b + 1].wait()
                ws.append(pltpu.async_copy(
                    qdrows.at[b], qd_out.at[pl.ds(base, CH)], wqs[b]))
            for wcp in ws:
                wcp.wait()
            return carry

        lax.fori_loop(0, NFULLH // RING, batchbody, 0)

        toff = NFULLH * CH
        tb = obase + toff
        cp1 = pltpu.async_copy(
            h_hbm.at[idxsrc.at[pl.ds(toff, TAILH)]],
            hsrows.at[0, pl.ds(0, TAILH)], gh0)
        cp2 = pltpu.async_copy(
            q_hbm.at[idxdst.at[pl.ds(toff, TAILH)]],
            qdrows.at[0, pl.ds(0, TAILH)], gq0)
        cp1.wait()
        cp2.wait()
        pltpu.sync_copy(hsrows.at[0, pl.ds(0, TAILH)],
                        hs_out.at[pl.ds(tb, TAILH)])
        pltpu.sync_copy(qdrows.at[0, pl.ds(0, TAILH)],
                        qd_out.at[pl.ds(tb, TAILH)])

    return body


def _sc_gather_half(h, q, src, dst, e0):
    mesh = plsc.VectorSubcoreMesh(core_axis_name="c", subcore_axis_name="s")
    f = functools.partial(
        pl.kernel,
        out_type=[
            jax.ShapeDtypeStruct((EHALF, D), jnp.float32),
            jax.ShapeDtypeStruct((EHALF, D), jnp.float32),
        ],
        mesh=mesh,
        scratch_types=[
            pltpu.VMEM((EPWH,), jnp.int32),
            pltpu.VMEM((EPWH,), jnp.int32),
            pltpu.VMEM((RING, CH, D), jnp.float32),
            pltpu.VMEM((RING, CH, D), jnp.float32),
        ] + [pltpu.SemaphoreType.DMA] * 12,
    )(_make_gather_body(e0))
    return f(h, q, src, dst)



def _edge_body(hs, qd, ea, kw1h, kw1e, kb1, kg, kbe, kw2, kb2,
               vw1h, vw1e, vb1, vg, vbe, vw2a, vw2b, vb2a, vb2b, s_ref,
               b0_ref, b1_ref, p0_ref, p1_ref):
    hsv = hs[...]
    eav = ea[...]
    tk = (jnp.dot(hsv, kw1h[...], preferred_element_type=jnp.float32)
          + jnp.dot(eav, kw1e[...], preferred_element_type=jnp.float32) + kb1[...])
    kk = jnp.dot(_ln_relu(tk, kg[...], kbe[...]), kw2[...],
                 preferred_element_type=jnp.float32) + kb2[...]
    tv = (jnp.dot(hsv, vw1h[...], preferred_element_type=jnp.float32)
          + jnp.dot(eav, vw1e[...], preferred_element_type=jnp.float32) + vb1[...])
    rv = _ln_relu(tv, vg[...], vbe[...])
    a0 = jnp.dot(rv, vw2a[...], preferred_element_type=jnp.float32) + vb2a[...]
    a1 = jnp.dot(rv, vw2b[...], preferred_element_type=jnp.float32) + vb2b[...]
    logits = jnp.dot(qd[...] * kk, s_ref[...],
                     preferred_element_type=jnp.float32) * (1.0 / np.sqrt(DH))
    ex = jnp.exp(logits)
    p0_ref[...] = a0 * jnp.dot(ex, b0_ref[...], preferred_element_type=jnp.float32)
    p1_ref[...] = a1 * jnp.dot(ex, b1_ref[...], preferred_element_type=jnp.float32)


def _tc_edge(hs, qd, ea, kw1h, kw1e, kb1, kg, kbe, kw2, kb2,
             vw1h, vw1e, vb1, vg, vbe, vw2a, vw2b, vb2a, vb2b,
             s_mat, b0_mat, b1_mat, eoff):
    full = lambda shape: pl.BlockSpec(shape, lambda i: (0, 0))
    boff = eoff // EB
    return pl.pallas_call(
        _edge_body,
        grid=(EHALF // EB,),
        in_specs=[
            pl.BlockSpec((EB, D), lambda i: (i, 0)),
            pl.BlockSpec((EB, D), lambda i: (i, 0)),
            pl.BlockSpec((EB, EF), lambda i: (i + boff, 0)),
            full((D, D)), full((EF, D)), full((1, D)), full((1, D)), full((1, D)),
            full((D, D)), full((1, D)),
            full((D, D)), full((EF, D)), full((1, D)), full((1, D)), full((1, D)),
            full((D, D)), full((D, D)), full((1, D)), full((1, D)),
            full((D, H)), full((H, D)), full((H, D)),
        ],
        out_specs=[
            pl.BlockSpec((EB, D), lambda i: (i, 0)),
            pl.BlockSpec((EB, D), lambda i: (i, 0)),
        ],
        out_shape=[
            jax.ShapeDtypeStruct((EHALF, D), jnp.float32),
            jax.ShapeDtypeStruct((EHALF, D), jnp.float32),
        ],
    )(hs, qd, ea, kw1h, kw1e, kb1, kg, kbe, kw2, kb2,
      vw1h, vw1e, vb1, vg, vbe, vw2a, vw2b, vb2a, vb2b, s_mat, b0_mat, b1_mat)



def _make_scatter_body(e0):
    def body(p0_hbm, p1_hbm, dst_hbm, zp_hbm, acc_out,
             acc_sh, idxr, pbuf, idxt, pbuft, rbuf,
             is0, is1, rs0, rs1, as0, as1):
        c = lax.axis_index("c")
        s = lax.axis_index("s")
        isems = (is0, is1)
        rsems = (rs0, rs1)
        asems = (as0, as1)

        nz_mine = (NZ - s + NS - 1) // NS
        pltpu.sync_copy(zp_hbm, rbuf)

        def zbody(i, carry):
            r0 = (s + i * NS) * ZCH
            pltpu.sync_copy(rbuf, acc_sh.at[pl.ds(r0, ZCH)])
            return carry

        lax.fori_loop(0, nz_mine, zbody, 0)
        plsc.subcore_barrier()

        obase = s * EPTH
        dbase = e0 + obase

        def run_acc(p_hbm):
            def batchbody(i, carry):
                cps = []
                for b in range(RINGS):
                    off = (RINGS * i + b) * CH
                    cps.append(pltpu.async_copy(
                        dst_hbm.at[pl.ds(dbase + off, CH)], idxr.at[b],
                        isems[b]))
                    cps.append(pltpu.async_copy(
                        p_hbm.at[pl.ds(obase + off, CH)], pbuf.at[b],
                        rsems[b]))
                adds = []
                for b in range(RINGS):
                    cps[2 * b].wait()
                    cps[2 * b + 1].wait()
                    adds.append(pltpu.async_copy(
                        pbuf.at[b], acc_sh.at[idxr.at[b]], asems[b],
                        add=True))
                for a in adds:
                    a.wait()
                return carry

            lax.fori_loop(0, NF2H // RINGS, batchbody, 0)

            toff = NF2H * CH
            pltpu.sync_copy(dst_hbm.at[pl.ds(dbase + toff, TAIL2H)], idxt)
            pltpu.sync_copy(p_hbm.at[pl.ds(obase + toff, TAIL2H)], pbuft)
            pltpu.sync_copy(pbuft, acc_sh.at[idxt], add=True)

        @pl.when(c == 0)
        def _():
            run_acc(p0_hbm)

        @pl.when(c == 1)
        def _():
            run_acc(p1_hbm)

        plsc.subcore_barrier()

        def fbody(i, carry):
            r0 = (s + i * NS) * ZCH
            pltpu.sync_copy(acc_sh.at[pl.ds(r0, ZCH)], rbuf)
            pltpu.sync_copy(rbuf, acc_out.at[c, pl.ds(r0, ZCH)])
            return carry

        lax.fori_loop(0, nz_mine, fbody, 0)

    return body


def _sc_scatter_half(p0, p1, dst, zp, e0):
    mesh = plsc.VectorSubcoreMesh(core_axis_name="c", subcore_axis_name="s")
    f = functools.partial(
        pl.kernel,
        out_type=jax.ShapeDtypeStruct((NC, N, D), jnp.float32),
        mesh=mesh,
        scratch_types=[
            pltpu.VMEM_SHARED((N, D), jnp.float32),
            pltpu.VMEM((RINGS, CH), jnp.int32),
            pltpu.VMEM((RINGS, CH, D), jnp.float32),
            pltpu.VMEM((TAIL2H,), jnp.int32),
            pltpu.VMEM((TAIL2H, D), jnp.float32),
            pltpu.VMEM((ZCH, D), jnp.float32),
        ] + [pltpu.SemaphoreType.DMA] * 6,
    )(_make_scatter_body(e0))
    return f(p0, p1, dst, zp)



def _out_body(a0x, a0y, a1x, a1y, d0x, d0y, d1x, d1y, h_ref, b0_ref, b1_ref,
              w1a0, w1a1, w1b, b1, g, be, w2, b2, o_ref):
    a0 = a0x[...] + a0y[...]
    a1 = a1x[...] + a1y[...]
    d0 = d0x[...] + d0y[...]
    d1 = d1x[...] + d1y[...]
    oa0 = a0 / (jnp.dot(d0, b0_ref[...], preferred_element_type=jnp.float32) + 1e-16)
    oa1 = a1 / (jnp.dot(d1, b1_ref[...], preferred_element_type=jnp.float32) + 1e-16)
    hv = h_ref[...]
    t = (jnp.dot(oa0, w1a0[...], preferred_element_type=jnp.float32)
         + jnp.dot(oa1, w1a1[...], preferred_element_type=jnp.float32)
         + jnp.dot(hv, w1b[...], preferred_element_type=jnp.float32) + b1[...])
    t = _ln_relu(t, g[...], be[...])
    o_ref[...] = jnp.dot(t, w2[...], preferred_element_type=jnp.float32) + b2[...] + hv


def _tc_out(a0x, a0y, a1x, a1y, d0x, d0y, d1x, d1y, h,
            b0_mat, b1_mat, w1a0, w1a1, w1b, b1, g, be, w2, b2):
    full = lambda shape: pl.BlockSpec(shape, lambda i: (0, 0))
    rowsD2 = pl.BlockSpec((NB, D // 2), lambda i: (i, 0))
    rowsH = pl.BlockSpec((NB, H), lambda i: (i, 0))
    return pl.pallas_call(
        _out_body,
        grid=(N // NB,),
        in_specs=[
            rowsD2, rowsD2, rowsD2, rowsD2,
            rowsH, rowsH, rowsH, rowsH,
            pl.BlockSpec((NB, D), lambda i: (i, 0)),
            full((H, D // 2)), full((H, D // 2)),
            full((D // 2, D)), full((D // 2, D)), full((D, D)),
            full((1, D)), full((1, D)), full((1, D)),
            full((D, D)), full((1, D)),
        ],
        out_specs=pl.BlockSpec((NB, D), lambda i: (i, 0)),
        out_shape=jax.ShapeDtypeStruct((N, D), jnp.float32),
    )(a0x, a0y, a1x, a1y, d0x, d0y, d1x, d1y, h,
      b0_mat, b1_mat, w1a0, w1a1, w1b, b1, g, be, w2, b2)



def kernel(h, edge_attr, edge_index,
           hk_W1, hk_b1, hk_g, hk_be, hk_W2, hk_b2,
           hv_W1, hv_b1, hv_g, hv_be, hv_W2, hv_b2,
           hq_W1, hq_b1, hq_g, hq_be, hq_W2, hq_b2,
           no_W1, no_b1, no_g, no_be, no_W2, no_b2):
    src = edge_index[0]
    dst = edge_index[1]
    r = lambda x: x.reshape(1, D)

    s_mat = jnp.asarray(_S_NP)
    b0_mat = jnp.asarray(_B0_NP)
    b1_mat = jnp.asarray(_B1_NP)
    b0e_mat = jnp.asarray(_B0E_NP)
    b1e_mat = jnp.asarray(_B1E_NP)
    half = D // 2
    zcol = jnp.zeros((D, half), jnp.float32)
    ebias = jnp.concatenate([jnp.ones((H,), jnp.float32),
                             jnp.zeros((half - H,), jnp.float32)])
    vw2a = jnp.concatenate([hv_W2[:, :half], zcol], axis=1)
    vw2b = jnp.concatenate([hv_W2[:, half:], zcol], axis=1)
    vb2a = jnp.concatenate([hv_b2[:half], ebias]).reshape(1, D)
    vb2b = jnp.concatenate([hv_b2[half:], ebias]).reshape(1, D)

    q = _tc_q(h, hq_W1, r(hq_b1), r(hq_g), r(hq_be), hq_W2, r(hq_b2))
    zp = jnp.zeros((ZCH, D), jnp.float32)
    ew = (hk_W1[:D], hk_W1[D:], r(hk_b1), r(hk_g), r(hk_be), hk_W2, r(hk_b2),
          hv_W1[:D], hv_W1[D:], r(hv_b1), r(hv_g), r(hv_be),
          vw2a, vw2b, vb2a, vb2b, s_mat, b0e_mat, b1e_mat)

    hsA, qdA = _sc_gather_half(h, q, src, dst, 0)
    hsB, qdB = _sc_gather_half(h, q, src, dst, EHALF)
    p0A, p1A = _tc_edge(hsA, qdA, edge_attr, *ew, eoff=0)
    p0B, p1B = _tc_edge(hsB, qdB, edge_attr, *ew, eoff=EHALF)
    accA = _sc_scatter_half(p0A, p1A, dst, zp, 0)
    accB = _sc_scatter_half(p0B, p1B, dst, zp, EHALF)

    out = _tc_out(accA[0, :, :half], accB[0, :, :half],
                  accA[1, :, :half], accB[1, :, :half],
                  accA[0, :, half:half + H], accB[0, :, half:half + H],
                  accA[1, :, half:half + H], accB[1, :, half:half + H],
                  h, b0_mat, b1_mat,
                  no_W1[:half], no_W1[half:D], no_W1[D:],
                  r(no_b1), r(no_g), r(no_be), no_W2, r(no_b2))
    return out

# --- scband reference (transcript-rebuilt; emitter-appended) ---
"""Pipeline reference for scband-subgraph-net-55070070669490 (READ-ONLY COPY).

The authoritative reference and input builder live on the scoring server;
editing this copy changes nothing except your own understanding.
"""

import jax, jax.numpy as jnp
import numpy as np

N = 10000
E = 320000
D = 128
H = 16
EF = 16


def _mlp_params(key, in_dim, hid, out_dim):
    k1, k2 = jax.random.split(key)
    return (jax.random.normal(k1, (in_dim, hid), jnp.float32) / np.sqrt(in_dim),
            jnp.zeros((hid,), jnp.float32),
            jnp.ones((hid,), jnp.float32),
            jnp.zeros((hid,), jnp.float32),
            jax.random.normal(k2, (hid, out_dim), jnp.float32) / np.sqrt(hid),
            jnp.zeros((out_dim,), jnp.float32))


def setup_inputs(seed: int = 0) -> dict:
    key = jax.random.key(seed)
    ks = jax.random.split(key, 8)
    h = jax.random.normal(ks[0], (N, D), jnp.float32)
    edge_attr = jax.random.normal(ks[1], (E, EF), jnp.float32)
    edge_index = jax.random.randint(ks[2], (2, E), 0, N)
    inp = {"h": h, "edge_attr": edge_attr, "edge_index": edge_index}
    dims = {"hk": (D + EF, D, D), "hv": (D + EF, D, D), "hq": (D, D, D), "no": (2 * D, D, D)}
    for i, nm in enumerate(["hk", "hv", "hq", "no"]):
        p = _mlp_params(ks[3 + i], *dims[nm])
        for s, a in zip(("W1", "b1", "g", "be", "W2", "b2"), p):
            inp[nm + "_" + s] = a
    return inp


def _mlp(x, W1, b1, g, be, W2, b2):
    t = x @ W1 + b1
    mu = jnp.mean(t, axis=-1, keepdims=True)
    var = jnp.var(t, axis=-1, keepdims=True)
    t = (t - mu) / jnp.sqrt(var + 1e-5) * g + be
    return jax.nn.relu(t) @ W2 + b2


def reference(h, edge_attr, edge_index,
              hk_W1, hk_b1, hk_g, hk_be, hk_W2, hk_b2,
              hv_W1, hv_b1, hv_g, hv_be, hv_W2, hv_b2,
              hq_W1, hq_b1, hq_g, hq_be, hq_W2, hq_b2,
              no_W1, no_b1, no_g, no_be, no_W2, no_b2):
    src = edge_index[0]
    dst = edge_index[1]
    dh = D // H
    kv = jnp.concatenate([h[src], edge_attr], axis=-1)
    k = _mlp(kv, hk_W1, hk_b1, hk_g, hk_be, hk_W2, hk_b2).reshape(-1, H, dh)
    v = _mlp(kv, hv_W1, hv_b1, hv_g, hv_be, hv_W2, hv_b2).reshape(-1, H, dh)
    q = _mlp(h, hq_W1, hq_b1, hq_g, hq_be, hq_W2, hq_b2).reshape(-1, H, dh)
    logits = (q[dst] * k).sum(-1) / np.sqrt(dh)
    smax = jax.ops.segment_max(logits, dst, num_segments=N)
    smax = jnp.where(jnp.isfinite(smax), smax, 0.0)
    ex = jnp.exp(logits - smax[dst])
    den = jax.ops.segment_sum(ex, dst, num_segments=N)
    alpha = ex / (den[dst] + 1e-16)
    out = jax.ops.segment_sum(alpha[..., None] * v, dst, num_segments=N).reshape(N, D)
    out = _mlp(jnp.concatenate([out, h], axis=-1), no_W1, no_b1, no_g, no_be, no_W2, no_b2)
    return out + h

if __name__ == "__main__":
    import jax
    _d = setup_inputs()
    print(jax.jit(kernel)(*tuple(_d.values())))

</pallas_src>

<mosaic_0001>
#map = affine_map<(d0, d1) -> (0, 0)>
#map1 = affine_map<(d0, d1) -> (0)>
module attributes {stable_mosaic.version = 14 : i64} {
  func.func @body(%arg0: i32, %arg1: i32, %arg2: memref<10000x128xf32, #tpu.memory_space<hbm>>, %arg3: memref<10000x128xf32, #tpu.memory_space<hbm>>, %arg4: memref<320000xi32, #tpu.memory_space<hbm>>, %arg5: memref<320000xi32, #tpu.memory_space<hbm>>, %arg6: memref<160000x128xf32, #tpu.memory_space<hbm>>, %arg7: memref<160000x128xf32, #tpu.memory_space<hbm>>, %arg8: memref<5000xi32, #tpu.memory_space<vmem>>, %arg9: memref<5000xi32, #tpu.memory_space<vmem>>, %arg10: memref<3x128x128xf32, #tpu.memory_space<vmem>>, %arg11: memref<3x128x128xf32, #tpu.memory_space<vmem>>, %arg12: memref<!tpu.dma_semaphore, #tpu.memory_space<semaphore_mem>>, %arg13: memref<!tpu.dma_semaphore, #tpu.memory_space<semaphore_mem>>, %arg14: memref<!tpu.dma_semaphore, #tpu.memory_space<semaphore_mem>>, %arg15: memref<!tpu.dma_semaphore, #tpu.memory_space<semaphore_mem>>, %arg16: memref<!tpu.dma_semaphore, #tpu.memory_space<semaphore_mem>>, %arg17: memref<!tpu.dma_semaphore, #tpu.memory_space<semaphore_mem>>, %arg18: memref<!tpu.dma_semaphore, #tpu.memory_space<semaphore_mem>>, %arg19: memref<!tpu.dma_semaphore, #tpu.memory_space<semaphore_mem>>, %arg20: memref<!tpu.dma_semaphore, #tpu.memory_space<semaphore_mem>>, %arg21: memref<!tpu.dma_semaphore, #tpu.memory_space<semaphore_mem>>, %arg22: memref<!tpu.dma_semaphore, #tpu.memory_space<semaphore_mem>>, %arg23: memref<!tpu.dma_semaphore, #tpu.memory_space<semaphore_mem>>) attributes {dimension_semantics = [#tpu.dimension_semantics<core_parallel>, #tpu.dimension_semantics<subcore_parallel>], iteration_bounds = array<i64: 2, 16>, scalar_prefetch = 0 : i64, scratch_operands = 16 : i64, tpu.core_type = #tpu.core_type<sc_vector_subcore>, window_params = [{transform_indices = #map}, {transform_indices = #map}, {transform_indices = #map1}, {transform_indices = #map1}, {transform_indices = #map}, {transform_indices = #map}]} {
    %mul3A = arith.constant 16 : i32
    %mul3A_0 = arith.muli %arg0, %mul3A : i32
    %add3A = arith.addi %mul3A_0, %arg1 : i32
    %mul3A_1 = arith.constant 5000 : i32
    %mul3A_2 = arith.muli %add3A, %mul3A_1 : i32
    %add3A_3 = arith.constant 0 : i32
    %add3A_4 = arith.addi %add3A_3, %mul3A_2 : i32
    "tpu.region"() ({
      %run_scoped3A_51 = tpu.sem_alloc : memref<!tpu.dma_semaphore, #tpu.memory_space<semaphore_mem>>
      %dma_start3A_52 = tpu.memref_slice %arg4[%add3A_4] : memref<320000xi32, #tpu.memory_space<hbm>> -> memref<5000xi32, #tpu.memory_space<hbm>>
      %dma_start3A_53 = tpu.memref_slice %arg4[%add3A_4] : memref<320000xi32, #tpu.memory_space<hbm>> -> memref<5000xi32, #tpu.memory_space<hbm>>
      tpu.enqueue_dma source(%dma_start3A_53 : memref<5000xi32, #tpu.memory_space<hbm>>) target(%arg8 : memref<5000xi32, #tpu.memory_space<vmem>>) target_semaphore(%run_scoped3A_51 : memref<!tpu.dma_semaphore, #tpu.memory_space<semaphore_mem>>)
      %dma_wait3A_54 = tpu.memref_slice %arg4[%add3A_4] : memref<320000xi32, #tpu.memory_space<hbm>> -> memref<5000xi32, #tpu.memory_space<hbm>>
      %dma_wait3A_55 = tpu.memref_slice %arg4[%add3A_4] : memref<320000xi32, #tpu.memory_space<hbm>> -> memref<5000xi32, #tpu.memory_space<hbm>>
      tpu.wait_dma2 semaphore(%run_scoped3A_51 : memref<!tpu.dma_semaphore, #tpu.memory_space<semaphore_mem>>) src(%dma_wait3A_55 : memref<5000xi32, #tpu.memory_space<hbm>>) dst(%arg8 : memref<5000xi32, #tpu.memory_space<vmem>>)
      tpu.yield
    }) : () -> ()
    "tpu.region"() ({
      %run_scoped3A_51 = tpu.sem_alloc : memref<!tpu.dma_semaphore, #tpu.memory_space<semaphore_mem>>
      %dma_start3A_52 = tpu.memref_slice %arg5[%add3A_4] : memref<320000xi32, #tpu.memory_space<hbm>> -> memref<5000xi32, #tpu.memory_space<hbm>>
      %dma_start3A_53 = tpu.memref_slice %arg5[%add3A_4] : memref<320000xi32, #tpu.memory_space<hbm>> -> memref<5000xi32, #tpu.memory_space<hbm>>
      tpu.enqueue_dma source(%dma_start3A_53 : memref<5000xi32, #tpu.memory_space<hbm>>) target(%arg9 : memref<5000xi32, #tpu.memory_space<vmem>>) target_semaphore(%run_scoped3A_51 : memref<!tpu.dma_semaphore, #tpu.memory_space<semaphore_mem>>)
      %dma_wait3A_54 = tpu.memref_slice %arg5[%add3A_4] : memref<320000xi32, #tpu.memory_space<hbm>> -> memref<5000xi32, #tpu.memory_space<hbm>>
      %dma_wait3A_55 = tpu.memref_slice %arg5[%add3A_4] : memref<320000xi32, #tpu.memory_space<hbm>> -> memref<5000xi32, #tpu.memory_space<hbm>>
      tpu.wait_dma2 semaphore(%run_scoped3A_51 : memref<!tpu.dma_semaphore, #tpu.memory_space<semaphore_mem>>) src(%dma_wait3A_55 : memref<5000xi32, #tpu.memory_space<hbm>>) dst(%arg9 : memref<5000xi32, #tpu.memory_space<vmem>>)
      tpu.yield
    }) : () -> ()
    %scan3A = arith.constant 0 : i32
    %scan3A_5 = arith.constant 0 : i32
    %scan3A_6 = arith.constant 13 : i32
    %scan3A_7 = arith.addi %scan3A_5, %scan3A_6 : i32
    %scan3A_8 = arith.constant 1 : i32
    scf.for %scan3A_51 = %scan3A_5 to %scan3A_7 step %scan3A_8  : i32 {
      %mul3A_52 = arith.constant 3 : i32
      %mul3A_53 = arith.muli %mul3A_52, %scan3A_51 : i32
      %add3A_54 = arith.constant 0 : i32
      %add3A_55 = arith.addi %mul3A_53, %add3A_54 : i32
      %mul3A_56 = arith.constant 128 : i32
      %mul3A_57 = arith.muli %add3A_55, %mul3A_56 : i32
      %dma_start3A_58 = arith.constant 0 : i32
      %dma_start3A_59 = arith.constant 0 : i32
      %dma_start3A_60 = arith.constant 0 : i32
      %dma_start3A_61 = tpu.memref_slice %arg10[%dma_start3A_58, %dma_start3A_59, %dma_start3A_60] : memref<3x128x128xf32, #tpu.memory_space<vmem>> -> memref<1x128x128xf32, #tpu.memory_space<vmem>>
      %dma_start3A_62 = tpu.memref_squeeze %dma_start3A_61 : memref<1x128x128xf32, #tpu.memory_space<vmem>> -> memref<128x128xf32, #tpu.memory_space<vmem>>
      %dma_start3A_63 = tpu.memref_slice %arg8[%mul3A_57] : memref<5000xi32, #tpu.memory_space<vmem>> -> memref<128xi32, #tpu.memory_space<vmem>>
      %dma_start3A_64 = arith.constant 0 : i32
      %dma_start3A_65 = arith.constant 0 : i32
      %dma_start3A_66 = tpu.memref_slice %arg2[%dma_start3A_64, %dma_start3A_65] : memref<10000x128xf32, #tpu.memory_space<hbm>> -> memref<10000x128xf32, #tpu.memory_space<hbm>>
      tpu.enqueue_indirect_dma source(%dma_start3A_66 : memref<10000x128xf32, #tpu.memory_space<hbm>>) target(%dma_start3A_62 : memref<128x128xf32, #tpu.memory_space<vmem>>) offsets(%dma_start3A_63 : memref<128xi32, #tpu.memory_space<vmem>>) semaphore(%arg12 : memref<!tpu.dma_semaphore, #tpu.memory_space<semaphore_mem>>)
      %dma_start3A_67 = arith.constant 0 : i32
      %dma_start3A_68 = arith.constant 0 : i32
      %dma_start3A_69 = arith.constant 0 : i32
      %dma_start3A_70 = tpu.memref_slice %arg11[%dma_start3A_67, %dma_start3A_68, %dma_start3A_69] : memref<3x128x128xf32, #tpu.memory_space<vmem>> -> memref<1x128x128xf32, #tpu.memory_space<vmem>>
      %dma_start3A_71 = tpu.memref_squeeze %dma_start3A_70 : memref<1x128x128xf32, #tpu.memory_space<vmem>> -> memref<128x128xf32, #tpu.memory_space<vmem>>
      %dma_start3A_72 = tpu.memref_slice %arg9[%mul3A_57] : memref<5000xi32, #tpu.memory_space<vmem>> -> memref<128xi32, #tpu.memory_space<vmem>>
      %dma_start3A_73 = arith.constant 0 : i32
      %dma_start3A_74 = arith.constant 0 : i32
      %dma_start3A_75 = tpu.memref_slice %arg3[%dma_start3A_73, %dma_start3A_74] : memref<10000x128xf32, #tpu.memory_space<hbm>> -> memref<10000x128xf32, #tpu.memory_space<hbm>>
      tpu.enqueue_indirect_dma source(%dma_start3A_75 : memref<10000x128xf32, #tpu.memory_space<hbm>>) target(%dma_start3A_71 : memref<128x128xf32, #tpu.memory_space<vmem>>) offsets(%dma_start3A_72 : memref<128xi32, #tpu.memory_space<vmem>>) semaphore(%arg15 : memref<!tpu.dma_semaphore, #tpu.memory_space<semaphore_mem>>)
      %mul3A_76 = arith.constant 3 : i32
      %mul3A_77 = arith.muli %mul3A_76, %scan3A_51 : i32
      %add3A_78 = arith.constant 1 : i32
      %add3A_79 = arith.addi %mul3A_77, %add3A_78 : i32
      %mul3A_80 = arith.constant 128 : i32
      %mul3A_81 = arith.muli %add3A_79, %mul3A_80 : i32
      %dma_start3A_82 = arith.constant 1 : i32
      %dma_start3A_83 = arith.constant 0 : i32
      %dma_start3A_84 = arith.constant 0 : i32
      %dma_start3A_85 = tpu.memref_slice %arg10[%dma_start3A_82, %dma_start3A_83, %dma_start3A_84] : memref<3x128x128xf32, #tpu.memory_space<vmem>> -> memref<1x128x128xf32, #tpu.memory_space<vmem>>
      %dma_start3A_86 = tpu.memref_squeeze %dma_start3A_85 : memref<1x128x128xf32, #tpu.memory_space<vmem>> -> memref<128x128xf32, #tpu.memory_space<vmem>>
      %dma_start3A_87 = tpu.memref_slice %arg8[%mul3A_81] : memref<5000xi32, #tpu.memory_space<vmem>> -> memref<128xi32, #tpu.memory_space<vmem>>
      %dma_start3A_88 = arith.constant 0 : i32
      %dma_start3A_89 = arith.constant 0 : i32
      %dma_start3A_90 = tpu.memref_slice %arg2[%dma_start3A_88, %dma_start3A_89] : memref<10000x128xf32, #tpu.memory_space<hbm>> -> memref<10000x128xf32, #tpu.memory_space<hbm>>
      tpu.enqueue_indirect_dma source(%dma_start3A_90 : memref<10000x128xf32, #tpu.memory_space<hbm>>) target(%dma_start3A_86 : memref<128x128xf32, #tpu.memory_space<vmem>>) offsets(%dma_start3A_87 : memref<128xi32, #tpu.memory_space<vmem>>) semaphore(%arg13 : memref<!tpu.dma_semaphore, #tpu.memory_space<semaphore_mem>>)
      %dma_start3A_91 = arith.constant 1 : i32
      %dma_start3A_92 = arith.constant 0 : i32
      %dma_start3A_93 = arith.constant 0 : i32
      %dma_start3A_94 = tpu.memref_slice %arg11[%dma_start3A_91, %dma_start3A_92, %dma_start3A_93] : memref<3x128x128xf32, #tpu.memory_space<vmem>> -> memref<1x128x128xf32, #tpu.memory_space<vmem>>
      %dma_start3A_95 = tpu.memref_squeeze %dma_start3A_94 : memref<1x128x128xf32, #tpu.memory_space<vmem>> -> memref<128x128xf32, #tpu.memory_space<vmem>>
      %dma_start3A_96 = tpu.memref_slice %arg9[%mul3A_81] : memref<5000xi32, #tpu.memory_space<vmem>> -> memref<128xi32, #tpu.memory_space<vmem>>
      %dma_start3A_97 = arith.constant 0 : i32
      %dma_start3A_98 = arith.constant 0 : i32
      %dma_start3A_99 = tpu.memref_slice %arg3[%dma_start3A_97, %dma_start3A_98] : memref<10000x128xf32, #tpu.memory_space<hbm>> -> memref<10000x128xf32, #tpu.memory_space<hbm>>
      tpu.enqueue_indirect_dma source(%dma_start3A_99 : memref<10000x128xf32, #tpu.memory_space<hbm>>) target(%dma_start3A_95 : memref<128x128xf32, #tpu.memory_space<vmem>>) offsets(%dma_start3A_96 : memref<128xi32, #tpu.memory_space<vmem>>) semaphore(%arg16 : memref<!tpu.dma_semaphore, #tpu.memory_space<semaphore_mem>>)
      %mul3A_100 = arith.constant 3 : i32
      %mul3A_101 = arith.muli %mul3A_100, %scan3A_51 : i32
      %add3A_102 = arith.constant 2 : i32
      %add3A_103 = arith.addi %mul3A_101, %add3A_102 : i32
      %mul3A_104 = arith.constant 128 : i32
      %mul3A_105 = arith.muli %add3A_103, %mul3A_104 : i32
      %dma_start3A_106 = arith.constant 2 : i32
      %dma_start3A_107 = arith.constant 0 : i32
      %dma_start3A_108 = arith.constant 0 : i32
      %dma_start3A_109 = tpu.memref_slice %arg10[%dma_start3A_106, %dma_start3A_107, %dma_start3A_108] : memref<3x128x128xf32, #tpu.memory_space<vmem>> -> memref<1x128x128xf32, #tpu.memory_space<vmem>>
      %dma_start3A_110 = tpu.memref_squeeze %dma_start3A_109 : memref<1x128x128xf32, #tpu.memory_space<vmem>> -> memref<128x128xf32, #tpu.memory_space<vmem>>
      %dma_start3A_111 = tpu.memref_slice %arg8[%mul3A_105] : memref<5000xi32, #tpu.memory_space<vmem>> -> memref<128xi32, #tpu.memory_space<vmem>>
      %dma_start3A_112 = arith.constant 0 : i32
      %dma_start3A_113 = arith.constant 0 : i32
      %dma_start3A_114 = tpu.memref_slice %arg2[%dma_start3A_112, %dma_start3A_113] : memref<10000x128xf32, #tpu.memory_space<hbm>> -> memref<10000x128xf32, #tpu.memory_space<hbm>>
      tpu.enqueue_indirect_dma source(%dma_start3A_114 : memref<10000x128xf32, #tpu.memory_space<hbm>>) target(%dma_start3A_110 : memref<128x128xf32, #tpu.memory_space<vmem>>) offsets(%dma_start3A_111 : memref<128xi32, #tpu.memory_space<vmem>>) semaphore(%arg14 : memref<!tpu.dma_semaphore, #tpu.memory_space<semaphore_mem>>)
      %dma_start3A_115 = arith.constant 2 : i32
      %dma_start3A_116 = arith.constant 0 : i32
      %dma_start3A_117 = arith.constant 0 : i32
      %dma_start3A_118 = tpu.memref_slice %arg11[%dma_start3A_115, %dma_start3A_116, %dma_start3A_117] : memref<3x128x128xf32, #tpu.memory_space<vmem>> -> memref<1x128x128xf32, #tpu.memory_space<vmem>>
      %dma_start3A_119 = tpu.memref_squeeze %dma_start3A_118 : memref<1x128x128xf32, #tpu.memory_space<vmem>> -> memref<128x128xf32, #tpu.memory_space<vmem>>
      %dma_start3A_120 = tpu.memref_slice %arg9[%mul3A_105] : memref<5000xi32, #tpu.memory_space<vmem>> -> memref<128xi32, #tpu.memory_space<vmem>>
      %dma_start3A_121 = arith.constant 0 : i32
      %dma_start3A_122 = arith.constant 0 : i32
      %dma_start3A_123 = tpu.memref_slice %arg3[%dma_start3A_121, %dma_start3A_122] : memref<10000x128xf32, #tpu.memory_space<hbm>> -> memref<10000x128xf32, #tpu.memory_space<hbm>>
      tpu.enqueue_indirect_dma source(%dma_start3A_123 : memref<10000x128xf32, #tpu.memory_space<hbm>>) target(%dma_start3A_119 : memref<128x128xf32, #tpu.memory_space<vmem>>) offsets(%dma_start3A_120 : memref<128xi32, #tpu.memory_space<vmem>>) semaphore(%arg17 : memref<!tpu.dma_semaphore, #tpu.memory_space<semaphore_mem>>)
      %mul3A_124 = arith.constant 3 : i32
      %mul3A_125 = arith.muli %mul3A_124, %scan3A_51 : i32
      %add3A_126 = arith.constant 0 : i32
      %add3A_127 = arith.addi %mul3A_125, %add3A_126 : i32
      %mul3A_128 = arith.constant 128 : i32
      %mul3A_129 = arith.muli %add3A_127, %mul3A_128 : i32
      %add3A_130 = arith.addi %mul3A_2, %mul3A_129 : i32
      %dma_wait3A_131 = arith.constant 0 : i32
      %dma_wait3A_132 = arith.constant 0 : i32
      %dma_wait3A_133 = arith.constant 0 : i32
      %dma_wait3A_134 = tpu.memref_slice %arg10[%dma_wait3A_131, %dma_wait3A_132, %dma_wait3A_133] : memref<3x128x128xf32, #tpu.memory_space<vmem>> -> memref<1x128x128xf32, #tpu.memory_space<vmem>>
      %dma_wait3A_135 = tpu.memref_squeeze %dma_wait3A_134 : memref<1x128x128xf32, #tpu.memory_space<vmem>> -> memref<128x128xf32, #tpu.memory_space<vmem>>
      %dma_wait3A_136 = tpu.memref_slice %arg8[%mul3A_57] : memref<5000xi32, #tpu.memory_space<vmem>> -> memref<128xi32, #tpu.memory_space<vmem>>
      %dma_wait3A_137 = arith.constant 0 : i32
      %dma_wait3A_138 = arith.constant 0 : i32
      %dma_wait3A_139 = tpu.memref_slice %arg2[%dma_wait3A_137, %dma_wait3A_138] : memref<10000x128xf32, #tpu.memory_space<hbm>> -> memref<10000x128xf32, #tpu.memory_space<hbm>>
      tpu.wait_indirect_dma semaphore(%arg12 : memref<!tpu.dma_semaphore, #tpu.memory_space<semaphore_mem>>) src(%dma_wait3A_139 : memref<10000x128xf32, #tpu.memory_space<hbm>>) dst(%dma_wait3A_135 : memref<128x128xf32, #tpu.memory_space<vmem>>)
      %dma_start3A_140 = arith.constant 0 : i32
      %dma_start3A_141 = arith.constant 0 : i32
      %dma_start3A_142 = arith.constant 0 : i32
      %dma_start3A_143 = tpu.memref_slice %arg10[%dma_start3A_140, %dma_start3A_141, %dma_start3A_142] : memref<3x128x128xf32, #tpu.memory_space<vmem>> -> memref<1x128x128xf32, #tpu.memory_space<vmem>>
      %dma_start3A_144 = tpu.memref_squeeze %dma_start3A_143 : memref<1x128x128xf32, #tpu.memory_space<vmem>> -> memref<128x128xf32, #tpu.memory_space<vmem>>
      %dma_start3A_145 = arith.constant 0 : i32
      %dma_start3A_146 = tpu.memref_slice %arg6[%add3A_130, %dma_start3A_145] : memref<160000x128xf32, #tpu.memory_space<hbm>> -> memref<128x128xf32, #tpu.memory_space<hbm>>
      %dma_start3A_147 = arith.constant 0 : i32
      %dma_start3A_148 = tpu.memref_slice %arg6[%add3A_130, %dma_start3A_147] : memref<160000x128xf32, #tpu.memory_space<hbm>> -> memref<128x128xf32, #tpu.memory_space<hbm>>
      %dma_start3A_149 = arith.constant 0 : i32
      %dma_start3A_150 = arith.constant 0 : i32
      %dma_start3A_151 = tpu.memref_slice %arg10[%dma_start3A_140, %dma_start3A_149, %dma_start3A_150] : memref<3x128x128xf32, #tpu.memory_space<vmem>> -> memref<1x128x128xf32, #tpu.memory_space<vmem>>
      %dma_start3A_152 = tpu.memref_squeeze %dma_start3A_151 : memref<1x128x128xf32, #tpu.memory_space<vmem>> -> memref<128x128xf32, #tpu.memory_space<vmem>>
      tpu.enqueue_dma source(%dma_start3A_152 : memref<128x128xf32, #tpu.memory_space<vmem>>) target(%dma_start3A_148 : memref<128x128xf32, #tpu.memory_space<hbm>>) target_semaphore(%arg18 : memref<!tpu.dma_semaphore, #tpu.memory_space<semaphore_mem>>)
      %dma_wait3A_153 = arith.constant 0 : i32
      %dma_wait3A_154 = arith.constant 0 : i32
      %dma_wait3A_155 = arith.constant 0 : i32
      %dma_wait3A_156 = tpu.memref_slice %arg11[%dma_wait3A_153, %dma_wait3A_154, %dma_wait3A_155] : memref<3x128x128xf32, #tpu.memory_space<vmem>> -> memref<1x128x128xf32, #tpu.memory_space<vmem>>
      %dma_wait3A_157 = tpu.memref_squeeze %dma_wait3A_156 : memref<1x128x128xf32, #tpu.memory_space<vmem>> -> memref<128x128xf32, #tpu.memory_space<vmem>>
      %dma_wait3A_158 = tpu.memref_slice %arg9[%mul3A_57] : memref<5000xi32, #tpu.memory_space<vmem>> -> memref<128xi32, #tpu.memory_space<vmem>>
      %dma_wait3A_159 = arith.constant 0 : i32
      %dma_wait3A_160 = arith.constant 0 : i32
      %dma_wait3A_161 = tpu.memref_slice %arg3[%dma_wait3A_159, %dma_wait3A_160] : memref<10000x128xf32, #tpu.memory_space<hbm>> -> memref<10000x128xf32, #tpu.memory_space<hbm>>
      tpu.wait_indirect_dma semaphore(%arg15 : memref<!tpu.dma_semaphore, #tpu.memory_space<semaphore_mem>>) src(%dma_wait3A_161 : memref<10000x128xf32, #tpu.memory_space<hbm>>) dst(%dma_wait3A_157 : memref<128x128xf32, #tpu.memory_space<vmem>>)
      %dma_start3A_162 = arith.constant 0 : i32
      %dma_start3A_163 = arith.constant 0 : i32
      %dma_start3A_164 = arith.constant 0 : i32
      %dma_start3A_165 = tpu.memref_slice %arg11[%dma_start3A_162, %dma_start3A_163, %dma_start3A_164] : memref<3x128x128xf32, #tpu.memory_space<vmem>> -> memref<1x128x128xf32, #tpu.memory_space<vmem>>
      %dma_start3A_166 = tpu.memref_squeeze %dma_start3A_165 : memref<1x128x128xf32, #tpu.memory_space<vmem>> -> memref<128x128xf32, #tpu.memory_space<vmem>>
      %dma_start3A_167 = arith.constant 0 : i32
      %dma_start3A_168 = tpu.memref_slice %arg7[%add3A_130, %dma_start3A_167] : memref<160000x128xf32, #tpu.memory_space<hbm>> -> memref<128x128xf32, #tpu.memory_space<hbm>>
      %dma_start3A_169 = arith.constant 0 : i32
      %dma_start3A_170 = tpu.memref_slice %arg7[%add3A_130, %dma_start3A_169] : memref<160000x128xf32, #tpu.memory_space<hbm>> -> memref<128x128xf32, #tpu.memory_space<hbm>>
      %dma_start3A_171 = arith.constant 0 : i32
      %dma_start3A_172 = arith.constant 0 : i32
      %dma_start3A_173 = tpu.memref_slice %arg11[%dma_start3A_162, %dma_start3A_171, %dma_start3A_172] : memref<3x128x128xf32, #tpu.memory_space<vmem>> -> memref<1x128x128xf32, #tpu.memory_space<vmem>>
      %dma_start3A_174 = tpu.memref_squeeze %dma_start3A_173 : memref<1x128x128xf32, #tpu.memory_space<vmem>> -> memref<128x128xf32, #tpu.memory_space<vmem>>
      tpu.enqueue_dma source(%dma_start3A_174 : memref<128x128xf32, #tpu.memory_space<vmem>>) target(%dma_start3A_170 : memref<128x128xf32, #tpu.memory_space<hbm>>) target_semaphore(%arg21 : memref<!tpu.dma_semaphore, #tpu.memory_space<semaphore_mem>>)
      %mul3A_175 = arith.constant 3 : i32
      %mul3A_176 = arith.muli %mul3A_175, %scan3A_51 : i32
      %add3A_177 = arith.constant 1 : i32
      %add3A_178 = arith.addi %mul3A_176, %add3A_177 : i32
      %mul3A_179 = arith.constant 128 : i32
      %mul3A_180 = arith.muli %add3A_178, %mul3A_179 : i32
      %add3A_181 = arith.addi %mul3A_2, %mul3A_180 : i32
      %dma_wait3A_182 = arith.constant 1 : i32
      %dma_wait3A_183 = arith.constant 0 : i32
      %dma_wait3A_184 = arith.constant 0 : i32
      %dma_wait3A_185 = tpu.memref_slice %arg10[%dma_wait3A_182, %dma_wait3A_183, %dma_wait3A_184] : memref<3x128x128xf32, #tpu.memory_space<vmem>> -> memref<1x128x128xf32, #tpu.memory_space<vmem>>
      %dma_wait3A_186 = tpu.memref_squeeze %dma_wait3A_185 : memref<1x128x128xf32, #tpu.memory_space<vmem>> -> memref<128x128xf32, #tpu.memory_space<vmem>>
      %dma_wait3A_187 = tpu.memref_slice %arg8[%mul3A_81] : memref<5000xi32, #tpu.memory_space<vmem>> -> memref<128xi32, #tpu.memory_space<vmem>>
      %dma_wait3A_188 = arith.constant 0 : i32
      %dma_wait3A_189 = arith.constant 0 : i32
      %dma_wait3A_190 = tpu.memref_slice %arg2[%dma_wait3A_188, %dma_wait3A_189] : memref<10000x128xf32, #tpu.memory_space<hbm>> -> memref<10000x128xf32, #tpu.memory_space<hbm>>
      tpu.wait_indirect_dma semaphore(%arg13 : memref<!tpu.dma_semaphore, #tpu.memory_space<semaphore_mem>>) src(%dma_wait3A_190 : memref<10000x128xf32, #tpu.memory_space<hbm>>) dst(%dma_wait3A_186 : memref<128x128xf32, #tpu.memory_space<vmem>>)
      %dma_start3A_191 = arith.constant 1 : i32
      %dma_start3A_192 = arith.constant 0 : i32
      %dma_start3A_193 = arith.constant 0 : i32
      %dma_start3A_194 = tpu.memref_slice %arg10[%dma_start3A_191, %dma_start3A_192, %dma_start3A_193] : memref<3x128x128xf32, #tpu.memory_space<vmem>> -> memref<1x128x128xf32, #tpu.memory_space<vmem>>
      %dma_start3A_195 = tpu.memref_squeeze %dma_start3A_194 : memref<1x128x128xf32, #tpu.memory_space<vmem>> -> memref<128x128xf32, #tpu.memory_space<vmem>>
      %dma_start3A_196 = arith.constant 0 : i32
      %dma_start3A_197 = tpu.memref_slice %arg6[%add3A_181, %dma_start3A_196] : memref<160000x128xf32, #tpu.memory_space<hbm>> -> memref<128x128xf32, #tpu.memory_space<hbm>>
      %dma_start3A_198 = arith.constant 0 : i32
      %dma_start3A_199 = tpu.memref_slice %arg6[%add3A_181, %dma_start3A_198] : memref<160000x128xf32, #tpu.memory_space<hbm>> -> memref<128x128xf32, #tpu.memory_space<hbm>>
      %dma_start3A_200 = arith.constant 0 : i32
      %dma_start3A_201 = arith.constant 0 : i32
      %dma_start3A_202 = tpu.memref_slice %arg10[%dma_start3A_191, %dma_start3A_200, %dma_start3A_201] : memref<3x128x128xf32, #tpu.memory_space<vmem>> -> memref<1x128x128xf32, #tpu.memory_space<vmem>>
      %dma_start3A_203 = tpu.memref_squeeze %dma_start3A_202 : memref<1x128x128xf32, #tpu.memory_space<vmem>> -> memref<128x128xf32, #tpu.memory_space<vmem>>
      tpu.enqueue_dma source(%dma_start3A_203 : memref<128x128xf32, #tpu.memory_space<vmem>>) target(%dma_start3A_199 : memref<128x128xf32, #tpu.memory_space<hbm>>) target_semaphore(%arg19 : memref<!tpu.dma_semaphore, #tpu.memory_space<semaphore_mem>>)
      %dma_wait3A_204 = arith.constant 1 : i32
      %dma_wait3A_205 = arith.constant 0 : i32
      %dma_wait3A_206 = arith.constant 0 : i32
      %dma_wait3A_207 = tpu.memref_slice %arg11[%dma_wait3A_204, %dma_wait3A_205, %dma_wait3A_206] : memref<3x128x128xf32, #tpu.memory_space<vmem>> -> memref<1x128x128xf32, #tpu.memory_space<vmem>>
      %dma_wait3A_208 = tpu.memref_squeeze %dma_wait3A_207 : memref<1x128x128xf32, #tpu.memory_space<vmem>> -> memref<128x128xf32, #tpu.memory_space<vmem>>
      %dma_wait3A_209 = tpu.memref_slice %arg9[%mul3A_81] : memref<5000xi32, #tpu.memory_space<vmem>> -> memref<128xi32, #tpu.memory_space<vmem>>
      %dma_wait3A_210 = arith.constant 0 : i32
      %dma_wait3A_211 = arith.constant 0 : i32
      %dma_wait3A_212 = tpu.memref_slice %arg3[%dma_wait3A_210, %dma_wait3A_211] : memref<10000x128xf32, #tpu.memory_space<hbm>> -> memref<10000x128xf32, #tpu.memory_space<hbm>>
      tpu.wait_indirect_dma semaphore(%arg16 : memref<!tpu.dma_semaphore, #tpu.memory_space<semaphore_mem>>) src(%dma_wait3A_212 : memref<10000x128xf32, #tpu.memory_space<hbm>>) dst(%dma_wait3A_208 : memref<128x128xf32, #tpu.memory_space<vmem>>)
      %dma_start3A_213 = arith.constant 1 : i32
      %dma_start3A_214 = arith.constant 0 : i32
      %dma_start3A_215 = arith.constant 0 : i32
      %dma_start3A_216 = tpu.memref_slice %arg11[%dma_start3A_213, %dma_start3A_214, %dma_start3A_215] : memref<3x128x128xf32, #tpu.memory_space<vmem>> -> memref<1x128x128xf32, #tpu.memory_space<vmem>>
      %dma_start3A_217 = tpu.memref_squeeze %dma_start3A_216 : memref<1x128x128xf32, #tpu.memory_space<vmem>> -> memref<128x128xf32, #tpu.memory_space<vmem>>
      %dma_start3A_218 = arith.constant 0 : i32
      %dma_start3A_219 = tpu.memref_slice %arg7[%add3A_181, %dma_start3A_218] : memref<160000x128xf32, #tpu.memory_space<hbm>> -> memref<128x128xf32, #tpu.memory_space<hbm>>
      %dma_start3A_220 = arith.constant 0 : i32
      %dma_start3A_221 = tpu.memref_slice %arg7[%add3A_181, %dma_start3A_220] : memref<160000x128xf32, #tpu.memory_space<hbm>> -> memref<128x128xf32, #tpu.memory_space<hbm>>
      %dma_start3A_222 = arith.constant 0 : i32
      %dma_start3A_223 = arith.constant 0 : i32
      %dma_start3A_224 = tpu.memref_slice %arg11[%dma_start3A_213, %dma_start3A_222, %dma_start3A_223] : memref<3x128x128xf32, #tpu.memory_space<vmem>> -> memref<1x128x128xf32, #tpu.memory_space<vmem>>
      %dma_start3A_225 = tpu.memref_squeeze %dma_start3A_224 : memref<1x128x128xf32, #tpu.memory_space<vmem>> -> memref<128x128xf32, #tpu.memory_space<vmem>>
      tpu.enqueue_dma source(%dma_start3A_225 : memref<128x128xf32, #tpu.memory_space<vmem>>) target(%dma_start3A_221 : memref<128x128xf32, #tpu.memory_space<hbm>>) target_semaphore(%arg22 : memref<!tpu.dma_semaphore, #tpu.memory_space<semaphore_mem>>)
      %mul3A_226 = arith.constant 3 : i32
      %mul3A_227 = arith.muli %mul3A_226, %scan3A_51 : i32
      %add3A_228 = arith.constant 2 : i32
      %add3A_229 = arith.addi %mul3A_227, %add3A_228 : i32
      %mul3A_230 = arith.constant 128 : i32
      %mul3A_231 = arith.muli %add3A_229, %mul3A_230 : i32
      %add3A_232 = arith.addi %mul3A_2, %mul3A_231 : i32
      %dma_wait3A_233 = arith.constant 2 : i32
      %dma_wait3A_234 = arith.constant 0 : i32
      %dma_wait3A_235 = arith.constant 0 : i32
      %dma_wait3A_236 = tpu.memref_slice %arg10[%dma_wait3A_233, %dma_wait3A_234, %dma_wait3A_235] : memref<3x128x128xf32, #tpu.memory_space<vmem>> -> memref<1x128x128xf32, #tpu.memory_space<vmem>>
      %dma_wait3A_237 = tpu.memref_squeeze %dma_wait3A_236 : memref<1x128x128xf32, #tpu.memory_space<vmem>> -> memref<128x128xf32, #tpu.memory_space<vmem>>
      %dma_wait3A_238 = tpu.memref_slice %arg8[%mul3A_105] : memref<5000xi32, #tpu.memory_space<vmem>> -> memref<128xi32, #tpu.memory_space<vmem>>
      %dma_wait3A_239 = arith.constant 0 : i32
      %dma_wait3A_240 = arith.constant 0 : i32
      %dma_wait3A_241 = tpu.memref_slice %arg2[%dma_wait3A_239, %dma_wait3A_240] : memref<10000x128xf32, #tpu.memory_space<hbm>> -> memref<10000x128xf32, #tpu.memory_space<hbm>>
      tpu.wait_indirect_dma semaphore(%arg14 : memref<!tpu.dma_semaphore, #tpu.memory_space<semaphore_mem>>) src(%dma_wait3A_241 : memref<10000x128xf32, #tpu.memory_space<hbm>>) dst(%dma_wait3A_237 : memref<128x128xf32, #tpu.memory_space<vmem>>)
      %dma_start3A_242 = arith.constant 2 : i32
      %dma_start3A_243 = arith.constant 0 : i32
      %dma_start3A_244 = arith.constant 0 : i32
      %dma_start3A_245 = tpu.memref_slice %arg10[%dma_start3A_242, %dma_start3A_243, %dma_start3A_244] : memref<3x128x128xf32, #tpu.memory_space<vmem>> -> memref<1x128x128xf32, #tpu.memory_space<vmem>>
      %dma_start3A_246 = tpu.memref_squeeze %dma_start3A_245 : memref<1x128x128xf32, #tpu.memory_space<vmem>> -> memref<128x128xf32, #tpu.memory_space<vmem>>
      %dma_start3A_247 = arith.constant 0 : i32
      %dma_start3A_248 = tpu.memref_slice %arg6[%add3A_232, %dma_start3A_247] : memref<160000x128xf32, #tpu.memory_space<hbm>> -> memref<128x128xf32, #tpu.memory_space<hbm>>
      %dma_start3A_249 = arith.constant 0 : i32
      %dma_start3A_250 = tpu.memref_slice %arg6[%add3A_232, %dma_start3A_249] : memref<160000x128xf32, #tpu.memory_space<hbm>> -> memref<128x128xf32, #tpu.memory_space<hbm>>
      %dma_start3A_251 = arith.constant 0 : i32
      %dma_start3A_252 = arith.constant 0 : i32
      %dma_start3A_253 = tpu.memref_slice %arg10[%dma_start3A_242, %dma_start3A_251, %dma_start3A_252] : memref<3x128x128xf32, #tpu.memory_space<vmem>> -> memref<1x128x128xf32, #tpu.memory_space<vmem>>
      %dma_start3A_254 = tpu.memref_squeeze %dma_start3A_253 : memref<1x128x128xf32, #tpu.memory_space<vmem>> -> memref<128x128xf32, #tpu.memory_space<vmem>>
      tpu.enqueue_dma source(%dma_start3A_254 : memref<128x128xf32, #tpu.memory_space<vmem>>) target(%dma_start3A_250 : memref<128x128xf32, #tpu.memory_space<hbm>>) target_semaphore(%arg20 : memref<!tpu.dma_semaphore, #tpu.memory_space<semaphore_mem>>)
      %dma_wait3A_255 = arith.constant 2 : i32
      %dma_wait3A_256 = arith.constant 0 : i32
      %dma_wait3A_257 = arith.constant 0 : i32
      %dma_wait3A_258 = tpu.memref_slice %arg11[%dma_wait3A_255, %dma_wait3A_256, %dma_wait3A_257] : memref<3x128x128xf32, #tpu.memory_space<vmem>> -> memref<1x128x128xf32, #tpu.memory_space<vmem>>
      %dma_wait3A_259 = tpu.memref_squeeze %dma_wait3A_258 : memref<1x128x128xf32, #tpu.memory_space<vmem>> -> memref<128x128xf32, #tpu.memory_space<vmem>>
      %dma_wait3A_260 = tpu.memref_slice %arg9[%mul3A_105] : memref<5000xi32, #tpu.memory_space<vmem>> -> memref<128xi32, #tpu.memory_space<vmem>>
      %dma_wait3A_261 = arith.constant 0 : i32
      %dma_wait3A_262 = arith.constant 0 : i32
      %dma_wait3A_263 = tpu.memref_slice %arg3[%dma_wait3A_261, %dma_wait3A_262] : memref<10000x128xf32, #tpu.memory_space<hbm>> -> memref<10000x128xf32, #tpu.memory_space<hbm>>
      tpu.wait_indirect_dma semaphore(%arg17 : memref<!tpu.dma_semaphore, #tpu.memory_space<semaphore_mem>>) src(%dma_wait3A_263 : memref<10000x128xf32, #tpu.memory_space<hbm>>) dst(%dma_wait3A_259 : memref<128x128xf32, #tpu.memory_space<vmem>>)
      %dma_start3A_264 = arith.constant 2 : i32
      %dma_start3A_265 = arith.constant 0 : i32
      %dma_start3A_266 = arith.constant 0 : i32
      %dma_start3A_267 = tpu.memref_slice %arg11[%dma_start3A_264, %dma_start3A_265, %dma_start3A_266] : memref<3x128x128xf32, #tpu.memory_space<vmem>> -> memref<1x128x128xf32, #tpu.memory_space<vmem>>
      %dma_start3A_268 = tpu.memref_squeeze %dma_start3A_267 : memref<1x128x128xf32, #tpu.memory_space<vmem>> -> memref<128x128xf32, #tpu.memory_space<vmem>>
      %dma_start3A_269 = arith.constant 0 : i32
      %dma_start3A_270 = tpu.memref_slice %arg7[%add3A_232, %dma_start3A_269] : memref<160000x128xf32, #tpu.memory_space<hbm>> -> memref<128x128xf32, #tpu.memory_space<hbm>>
      %dma_start3A_271 = arith.constant 0 : i32
      %dma_start3A_272 = tpu.memref_slice %arg7[%add3A_232, %dma_start3A_271] : memref<160000x128xf32, #tpu.memory_space<hbm>> -> memref<128x128xf32, #tpu.memory_space<hbm>>
      %dma_start3A_273 = arith.constant 0 : i32
      %dma_start3A_274 = arith.constant 0 : i32
      %dma_start3A_275 = tpu.memref_slice %arg11[%dma_start3A_264, %dma_start3A_273, %dma_start3A_274] : memref<3x128x128xf32, #tpu.memory_space<vmem>> -> memref<1x128x128xf32, #tpu.memory_space<vmem>>
      %dma_start3A_276 = tpu.memref_squeeze %dma_start3A_275 : memref<1x128x128xf32, #tpu.memory_space<vmem>> -> memref<128x128xf32, #tpu.memory_space<vmem>>
      tpu.enqueue_dma source(%dma_start3A_276 : memref<128x128xf32, #tpu.memory_space<vmem>>) target(%dma_start3A_272 : memref<128x128xf32, #tpu.memory_space<hbm>>) target_semaphore(%arg23 : memref<!tpu.dma_semaphore, #tpu.memory_space<semaphore_mem>>)
      %dma_wait3A_277 = arith.constant 0 : i32
      %dma_wait3A_278 = arith.constant 0 : i32
      %dma_wait3A_279 = arith.constant 0 : i32
      %dma_wait3A_280 = tpu.memref_slice %arg10[%dma_wait3A_277, %dma_wait3A_278, %dma_wait3A_279] : memref<3x128x128xf32, #tpu.memory_space<vmem>> -> memref<1x128x128xf32, #tpu.memory_space<vmem>>
      %dma_wait3A_281 = tpu.memref_squeeze %dma_wait3A_280 : memref<1x128x128xf32, #tpu.memory_space<vmem>> -> memref<128x128xf32, #tpu.memory_space<vmem>>
      %dma_wait3A_282 = arith.constant 0 : i32
      %dma_wait3A_283 = tpu.memref_slice %arg6[%add3A_130, %dma_wait3A_282] : memref<160000x128xf32, #tpu.memory_space<hbm>> -> memref<128x128xf32, #tpu.memory_space<hbm>>
      %dma_wait3A_284 = arith.constant 0 : i32
      %dma_wait3A_285 = tpu.memref_slice %arg6[%add3A_130, %dma_wait3A_284] : memref<160000x128xf32, #tpu.memory_space<hbm>> -> memref<128x128xf32, #tpu.memory_space<hbm>>
      %dma_wait3A_286 = arith.constant 0 : i32
      %dma_wait3A_287 = arith.constant 0 : i32
      %dma_wait3A_288 = tpu.memref_slice %arg10[%dma_wait3A_277, %dma_wait3A_286, %dma_wait3A_287] : memref<3x128x128xf32, #tpu.memory_space<vmem>> -> memref<1x128x128xf32, #tpu.memory_space<vmem>>
      %dma_wait3A_289 = tpu.memref_squeeze %dma_wait3A_288 : memref<1x128x128xf32, #tpu.memory_space<vmem>> -> memref<128x128xf32, #tpu.memory_space<vmem>>
      tpu.wait_dma2 semaphore(%arg18 : memref<!tpu.dma_semaphore, #tpu.memory_space<semaphore_mem>>) src(%dma_wait3A_289 : memref<128x128xf32, #tpu.memory_space<vmem>>) dst(%dma_wait3A_285 : memref<128x128xf32, #tpu.memory_space<hbm>>)
      %dma_wait3A_290 = arith.constant 0 : i32
      %dma_wait3A_291 = arith.constant 0 : i32
      %dma_wait3A_292 = arith.constant 0 : i32
      %dma_wait3A_293 = tpu.memref_slice %arg11[%dma_wait3A_290, %dma_wait3A_291, %dma_wait3A_292] : memref<3x128x128xf32, #tpu.memory_space<vmem>> -> memref<1x128x128xf32, #tpu.memory_space<vmem>>
      %dma_wait3A_294 = tpu.memref_squeeze %dma_wait3A_293 : memref<1x128x128xf32, #tpu.memory_space<vmem>> -> memref<128x128xf32, #tpu.memory_space<vmem>>
      %dma_wait3A_295 = arith.constant 0 : i32
      %dma_wait3A_296 = tpu.memref_slice %arg7[%add3A_130, %dma_wait3A_295] : memref<160000x128xf32, #tpu.memory_space<hbm>> -> memref<128x128xf32, #tpu.memory_space<hbm>>
      %dma_wait3A_297 = arith.constant 0 : i32
      %dma_wait3A_298 = tpu.memref_slice %arg7[%add3A_130, %dma_wait3A_297] : memref<160000x128xf32, #tpu.memory_space<hbm>> -> memref<128x128xf32, #tpu.memory_space<hbm>>
      %dma_wait3A_299 = arith.constant 0 : i32
      %dma_wait3A_300 = arith.constant 0 : i32
      %dma_wait3A_301 = tpu.memref_slice %arg11[%dma_wait3A_290, %dma_wait3A_299, %dma_wait3A_300] : memref<3x128x128xf32, #tpu.memory_space<vmem>> -> memref<1x128x128xf32, #tpu.memory_space<vmem>>
      %dma_wait3A_302 = tpu.memref_squeeze %dma_wait3A_301 : memref<1x128x128xf32, #tpu.memory_space<vmem>> -> memref<128x128xf32, #tpu.memory_space<vmem>>
      tpu.wait_dma2 semaphore(%arg21 : memref<!tpu.dma_semaphore, #tpu.memory_space<semaphore_mem>>) src(%dma_wait3A_302 : memref<128x128xf32, #tpu.memory_space<vmem>>) dst(%dma_wait3A_298 : memref<128x128xf32, #tpu.memory_space<hbm>>)
      %dma_wait3A_303 = arith.constant 1 : i32
      %dma_wait3A_304 = arith.constant 0 : i32
      %dma_wait3A_305 = arith.constant 0 : i32
      %dma_wait3A_306 = tpu.memref_slice %arg10[%dma_wait3A_303, %dma_wait3A_304, %dma_wait3A_305] : memref<3x128x128xf32, #tpu.memory_space<vmem>> -> memref<1x128x128xf32, #tpu.memory_space<vmem>>
      %dma_wait3A_307 = tpu.memref_squeeze %dma_wait3A_306 : memref<1x128x128xf32, #tpu.memory_space<vmem>> -> memref<128x128xf32, #tpu.memory_space<vmem>>
      %dma_wait3A_308 = arith.constant 0 : i32
      %dma_wait3A_309 = tpu.memref_slice %arg6[%add3A_181, %dma_wait3A_308] : memref<160000x128xf32, #tpu.memory_space<hbm>> -> memref<128x128xf32, #tpu.memory_space<hbm>>
      %dma_wait3A_310 = arith.constant 0 : i32
      %dma_wait3A_311 = tpu.memref_slice %arg6[%add3A_181, %dma_wait3A_310] : memref<160000x128xf32, #tpu.memory_space<hbm>> -> memref<128x128xf32, #tpu.memory_space<hbm>>
      %dma_wait3A_312 = arith.constant 0 : i32
      %dma_wait3A_313 = arith.constant 0 : i32
      %dma_wait3A_314 = tpu.memref_slice %arg10[%dma_wait3A_303, %dma_wait3A_312, %dma_wait3A_313] : memref<3x128x128xf32, #tpu.memory_space<vmem>> -> memref<1x128x128xf32, #tpu.memory_space<vmem>>
      %dma_wait3A_315 = tpu.memref_squeeze %dma_wait3A_314 : memref<1x128x128xf32, #tpu.memory_space<vmem>> -> memref<128x128xf32, #tpu.memory_space<vmem>>
      tpu.wait_dma2 semaphore(%arg19 : memref<!tpu.dma_semaphore, #tpu.memory_space<semaphore_mem>>) src(%dma_wait3A_315 : memref<128x128xf32, #tpu.memory_space<vmem>>) dst(%dma_wait3A_311 : memref<128x128xf32, #tpu.memory_space<hbm>>)
      %dma_wait3A_316 = arith.constant 1 : i32
      %dma_wait3A_317 = arith.constant 0 : i32
      %dma_wait3A_318 = arith.constant 0 : i32
      %dma_wait3A_319 = tpu.memref_slice %arg11[%dma_wait3A_316, %dma_wait3A_317, %dma_wait3A_318] : memref<3x128x128xf32, #tpu.memory_space<vmem>> -> memref<1x128x128xf32, #tpu.memory_space<vmem>>
      %dma_wait3A_320 = tpu.memref_squeeze %dma_wait3A_319 : memref<1x128x128xf32, #tpu.memory_space<vmem>> -> memref<128x128xf32, #tpu.memory_space<vmem>>
      %dma_wait3A_321 = arith.constant 0 : i32
      %dma_wait3A_322 = tpu.memref_slice %arg7[%add3A_181, %dma_wait3A_321] : memref<160000x128xf32, #tpu.memory_space<hbm>> -> memref<128x128xf32, #tpu.memory_space<hbm>>
      %dma_wait3A_323 = arith.constant 0 : i32
      %dma_wait3A_324 = tpu.memref_slice %arg7[%add3A_181, %dma_wait3A_323] : memref<160000x128xf32, #tpu.memory_space<hbm>> -> memref<128x128xf32, #tpu.memory_space<hbm>>
      %dma_wait3A_325 = arith.constant 0 : i32
      %dma_wait3A_326 = arith.constant 0 : i32
      %dma_wait3A_327 = tpu.memref_slice %arg11[%dma_wait3A_316, %dma_wait3A_325, %dma_wait3A_326] : memref<3x128x128xf32, #tpu.memory_space<vmem>> -> memref<1x128x128xf32, #tpu.memory_space<vmem>>
      %dma_wait3A_328 = tpu.memref_squeeze %dma_wait3A_327 : memref<1x128x128xf32, #tpu.memory_space<vmem>> -> memref<128x128xf32, #tpu.memory_space<vmem>>
      tpu.wait_dma2 semaphore(%arg22 : memref<!tpu.dma_semaphore, #tpu.memory_space<semaphore_mem>>) src(%dma_wait3A_328 : memref<128x128xf32, #tpu.memory_space<vmem>>) dst(%dma_wait3A_324 : memref<128x128xf32, #tpu.memory_space<hbm>>)
      %dma_wait3A_329 = arith.constant 2 : i32
      %dma_wait3A_330 = arith.constant 0 : i32
      %dma_wait3A_331 = arith.constant 0 : i32
      %dma_wait3A_332 = tpu.memref_slice %arg10[%dma_wait3A_329, %dma_wait3A_330, %dma_wait3A_331] : memref<3x128x128xf32, #tpu.memory_space<vmem>> -> memref<1x128x128xf32, #tpu.memory_space<vmem>>
      %dma_wait3A_333 = tpu.memref_squeeze %dma_wait3A_332 : memref<1x128x128xf32, #tpu.memory_space<vmem>> -> memref<128x128xf32, #tpu.memory_space<vmem>>
      %dma_wait3A_334 = arith.constant 0 : i32
      %dma_wait3A_335 = tpu.memref_slice %arg6[%add3A_232, %dma_wait3A_334] : memref<160000x128xf32, #tpu.memory_space<hbm>> -> memref<128x128xf32, #tpu.memory_space<hbm>>
      %dma_wait3A_336 = arith.constant 0 : i32
      %dma_wait3A_337 = tpu.memref_slice %arg6[%add3A_232, %dma_wait3A_336] : memref<160000x128xf32, #tpu.memory_space<hbm>> -> memref<128x128xf32, #tpu.memory_space<hbm>>
      %dma_wait3A_338 = arith.constant 0 : i32
      %dma_wait3A_339 = arith.constant 0 : i32
      %dma_wait3A_340 = tpu.memref_slice %arg10[%dma_wait3A_329, %dma_wait3A_338, %dma_wait3A_339] : memref<3x128x128xf32, #tpu.memory_space<vmem>> -> memref<1x128x128xf32, #tpu.memory_space<vmem>>
      %dma_wait3A_341 = tpu.memref_squeeze %dma_wait3A_340 : memref<1x128x128xf32, #tpu.memory_space<vmem>> -> memref<128x128xf32, #tpu.memory_space<vmem>>
      tpu.wait_dma2 semaphore(%arg20 : memref<!tpu.dma_semaphore, #tpu.memory_space<semaphore_mem>>) src(%dma_wait3A_341 : memref<128x128xf32, #tpu.memory_space<vmem>>) dst(%dma_wait3A_337 : memref<128x128xf32, #tpu.memory_space<hbm>>)
      %dma_wait3A_342 = arith.constant 2 : i32
      %dma_wait3A_343 = arith.constant 0 : i32
      %dma_wait3A_344 = arith.constant 0 : i32
      %dma_wait3A_345 = tpu.memref_slice %arg11[%dma_wait3A_342, %dma_wait3A_343, %dma_wait3A_344] : memref<3x128x128xf32, #tpu.memory_space<vmem>> -> memref<1x128x128xf32, #tpu.memory_space<vmem>>
      %dma_wait3A_346 = tpu.memref_squeeze %dma_wait3A_345 : memref<1x128x128xf32, #tpu.memory_space<vmem>> -> memref<128x128xf32, #tpu.memory_space<vmem>>
      %dma_wait3A_347 = arith.constant 0 : i32
      %dma_wait3A_348 = tpu.memref_slice %arg7[%add3A_232, %dma_wait3A_347] : memref<160000x128xf32, #tpu.memory_space<hbm>> -> memref<128x128xf32, #tpu.memory_space<hbm>>
      %dma_wait3A_349 = arith.constant 0 : i32
      %dma_wait3A_350 = tpu.memref_slice %arg7[%add3A_232, %dma_wait3A_349] : memref<160000x128xf32, #tpu.memory_space<hbm>> -> memref<128x128xf32, #tpu.memory_space<hbm>>
      %dma_wait3A_351 = arith.constant 0 : i32
      %dma_wait3A_352 = arith.constant 0 : i32
      %dma_wait3A_353 = tpu.memref_slice %arg11[%dma_wait3A_342, %dma_wait3A_351, %dma_wait3A_352] : memref<3x128x128xf32, #tpu.memory_space<vmem>> -> memref<1x128x128xf32, #tpu.memory_space<vmem>>
      %dma_wait3A_354 = tpu.memref_squeeze %dma_wait3A_353 : memref<1x128x128xf32, #tpu.memory_space<vmem>> -> memref<128x128xf32, #tpu.memory_space<vmem>>
      tpu.wait_dma2 semaphore(%arg23 : memref<!tpu.dma_semaphore, #tpu.memory_space<semaphore_mem>>) src(%dma_wait3A_354 : memref<128x128xf32, #tpu.memory_space<vmem>>) dst(%dma_wait3A_350 : memref<128x128xf32, #tpu.memory_space<hbm>>)
    }
    %scan3A_9 = arith.constant 13 : i32
    %add3A_10 = arith.constant 4992 : i32
    %add3A_11 = arith.addi %mul3A_2, %add3A_10 : i32
    %dma_start3A = arith.constant 0 : i32
    %dma_start3A_12 = arith.constant 0 : i32
    %dma_start3A_13 = arith.constant 0 : i32
    %dma_start3A_14 = tpu.memref_slice %arg10[%dma_start3A, %dma_start3A_12, %dma_start3A_13] : memref<3x128x128xf32, #tpu.memory_space<vmem>> -> memref<1x8x128xf32, #tpu.memory_space<vmem>>
    %dma_start3A_15 = tpu.memref_squeeze %dma_start3A_14 : memref<1x8x128xf32, #tpu.memory_space<vmem>> -> memref<8x128xf32, #tpu.memory_space<vmem>>
    %dma_start3A_16 = arith.constant 4992 : i32
    %dma_start3A_17 = tpu.memref_slice %arg8[%dma_start3A_16] : memref<5000xi32, #tpu.memory_space<vmem>> -> memref<8xi32, #tpu.memory_space<vmem>>
    %dma_start3A_18 = arith.constant 0 : i32
    %dma_start3A_19 = arith.constant 0 : i32
    %dma_start3A_20 = tpu.memref_slice %arg2[%dma_start3A_18, %dma_start3A_19] : memref<10000x128xf32, #tpu.memory_space<hbm>> -> memref<10000x128xf32, #tpu.memory_space<hbm>>
    tpu.enqueue_indirect_dma source(%dma_start3A_20 : memref<10000x128xf32, #tpu.memory_space<hbm>>) target(%dma_start3A_15 : memref<8x128xf32, #tpu.memory_space<vmem>>) offsets(%dma_start3A_17 : memref<8xi32, #tpu.memory_space<vmem>>) semaphore(%arg12 : memref<!tpu.dma_semaphore, #tpu.memory_space<semaphore_mem>>)
    %dma_start3A_21 = arith.constant 0 : i32
    %dma_start3A_22 = arith.constant 0 : i32
    %dma_start3A_23 = arith.constant 0 : i32
    %dma_start3A_24 = tpu.memref_slice %arg11[%dma_start3A_21, %dma_start3A_22, %dma_start3A_23] : memref<3x128x128xf32, #tpu.memory_space<vmem>> -> memref<1x8x128xf32, #tpu.memory_space<vmem>>
    %dma_start3A_25 = tpu.memref_squeeze %dma_start3A_24 : memref<1x8x128xf32, #tpu.memory_space<vmem>> -> memref<8x128xf32, #tpu.memory_space<vmem>>
    %dma_start3A_26 = arith.constant 4992 : i32
    %dma_start3A_27 = tpu.memref_slice %arg9[%dma_start3A_26] : memref<5000xi32, #tpu.memory_space<vmem>> -> memref<8xi32, #tpu.memory_space<vmem>>
    %dma_start3A_28 = arith.constant 0 : i32
    %dma_start3A_29 = arith.constant 0 : i32
    %dma_start3A_30 = tpu.memref_slice %arg3[%dma_start3A_28, %dma_start3A_29] : memref<10000x128xf32, #tpu.memory_space<hbm>> -> memref<10000x128xf32, #tpu.memory_space<hbm>>
    tpu.enqueue_indirect_dma source(%dma_start3A_30 : memref<10000x128xf32, #tpu.memory_space<hbm>>) target(%dma_start3A_25 : memref<8x128xf32, #tpu.memory_space<vmem>>) offsets(%dma_start3A_27 : memref<8xi32, #tpu.memory_space<vmem>>) semaphore(%arg15 : memref<!tpu.dma_semaphore, #tpu.memory_space<semaphore_mem>>)
    %dma_wait3A = arith.constant 0 : i32
    %dma_wait3A_31 = arith.constant 0 : i32
    %dma_wait3A_32 = arith.constant 0 : i32
    %dma_wait3A_33 = tpu.memref_slice %arg10[%dma_wait3A, %dma_wait3A_31, %dma_wait3A_32] : memref<3x128x128xf32, #tpu.memory_space<vmem>> -> memref<1x8x128xf32, #tpu.memory_space<vmem>>
    %dma_wait3A_34 = tpu.memref_squeeze %dma_wait3A_33 : memref<1x8x128xf32, #tpu.memory_space<vmem>> -> memref<8x128xf32, #tpu.memory_space<vmem>>
    %dma_wait3A_35 = arith.constant 4992 : i32
    %dma_wait3A_36 = tpu.memref_slice %arg8[%dma_wait3A_35] : memref<5000xi32, #tpu.memory_space<vmem>> -> memref<8xi32, #tpu.memory_space<vmem>>
    %dma_wait3A_37 = arith.constant 0 : i32
    %dma_wait3A_38 = arith.constant 0 : i32
    %dma_wait3A_39 = tpu.memref_slice %arg2[%dma_wait3A_37, %dma_wait3A_38] : memref<10000x128xf32, #tpu.memory_space<hbm>> -> memref<10000x128xf32, #tpu.memory_space<hbm>>
    tpu.wait_indirect_dma semaphore(%arg12 : memref<!tpu.dma_semaphore, #tpu.memory_space<semaphore_mem>>) src(%dma_wait3A_39 : memref<10000x128xf32, #tpu.memory_space<hbm>>) dst(%dma_wait3A_34 : memref<8x128xf32, #tpu.memory_space<vmem>>)
    %dma_wait3A_40 = arith.constant 0 : i32
    %dma_wait3A_41 = arith.constant 0 : i32
    %dma_wait3A_42 = arith.constant 0 : i32
    %dma_wait3A_43 = tpu.memref_slice %arg11[%dma_wait3A_40, %dma_wait3A_41, %dma_wait3A_42] : memref<3x128x128xf32, #tpu.memory_space<vmem>> -> memref<1x8x128xf32, #tpu.memory_space<vmem>>
    %dma_wait3A_44 = tpu.memref_squeeze %dma_wait3A_43 : memref<1x8x128xf32, #tpu.memory_space<vmem>> -> memref<8x128xf32, #tpu.memory_space<vmem>>
    %dma_wait3A_45 = arith.constant 4992 : i32
    %dma_wait3A_46 = tpu.memref_slice %arg9[%dma_wait3A_45] : memref<5000xi32, #tpu.memory_space<vmem>> -> memref<8xi32, #tpu.memory_space<vmem>>
    %dma_wait3A_47 = arith.constant 0 : i32
    %dma_wait3A_48 = arith.constant 0 : i32
    %dma_wait3A_49 = tpu.memref_slice %arg3[%dma_wait3A_47, %dma_wait3A_48] : memref<10000x128xf32, #tpu.memory_space<hbm>> -> memref<10000x128xf32, #tpu.memory_space<hbm>>
    tpu.wait_indirect_dma semaphore(%arg15 : memref<!tpu.dma_semaphore, #tpu.memory_space<semaphore_mem>>) src(%dma_wait3A_49 : memref<10000x128xf32, #tpu.memory_space<hbm>>) dst(%dma_wait3A_44 : memref<8x128xf32, #tpu.memory_space<vmem>>)
    %run_scoped3A = arith.constant 0 : i32
    "tpu.region"() ({
      %run_scoped3A_51 = tpu.sem_alloc : memref<!tpu.dma_semaphore, #tpu.memory_space<semaphore_mem>>
      %dma_start3A_52 = arith.constant 0 : i32
      %dma_start3A_53 = arith.constant 0 : i32
      %dma_start3A_54 = tpu.memref_slice %arg10[%run_scoped3A, %dma_start3A_52, %dma_start3A_53] : memref<3x128x128xf32, #tpu.memory_space<vmem>> -> memref<1x8x128xf32, #tpu.memory_space<vmem>>
      %dma_start3A_55 = tpu.memref_squeeze %dma_start3A_54 : memref<1x8x128xf32, #tpu.memory_space<vmem>> -> memref<8x128xf32, #tpu.memory_space<vmem>>
      %dma_start3A_56 = arith.constant 0 : i32
      %dma_start3A_57 = tpu.memref_slice %arg6[%add3A_11, %dma_start3A_56] : memref<160000x128xf32, #tpu.memory_space<hbm>> -> memref<8x128xf32, #tpu.memory_space<hbm>>
      %dma_start3A_58 = arith.constant 0 : i32
      %dma_start3A_59 = tpu.memref_slice %arg6[%add3A_11, %dma_start3A_58] : memref<160000x128xf32, #tpu.memory_space<hbm>> -> memref<8x128xf32, #tpu.memory_space<hbm>>
      %dma_start3A_60 = arith.constant 0 : i32
      %dma_start3A_61 = arith.constant 0 : i32
      %dma_start3A_62 = tpu.memref_slice %arg10[%run_scoped3A, %dma_start3A_60, %dma_start3A_61] : memref<3x128x128xf32, #tpu.memory_space<vmem>> -> memref<1x8x128xf32, #tpu.memory_space<vmem>>
      %dma_start3A_63 = tpu.memref_squeeze %dma_start3A_62 : memref<1x8x128xf32, #tpu.memory_space<vmem>> -> memref<8x128xf32, #tpu.memory_space<vmem>>
      tpu.enqueue_dma source(%dma_start3A_63 : memref<8x128xf32, #tpu.memory_space<vmem>>) target(%dma_start3A_59 : memref<8x128xf32, #tpu.memory_space<hbm>>) target_semaphore(%run_scoped3A_51 : memref<!tpu.dma_semaphore, #tpu.memory_space<semaphore_mem>>)
      %dma_wait3A_64 = arith.constant 0 : i32
      %dma_wait3A_65 = arith.constant 0 : i32
      %dma_wait3A_66 = tpu.memref_slice %arg10[%run_scoped3A, %dma_wait3A_64, %dma_wait3A_65] : memref<3x128x128xf32, #tpu.memory_space<vmem>> -> memref<1x8x128xf32, #tpu.memory_space<vmem>>
      %dma_wait3A_67 = tpu.memref_squeeze %dma_wait3A_66 : memref<1x8x128xf32, #tpu.memory_space<vmem>> -> memref<8x128xf32, #tpu.memory_space<vmem>>
      %dma_wait3A_68 = arith.constant 0 : i32
      %dma_wait3A_69 = tpu.memref_slice %arg6[%add3A_11, %dma_wait3A_68] : memref<160000x128xf32, #tpu.memory_space<hbm>> -> memref<8x128xf32, #tpu.memory_space<hbm>>
      %dma_wait3A_70 = arith.constant 0 : i32
      %dma_wait3A_71 = tpu.memref_slice %arg6[%add3A_11, %dma_wait3A_70] : memref<160000x128xf32, #tpu.memory_space<hbm>> -> memref<8x128xf32, #tpu.memory_space<hbm>>
      %dma_wait3A_72 = arith.constant 0 : i32
      %dma_wait3A_73 = arith.constant 0 : i32
      %dma_wait3A_74 = tpu.memref_slice %arg10[%run_scoped3A, %dma_wait3A_72, %dma_wait3A_73] : memref<3x128x128xf32, #tpu.memory_space<vmem>> -> memref<1x8x128xf32, #tpu.memory_space<vmem>>
      %dma_wait3A_75 = tpu.memref_squeeze %dma_wait3A_74 : memref<1x8x128xf32, #tpu.memory_space<vmem>> -> memref<8x128xf32, #tpu.memory_space<vmem>>
      tpu.wait_dma2 semaphore(%run_scoped3A_51 : memref<!tpu.dma_semaphore, #tpu.memory_space<semaphore_mem>>) src(%dma_wait3A_75 : memref<8x128xf32, #tpu.memory_space<vmem>>) dst(%dma_wait3A_71 : memref<8x128xf32, #tpu.memory_space<hbm>>)
      tpu.yield
    }) : () -> ()
    %run_scoped3A_50 = arith.constant 0 : i32
    "tpu.region"() ({
      %run_scoped3A_51 = tpu.sem_alloc : memref<!tpu.dma_semaphore, #tpu.memory_space<semaphore_mem>>
      %dma_start3A_52 = arith.constant 0 : i32
      %dma_start3A_53 = arith.constant 0 : i32
      %dma_start3A_54 = tpu.memref_slice %arg11[%run_scoped3A_50, %dma_start3A_52, %dma_start3A_53] : memref<3x128x128xf32, #tpu.memory_space<vmem>> -> memref<1x8x128xf32, #tpu.memory_space<vmem>>
      %dma_start3A_55 = tpu.memref_squeeze %dma_start3A_54 : memref<1x8x128xf32, #tpu.memory_space<vmem>> -> memref<8x128xf32, #tpu.memory_space<vmem>>
      %dma_start3A_56 = arith.constant 0 : i32
      %dma_start3A_57 = tpu.memref_slice %arg7[%add3A_11, %dma_start3A_56] : memref<160000x128xf32, #tpu.memory_space<hbm>> -> memref<8x128xf32, #tpu.memory_space<hbm>>
      %dma_start3A_58 = arith.constant 0 : i32
      %dma_start3A_59 = tpu.memref_slice %arg7[%add3A_11, %dma_start3A_58] : memref<160000x128xf32, #tpu.memory_space<hbm>> -> memref<8x128xf32, #tpu.memory_space<hbm>>
      %dma_start3A_60 = arith.constant 0 : i32
      %dma_start3A_61 = arith.constant 0 : i32
      %dma_start3A_62 = tpu.memref_slice %arg11[%run_scoped3A_50, %dma_start3A_60, %dma_start3A_61] : memref<3x128x128xf32, #tpu.memory_space<vmem>> -> memref<1x8x128xf32, #tpu.memory_space<vmem>>
      %dma_start3A_63 = tpu.memref_squeeze %dma_start3A_62 : memref<1x8x128xf32, #tpu.memory_space<vmem>> -> memref<8x128xf32, #tpu.memory_space<vmem>>
      tpu.enqueue_dma source(%dma_start3A_63 : memref<8x128xf32, #tpu.memory_space<vmem>>) target(%dma_start3A_59 : memref<8x128xf32, #tpu.memory_space<hbm>>) target_semaphore(%run_scoped3A_51 : memref<!tpu.dma_semaphore, #tpu.memory_space<semaphore_mem>>)
      %dma_wait3A_64 = arith.constant 0 : i32
      %dma_wait3A_65 = arith.constant 0 : i32
      %dma_wait3A_66 = tpu.memref_slice %arg11[%run_scoped3A_50, %dma_wait3A_64, %dma_wait3A_65] : memref<3x128x128xf32, #tpu.memory_space<vmem>> -> memref<1x8x128xf32, #tpu.memory_space<vmem>>
      %dma_wait3A_67 = tpu.memref_squeeze %dma_wait3A_66 : memref<1x8x128xf32, #tpu.memory_space<vmem>> -> memref<8x128xf32, #tpu.memory_space<vmem>>
      %dma_wait3A_68 = arith.constant 0 : i32
      %dma_wait3A_69 = tpu.memref_slice %arg7[%add3A_11, %dma_wait3A_68] : memref<160000x128xf32, #tpu.memory_space<hbm>> -> memref<8x128xf32, #tpu.memory_space<hbm>>
      %dma_wait3A_70 = arith.constant 0 : i32
      %dma_wait3A_71 = tpu.memref_slice %arg7[%add3A_11, %dma_wait3A_70] : memref<160000x128xf32, #tpu.memory_space<hbm>> -> memref<8x128xf32, #tpu.memory_space<hbm>>
      %dma_wait3A_72 = arith.constant 0 : i32
      %dma_wait3A_73 = arith.constant 0 : i32
      %dma_wait3A_74 = tpu.memref_slice %arg11[%run_scoped3A_50, %dma_wait3A_72, %dma_wait3A_73] : memref<3x128x128xf32, #tpu.memory_space<vmem>> -> memref<1x8x128xf32, #tpu.memory_space<vmem>>
      %dma_wait3A_75 = tpu.memref_squeeze %dma_wait3A_74 : memref<1x8x128xf32, #tpu.memory_space<vmem>> -> memref<8x128xf32, #tpu.memory_space<vmem>>
      tpu.wait_dma2 semaphore(%run_scoped3A_51 : memref<!tpu.dma_semaphore, #tpu.memory_space<semaphore_mem>>) src(%dma_wait3A_75 : memref<8x128xf32, #tpu.memory_space<vmem>>) dst(%dma_wait3A_71 : memref<8x128xf32, #tpu.memory_space<hbm>>)
      tpu.yield
    }) : () -> ()
    return
  }
}

#map = affine_map<(d0, d1) -> (0, 0)>
#map1 = affine_map<(d0, d1) -> (0)>
#map2 = affine_map<(d0, d1) -> (0, 0, 0)>
module attributes {stable_mosaic.version = 14 : i64} {
  func.func @body(%arg0: i32, %arg1: i32, %arg2: memref<160000x128xf32, #tpu.memory_space<hbm>>, %arg3: memref<160000x128xf32, #tpu.memory_space<hbm>>, %arg4: memref<320000xi32, #tpu.memory_space<hbm>>, %arg5: memref<80x128xf32, #tpu.memory_space<hbm>>, %arg6: memref<2x10000x128xf32, #tpu.memory_space<hbm>>, %arg7: memref<10000x128xf32, #tpu.memory_space<vmem_shared>>, %arg8: memref<2x128xi32, #tpu.memory_space<vmem>>, %arg9: memref<2x128x128xf32, #tpu.memory_space<vmem>>, %arg10: memref<16xi32, #tpu.memory_space<vmem>>, %arg11: memref<16x128xf32, #tpu.memory_space<vmem>>, %arg12: memref<80x128xf32, #tpu.memory_space<vmem>>, %arg13: memref<!tpu.dma_semaphore, #tpu.memory_space<semaphore_mem>>, %arg14: memref<!tpu.dma_semaphore, #tpu.memory_space<semaphore_mem>>, %arg15: memref<!tpu.dma_semaphore, #tpu.memory_space<semaphore_mem>>, %arg16: memref<!tpu.dma_semaphore, #tpu.memory_space<semaphore_mem>>, %arg17: memref<!tpu.dma_semaphore, #tpu.memory_space<semaphore_mem>>, %arg18: memref<!tpu.dma_semaphore, #tpu.memory_space<semaphore_mem>>) attributes {dimension_semantics = [#tpu.dimension_semantics<core_parallel>, #tpu.dimension_semantics<subcore_parallel>], iteration_bounds = array<i64: 2, 16>, scalar_prefetch = 0 : i64, scratch_operands = 12 : i64, tpu.core_type = #tpu.core_type<sc_vector_subcore>, window_params = [{transform_indices = #map}, {transform_indices = #map}, {transform_indices = #map1}, {transform_indices = #map}, {transform_indices = #map2}]} {
    %sub3A = arith.constant 125 : i32
    %sub3A_0 = arith.subi %sub3A, %arg1 : i32
    %add3A = arith.constant 16 : i32
    %add3A_1 = arith.addi %sub3A_0, %add3A : i32
    %sub3A_2 = arith.constant 1 : i32
    %sub3A_3 = arith.subi %add3A_1, %sub3A_2 : i32
    %jit3A = arith.constant 16 : i32
    %div3A = arith.divsi %sub3A_3, %jit3A : i32
    %sign3A = arith.constant 0 : i32
    %sign3A_4 = arith.cmpi sgt, %sub3A_3, %sign3A : i32
    %sign3A_5 = arith.extui %sign3A_4 : i1 to i32
    %sign3A_6 = arith.constant 0 : i32
    %sign3A_7 = arith.cmpi slt, %sub3A_3, %sign3A_6 : i32
    %sign3A_8 = arith.extui %sign3A_7 : i1 to i32
    %sign3A_9 = arith.subi %sign3A_5, %sign3A_8 : i32
    %sign3A_10 = arith.constant 0 : i32
    %sign3A_11 = arith.cmpi sgt, %jit3A, %sign3A_10 : i32
    %sign3A_12 = arith.extui %sign3A_11 : i1 to i32
    %sign3A_13 = arith.constant 0 : i32
    %sign3A_14 = arith.cmpi slt, %jit3A, %sign3A_13 : i32
    %sign3A_15 = arith.extui %sign3A_14 : i1 to i32
    %sign3A_16 = arith.subi %sign3A_12, %sign3A_15 : i32
    %ne3A = arith.cmpi ne, %sign3A_9, %sign3A_16 : i32
    %rem3A = arith.remsi %sub3A_3, %jit3A : i32
    %ne3A_17 = arith.constant 0 : i32
    %ne3A_18 = arith.cmpi ne, %rem3A, %ne3A_17 : i32
    %and3A = arith.andi %ne3A, %ne3A_18 : i1
    %sub3A_19 = arith.constant 1 : i32
    %sub3A_20 = arith.subi %div3A, %sub3A_19 : i32
    %select_n3A = arith.select %and3A, %sub3A_20, %div3A : i32
    "tpu.region"() ({
      %run_scoped3A = tpu.sem_alloc : memref<!tpu.dma_semaphore, #tpu.memory_space<semaphore_mem>>
      tpu.enqueue_dma source(%arg5 : memref<80x128xf32, #tpu.memory_space<hbm>>) target(%arg12 : memref<80x128xf32, #tpu.memory_space<vmem>>) target_semaphore(%run_scoped3A : memref<!tpu.dma_semaphore, #tpu.memory_space<semaphore_mem>>)
      tpu.wait_dma2 semaphore(%run_scoped3A : memref<!tpu.dma_semaphore, #tpu.memory_space<semaphore_mem>>) src(%arg5 : memref<80x128xf32, #tpu.memory_space<hbm>>) dst(%arg12 : memref<80x128xf32, #tpu.memory_space<vmem>>)
      tpu.yield
    }) : () -> ()
    %while3A = arith.constant 0 : i32
    %while3A_21 = arith.constant 0 : i32
    %while3A_22 = arith.subi %select_n3A, %while3A_21 : i32
    %while3A_23 = arith.addi %while3A_21, %while3A_22 : i32
    %while3A_24 = arith.constant 1 : i32
    %while3A_25 = arith.divsi %while3A_22, %while3A_24 : i32
    %while3A_26 = arith.muli %while3A_25, %while3A_24 : i32
    %while3A_27 = arith.addi %while3A_21, %while3A_26 : i32
    %while3A_28 = arith.constant 1 : i32
    scf.for %while3A_51 = %while3A_21 to %while3A_27 step %while3A_28  : i32 {
      %mul3A_52 = arith.constant 16 : i32
      %mul3A_53 = arith.muli %while3A_51, %mul3A_52 : i32
      %add3A_54 = arith.addi %arg1, %mul3A_53 : i32
      %mul3A_55 = arith.constant 80 : i32
      %mul3A_56 = arith.muli %add3A_54, %mul3A_55 : i32
      "tpu.region"() ({
        %run_scoped3A = tpu.sem_alloc : memref<!tpu.dma_semaphore, #tpu.memory_space<semaphore_mem>>
        %dma_start3A = arith.constant 0 : i32
        %dma_start3A_57 = tpu.memref_slice %arg7[%mul3A_56, %dma_start3A] : memref<10000x128xf32, #tpu.memory_space<vmem_shared>> -> memref<80x128xf32, #tpu.memory_space<vmem_shared>>
        %dma_start3A_58 = arith.constant 0 : i32
        %dma_start3A_59 = tpu.memref_slice %arg7[%mul3A_56, %dma_start3A_58] : memref<10000x128xf32, #tpu.memory_space<vmem_shared>> -> memref<80x128xf32, #tpu.memory_space<vmem_shared>>
        tpu.enqueue_dma source(%arg12 : memref<80x128xf32, #tpu.memory_space<vmem>>) target(%dma_start3A_59 : memref<80x128xf32, #tpu.memory_space<vmem_shared>>) target_semaphore(%run_scoped3A : memref<!tpu.dma_semaphore, #tpu.memory_space<semaphore_mem>>)
        %dma_wait3A = arith.constant 0 : i32
        %dma_wait3A_60 = tpu.memref_slice %arg7[%mul3A_56, %dma_wait3A] : memref<10000x128xf32, #tpu.memory_space<vmem_shared>> -> memref<80x128xf32, #tpu.memory_space<vmem_shared>>
        %dma_wait3A_61 = arith.constant 0 : i32
        %dma_wait3A_62 = tpu.memref_slice %arg7[%mul3A_56, %dma_wait3A_61] : memref<10000x128xf32, #tpu.memory_space<vmem_shared>> -> memref<80x128xf32, #tpu.memory_space<vmem_shared>>
        tpu.wait_dma2 semaphore(%run_scoped3A : memref<!tpu.dma_semaphore, #tpu.memory_space<semaphore_mem>>) src(%arg12 : memref<80x128xf32, #tpu.memory_space<vmem>>) dst(%dma_wait3A_62 : memref<80x128xf32, #tpu.memory_space<vmem_shared>>)
        tpu.yield
      }) : () -> ()
    }
    %while3A_29 = arith.constant 1 : i32
    scf.for %while3A_51 = %while3A_27 to %while3A_23 step %while3A_29  : i32 {
      %mul3A_52 = arith.constant 16 : i32
      %mul3A_53 = arith.muli %while3A_51, %mul3A_52 : i32
      %add3A_54 = arith.addi %arg1, %mul3A_53 : i32
      %mul3A_55 = arith.constant 80 : i32
      %mul3A_56 = arith.muli %add3A_54, %mul3A_55 : i32
      "tpu.region"() ({
        %run_scoped3A = tpu.sem_alloc : memref<!tpu.dma_semaphore, #tpu.memory_space<semaphore_mem>>
        %dma_start3A = arith.constant 0 : i32
        %dma_start3A_57 = tpu.memref_slice %arg7[%mul3A_56, %dma_start3A] : memref<10000x128xf32, #tpu.memory_space<vmem_shared>> -> memref<80x128xf32, #tpu.memory_space<vmem_shared>>
        %dma_start3A_58 = arith.constant 0 : i32
        %dma_start3A_59 = tpu.memref_slice %arg7[%mul3A_56, %dma_start3A_58] : memref<10000x128xf32, #tpu.memory_space<vmem_shared>> -> memref<80x128xf32, #tpu.memory_space<vmem_shared>>
        tpu.enqueue_dma source(%arg12 : memref<80x128xf32, #tpu.memory_space<vmem>>) target(%dma_start3A_59 : memref<80x128xf32, #tpu.memory_space<vmem_shared>>) target_semaphore(%run_scoped3A : memref<!tpu.dma_semaphore, #tpu.memory_space<semaphore_mem>>)
        %dma_wait3A = arith.constant 0 : i32
        %dma_wait3A_60 = tpu.memref_slice %arg7[%mul3A_56, %dma_wait3A] : memref<10000x128xf32, #tpu.memory_space<vmem_shared>> -> memref<80x128xf32, #tpu.memory_space<vmem_shared>>
        %dma_wait3A_61 = arith.constant 0 : i32
        %dma_wait3A_62 = tpu.memref_slice %arg7[%mul3A_56, %dma_wait3A_61] : memref<10000x128xf32, #tpu.memory_space<vmem_shared>> -> memref<80x128xf32, #tpu.memory_space<vmem_shared>>
        tpu.wait_dma2 semaphore(%run_scoped3A : memref<!tpu.dma_semaphore, #tpu.memory_space<semaphore_mem>>) src(%arg12 : memref<80x128xf32, #tpu.memory_space<vmem>>) dst(%dma_wait3A_62 : memref<80x128xf32, #tpu.memory_space<vmem_shared>>)
        tpu.yield
      }) : () -> ()
    }
    %barrier3A = arith.constant 0 : index
    tpu.barrier barrier_id(%barrier3A)
    %mul3A = arith.constant 10000 : i32
    %mul3A_30 = arith.muli %arg1, %mul3A : i32
    %add3A_31 = arith.constant 160000 : i32
    %add3A_32 = arith.addi %add3A_31, %mul3A_30 : i32
    %eq3A = arith.constant 0 : i32
    %eq3A_33 = arith.cmpi eq, %arg0, %eq3A : i32
    %convert_element_type3A = arith.extui %eq3A_33 : i1 to i32
    %cond3A = arith.constant 0 : i32
    %cond3A_34 = arith.cmpi ne, %convert_element_type3A, %cond3A : i32
    scf.if %cond3A_34 {
      %scan3A = arith.constant 0 : i32
      %scan3A_51 = arith.constant 0 : i32
      %scan3A_52 = arith.constant 39 : i32
      %scan3A_53 = arith.addi %scan3A_51, %scan3A_52 : i32
      %scan3A_54 = arith.constant 1 : i32
      scf.for %scan3A_60 = %scan3A_51 to %scan3A_53 step %scan3A_54  : i32 {
        %mul3A_61 = arith.constant 2 : i32
        %mul3A_62 = arith.muli %mul3A_61, %scan3A_60 : i32
        %add3A_63 = arith.constant 0 : i32
        %add3A_64 = arith.addi %mul3A_62, %add3A_63 : i32
        %mul3A_65 = arith.constant 128 : i32
        %mul3A_66 = arith.muli %add3A_64, %mul3A_65 : i32
        %add3A_67 = arith.addi %add3A_32, %mul3A_66 : i32
        %dma_start3A = arith.constant 0 : i32
        %dma_start3A_68 = arith.constant 0 : i32
        %dma_start3A_69 = tpu.memref_slice %arg8[%dma_start3A, %dma_start3A_68] : memref<2x128xi32, #tpu.memory_space<vmem>> -> memref<1x128xi32, #tpu.memory_space<vmem>>
        %dma_start3A_70 = tpu.memref_squeeze %dma_start3A_69 : memref<1x128xi32, #tpu.memory_space<vmem>> -> memref<128xi32, #tpu.memory_space<vmem>>
        %dma_start3A_71 = tpu.memref_slice %arg4[%add3A_67] : memref<320000xi32, #tpu.memory_space<hbm>> -> memref<128xi32, #tpu.memory_space<hbm>>
        %dma_start3A_72 = arith.constant 0 : i32
        %dma_start3A_73 = tpu.memref_slice %arg8[%dma_start3A, %dma_start3A_72] : memref<2x128xi32, #tpu.memory_space<vmem>> -> memref<1x128xi32, #tpu.memory_space<vmem>>
        %dma_start3A_74 = tpu.memref_squeeze %dma_start3A_73 : memref<1x128xi32, #tpu.memory_space<vmem>> -> memref<128xi32, #tpu.memory_space<vmem>>
        %dma_start3A_75 = tpu.memref_slice %arg4[%add3A_67] : memref<320000xi32, #tpu.memory_space<hbm>> -> memref<128xi32, #tpu.memory_space<hbm>>
        tpu.enqueue_dma source(%dma_start3A_75 : memref<128xi32, #tpu.memory_space<hbm>>) target(%dma_start3A_74 : memref<128xi32, #tpu.memory_space<vmem>>) target_semaphore(%arg13 : memref<!tpu.dma_semaphore, #tpu.memory_space<semaphore_mem>>)
        %add3A_76 = arith.addi %mul3A_30, %mul3A_66 : i32
        %dma_start3A_77 = arith.constant 0 : i32
        %dma_start3A_78 = arith.constant 0 : i32
        %dma_start3A_79 = arith.constant 0 : i32
        %dma_start3A_80 = tpu.memref_slice %arg9[%dma_start3A_77, %dma_start3A_78, %dma_start3A_79] : memref<2x128x128xf32, #tpu.memory_space<vmem>> -> memref<1x128x128xf32, #tpu.memory_space<vmem>>
        %dma_start3A_81 = tpu.memref_squeeze %dma_start3A_80 : memref<1x128x128xf32, #tpu.memory_space<vmem>> -> memref<128x128xf32, #tpu.memory_space<vmem>>
        %dma_start3A_82 = arith.constant 0 : i32
        %dma_start3A_83 = tpu.memref_slice %arg2[%add3A_76, %dma_start3A_82] : memref<160000x128xf32, #tpu.memory_space<hbm>> -> memref<128x128xf32, #tpu.memory_space<hbm>>
        %dma_start3A_84 = arith.constant 0 : i32
        %dma_start3A_85 = arith.constant 0 : i32
        %dma_start3A_86 = tpu.memref_slice %arg9[%dma_start3A_77, %dma_start3A_84, %dma_start3A_85] : memref<2x128x128xf32, #tpu.memory_space<vmem>> -> memref<1x128x128xf32, #tpu.memory_space<vmem>>
        %dma_start3A_87 = tpu.memref_squeeze %dma_start3A_86 : memref<1x128x128xf32, #tpu.memory_space<vmem>> -> memref<128x128xf32, #tpu.memory_space<vmem>>
        %dma_start3A_88 = arith.constant 0 : i32
        %dma_start3A_89 = tpu.memref_slice %arg2[%add3A_76, %dma_start3A_88] : memref<160000x128xf32, #tpu.memory_space<hbm>> -> memref<128x128xf32, #tpu.memory_space<hbm>>
        tpu.enqueue_dma source(%dma_start3A_89 : memref<128x128xf32, #tpu.memory_space<hbm>>) target(%dma_start3A_87 : memref<128x128xf32, #tpu.memory_space<vmem>>) target_semaphore(%arg15 : memref<!tpu.dma_semaphore, #tpu.memory_space<semaphore_mem>>)
        %mul3A_90 = arith.constant 2 : i32
        %mul3A_91 = arith.muli %mul3A_90, %scan3A_60 : i32
        %add3A_92 = arith.constant 1 : i32
        %add3A_93 = arith.addi %mul3A_91, %add3A_92 : i32
        %mul3A_94 = arith.constant 128 : i32
        %mul3A_95 = arith.muli %add3A_93, %mul3A_94 : i32
        %add3A_96 = arith.addi %add3A_32, %mul3A_95 : i32
        %dma_start3A_97 = arith.constant 1 : i32
        %dma_start3A_98 = arith.constant 0 : i32
        %dma_start3A_99 = tpu.memref_slice %arg8[%dma_start3A_97, %dma_start3A_98] : memref<2x128xi32, #tpu.memory_space<vmem>> -> memref<1x128xi32, #tpu.memory_space<vmem>>
        %dma_start3A_100 = tpu.memref_squeeze %dma_start3A_99 : memref<1x128xi32, #tpu.memory_space<vmem>> -> memref<128xi32, #tpu.memory_space<vmem>>
        %dma_start3A_101 = tpu.memref_slice %arg4[%add3A_96] : memref<320000xi32, #tpu.memory_space<hbm>> -> memref<128xi32, #tpu.memory_space<hbm>>
        %dma_start3A_102 = arith.constant 0 : i32
        %dma_start3A_103 = tpu.memref_slice %arg8[%dma_start3A_97, %dma_start3A_102] : memref<2x128xi32, #tpu.memory_space<vmem>> -> memref<1x128xi32, #tpu.memory_space<vmem>>
        %dma_start3A_104 = tpu.memref_squeeze %dma_start3A_103 : memref<1x128xi32, #tpu.memory_space<vmem>> -> memref<128xi32, #tpu.memory_space<vmem>>
        %dma_start3A_105 = tpu.memref_slice %arg4[%add3A_96] : memref<320000xi32, #tpu.memory_space<hbm>> -> memref<128xi32, #tpu.memory_space<hbm>>
        tpu.enqueue_dma source(%dma_start3A_105 : memref<128xi32, #tpu.memory_space<hbm>>) target(%dma_start3A_104 : memref<128xi32, #tpu.memory_space<vmem>>) target_semaphore(%arg14 : memref<!tpu.dma_semaphore, #tpu.memory_space<semaphore_mem>>)
        %add3A_106 = arith.addi %mul3A_30, %mul3A_95 : i32
        %dma_start3A_107 = arith.constant 1 : i32
        %dma_start3A_108 = arith.constant 0 : i32
        %dma_start3A_109 = arith.constant 0 : i32
        %dma_start3A_110 = tpu.memref_slice %arg9[%dma_start3A_107, %dma_start3A_108, %dma_start3A_109] : memref<2x128x128xf32, #tpu.memory_space<vmem>> -> memref<1x128x128xf32, #tpu.memory_space<vmem>>
        %dma_start3A_111 = tpu.memref_squeeze %dma_start3A_110 : memref<1x128x128xf32, #tpu.memory_space<vmem>> -> memref<128x128xf32, #tpu.memory_space<vmem>>
        %dma_start3A_112 = arith.constant 0 : i32
        %dma_start3A_113 = tpu.memref_slice %arg2[%add3A_106, %dma_start3A_112] : memref<160000x128xf32, #tpu.memory_space<hbm>> -> memref<128x128xf32, #tpu.memory_space<hbm>>
        %dma_start3A_114 = arith.constant 0 : i32
        %dma_start3A_115 = arith.constant 0 : i32
        %dma_start3A_116 = tpu.memref_slice %arg9[%dma_start3A_107, %dma_start3A_114, %dma_start3A_115] : memref<2x128x128xf32, #tpu.memory_space<vmem>> -> memref<1x128x128xf32, #tpu.memory_space<vmem>>
        %dma_start3A_117 = tpu.memref_squeeze %dma_start3A_116 : memref<1x128x128xf32, #tpu.memory_space<vmem>> -> memref<128x128xf32, #tpu.memory_space<vmem>>
        %dma_start3A_118 = arith.constant 0 : i32
        %dma_start3A_119 = tpu.memref_slice %arg2[%add3A_106, %dma_start3A_118] : memref<160000x128xf32, #tpu.memory_space<hbm>> -> memref<128x128xf32, #tpu.memory_space<hbm>>
        tpu.enqueue_dma source(%dma_start3A_119 : memref<128x128xf32, #tpu.memory_space<hbm>>) target(%dma_start3A_117 : memref<128x128xf32, #tpu.memory_space<vmem>>) target_semaphore(%arg16 : memref<!tpu.dma_semaphore, #tpu.memory_space<semaphore_mem>>)
        %dma_wait3A = arith.constant 0 : i32
        %dma_wait3A_120 = arith.constant 0 : i32
        %dma_wait3A_121 = tpu.memref_slice %arg8[%dma_wait3A, %dma_wait3A_120] : memref<2x128xi32, #tpu.memory_space<vmem>> -> memref<1x128xi32, #tpu.memory_space<vmem>>
        %dma_wait3A_122 = tpu.memref_squeeze %dma_wait3A_121 : memref<1x128xi32, #tpu.memory_space<vmem>> -> memref<128xi32, #tpu.memory_space<vmem>>
        %dma_wait3A_123 = tpu.memref_slice %arg4[%add3A_67] : memref<320000xi32, #tpu.memory_space<hbm>> -> memref<128xi32, #tpu.memory_space<hbm>>
        %dma_wait3A_124 = arith.constant 0 : i32
        %dma_wait3A_125 = tpu.memref_slice %arg8[%dma_wait3A, %dma_wait3A_124] : memref<2x128xi32, #tpu.memory_space<vmem>> -> memref<1x128xi32, #tpu.memory_space<vmem>>
        %dma_wait3A_126 = tpu.memref_squeeze %dma_wait3A_125 : memref<1x128xi32, #tpu.memory_space<vmem>> -> memref<128xi32, #tpu.memory_space<vmem>>
        %dma_wait3A_127 = tpu.memref_slice %arg4[%add3A_67] : memref<320000xi32, #tpu.memory_space<hbm>> -> memref<128xi32, #tpu.memory_space<hbm>>
        tpu.wait_dma2 semaphore(%arg13 : memref<!tpu.dma_semaphore, #tpu.memory_space<semaphore_mem>>) src(%dma_wait3A_127 : memref<128xi32, #tpu.memory_space<hbm>>) dst(%dma_wait3A_126 : memref<128xi32, #tpu.memory_space<vmem>>)
        %dma_wait3A_128 = arith.constant 0 : i32
        %dma_wait3A_129 = arith.constant 0 : i32
        %dma_wait3A_130 = arith.constant 0 : i32
        %dma_wait3A_131 = tpu.memref_slice %arg9[%dma_wait3A_128, %dma_wait3A_129, %dma_wait3A_130] : memref<2x128x128xf32, #tpu.memory_space<vmem>> -> memref<1x128x128xf32, #tpu.memory_space<vmem>>
        %dma_wait3A_132 = tpu.memref_squeeze %dma_wait3A_131 : memref<1x128x128xf32, #tpu.memory_space<vmem>> -> memref<128x128xf32, #tpu.memory_space<vmem>>
        %dma_wait3A_133 = arith.constant 0 : i32
        %dma_wait3A_134 = tpu.memref_slice %arg2[%add3A_76, %dma_wait3A_133] : memref<160000x128xf32, #tpu.memory_space<hbm>> -> memref<128x128xf32, #tpu.memory_space<hbm>>
        %dma_wait3A_135 = arith.constant 0 : i32
        %dma_wait3A_136 = arith.constant 0 : i32
        %dma_wait3A_137 = tpu.memref_slice %arg9[%dma_wait3A_128, %dma_wait3A_135, %dma_wait3A_136] : memref<2x128x128xf32, #tpu.memory_space<vmem>> -> memref<1x128x128xf32, #tpu.memory_space<vmem>>
        %dma_wait3A_138 = tpu.memref_squeeze %dma_wait3A_137 : memref<1x128x128xf32, #tpu.memory_space<vmem>> -> memref<128x128xf32, #tpu.memory_space<vmem>>
        %dma_wait3A_139 = arith.constant 0 : i32
        %dma_wait3A_140 = tpu.memref_slice %arg2[%add3A_76, %dma_wait3A_139] : memref<160000x128xf32, #tpu.memory_space<hbm>> -> memref<128x128xf32, #tpu.memory_space<hbm>>
        tpu.wait_dma2 semaphore(%arg15 : memref<!tpu.dma_semaphore, #tpu.memory_space<semaphore_mem>>) src(%dma_wait3A_140 : memref<128x128xf32, #tpu.memory_space<hbm>>) dst(%dma_wait3A_138 : memref<128x128xf32, #tpu.memory_space<vmem>>)
        %dma_start3A_141 = arith.constant 0 : i32
        %dma_start3A_142 = arith.constant 0 : i32
        %dma_start3A_143 = arith.constant 0 : i32
        %dma_start3A_144 = arith.constant 0 : i32
        %dma_start3A_145 = tpu.memref_slice %arg9[%dma_start3A_141, %dma_start3A_143, %dma_start3A_144] : memref<2x128x128xf32, #tpu.memory_space<vmem>> -> memref<1x128x128xf32, #tpu.memory_space<vmem>>
        %dma_start3A_146 = tpu.memref_squeeze %dma_start3A_145 : memref<1x128x128xf32, #tpu.memory_space<vmem>> -> memref<128x128xf32, #tpu.memory_space<vmem>>
        %dma_start3A_147 = arith.constant 0 : i32
        %dma_start3A_148 = tpu.memref_slice %arg8[%dma_start3A_142, %dma_start3A_147] : memref<2x128xi32, #tpu.memory_space<vmem>> -> memref<1x128xi32, #tpu.memory_space<vmem>>
        %dma_start3A_149 = tpu.memref_squeeze %dma_start3A_148 : memref<1x128xi32, #tpu.memory_space<vmem>> -> memref<128xi32, #tpu.memory_space<vmem>>
        %dma_start3A_150 = arith.constant 0 : i32
        %dma_start3A_151 = arith.constant 0 : i32
        %dma_start3A_152 = tpu.memref_slice %arg7[%dma_start3A_150, %dma_start3A_151] : memref<10000x128xf32, #tpu.memory_space<vmem_shared>> -> memref<10000x128xf32, #tpu.memory_space<vmem_shared>>
        tpu.enqueue_indirect_dma source(%dma_start3A_146 : memref<128x128xf32, #tpu.memory_space<vmem>>) target(%dma_start3A_152 : memref<10000x128xf32, #tpu.memory_space<vmem_shared>>) offsets(%dma_start3A_149 : memref<128xi32, #tpu.memory_space<vmem>>) semaphore(%arg17 : memref<!tpu.dma_semaphore, #tpu.memory_space<semaphore_mem>>) {add = true}
        %dma_wait3A_153 = arith.constant 1 : i32
        %dma_wait3A_154 = arith.constant 0 : i32
        %dma_wait3A_155 = tpu.memref_slice %arg8[%dma_wait3A_153, %dma_wait3A_154] : memref<2x128xi32, #tpu.memory_space<vmem>> -> memref<1x128xi32, #tpu.memory_space<vmem>>
        %dma_wait3A_156 = tpu.memref_squeeze %dma_wait3A_155 : memref<1x128xi32, #tpu.memory_space<vmem>> -> memref<128xi32, #tpu.memory_space<vmem>>
        %dma_wait3A_157 = tpu.memref_slice %arg4[%add3A_96] : memref<320000xi32, #tpu.memory_space<hbm>> -> memref<128xi32, #tpu.memory_space<hbm>>
        %dma_wait3A_158 = arith.constant 0 : i32
        %dma_wait3A_159 = tpu.memref_slice %arg8[%dma_wait3A_153, %dma_wait3A_158] : memref<2x128xi32, #tpu.memory_space<vmem>> -> memref<1x128xi32, #tpu.memory_space<vmem>>
        %dma_wait3A_160 = tpu.memref_squeeze %dma_wait3A_159 : memref<1x128xi32, #tpu.memory_space<vmem>> -> memref<128xi32, #tpu.memory_space<vmem>>
        %dma_wait3A_161 = tpu.memref_slice %arg4[%add3A_96] : memref<320000xi32, #tpu.memory_space<hbm>> -> memref<128xi32, #tpu.memory_space<hbm>>
        tpu.wait_dma2 semaphore(%arg14 : memref<!tpu.dma_semaphore, #tpu.memory_space<semaphore_mem>>) src(%dma_wait3A_161 : memref<128xi32, #tpu.memory_space<hbm>>) dst(%dma_wait3A_160 : memref<128xi32, #tpu.memory_space<vmem>>)
        %dma_wait3A_162 = arith.constant 1 : i32
        %dma_wait3A_163 = arith.constant 0 : i32
        %dma_wait3A_164 = arith.constant 0 : i32
        %dma_wait3A_165 = tpu.memref_slice %arg9[%dma_wait3A_162, %dma_wait3A_163, %dma_wait3A_164] : memref<2x128x128xf32, #tpu.memory_space<vmem>> -> memref<1x128x128xf32, #tpu.memory_space<vmem>>
        %dma_wait3A_166 = tpu.memref_squeeze %dma_wait3A_165 : memref<1x128x128xf32, #tpu.memory_space<vmem>> -> memref<128x128xf32, #tpu.memory_space<vmem>>
        %dma_wait3A_167 = arith.constant 0 : i32
        %dma_wait3A_168 = tpu.memref_slice %arg2[%add3A_106, %dma_wait3A_167] : memref<160000x128xf32, #tpu.memory_space<hbm>> -> memref<128x128xf32, #tpu.memory_space<hbm>>
        %dma_wait3A_169 = arith.constant 0 : i32
        %dma_wait3A_170 = arith.constant 0 : i32
        %dma_wait3A_171 = tpu.memref_slice %arg9[%dma_wait3A_162, %dma_wait3A_169, %dma_wait3A_170] : memref<2x128x128xf32, #tpu.memory_space<vmem>> -> memref<1x128x128xf32, #tpu.memory_space<vmem>>
        %dma_wait3A_172 = tpu.memref_squeeze %dma_wait3A_171 : memref<1x128x128xf32, #tpu.memory_space<vmem>> -> memref<128x128xf32, #tpu.memory_space<vmem>>
        %dma_wait3A_173 = arith.constant 0 : i32
        %dma_wait3A_174 = tpu.memref_slice %arg2[%add3A_106, %dma_wait3A_173] : memref<160000x128xf32, #tpu.memory_space<hbm>> -> memref<128x128xf32, #tpu.memory_space<hbm>>
        tpu.wait_dma2 semaphore(%arg16 : memref<!tpu.dma_semaphore, #tpu.memory_space<semaphore_mem>>) src(%dma_wait3A_174 : memref<128x128xf32, #tpu.memory_space<hbm>>) dst(%dma_wait3A_172 : memref<128x128xf32, #tpu.memory_space<vmem>>)
        %dma_start3A_175 = arith.constant 1 : i32
        %dma_start3A_176 = arith.constant 1 : i32
        %dma_start3A_177 = arith.constant 0 : i32
        %dma_start3A_178 = arith.constant 0 : i32
        %dma_start3A_179 = tpu.memref_slice %arg9[%dma_start3A_175, %dma_start3A_177, %dma_start3A_178] : memref<2x128x128xf32, #tpu.memory_space<vmem>> -> memref<1x128x128xf32, #tpu.memory_space<vmem>>
        %dma_start3A_180 = tpu.memref_squeeze %dma_start3A_179 : memref<1x128x128xf32, #tpu.memory_space<vmem>> -> memref<128x128xf32, #tpu.memory_space<vmem>>
        %dma_start3A_181 = arith.constant 0 : i32
        %dma_start3A_182 = tpu.memref_slice %arg8[%dma_start3A_176, %dma_start3A_181] : memref<2x128xi32, #tpu.memory_space<vmem>> -> memref<1x128xi32, #tpu.memory_space<vmem>>
        %dma_start3A_183 = tpu.memref_squeeze %dma_start3A_182 : memref<1x128xi32, #tpu.memory_space<vmem>> -> memref<128xi32, #tpu.memory_space<vmem>>
        %dma_start3A_184 = arith.constant 0 : i32
        %dma_start3A_185 = arith.constant 0 : i32
        %dma_start3A_186 = tpu.memref_slice %arg7[%dma_start3A_184, %dma_start3A_185] : memref<10000x128xf32, #tpu.memory_space<vmem_shared>> -> memref<10000x128xf32, #tpu.memory_space<vmem_shared>>
        tpu.enqueue_indirect_dma source(%dma_start3A_180 : memref<128x128xf32, #tpu.memory_space<vmem>>) target(%dma_start3A_186 : memref<10000x128xf32, #tpu.memory_space<vmem_shared>>) offsets(%dma_start3A_183 : memref<128xi32, #tpu.memory_space<vmem>>) semaphore(%arg18 : memref<!tpu.dma_semaphore, #tpu.memory_space<semaphore_mem>>) {add = true}
        %dma_wait3A_187 = arith.constant 0 : i32
        %dma_wait3A_188 = arith.constant 0 : i32
        %dma_wait3A_189 = arith.constant 0 : i32
        %dma_wait3A_190 = arith.constant 0 : i32
        %dma_wait3A_191 = tpu.memref_slice %arg9[%dma_wait3A_187, %dma_wait3A_189, %dma_wait3A_190] : memref<2x128x128xf32, #tpu.memory_space<vmem>> -> memref<1x128x128xf32, #tpu.memory_space<vmem>>
        %dma_wait3A_192 = tpu.memref_squeeze %dma_wait3A_191 : memref<1x128x128xf32, #tpu.memory_space<vmem>> -> memref<128x128xf32, #tpu.memory_space<vmem>>
        %dma_wait3A_193 = arith.constant 0 : i32
        %dma_wait3A_194 = tpu.memref_slice %arg8[%dma_wait3A_188, %dma_wait3A_193] : memref<2x128xi32, #tpu.memory_space<vmem>> -> memref<1x128xi32, #tpu.memory_space<vmem>>
        %dma_wait3A_195 = tpu.memref_squeeze %dma_wait3A_194 : memref<1x128xi32, #tpu.memory_space<vmem>> -> memref<128xi32, #tpu.memory_space<vmem>>
        %dma_wait3A_196 = arith.constant 0 : i32
        %dma_wait3A_197 = arith.constant 0 : i32
        %dma_wait3A_198 = tpu.memref_slice %arg7[%dma_wait3A_196, %dma_wait3A_197] : memref<10000x128xf32, #tpu.memory_space<vmem_shared>> -> memref<10000x128xf32, #tpu.memory_space<vmem_shared>>
        tpu.wait_indirect_dma semaphore(%arg17 : memref<!tpu.dma_semaphore, #tpu.memory_space<semaphore_mem>>) src(%dma_wait3A_192 : memref<128x128xf32, #tpu.memory_space<vmem>>) dst(%dma_wait3A_198 : memref<10000x128xf32, #tpu.memory_space<vmem_shared>>)
        %dma_wait3A_199 = arith.constant 1 : i32
        %dma_wait3A_200 = arith.constant 1 : i32
        %dma_wait3A_201 = arith.constant 0 : i32
        %dma_wait3A_202 = arith.constant 0 : i32
        %dma_wait3A_203 = tpu.memref_slice %arg9[%dma_wait3A_199, %dma_wait3A_201, %dma_wait3A_202] : memref<2x128x128xf32, #tpu.memory_space<vmem>> -> memref<1x128x128xf32, #tpu.memory_space<vmem>>
        %dma_wait3A_204 = tpu.memref_squeeze %dma_wait3A_203 : memref<1x128x128xf32, #tpu.memory_space<vmem>> -> memref<128x128xf32, #tpu.memory_space<vmem>>
        %dma_wait3A_205 = arith.constant 0 : i32
        %dma_wait3A_206 = tpu.memref_slice %arg8[%dma_wait3A_200, %dma_wait3A_205] : memref<2x128xi32, #tpu.memory_space<vmem>> -> memref<1x128xi32, #tpu.memory_space<vmem>>
        %dma_wait3A_207 = tpu.memref_squeeze %dma_wait3A_206 : memref<1x128xi32, #tpu.memory_space<vmem>> -> memref<128xi32, #tpu.memory_space<vmem>>
        %dma_wait3A_208 = arith.constant 0 : i32
        %dma_wait3A_209 = arith.constant 0 : i32
        %dma_wait3A_210 = tpu.memref_slice %arg7[%dma_wait3A_208, %dma_wait3A_209] : memref<10000x128xf32, #tpu.memory_space<vmem_shared>> -> memref<10000x128xf32, #tpu.memory_space<vmem_shared>>
        tpu.wait_indirect_dma semaphore(%arg18 : memref<!tpu.dma_semaphore, #tpu.memory_space<semaphore_mem>>) src(%dma_wait3A_204 : memref<128x128xf32, #tpu.memory_space<vmem>>) dst(%dma_wait3A_210 : memref<10000x128xf32, #tpu.memory_space<vmem_shared>>)
      }
      %scan3A_55 = arith.constant 39 : i32
      %add3A_56 = arith.constant 9984 : i32
      %add3A_57 = arith.addi %add3A_32, %add3A_56 : i32
      "tpu.region"() ({
        %run_scoped3A = tpu.sem_alloc : memref<!tpu.dma_semaphore, #tpu.memory_space<semaphore_mem>>
        %dma_start3A = tpu.memref_slice %arg4[%add3A_57] : memref<320000xi32, #tpu.memory_space<hbm>> -> memref<16xi32, #tpu.memory_space<hbm>>
        %dma_start3A_60 = tpu.memref_slice %arg4[%add3A_57] : memref<320000xi32, #tpu.memory_space<hbm>> -> memref<16xi32, #tpu.memory_space<hbm>>
        tpu.enqueue_dma source(%dma_start3A_60 : memref<16xi32, #tpu.memory_space<hbm>>) target(%arg10 : memref<16xi32, #tpu.memory_space<vmem>>) target_semaphore(%run_scoped3A : memref<!tpu.dma_semaphore, #tpu.memory_space<semaphore_mem>>)
        %dma_wait3A = tpu.memref_slice %arg4[%add3A_57] : memref<320000xi32, #tpu.memory_space<hbm>> -> memref<16xi32, #tpu.memory_space<hbm>>
        %dma_wait3A_61 = tpu.memref_slice %arg4[%add3A_57] : memref<320000xi32, #tpu.memory_space<hbm>> -> memref<16xi32, #tpu.memory_space<hbm>>
        tpu.wait_dma2 semaphore(%run_scoped3A : memref<!tpu.dma_semaphore, #tpu.memory_space<semaphore_mem>>) src(%dma_wait3A_61 : memref<16xi32, #tpu.memory_space<hbm>>) dst(%arg10 : memref<16xi32, #tpu.memory_space<vmem>>)
        tpu.yield
      }) : () -> ()
      %add3A_58 = arith.constant 9984 : i32
      %add3A_59 = arith.addi %mul3A_30, %add3A_58 : i32
      "tpu.region"() ({
        %run_scoped3A = tpu.sem_alloc : memref<!tpu.dma_semaphore, #tpu.memory_space<semaphore_mem>>
        %dma_start3A = arith.constant 0 : i32
        %dma_start3A_60 = tpu.memref_slice %arg2[%add3A_59, %dma_start3A] : memref<160000x128xf32, #tpu.memory_space<hbm>> -> memref<16x128xf32, #tpu.memory_space<hbm>>
        %dma_start3A_61 = arith.constant 0 : i32
        %dma_start3A_62 = tpu.memref_slice %arg2[%add3A_59, %dma_start3A_61] : memref<160000x128xf32, #tpu.memory_space<hbm>> -> memref<16x128xf32, #tpu.memory_space<hbm>>
        tpu.enqueue_dma source(%dma_start3A_62 : memref<16x128xf32, #tpu.memory_space<hbm>>) target(%arg11 : memref<16x128xf32, #tpu.memory_space<vmem>>) target_semaphore(%run_scoped3A : memref<!tpu.dma_semaphore, #tpu.memory_space<semaphore_mem>>)
        %dma_wait3A = arith.constant 0 : i32
        %dma_wait3A_63 = tpu.memref_slice %arg2[%add3A_59, %dma_wait3A] : memref<160000x128xf32, #tpu.memory_space<hbm>> -> memref<16x128xf32, #tpu.memory_space<hbm>>
        %dma_wait3A_64 = arith.constant 0 : i32
        %dma_wait3A_65 = tpu.memref_slice %arg2[%add3A_59, %dma_wait3A_64] : memref<160000x128xf32, #tpu.memory_space<hbm>> -> memref<16x128xf32, #tpu.memory_space<hbm>>
        tpu.wait_dma2 semaphore(%run_scoped3A : memref<!tpu.dma_semaphore, #tpu.memory_space<semaphore_mem>>) src(%dma_wait3A_65 : memref<16x128xf32, #tpu.memory_space<hbm>>) dst(%arg11 : memref<16x128xf32, #tpu.memory_space<vmem>>)
        tpu.yield
      }) : () -> ()
      "tpu.region"() ({
        %run_scoped3A = tpu.sem_alloc : memref<!tpu.dma_semaphore, #tpu.memory_space<semaphore_mem>>
        %dma_start3A = arith.constant 0 : i32
        %dma_start3A_60 = arith.constant 0 : i32
        %dma_start3A_61 = tpu.memref_slice %arg7[%dma_start3A, %dma_start3A_60] : memref<10000x128xf32, #tpu.memory_space<vmem_shared>> -> memref<10000x128xf32, #tpu.memory_space<vmem_shared>>
        tpu.enqueue_indirect_dma source(%arg11 : memref<16x128xf32, #tpu.memory_space<vmem>>) target(%dma_start3A_61 : memref<10000x128xf32, #tpu.memory_space<vmem_shared>>) offsets(%arg10 : memref<16xi32, #tpu.memory_space<vmem>>) semaphore(%run_scoped3A : memref<!tpu.dma_semaphore, #tpu.memory_space<semaphore_mem>>) {add = true}
        %dma_wait3A = arith.constant 0 : i32
        %dma_wait3A_62 = arith.constant 0 : i32
        %dma_wait3A_63 = tpu.memref_slice %arg7[%dma_wait3A, %dma_wait3A_62] : memref<10000x128xf32, #tpu.memory_space<vmem_shared>> -> memref<10000x128xf32, #tpu.memory_space<vmem_shared>>
        tpu.wait_indirect_dma semaphore(%run_scoped3A : memref<!tpu.dma_semaphore, #tpu.memory_space<semaphore_mem>>) src(%arg11 : memref<16x128xf32, #tpu.memory_space<vmem>>) dst(%dma_wait3A_63 : memref<10000x128xf32, #tpu.memory_space<vmem_shared>>)
        tpu.yield
      }) : () -> ()
    } else {
    }
    %eq3A_35 = arith.constant 1 : i32
    %eq3A_36 = arith.cmpi eq, %arg0, %eq3A_35 : i32
    %convert_element_type3A_37 = arith.extui %eq3A_36 : i1 to i32
    %cond3A_38 = arith.constant 0 : i32
    %cond3A_39 = arith.cmpi ne, %convert_element_type3A_37, %cond3A_38 : i32
    scf.if %cond3A_39 {
      %scan3A = arith.constant 0 : i32
      %scan3A_51 = arith.constant 0 : i32
      %scan3A_52 = arith.constant 39 : i32
      %scan3A_53 = arith.addi %scan3A_51, %scan3A_52 : i32
      %scan3A_54 = arith.constant 1 : i32
      scf.for %scan3A_60 = %scan3A_51 to %scan3A_53 step %scan3A_54  : i32 {
        %mul3A_61 = arith.constant 2 : i32
        %mul3A_62 = arith.muli %mul3A_61, %scan3A_60 : i32
        %add3A_63 = arith.constant 0 : i32
        %add3A_64 = arith.addi %mul3A_62, %add3A_63 : i32
        %mul3A_65 = arith.constant 128 : i32
        %mul3A_66 = arith.muli %add3A_64, %mul3A_65 : i32
        %add3A_67 = arith.addi %add3A_32, %mul3A_66 : i32
        %dma_start3A = arith.constant 0 : i32
        %dma_start3A_68 = arith.constant 0 : i32
        %dma_start3A_69 = tpu.memref_slice %arg8[%dma_start3A, %dma_start3A_68] : memref<2x128xi32, #tpu.memory_space<vmem>> -> memref<1x128xi32, #tpu.memory_space<vmem>>
        %dma_start3A_70 = tpu.memref_squeeze %dma_start3A_69 : memref<1x128xi32, #tpu.memory_space<vmem>> -> memref<128xi32, #tpu.memory_space<vmem>>
        %dma_start3A_71 = tpu.memref_slice %arg4[%add3A_67] : memref<320000xi32, #tpu.memory_space<hbm>> -> memref<128xi32, #tpu.memory_space<hbm>>
        %dma_start3A_72 = arith.constant 0 : i32
        %dma_start3A_73 = tpu.memref_slice %arg8[%dma_start3A, %dma_start3A_72] : memref<2x128xi32, #tpu.memory_space<vmem>> -> memref<1x128xi32, #tpu.memory_space<vmem>>
        %dma_start3A_74 = tpu.memref_squeeze %dma_start3A_73 : memref<1x128xi32, #tpu.memory_space<vmem>> -> memref<128xi32, #tpu.memory_space<vmem>>
        %dma_start3A_75 = tpu.memref_slice %arg4[%add3A_67] : memref<320000xi32, #tpu.memory_space<hbm>> -> memref<128xi32, #tpu.memory_space<hbm>>
        tpu.enqueue_dma source(%dma_start3A_75 : memref<128xi32, #tpu.memory_space<hbm>>) target(%dma_start3A_74 : memref<128xi32, #tpu.memory_space<vmem>>) target_semaphore(%arg13 : memref<!tpu.dma_semaphore, #tpu.memory_space<semaphore_mem>>)
        %add3A_76 = arith.addi %mul3A_30, %mul3A_66 : i32
        %dma_start3A_77 = arith.constant 0 : i32
        %dma_start3A_78 = arith.constant 0 : i32
        %dma_start3A_79 = arith.constant 0 : i32
        %dma_start3A_80 = tpu.memref_slice %arg9[%dma_start3A_77, %dma_start3A_78, %dma_start3A_79] : memref<2x128x128xf32, #tpu.memory_space<vmem>> -> memref<1x128x128xf32, #tpu.memory_space<vmem>>
        %dma_start3A_81 = tpu.memref_squeeze %dma_start3A_80 : memref<1x128x128xf32, #tpu.memory_space<vmem>> -> memref<128x128xf32, #tpu.memory_space<vmem>>
        %dma_start3A_82 = arith.constant 0 : i32
        %dma_start3A_83 = tpu.memref_slice %arg3[%add3A_76, %dma_start3A_82] : memref<160000x128xf32, #tpu.memory_space<hbm>> -> memref<128x128xf32, #tpu.memory_space<hbm>>
        %dma_start3A_84 = arith.constant 0 : i32
        %dma_start3A_85 = arith.constant 0 : i32
        %dma_start3A_86 = tpu.memref_slice %arg9[%dma_start3A_77, %dma_start3A_84, %dma_start3A_85] : memref<2x128x128xf32, #tpu.memory_space<vmem>> -> memref<1x128x128xf32, #tpu.memory_space<vmem>>
        %dma_start3A_87 = tpu.memref_squeeze %dma_start3A_86 : memref<1x128x128xf32, #tpu.memory_space<vmem>> -> memref<128x128xf32, #tpu.memory_space<vmem>>
        %dma_start3A_88 = arith.constant 0 : i32
        %dma_start3A_89 = tpu.memref_slice %arg3[%add3A_76, %dma_start3A_88] : memref<160000x128xf32, #tpu.memory_space<hbm>> -> memref<128x128xf32, #tpu.memory_space<hbm>>
        tpu.enqueue_dma source(%dma_start3A_89 : memref<128x128xf32, #tpu.memory_space<hbm>>) target(%dma_start3A_87 : memref<128x128xf32, #tpu.memory_space<vmem>>) target_semaphore(%arg15 : memref<!tpu.dma_semaphore, #tpu.memory_space<semaphore_mem>>)
        %mul3A_90 = arith.constant 2 : i32
        %mul3A_91 = arith.muli %mul3A_90, %scan3A_60 : i32
        %add3A_92 = arith.constant 1 : i32
        %add3A_93 = arith.addi %mul3A_91, %add3A_92 : i32
        %mul3A_94 = arith.constant 128 : i32
        %mul3A_95 = arith.muli %add3A_93, %mul3A_94 : i32
        %add3A_96 = arith.addi %add3A_32, %mul3A_95 : i32
        %dma_start3A_97 = arith.constant 1 : i32
        %dma_start3A_98 = arith.constant 0 : i32
        %dma_start3A_99 = tpu.memref_slice %arg8[%dma_start3A_97, %dma_start3A_98] : memref<2x128xi32, #tpu.memory_space<vmem>> -> memref<1x128xi32, #tpu.memory_space<vmem>>
        %dma_start3A_100 = tpu.memref_squeeze %dma_start3A_99 : memref<1x128xi32, #tpu.memory_space<vmem>> -> memref<128xi32, #tpu.memory_space<vmem>>
        %dma_start3A_101 = tpu.memref_slice %arg4[%add3A_96] : memref<320000xi32, #tpu.memory_space<hbm>> -> memref<128xi32, #tpu.memory_space<hbm>>
        %dma_start3A_102 = arith.constant 0 : i32
        %dma_start3A_103 = tpu.memref_slice %arg8[%dma_start3A_97, %dma_start3A_102] : memref<2x128xi32, #tpu.memory_space<vmem>> -> memref<1x128xi32, #tpu.memory_space<vmem>>
        %dma_start3A_104 = tpu.memref_squeeze %dma_start3A_103 : memref<1x128xi32, #tpu.memory_space<vmem>> -> memref<128xi32, #tpu.memory_space<vmem>>
        %dma_start3A_105 = tpu.memref_slice %arg4[%add3A_96] : memref<320000xi32, #tpu.memory_space<hbm>> -> memref<128xi32, #tpu.memory_space<hbm>>
        tpu.enqueue_dma source(%dma_start3A_105 : memref<128xi32, #tpu.memory_space<hbm>>) target(%dma_start3A_104 : memref<128xi32, #tpu.memory_space<vmem>>) target_semaphore(%arg14 : memref<!tpu.dma_semaphore, #tpu.memory_space<semaphore_mem>>)
        %add3A_106 = arith.addi %mul3A_30, %mul3A_95 : i32
        %dma_start3A_107 = arith.constant 1 : i32
        %dma_start3A_108 = arith.constant 0 : i32
        %dma_start3A_109 = arith.constant 0 : i32
        %dma_start3A_110 = tpu.memref_slice %arg9[%dma_start3A_107, %dma_start3A_108, %dma_start3A_109] : memref<2x128x128xf32, #tpu.memory_space<vmem>> -> memref<1x128x128xf32, #tpu.memory_space<vmem>>
        %dma_start3A_111 = tpu.memref_squeeze %dma_start3A_110 : memref<1x128x128xf32, #tpu.memory_space<vmem>> -> memref<128x128xf32, #tpu.memory_space<vmem>>
        %dma_start3A_112 = arith.constant 0 : i32
        %dma_start3A_113 = tpu.memref_slice %arg3[%add3A_106, %dma_start3A_112] : memref<160000x128xf32, #tpu.memory_space<hbm>> -> memref<128x128xf32, #tpu.memory_space<hbm>>
        %dma_start3A_114 = arith.constant 0 : i32
        %dma_start3A_115 = arith.constant 0 : i32
        %dma_start3A_116 = tpu.memref_slice %arg9[%dma_start3A_107, %dma_start3A_114, %dma_start3A_115] : memref<2x128x128xf32, #tpu.memory_space<vmem>> -> memref<1x128x128xf32, #tpu.memory_space<vmem>>
        %dma_start3A_117 = tpu.memref_squeeze %dma_start3A_116 : memref<1x128x128xf32, #tpu.memory_space<vmem>> -> memref<128x128xf32, #tpu.memory_space<vmem>>
        %dma_start3A_118 = arith.constant 0 : i32
        %dma_start3A_119 = tpu.memref_slice %arg3[%add3A_106, %dma_start3A_118] : memref<160000x128xf32, #tpu.memory_space<hbm>> -> memref<128x128xf32, #tpu.memory_space<hbm>>
        tpu.enqueue_dma source(%dma_start3A_119 : memref<128x128xf32, #tpu.memory_space<hbm>>) target(%dma_start3A_117 : memref<128x128xf32, #tpu.memory_space<vmem>>) target_semaphore(%arg16 : memref<!tpu.dma_semaphore, #tpu.memory_space<semaphore_mem>>)
        %dma_wait3A = arith.constant 0 : i32
        %dma_wait3A_120 = arith.constant 0 : i32
        %dma_wait3A_121 = tpu.memref_slice %arg8[%dma_wait3A, %dma_wait3A_120] : memref<2x128xi32, #tpu.memory_space<vmem>> -> memref<1x128xi32, #tpu.memory_space<vmem>>
        %dma_wait3A_122 = tpu.memref_squeeze %dma_wait3A_121 : memref<1x128xi32, #tpu.memory_space<vmem>> -> memref<128xi32, #tpu.memory_space<vmem>>
        %dma_wait3A_123 = tpu.memref_slice %arg4[%add3A_67] : memref<320000xi32, #tpu.memory_space<hbm>> -> memref<128xi32, #tpu.memory_space<hbm>>
        %dma_wait3A_124 = arith.constant 0 : i32
        %dma_wait3A_125 = tpu.memref_slice %arg8[%dma_wait3A, %dma_wait3A_124] : memref<2x128xi32, #tpu.memory_space<vmem>> -> memref<1x128xi32, #tpu.memory_space<vmem>>
        %dma_wait3A_126 = tpu.memref_squeeze %dma_wait3A_125 : memref<1x128xi32, #tpu.memory_space<vmem>> -> memref<128xi32, #tpu.memory_space<vmem>>
        %dma_wait3A_127 = tpu.memref_slice %arg4[%add3A_67] : memref<320000xi32, #tpu.memory_space<hbm>> -> memref<128xi32, #tpu.memory_space<hbm>>
        tpu.wait_dma2 semaphore(%arg13 : memref<!tpu.dma_semaphore, #tpu.memory_space<semaphore_mem>>) src(%dma_wait3A_127 : memref<128xi32, #tpu.memory_space<hbm>>) dst(%dma_wait3A_126 : memref<128xi32, #tpu.memory_space<vmem>>)
        %dma_wait3A_128 = arith.constant 0 : i32
        %dma_wait3A_129 = arith.constant 0 : i32
        %dma_wait3A_130 = arith.constant 0 : i32
        %dma_wait3A_131 = tpu.memref_slice %arg9[%dma_wait3A_128, %dma_wait3A_129, %dma_wait3A_130] : memref<2x128x128xf32, #tpu.memory_space<vmem>> -> memref<1x128x128xf32, #tpu.memory_space<vmem>>
        %dma_wait3A_132 = tpu.memref_squeeze %dma_wait3A_131 : memref<1x128x128xf32, #tpu.memory_space<vmem>> -> memref<128x128xf32, #tpu.memory_space<vmem>>
        %dma_wait3A_133 = arith.constant 0 : i32
        %dma_wait3A_134 = tpu.memref_slice %arg3[%add3A_76, %dma_wait3A_133] : memref<160000x128xf32, #tpu.memory_space<hbm>> -> memref<128x128xf32, #tpu.memory_space<hbm>>
        %dma_wait3A_135 = arith.constant 0 : i32
        %dma_wait3A_136 = arith.constant 0 : i32
        %dma_wait3A_137 = tpu.memref_slice %arg9[%dma_wait3A_128, %dma_wait3A_135, %dma_wait3A_136] : memref<2x128x128xf32, #tpu.memory_space<vmem>> -> memref<1x128x128xf32, #tpu.memory_space<vmem>>
        %dma_wait3A_138 = tpu.memref_squeeze %dma_wait3A_137 : memref<1x128x128xf32, #tpu.memory_space<vmem>> -> memref<128x128xf32, #tpu.memory_space<vmem>>
        %dma_wait3A_139 = arith.constant 0 : i32
        %dma_wait3A_140 = tpu.memref_slice %arg3[%add3A_76, %dma_wait3A_139] : memref<160000x128xf32, #tpu.memory_space<hbm>> -> memref<128x128xf32, #tpu.memory_space<hbm>>
        tpu.wait_dma2 semaphore(%arg15 : memref<!tpu.dma_semaphore, #tpu.memory_space<semaphore_mem>>) src(%dma_wait3A_140 : memref<128x128xf32, #tpu.memory_space<hbm>>) dst(%dma_wait3A_138 : memref<128x128xf32, #tpu.memory_space<vmem>>)
        %dma_start3A_141 = arith.constant 0 : i32
        %dma_start3A_142 = arith.constant 0 : i32
        %dma_start3A_143 = arith.constant 0 : i32
        %dma_start3A_144 = arith.constant 0 : i32
        %dma_start3A_145 = tpu.memref_slice %arg9[%dma_start3A_141, %dma_start3A_143, %dma_start3A_144] : memref<2x128x128xf32, #tpu.memory_space<vmem>> -> memref<1x128x128xf32, #tpu.memory_space<vmem>>
        %dma_start3A_146 = tpu.memref_squeeze %dma_start3A_145 : memref<1x128x128xf32, #tpu.memory_space<vmem>> -> memref<128x128xf32, #tpu.memory_space<vmem>>
        %dma_start3A_147 = arith.constant 0 : i32
        %dma_start3A_148 = tpu.memref_slice %arg8[%dma_start3A_142, %dma_start3A_147] : memref<2x128xi32, #tpu.memory_space<vmem>> -> memref<1x128xi32, #tpu.memory_space<vmem>>
        %dma_start3A_149 = tpu.memref_squeeze %dma_start3A_148 : memref<1x128xi32, #tpu.memory_space<vmem>> -> memref<128xi32, #tpu.memory_space<vmem>>
        %dma_start3A_150 = arith.constant 0 : i32
        %dma_start3A_151 = arith.constant 0 : i32
        %dma_start3A_152 = tpu.memref_slice %arg7[%dma_start3A_150, %dma_start3A_151] : memref<10000x128xf32, #tpu.memory_space<vmem_shared>> -> memref<10000x128xf32, #tpu.memory_space<vmem_shared>>
        tpu.enqueue_indirect_dma source(%dma_start3A_146 : memref<128x128xf32, #tpu.memory_space<vmem>>) target(%dma_start3A_152 : memref<10000x128xf32, #tpu.memory_space<vmem_shared>>) offsets(%dma_start3A_149 : memref<128xi32, #tpu.memory_space<vmem>>) semaphore(%arg17 : memref<!tpu.dma_semaphore, #tpu.memory_space<semaphore_mem>>) {add = true}
        %dma_wait3A_153 = arith.constant 1 : i32
        %dma_wait3A_154 = arith.constant 0 : i32
        %dma_wait3A_155 = tpu.memref_slice %arg8[%dma_wait3A_153, %dma_wait3A_154] : memref<2x128xi32, #tpu.memory_space<vmem>> -> memref<1x128xi32, #tpu.memory_space<vmem>>
        %dma_wait3A_156 = tpu.memref_squeeze %dma_wait3A_155 : memref<1x128xi32, #tpu.memory_space<vmem>> -> memref<128xi32, #tpu.memory_space<vmem>>
        %dma_wait3A_157 = tpu.memref_slice %arg4[%add3A_96] : memref<320000xi32, #tpu.memory_space<hbm>> -> memref<128xi32, #tpu.memory_space<hbm>>
        %dma_wait3A_158 = arith.constant 0 : i32
        %dma_wait3A_159 = tpu.memref_slice %arg8[%dma_wait3A_153, %dma_wait3A_158] : memref<2x128xi32, #tpu.memory_space<vmem>> -> memref<1x128xi32, #tpu.memory_space<vmem>>
        %dma_wait3A_160 = tpu.memref_squeeze %dma_wait3A_159 : memref<1x128xi32, #tpu.memory_space<vmem>> -> memref<128xi32, #tpu.memory_space<vmem>>
        %dma_wait3A_161 = tpu.memref_slice %arg4[%add3A_96] : memref<320000xi32, #tpu.memory_space<hbm>> -> memref<128xi32, #tpu.memory_space<hbm>>
        tpu.wait_dma2 semaphore(%arg14 : memref<!tpu.dma_semaphore, #tpu.memory_space<semaphore_mem>>) src(%dma_wait3A_161 : memref<128xi32, #tpu.memory_space<hbm>>) dst(%dma_wait3A_160 : memref<128xi32, #tpu.memory_space<vmem>>)
        %dma_wait3A_162 = arith.constant 1 : i32
        %dma_wait3A_163 = arith.constant 0 : i32
        %dma_wait3A_164 = arith.constant 0 : i32
        %dma_wait3A_165 = tpu.memref_slice %arg9[%dma_wait3A_162, %dma_wait3A_163, %dma_wait3A_164] : memref<2x128x128xf32, #tpu.memory_space<vmem>> -> memref<1x128x128xf32, #tpu.memory_space<vmem>>
        %dma_wait3A_166 = tpu.memref_squeeze %dma_wait3A_165 : memref<1x128x128xf32, #tpu.memory_space<vmem>> -> memref<128x128xf32, #tpu.memory_space<vmem>>
        %dma_wait3A_167 = arith.constant 0 : i32
        %dma_wait3A_168 = tpu.memref_slice %arg3[%add3A_106, %dma_wait3A_167] : memref<160000x128xf32, #tpu.memory_space<hbm>> -> memref<128x128xf32, #tpu.memory_space<hbm>>
        %dma_wait3A_169 = arith.constant 0 : i32
        %dma_wait3A_170 = arith.constant 0 : i32
        %dma_wait3A_171 = tpu.memref_slice %arg9[%dma_wait3A_162, %dma_wait3A_169, %dma_wait3A_170] : memref<2x128x128xf32, #tpu.memory_space<vmem>> -> memref<1x128x128xf32, #tpu.memory_space<vmem>>
        %dma_wait3A_172 = tpu.memref_squeeze %dma_wait3A_171 : memref<1x128x128xf32, #tpu.memory_space<vmem>> -> memref<128x128xf32, #tpu.memory_space<vmem>>
        %dma_wait3A_173 = arith.constant 0 : i32
        %dma_wait3A_174 = tpu.memref_slice %arg3[%add3A_106, %dma_wait3A_173] : memref<160000x128xf32, #tpu.memory_space<hbm>> -> memref<128x128xf32, #tpu.memory_space<hbm>>
        tpu.wait_dma2 semaphore(%arg16 : memref<!tpu.dma_semaphore, #tpu.memory_space<semaphore_mem>>) src(%dma_wait3A_174 : memref<128x128xf32, #tpu.memory_space<hbm>>) dst(%dma_wait3A_172 : memref<128x128xf32, #tpu.memory_space<vmem>>)
        %dma_start3A_175 = arith.constant 1 : i32
        %dma_start3A_176 = arith.constant 1 : i32
        %dma_start3A_177 = arith.constant 0 : i32
        %dma_start3A_178 = arith.constant 0 : i32
        %dma_start3A_179 = tpu.memref_slice %arg9[%dma_start3A_175, %dma_start3A_177, %dma_start3A_178] : memref<2x128x128xf32, #tpu.memory_space<vmem>> -> memref<1x128x128xf32, #tpu.memory_space<vmem>>
        %dma_start3A_180 = tpu.memref_squeeze %dma_start3A_179 : memref<1x128x128xf32, #tpu.memory_space<vmem>> -> memref<128x128xf32, #tpu.memory_space<vmem>>
        %dma_start3A_181 = arith.constant 0 : i32
        %dma_start3A_182 = tpu.memref_slice %arg8[%dma_start3A_176, %dma_start3A_181] : memref<2x128xi32, #tpu.memory_space<vmem>> -> memref<1x128xi32, #tpu.memory_space<vmem>>
        %dma_start3A_183 = tpu.memref_squeeze %dma_start3A_182 : memref<1x128xi32, #tpu.memory_space<vmem>> -> memref<128xi32, #tpu.memory_space<vmem>>
        %dma_start3A_184 = arith.constant 0 : i32
        %dma_start3A_185 = arith.constant 0 : i32
        %dma_start3A_186 = tpu.memref_slice %arg7[%dma_start3A_184, %dma_start3A_185] : memref<10000x128xf32, #tpu.memory_space<vmem_shared>> -> memref<10000x128xf32, #tpu.memory_space<vmem_shared>>
        tpu.enqueue_indirect_dma source(%dma_start3A_180 : memref<128x128xf32, #tpu.memory_space<vmem>>) target(%dma_start3A_186 : memref<10000x128xf32, #tpu.memory_space<vmem_shared>>) offsets(%dma_start3A_183 : memref<128xi32, #tpu.memory_space<vmem>>) semaphore(%arg18 : memref<!tpu.dma_semaphore, #tpu.memory_space<semaphore_mem>>) {add = true}
        %dma_wait3A_187 = arith.constant 0 : i32
        %dma_wait3A_188 = arith.constant 0 : i32
        %dma_wait3A_189 = arith.constant 0 : i32
        %dma_wait3A_190 = arith.constant 0 : i32
        %dma_wait3A_191 = tpu.memref_slice %arg9[%dma_wait3A_187, %dma_wait3A_189, %dma_wait3A_190] : memref<2x128x128xf32, #tpu.memory_space<vmem>> -> memref<1x128x128xf32, #tpu.memory_space<vmem>>
        %dma_wait3A_192 = tpu.memref_squeeze %dma_wait3A_191 : memref<1x128x128xf32, #tpu.memory_space<vmem>> -> memref<128x128xf32, #tpu.memory_space<vmem>>
        %dma_wait3A_193 = arith.constant 0 : i32
        %dma_wait3A_194 = tpu.memref_slice %arg8[%dma_wait3A_188, %dma_wait3A_193] : memref<2x128xi32, #tpu.memory_space<vmem>> -> memref<1x128xi32, #tpu.memory_space<vmem>>
        %dma_wait3A_195 = tpu.memref_squeeze %dma_wait3A_194 : memref<1x128xi32, #tpu.memory_space<vmem>> -> memref<128xi32, #tpu.memory_space<vmem>>
        %dma_wait3A_196 = arith.constant 0 : i32
        %dma_wait3A_197 = arith.constant 0 : i32
        %dma_wait3A_198 = tpu.memref_slice %arg7[%dma_wait3A_196, %dma_wait3A_197] : memref<10000x128xf32, #tpu.memory_space<vmem_shared>> -> memref<10000x128xf32, #tpu.memory_space<vmem_shared>>
        tpu.wait_indirect_dma semaphore(%arg17 : memref<!tpu.dma_semaphore, #tpu.memory_space<semaphore_mem>>) src(%dma_wait3A_192 : memref<128x128xf32, #tpu.memory_space<vmem>>) dst(%dma_wait3A_198 : memref<10000x128xf32, #tpu.memory_space<vmem_shared>>)
        %dma_wait3A_199 = arith.constant 1 : i32
        %dma_wait3A_200 = arith.constant 1 : i32
        %dma_wait3A_201 = arith.constant 0 : i32
        %dma_wait3A_202 = arith.constant 0 : i32
        %dma_wait3A_203 = tpu.memref_slice %arg9[%dma_wait3A_199, %dma_wait3A_201, %dma_wait3A_202] : memref<2x128x128xf32, #tpu.memory_space<vmem>> -> memref<1x128x128xf32, #tpu.memory_space<vmem>>
        %dma_wait3A_204 = tpu.memref_squeeze %dma_wait3A_203 : memref<1x128x128xf32, #tpu.memory_space<vmem>> -> memref<128x128xf32, #tpu.memory_space<vmem>>
        %dma_wait3A_205 = arith.constant 0 : i32
        %dma_wait3A_206 = tpu.memref_slice %arg8[%dma_wait3A_200, %dma_wait3A_205] : memref<2x128xi32, #tpu.memory_space<vmem>> -> memref<1x128xi32, #tpu.memory_space<vmem>>
        %dma_wait3A_207 = tpu.memref_squeeze %dma_wait3A_206 : memref<1x128xi32, #tpu.memory_space<vmem>> -> memref<128xi32, #tpu.memory_space<vmem>>
        %dma_wait3A_208 = arith.constant 0 : i32
        %dma_wait3A_209 = arith.constant 0 : i32
        %dma_wait3A_210 = tpu.memref_slice %arg7[%dma_wait3A_208, %dma_wait3A_209] : memref<10000x128xf32, #tpu.memory_space<vmem_shared>> -> memref<10000x128xf32, #tpu.memory_space<vmem_shared>>
        tpu.wait_indirect_dma semaphore(%arg18 : memref<!tpu.dma_semaphore, #tpu.memory_space<semaphore_mem>>) src(%dma_wait3A_204 : memref<128x128xf32, #tpu.memory_space<vmem>>) dst(%dma_wait3A_210 : memref<10000x128xf32, #tpu.memory_space<vmem_shared>>)
      }
      %scan3A_55 = arith.constant 39 : i32
      %add3A_56 = arith.constant 9984 : i32
      %add3A_57 = arith.addi %add3A_32, %add3A_56 : i32
      "tpu.region"() ({
        %run_scoped3A = tpu.sem_alloc : memref<!tpu.dma_semaphore, #tpu.memory_space<semaphore_mem>>
        %dma_start3A = tpu.memref_slice %arg4[%add3A_57] : memref<320000xi32, #tpu.memory_space<hbm>> -> memref<16xi32, #tpu.memory_space<hbm>>
        %dma_start3A_60 = tpu.memref_slice %arg4[%add3A_57] : memref<320000xi32, #tpu.memory_space<hbm>> -> memref<16xi32, #tpu.memory_space<hbm>>
        tpu.enqueue_dma source(%dma_start3A_60 : memref<16xi32, #tpu.memory_space<hbm>>) target(%arg10 : memref<16xi32, #tpu.memory_space<vmem>>) target_semaphore(%run_scoped3A : memref<!tpu.dma_semaphore, #tpu.memory_space<semaphore_mem>>)
        %dma_wait3A = tpu.memref_slice %arg4[%add3A_57] : memref<320000xi32, #tpu.memory_space<hbm>> -> memref<16xi32, #tpu.memory_space<hbm>>
        %dma_wait3A_61 = tpu.memref_slice %arg4[%add3A_57] : memref<320000xi32, #tpu.memory_space<hbm>> -> memref<16xi32, #tpu.memory_space<hbm>>
        tpu.wait_dma2 semaphore(%run_scoped3A : memref<!tpu.dma_semaphore, #tpu.memory_space<semaphore_mem>>) src(%dma_wait3A_61 : memref<16xi32, #tpu.memory_space<hbm>>) dst(%arg10 : memref<16xi32, #tpu.memory_space<vmem>>)
        tpu.yield
      }) : () -> ()
      %add3A_58 = arith.constant 9984 : i32
      %add3A_59 = arith.addi %mul3A_30, %add3A_58 : i32
      "tpu.region"() ({
        %run_scoped3A = tpu.sem_alloc : memref<!tpu.dma_semaphore, #tpu.memory_space<semaphore_mem>>
        %dma_start3A = arith.constant 0 : i32
        %dma_start3A_60 = tpu.memref_slice %arg3[%add3A_59, %dma_start3A] : memref<160000x128xf32, #tpu.memory_space<hbm>> -> memref<16x128xf32, #tpu.memory_space<hbm>>
        %dma_start3A_61 = arith.constant 0 : i32
        %dma_start3A_62 = tpu.memref_slice %arg3[%add3A_59, %dma_start3A_61] : memref<160000x128xf32, #tpu.memory_space<hbm>> -> memref<16x128xf32, #tpu.memory_space<hbm>>
        tpu.enqueue_dma source(%dma_start3A_62 : memref<16x128xf32, #tpu.memory_space<hbm>>) target(%arg11 : memref<16x128xf32, #tpu.memory_space<vmem>>) target_semaphore(%run_scoped3A : memref<!tpu.dma_semaphore, #tpu.memory_space<semaphore_mem>>)
        %dma_wait3A = arith.constant 0 : i32
        %dma_wait3A_63 = tpu.memref_slice %arg3[%add3A_59, %dma_wait3A] : memref<160000x128xf32, #tpu.memory_space<hbm>> -> memref<16x128xf32, #tpu.memory_space<hbm>>
        %dma_wait3A_64 = arith.constant 0 : i32
        %dma_wait3A_65 = tpu.memref_slice %arg3[%add3A_59, %dma_wait3A_64] : memref<160000x128xf32, #tpu.memory_space<hbm>> -> memref<16x128xf32, #tpu.memory_space<hbm>>
        tpu.wait_dma2 semaphore(%run_scoped3A : memref<!tpu.dma_semaphore, #tpu.memory_space<semaphore_mem>>) src(%dma_wait3A_65 : memref<16x128xf32, #tpu.memory_space<hbm>>) dst(%arg11 : memref<16x128xf32, #tpu.memory_space<vmem>>)
        tpu.yield
      }) : () -> ()
      "tpu.region"() ({
        %run_scoped3A = tpu.sem_alloc : memref<!tpu.dma_semaphore, #tpu.memory_space<semaphore_mem>>
        %dma_start3A = arith.constant 0 : i32
        %dma_start3A_60 = arith.constant 0 : i32
        %dma_start3A_61 = tpu.memref_slice %arg7[%dma_start3A, %dma_start3A_60] : memref<10000x128xf32, #tpu.memory_space<vmem_shared>> -> memref<10000x128xf32, #tpu.memory_space<vmem_shared>>
        tpu.enqueue_indirect_dma source(%arg11 : memref<16x128xf32, #tpu.memory_space<vmem>>) target(%dma_start3A_61 : memref<10000x128xf32, #tpu.memory_space<vmem_shared>>) offsets(%arg10 : memref<16xi32, #tpu.memory_space<vmem>>) semaphore(%run_scoped3A : memref<!tpu.dma_semaphore, #tpu.memory_space<semaphore_mem>>) {add = true}
        %dma_wait3A = arith.constant 0 : i32
        %dma_wait3A_62 = arith.constant 0 : i32
        %dma_wait3A_63 = tpu.memref_slice %arg7[%dma_wait3A, %dma_wait3A_62] : memref<10000x128xf32, #tpu.memory_space<vmem_shared>> -> memref<10000x128xf32, #tpu.memory_space<vmem_shared>>
        tpu.wait_indirect_dma semaphore(%run_scoped3A : memref<!tpu.dma_semaphore, #tpu.memory_space<semaphore_mem>>) src(%arg11 : memref<16x128xf32, #tpu.memory_space<vmem>>) dst(%dma_wait3A_63 : memref<10000x128xf32, #tpu.memory_space<vmem_shared>>)
        tpu.yield
      }) : () -> ()
    } else {
    }
    %barrier3A_40 = arith.constant 0 : index
    tpu.barrier barrier_id(%barrier3A_40)
    %while3A_41 = arith.constant 0 : i32
    %while3A_42 = arith.constant 0 : i32
    %while3A_43 = arith.subi %select_n3A, %while3A_42 : i32
    %while3A_44 = arith.addi %while3A_42, %while3A_43 : i32
    %while3A_45 = arith.constant 1 : i32
    %while3A_46 = arith.divsi %while3A_43, %while3A_45 : i32
    %while3A_47 = arith.muli %while3A_46, %while3A_45 : i32
    %while3A_48 = arith.addi %while3A_42, %while3A_47 : i32
    %while3A_49 = arith.constant 1 : i32
    scf.for %while3A_51 = %while3A_42 to %while3A_48 step %while3A_49  : i32 {
      %mul3A_52 = arith.constant 16 : i32
      %mul3A_53 = arith.muli %while3A_51, %mul3A_52 : i32
      %add3A_54 = arith.addi %arg1, %mul3A_53 : i32
      %mul3A_55 = arith.constant 80 : i32
      %mul3A_56 = arith.muli %add3A_54, %mul3A_55 : i32
      "tpu.region"() ({
        %run_scoped3A = tpu.sem_alloc : memref<!tpu.dma_semaphore, #tpu.memory_space<semaphore_mem>>
        %dma_start3A = arith.constant 0 : i32
        %dma_start3A_57 = tpu.memref_slice %arg7[%mul3A_56, %dma_start3A] : memref<10000x128xf32, #tpu.memory_space<vmem_shared>> -> memref<80x128xf32, #tpu.memory_space<vmem_shared>>
        %dma_start3A_58 = arith.constant 0 : i32
        %dma_start3A_59 = tpu.memref_slice %arg7[%mul3A_56, %dma_start3A_58] : memref<10000x128xf32, #tpu.memory_space<vmem_shared>> -> memref<80x128xf32, #tpu.memory_space<vmem_shared>>
        tpu.enqueue_dma source(%dma_start3A_59 : memref<80x128xf32, #tpu.memory_space<vmem_shared>>) target(%arg12 : memref<80x128xf32, #tpu.memory_space<vmem>>) target_semaphore(%run_scoped3A : memref<!tpu.dma_semaphore, #tpu.memory_space<semaphore_mem>>)
        %dma_wait3A = arith.constant 0 : i32
        %dma_wait3A_60 = tpu.memref_slice %arg7[%mul3A_56, %dma_wait3A] : memref<10000x128xf32, #tpu.memory_space<vmem_shared>> -> memref<80x128xf32, #tpu.memory_space<vmem_shared>>
        %dma_wait3A_61 = arith.constant 0 : i32
        %dma_wait3A_62 = tpu.memref_slice %arg7[%mul3A_56, %dma_wait3A_61] : memref<10000x128xf32, #tpu.memory_space<vmem_shared>> -> memref<80x128xf32, #tpu.memory_space<vmem_shared>>
        tpu.wait_dma2 semaphore(%run_scoped3A : memref<!tpu.dma_semaphore, #tpu.memory_space<semaphore_mem>>) src(%dma_wait3A_62 : memref<80x128xf32, #tpu.memory_space<vmem_shared>>) dst(%arg12 : memref<80x128xf32, #tpu.memory_space<vmem>>)
        tpu.yield
      }) : () -> ()
      "tpu.region"() ({
        %run_scoped3A = tpu.sem_alloc : memref<!tpu.dma_semaphore, #tpu.memory_space<semaphore_mem>>
        %dma_start3A = arith.constant 0 : i32
        %dma_start3A_57 = tpu.memref_slice %arg6[%arg0, %mul3A_56, %dma_start3A] : memref<2x10000x128xf32, #tpu.memory_space<hbm>> -> memref<1x80x128xf32, #tpu.memory_space<hbm>>
        %dma_start3A_58 = tpu.memref_squeeze %dma_start3A_57 : memref<1x80x128xf32, #tpu.memory_space<hbm>> -> memref<80x128xf32, #tpu.memory_space<hbm>>
        %dma_start3A_59 = arith.constant 0 : i32
        %dma_start3A_60 = tpu.memref_slice %arg6[%arg0, %mul3A_56, %dma_start3A_59] : memref<2x10000x128xf32, #tpu.memory_space<hbm>> -> memref<1x80x128xf32, #tpu.memory_space<hbm>>
        %dma_start3A_61 = tpu.memref_squeeze %dma_start3A_60 : memref<1x80x128xf32, #tpu.memory_space<hbm>> -> memref<80x128xf32, #tpu.memory_space<hbm>>
        tpu.enqueue_dma source(%arg12 : memref<80x128xf32, #tpu.memory_space<vmem>>) target(%dma_start3A_61 : memref<80x128xf32, #tpu.memory_space<hbm>>) target_semaphore(%run_scoped3A : memref<!tpu.dma_semaphore, #tpu.memory_space<semaphore_mem>>)
        %dma_wait3A = arith.constant 0 : i32
        %dma_wait3A_62 = tpu.memref_slice %arg6[%arg0, %mul3A_56, %dma_wait3A] : memref<2x10000x128xf32, #tpu.memory_space<hbm>> -> memref<1x80x128xf32, #tpu.memory_space<hbm>>
        %dma_wait3A_63 = tpu.memref_squeeze %dma_wait3A_62 : memref<1x80x128xf32, #tpu.memory_space<hbm>> -> memref<80x128xf32, #tpu.memory_space<hbm>>
        %dma_wait3A_64 = arith.constant 0 : i32
        %dma_wait3A_65 = tpu.memref_slice %arg6[%arg0, %mul3A_56, %dma_wait3A_64] : memref<2x10000x128xf32, #tpu.memory_space<hbm>> -> memref<1x80x128xf32, #tpu.memory_space<hbm>>
        %dma_wait3A_66 = tpu.memref_squeeze %dma_wait3A_65 : memref<1x80x128xf32, #tpu.memory_space<hbm>> -> memref<80x128xf32, #tpu.memory_space<hbm>>
        tpu.wait_dma2 semaphore(%run_scoped3A : memref<!tpu.dma_semaphore, #tpu.memory_space<semaphore_mem>>) src(%arg12 : memref<80x128xf32, #tpu.memory_space<vmem>>) dst(%dma_wait3A_66 : memref<80x128xf32, #tpu.memory_space<hbm>>)
        tpu.yield
      }) : () -> ()
    }
    %while3A_50 = arith.constant 1 : i32
    scf.for %while3A_51 = %while3A_48 to %while3A_44 step %while3A_50  : i32 {
      %mul3A_52 = arith.constant 16 : i32
      %mul3A_53 = arith.muli %while3A_51, %mul3A_52 : i32
      %add3A_54 = arith.addi %arg1, %mul3A_53 : i32
      %mul3A_55 = arith.constant 80 : i32
      %mul3A_56 = arith.muli %add3A_54, %mul3A_55 : i32
      "tpu.region"() ({
        %run_scoped3A = tpu.sem_alloc : memref<!tpu.dma_semaphore, #tpu.memory_space<semaphore_mem>>
        %dma_start3A = arith.constant 0 : i32
        %dma_start3A_57 = tpu.memref_slice %arg7[%mul3A_56, %dma_start3A] : memref<10000x128xf32, #tpu.memory_space<vmem_shared>> -> memref<80x128xf32, #tpu.memory_space<vmem_shared>>
        %dma_start3A_58 = arith.constant 0 : i32
        %dma_start3A_59 = tpu.memref_slice %arg7[%mul3A_56, %dma_start3A_58] : memref<10000x128xf32, #tpu.memory_space<vmem_shared>> -> memref<80x128xf32, #tpu.memory_space<vmem_shared>>
        tpu.enqueue_dma source(%dma_start3A_59 : memref<80x128xf32, #tpu.memory_space<vmem_shared>>) target(%arg12 : memref<80x128xf32, #tpu.memory_space<vmem>>) target_semaphore(%run_scoped3A : memref<!tpu.dma_semaphore, #tpu.memory_space<semaphore_mem>>)
        %dma_wait3A = arith.constant 0 : i32
        %dma_wait3A_60 = tpu.memref_slice %arg7[%mul3A_56, %dma_wait3A] : memref<10000x128xf32, #tpu.memory_space<vmem_shared>> -> memref<80x128xf32, #tpu.memory_space<vmem_shared>>
        %dma_wait3A_61 = arith.constant 0 : i32
        %dma_wait3A_62 = tpu.memref_slice %arg7[%mul3A_56, %dma_wait3A_61] : memref<10000x128xf32, #tpu.memory_space<vmem_shared>> -> memref<80x128xf32, #tpu.memory_space<vmem_shared>>
        tpu.wait_dma2 semaphore(%run_scoped3A : memref<!tpu.dma_semaphore, #tpu.memory_space<semaphore_mem>>) src(%dma_wait3A_62 : memref<80x128xf32, #tpu.memory_space<vmem_shared>>) dst(%arg12 : memref<80x128xf32, #tpu.memory_space<vmem>>)
        tpu.yield
      }) : () -> ()
      "tpu.region"() ({
        %run_scoped3A = tpu.sem_alloc : memref<!tpu.dma_semaphore, #tpu.memory_space<semaphore_mem>>
        %dma_start3A = arith.constant 0 : i32
        %dma_start3A_57 = tpu.memref_slice %arg6[%arg0, %mul3A_56, %dma_start3A] : memref<2x10000x128xf32, #tpu.memory_space<hbm>> -> memref<1x80x128xf32, #tpu.memory_space<hbm>>
        %dma_start3A_58 = tpu.memref_squeeze %dma_start3A_57 : memref<1x80x128xf32, #tpu.memory_space<hbm>> -> memref<80x128xf32, #tpu.memory_space<hbm>>
        %dma_start3A_59 = arith.constant 0 : i32
        %dma_start3A_60 = tpu.memref_slice %arg6[%arg0, %mul3A_56, %dma_start3A_59] : memref<2x10000x128xf32, #tpu.memory_space<hbm>> -> memref<1x80x128xf32, #tpu.memory_space<hbm>>
        %dma_start3A_61 = tpu.memref_squeeze %dma_start3A_60 : memref<1x80x128xf32, #tpu.memory_space<hbm>> -> memref<80x128xf32, #tpu.memory_space<hbm>>
        tpu.enqueue_dma source(%arg12 : memref<80x128xf32, #tpu.memory_space<vmem>>) target(%dma_start3A_61 : memref<80x128xf32, #tpu.memory_space<hbm>>) target_semaphore(%run_scoped3A : memref<!tpu.dma_semaphore, #tpu.memory_space<semaphore_mem>>)
        %dma_wait3A = arith.constant 0 : i32
        %dma_wait3A_62 = tpu.memref_slice %arg6[%arg0, %mul3A_56, %dma_wait3A] : memref<2x10000x128xf32, #tpu.memory_space<hbm>> -> memref<1x80x128xf32, #tpu.memory_space<hbm>>
        %dma_wait3A_63 = tpu.memref_squeeze %dma_wait3A_62 : memref<1x80x128xf32, #tpu.memory_space<hbm>> -> memref<80x128xf32, #tpu.memory_space<hbm>>
        %dma_wait3A_64 = arith.constant 0 : i32
        %dma_wait3A_65 = tpu.memref_slice %arg6[%arg0, %mul3A_56, %dma_wait3A_64] : memref<2x10000x128xf32, #tpu.memory_space<hbm>> -> memref<1x80x128xf32, #tpu.memory_space<hbm>>
        %dma_wait3A_66 = tpu.memref_squeeze %dma_wait3A_65 : memref<1x80x128xf32, #tpu.memory_space<hbm>> -> memref<80x128xf32, #tpu.memory_space<hbm>>
        tpu.wait_dma2 semaphore(%run_scoped3A : memref<!tpu.dma_semaphore, #tpu.memory_space<semaphore_mem>>) src(%arg12 : memref<80x128xf32, #tpu.memory_space<vmem>>) dst(%dma_wait3A_66 : memref<80x128xf32, #tpu.memory_space<hbm>>)
        tpu.yield
      }) : () -> ()
    }
    return
  }
}

#map = affine_map<(d0, d1) -> (0, 0)>
#map1 = affine_map<(d0, d1) -> (0)>
#map2 = affine_map<(d0, d1) -> (0, 0, 0)>
module attributes {stable_mosaic.version = 14 : i64} {
  func.func @body(%arg0: i32, %arg1: i32, %arg2: memref<160000x128xf32, #tpu.memory_space<hbm>>, %arg3: memref<160000x128xf32, #tpu.memory_space<hbm>>, %arg4: memref<320000xi32, #tpu.memory_space<hbm>>, %arg5: memref<80x128xf32, #tpu.memory_space<hbm>>, %arg6: memref<2x10000x128xf32, #tpu.memory_space<hbm>>, %arg7: memref<10000x128xf32, #tpu.memory_space<vmem_shared>>, %arg8: memref<2x128xi32, #tpu.memory_space<vmem>>, %arg9: memref<2x128x128xf32, #tpu.memory_space<vmem>>, %arg10: memref<16xi32, #tpu.memory_space<vmem>>, %arg11: memref<16x128xf32, #tpu.memory_space<vmem>>, %arg12: memref<80x128xf32, #tpu.memory_space<vmem>>, %arg13: memref<!tpu.dma_semaphore, #tpu.memory_space<semaphore_mem>>, %arg14: memref<!tpu.dma_semaphore, #tpu.memory_space<semaphore_mem>>, %arg15: memref<!tpu.dma_semaphore, #tpu.memory_space<semaphore_mem>>, %arg16: memref<!tpu.dma_semaphore, #tpu.memory_space<semaphore_mem>>, %arg17: memref<!tpu.dma_semaphore, #tpu.memory_space<semaphore_mem>>, %arg18: memref<!tpu.dma_semaphore, #tpu.memory_space<semaphore_mem>>) attributes {dimension_semantics = [#tpu.dimension_semantics<core_parallel>, #tpu.dimension_semantics<subcore_parallel>], iteration_bounds = array<i64: 2, 16>, scalar_prefetch = 0 : i64, scratch_operands = 12 : i64, tpu.core_type = #tpu.core_type<sc_vector_subcore>, window_params = [{transform_indices = #map}, {transform_indices = #map}, {transform_indices = #map1}, {transform_indices = #map}, {transform_indices = #map2}]} {
    %sub3A = arith.constant 125 : i32
    %sub3A_0 = arith.subi %sub3A, %arg1 : i32
    %add3A = arith.constant 16 : i32
    %add3A_1 = arith.addi %sub3A_0, %add3A : i32
    %sub3A_2 = arith.constant 1 : i32
    %sub3A_3 = arith.subi %add3A_1, %sub3A_2 : i32
    %jit3A = arith.constant 16 : i32
    %div3A = arith.divsi %sub3A_3, %jit3A : i32
    %sign3A = arith.constant 0 : i32
    %sign3A_4 = arith.cmpi sgt, %sub3A_3, %sign3A : i32
    %sign3A_5 = arith.extui %sign3A_4 : i1 to i32
    %sign3A_6 = arith.constant 0 : i32
    %sign3A_7 = arith.cmpi slt, %sub3A_3, %sign3A_6 : i32
    %sign3A_8 = arith.extui %sign3A_7 : i1 to i32
    %sign3A_9 = arith.subi %sign3A_5, %sign3A_8 : i32
    %sign3A_10 = arith.constant 0 : i32
    %sign3A_11 = arith.cmpi sgt, %jit3A, %sign3A_10 : i32
    %sign3A_12 = arith.extui %sign3A_11 : i1 to i32
    %sign3A_13 = arith.constant 0 : i32
    %sign3A_14 = arith.cmpi slt, %jit3A, %sign3A_13 : i32
    %sign3A_15 = arith.extui %sign3A_14 : i1 to i32
    %sign3A_16 = arith.subi %sign3A_12, %sign3A_15 : i32
    %ne3A = arith.cmpi ne, %sign3A_9, %sign3A_16 : i32
    %rem3A = arith.remsi %sub3A_3, %jit3A : i32
    %ne3A_17 = arith.constant 0 : i32
    %ne3A_18 = arith.cmpi ne, %rem3A, %ne3A_17 : i32
    %and3A = arith.andi %ne3A, %ne3A_18 : i1
    %sub3A_19 = arith.constant 1 : i32
    %sub3A_20 = arith.subi %div3A, %sub3A_19 : i32
    %select_n3A = arith.select %and3A, %sub3A_20, %div3A : i32
    "tpu.region"() ({
      %run_scoped3A = tpu.sem_alloc : memref<!tpu.dma_semaphore, #tpu.memory_space<semaphore_mem>>
      tpu.enqueue_dma source(%arg5 : memref<80x128xf32, #tpu.memory_space<hbm>>) target(%arg12 : memref<80x128xf32, #tpu.memory_space<vmem>>) target_semaphore(%run_scoped3A : memref<!tpu.dma_semaphore, #tpu.memory_space<semaphore_mem>>)
      tpu.wait_dma2 semaphore(%run_scoped3A : memref<!tpu.dma_semaphore, #tpu.memory_space<semaphore_mem>>) src(%arg5 : memref<80x128xf32, #tpu.memory_space<hbm>>) dst(%arg12 : memref<80x128xf32, #tpu.memory_space<vmem>>)
      tpu.yield
    }) : () -> ()
    %while3A = arith.constant 0 : i32
    %while3A_21 = arith.constant 0 : i32
    %while3A_22 = arith.subi %select_n3A, %while3A_21 : i32
    %while3A_23 = arith.addi %while3A_21, %while3A_22 : i32
    %while3A_24 = arith.constant 1 : i32
    %while3A_25 = arith.divsi %while3A_22, %while3A_24 : i32
    %while3A_26 = arith.muli %while3A_25, %while3A_24 : i32
    %while3A_27 = arith.addi %while3A_21, %while3A_26 : i32
    %while3A_28 = arith.constant 1 : i32
    scf.for %while3A_51 = %while3A_21 to %while3A_27 step %while3A_28  : i32 {
      %mul3A_52 = arith.constant 16 : i32
      %mul3A_53 = arith.muli %while3A_51, %mul3A_52 : i32
      %add3A_54 = arith.addi %arg1, %mul3A_53 : i32
      %mul3A_55 = arith.constant 80 : i32
      %mul3A_56 = arith.muli %add3A_54, %mul3A_55 : i32
      "tpu.region"() ({
        %run_scoped3A = tpu.sem_alloc : memref<!tpu.dma_semaphore, #tpu.memory_space<semaphore_mem>>
        %dma_start3A = arith.constant 0 : i32
        %dma_start3A_57 = tpu.memref_slice %arg7[%mul3A_56, %dma_start3A] : memref<10000x128xf32, #tpu.memory_space<vmem_shared>> -> memref<80x128xf32, #tpu.memory_space<vmem_shared>>
        %dma_start3A_58 = arith.constant 0 : i32
        %dma_start3A_59 = tpu.memref_slice %arg7[%mul3A_56, %dma_start3A_58] : memref<10000x128xf32, #tpu.memory_space<vmem_shared>> -> memref<80x128xf32, #tpu.memory_space<vmem_shared>>
        tpu.enqueue_dma source(%arg12 : memref<80x128xf32, #tpu.memory_space<vmem>>) target(%dma_start3A_59 : memref<80x128xf32, #tpu.memory_space<vmem_shared>>) target_semaphore(%run_scoped3A : memref<!tpu.dma_semaphore, #tpu.memory_space<semaphore_mem>>)
        %dma_wait3A = arith.constant 0 : i32
        %dma_wait3A_60 = tpu.memref_slice %arg7[%mul3A_56, %dma_wait3A] : memref<10000x128xf32, #tpu.memory_space<vmem_shared>> -> memref<80x128xf32, #tpu.memory_space<vmem_shared>>
        %dma_wait3A_61 = arith.constant 0 : i32
        %dma_wait3A_62 = tpu.memref_slice %arg7[%mul3A_56, %dma_wait3A_61] : memref<10000x128xf32, #tpu.memory_space<vmem_shared>> -> memref<80x128xf32, #tpu.memory_space<vmem_shared>>
        tpu.wait_dma2 semaphore(%run_scoped3A : memref<!tpu.dma_semaphore, #tpu.memory_space<semaphore_mem>>) src(%arg12 : memref<80x128xf32, #tpu.memory_space<vmem>>) dst(%dma_wait3A_62 : memref<80x128xf32, #tpu.memory_space<vmem_shared>>)
        tpu.yield
      }) : () -> ()
    }
    %while3A_29 = arith.constant 1 : i32
    scf.for %while3A_51 = %while3A_27 to %while3A_23 step %while3A_29  : i32 {
      %mul3A_52 = arith.constant 16 : i32
      %mul3A_53 = arith.muli %while3A_51, %mul3A_52 : i32
      %add3A_54 = arith.addi %arg1, %mul3A_53 : i32
      %mul3A_55 = arith.constant 80 : i32
      %mul3A_56 = arith.muli %add3A_54, %mul3A_55 : i32
      "tpu.region"() ({
        %run_scoped3A = tpu.sem_alloc : memref<!tpu.dma_semaphore, #tpu.memory_space<semaphore_mem>>
        %dma_start3A = arith.constant 0 : i32
        %dma_start3A_57 = tpu.memref_slice %arg7[%mul3A_56, %dma_start3A] : memref<10000x128xf32, #tpu.memory_space<vmem_shared>> -> memref<80x128xf32, #tpu.memory_space<vmem_shared>>
        %dma_start3A_58 = arith.constant 0 : i32
        %dma_start3A_59 = tpu.memref_slice %arg7[%mul3A_56, %dma_start3A_58] : memref<10000x128xf32, #tpu.memory_space<vmem_shared>> -> memref<80x128xf32, #tpu.memory_space<vmem_shared>>
        tpu.enqueue_dma source(%arg12 : memref<80x128xf32, #tpu.memory_space<vmem>>) target(%dma_start3A_59 : memref<80x128xf32, #tpu.memory_space<vmem_shared>>) target_semaphore(%run_scoped3A : memref<!tpu.dma_semaphore, #tpu.memory_space<semaphore_mem>>)
        %dma_wait3A = arith.constant 0 : i32
        %dma_wait3A_60 = tpu.memref_slice %arg7[%mul3A_56, %dma_wait3A] : memref<10000x128xf32, #tpu.memory_space<vmem_shared>> -> memref<80x128xf32, #tpu.memory_space<vmem_shared>>
        %dma_wait3A_61 = arith.constant 0 : i32
        %dma_wait3A_62 = tpu.memref_slice %arg7[%mul3A_56, %dma_wait3A_61] : memref<10000x128xf32, #tpu.memory_space<vmem_shared>> -> memref<80x128xf32, #tpu.memory_space<vmem_shared>>
        tpu.wait_dma2 semaphore(%run_scoped3A : memref<!tpu.dma_semaphore, #tpu.memory_space<semaphore_mem>>) src(%arg12 : memref<80x128xf32, #tpu.memory_space<vmem>>) dst(%dma_wait3A_62 : memref<80x128xf32, #tpu.memory_space<vmem_shared>>)
        tpu.yield
      }) : () -> ()
    }
    %barrier3A = arith.constant 0 : index
    tpu.barrier barrier_id(%barrier3A)
    %mul3A = arith.constant 10000 : i32
    %mul3A_30 = arith.muli %arg1, %mul3A : i32
    %add3A_31 = arith.constant 0 : i32
    %add3A_32 = arith.addi %add3A_31, %mul3A_30 : i32
    %eq3A = arith.constant 0 : i32
    %eq3A_33 = arith.cmpi eq, %arg0, %eq3A : i32
    %convert_element_type3A = arith.extui %eq3A_33 : i1 to i32
    %cond3A = arith.constant 0 : i32
    %cond3A_34 = arith.cmpi ne, %convert_element_type3A, %cond3A : i32
    scf.if %cond3A_34 {
      %scan3A = arith.constant 0 : i32
      %scan3A_51 = arith.constant 0 : i32
      %scan3A_52 = arith.constant 39 : i32
      %scan3A_53 = arith.addi %scan3A_51, %scan3A_52 : i32
      %scan3A_54 = arith.constant 1 : i32
      scf.for %scan3A_60 = %scan3A_51 to %scan3A_53 step %scan3A_54  : i32 {
        %mul3A_61 = arith.constant 2 : i32
        %mul3A_62 = arith.muli %mul3A_61, %scan3A_60 : i32
        %add3A_63 = arith.constant 0 : i32
        %add3A_64 = arith.addi %mul3A_62, %add3A_63 : i32
        %mul3A_65 = arith.constant 128 : i32
        %mul3A_66 = arith.muli %add3A_64, %mul3A_65 : i32
        %add3A_67 = arith.addi %add3A_32, %mul3A_66 : i32
        %dma_start3A = arith.constant 0 : i32
        %dma_start3A_68 = arith.constant 0 : i32
        %dma_start3A_69 = tpu.memref_slice %arg8[%dma_start3A, %dma_start3A_68] : memref<2x128xi32, #tpu.memory_space<vmem>> -> memref<1x128xi32, #tpu.memory_space<vmem>>
        %dma_start3A_70 = tpu.memref_squeeze %dma_start3A_69 : memref<1x128xi32, #tpu.memory_space<vmem>> -> memref<128xi32, #tpu.memory_space<vmem>>
        %dma_start3A_71 = tpu.memref_slice %arg4[%add3A_67] : memref<320000xi32, #tpu.memory_space<hbm>> -> memref<128xi32, #tpu.memory_space<hbm>>
        %dma_start3A_72 = arith.constant 0 : i32
        %dma_start3A_73 = tpu.memref_slice %arg8[%dma_start3A, %dma_start3A_72] : memref<2x128xi32, #tpu.memory_space<vmem>> -> memref<1x128xi32, #tpu.memory_space<vmem>>
        %dma_start3A_74 = tpu.memref_squeeze %dma_start3A_73 : memref<1x128xi32, #tpu.memory_space<vmem>> -> memref<128xi32, #tpu.memory_space<vmem>>
        %dma_start3A_75 = tpu.memref_slice %arg4[%add3A_67] : memref<320000xi32, #tpu.memory_space<hbm>> -> memref<128xi32, #tpu.memory_space<hbm>>
        tpu.enqueue_dma source(%dma_start3A_75 : memref<128xi32, #tpu.memory_space<hbm>>) target(%dma_start3A_74 : memref<128xi32, #tpu.memory_space<vmem>>) target_semaphore(%arg13 : memref<!tpu.dma_semaphore, #tpu.memory_space<semaphore_mem>>)
        %add3A_76 = arith.addi %mul3A_30, %mul3A_66 : i32
        %dma_start3A_77 = arith.constant 0 : i32
        %dma_start3A_78 = arith.constant 0 : i32
        %dma_start3A_79 = arith.constant 0 : i32
        %dma_start3A_80 = tpu.memref_slice %arg9[%dma_start3A_77, %dma_start3A_78, %dma_start3A_79] : memref<2x128x128xf32, #tpu.memory_space<vmem>> -> memref<1x128x128xf32, #tpu.memory_space<vmem>>
        %dma_start3A_81 = tpu.memref_squeeze %dma_start3A_80 : memref<1x128x128xf32, #tpu.memory_space<vmem>> -> memref<128x128xf32, #tpu.memory_space<vmem>>
        %dma_start3A_82 = arith.constant 0 : i32
        %dma_start3A_83 = tpu.memref_slice %arg2[%add3A_76, %dma_start3A_82] : memref<160000x128xf32, #tpu.memory_space<hbm>> -> memref<128x128xf32, #tpu.memory_space<hbm>>
        %dma_start3A_84 = arith.constant 0 : i32
        %dma_start3A_85 = arith.constant 0 : i32
        %dma_start3A_86 = tpu.memref_slice %arg9[%dma_start3A_77, %dma_start3A_84, %dma_start3A_85] : memref<2x128x128xf32, #tpu.memory_space<vmem>> -> memref<1x128x128xf32, #tpu.memory_space<vmem>>
        %dma_start3A_87 = tpu.memref_squeeze %dma_start3A_86 : memref<1x128x128xf32, #tpu.memory_space<vmem>> -> memref<128x128xf32, #tpu.memory_space<vmem>>
        %dma_start3A_88 = arith.constant 0 : i32
        %dma_start3A_89 = tpu.memref_slice %arg2[%add3A_76, %dma_start3A_88] : memref<160000x128xf32, #tpu.memory_space<hbm>> -> memref<128x128xf32, #tpu.memory_space<hbm>>
        tpu.enqueue_dma source(%dma_start3A_89 : memref<128x128xf32, #tpu.memory_space<hbm>>) target(%dma_start3A_87 : memref<128x128xf32, #tpu.memory_space<vmem>>) target_semaphore(%arg15 : memref<!tpu.dma_semaphore, #tpu.memory_space<semaphore_mem>>)
        %mul3A_90 = arith.constant 2 : i32
        %mul3A_91 = arith.muli %mul3A_90, %scan3A_60 : i32
        %add3A_92 = arith.constant 1 : i32
        %add3A_93 = arith.addi %mul3A_91, %add3A_92 : i32
        %mul3A_94 = arith.constant 128 : i32
        %mul3A_95 = arith.muli %add3A_93, %mul3A_94 : i32
        %add3A_96 = arith.addi %add3A_32, %mul3A_95 : i32
        %dma_start3A_97 = arith.constant 1 : i32
        %dma_start3A_98 = arith.constant 0 : i32
        %dma_start3A_99 = tpu.memref_slice %arg8[%dma_start3A_97, %dma_start3A_98] : memref<2x128xi32, #tpu.memory_space<vmem>> -> memref<1x128xi32, #tpu.memory_space<vmem>>
        %dma_start3A_100 = tpu.memref_squeeze %dma_start3A_99 : memref<1x128xi32, #tpu.memory_space<vmem>> -> memref<128xi32, #tpu.memory_space<vmem>>
        %dma_start3A_101 = tpu.memref_slice %arg4[%add3A_96] : memref<320000xi32, #tpu.memory_space<hbm>> -> memref<128xi32, #tpu.memory_space<hbm>>
        %dma_start3A_102 = arith.constant 0 : i32
        %dma_start3A_103 = tpu.memref_slice %arg8[%dma_start3A_97, %dma_start3A_102] : memref<2x128xi32, #tpu.memory_space<vmem>> -> memref<1x128xi32, #tpu.memory_space<vmem>>
        %dma_start3A_104 = tpu.memref_squeeze %dma_start3A_103 : memref<1x128xi32, #tpu.memory_space<vmem>> -> memref<128xi32, #tpu.memory_space<vmem>>
        %dma_start3A_105 = tpu.memref_slice %arg4[%add3A_96] : memref<320000xi32, #tpu.memory_space<hbm>> -> memref<128xi32, #tpu.memory_space<hbm>>
        tpu.enqueue_dma source(%dma_start3A_105 : memref<128xi32, #tpu.memory_space<hbm>>) target(%dma_start3A_104 : memref<128xi32, #tpu.memory_space<vmem>>) target_semaphore(%arg14 : memref<!tpu.dma_semaphore, #tpu.memory_space<semaphore_mem>>)
        %add3A_106 = arith.addi %mul3A_30, %mul3A_95 : i32
        %dma_start3A_107 = arith.constant 1 : i32
        %dma_start3A_108 = arith.constant 0 : i32
        %dma_start3A_109 = arith.constant 0 : i32
        %dma_start3A_110 = tpu.memref_slice %arg9[%dma_start3A_107, %dma_start3A_108, %dma_start3A_109] : memref<2x128x128xf32, #tpu.memory_space<vmem>> -> memref<1x128x128xf32, #tpu.memory_space<vmem>>
        %dma_start3A_111 = tpu.memref_squeeze %dma_start3A_110 : memref<1x128x128xf32, #tpu.memory_space<vmem>> -> memref<128x128xf32, #tpu.memory_space<vmem>>
        %dma_start3A_112 = arith.constant 0 : i32
        %dma_start3A_113 = tpu.memref_slice %arg2[%add3A_106, %dma_start3A_112] : memref<160000x128xf32, #tpu.memory_space<hbm>> -> memref<128x128xf32, #tpu.memory_space<hbm>>
        %dma_start3A_114 = arith.constant 0 : i32
        %dma_start3A_115 = arith.constant 0 : i32
        %dma_start3A_116 = tpu.memref_slice %arg9[%dma_start3A_107, %dma_start3A_114, %dma_start3A_115] : memref<2x128x128xf32, #tpu.memory_space<vmem>> -> memref<1x128x128xf32, #tpu.memory_space<vmem>>
        %dma_start3A_117 = tpu.memref_squeeze %dma_start3A_116 : memref<1x128x128xf32, #tpu.memory_space<vmem>> -> memref<128x128xf32, #tpu.memory_space<vmem>>
        %dma_start3A_118 = arith.constant 0 : i32
        %dma_start3A_119 = tpu.memref_slice %arg2[%add3A_106, %dma_start3A_118] : memref<160000x128xf32, #tpu.memory_space<hbm>> -> memref<128x128xf32, #tpu.memory_space<hbm>>
        tpu.enqueue_dma source(%dma_start3A_119 : memref<128x128xf32, #tpu.memory_space<hbm>>) target(%dma_start3A_117 : memref<128x128xf32, #tpu.memory_space<vmem>>) target_semaphore(%arg16 : memref<!tpu.dma_semaphore, #tpu.memory_space<semaphore_mem>>)
        %dma_wait3A = arith.constant 0 : i32
        %dma_wait3A_120 = arith.constant 0 : i32
        %dma_wait3A_121 = tpu.memref_slice %arg8[%dma_wait3A, %dma_wait3A_120] : memref<2x128xi32, #tpu.memory_space<vmem>> -> memref<1x128xi32, #tpu.memory_space<vmem>>
        %dma_wait3A_122 = tpu.memref_squeeze %dma_wait3A_121 : memref<1x128xi32, #tpu.memory_space<vmem>> -> memref<128xi32, #tpu.memory_space<vmem>>
        %dma_wait3A_123 = tpu.memref_slice %arg4[%add3A_67] : memref<320000xi32, #tpu.memory_space<hbm>> -> memref<128xi32, #tpu.memory_space<hbm>>
        %dma_wait3A_124 = arith.constant 0 : i32
        %dma_wait3A_125 = tpu.memref_slice %arg8[%dma_wait3A, %dma_wait3A_124] : memref<2x128xi32, #tpu.memory_space<vmem>> -> memref<1x128xi32, #tpu.memory_space<vmem>>
        %dma_wait3A_126 = tpu.memref_squeeze %dma_wait3A_125 : memref<1x128xi32, #tpu.memory_space<vmem>> -> memref<128xi32, #tpu.memory_space<vmem>>
        %dma_wait3A_127 = tpu.memref_slice %arg4[%add3A_67] : memref<320000xi32, #tpu.memory_space<hbm>> -> memref<128xi32, #tpu.memory_space<hbm>>
        tpu.wait_dma2 semaphore(%arg13 : memref<!tpu.dma_semaphore, #tpu.memory_space<semaphore_mem>>) src(%dma_wait3A_127 : memref<128xi32, #tpu.memory_space<hbm>>) dst(%dma_wait3A_126 : memref<128xi32, #tpu.memory_space<vmem>>)
        %dma_wait3A_128 = arith.constant 0 : i32
        %dma_wait3A_129 = arith.constant 0 : i32
        %dma_wait3A_130 = arith.constant 0 : i32
        %dma_wait3A_131 = tpu.memref_slice %arg9[%dma_wait3A_128, %dma_wait3A_129, %dma_wait3A_130] : memref<2x128x128xf32, #tpu.memory_space<vmem>> -> memref<1x128x128xf32, #tpu.memory_space<vmem>>
        %dma_wait3A_132 = tpu.memref_squeeze %dma_wait3A_131 : memref<1x128x128xf32, #tpu.memory_space<vmem>> -> memref<128x128xf32, #tpu.memory_space<vmem>>
        %dma_wait3A_133 = arith.constant 0 : i32
        %dma_wait3A_134 = tpu.memref_slice %arg2[%add3A_76, %dma_wait3A_133] : memref<160000x128xf32, #tpu.memory_space<hbm>> -> memref<128x128xf32, #tpu.memory_space<hbm>>
        %dma_wait3A_135 = arith.constant 0 : i32
        %dma_wait3A_136 = arith.constant 0 : i32
        %dma_wait3A_137 = tpu.memref_slice %arg9[%dma_wait3A_128, %dma_wait3A_135, %dma_wait3A_136] : memref<2x128x128xf32, #tpu.memory_space<vmem>> -> memref<1x128x128xf32, #tpu.memory_space<vmem>>
        %dma_wait3A_138 = tpu.memref_squeeze %dma_wait3A_137 : memref<1x128x128xf32, #tpu.memory_space<vmem>> -> memref<128x128xf32, #tpu.memory_space<vmem>>
        %dma_wait3A_139 = arith.constant 0 : i32
        %dma_wait3A_140 = tpu.memref_slice %arg2[%add3A_76, %dma_wait3A_139] : memref<160000x128xf32, #tpu.memory_space<hbm>> -> memref<128x128xf32, #tpu.memory_space<hbm>>
        tpu.wait_dma2 semaphore(%arg15 : memref<!tpu.dma_semaphore, #tpu.memory_space<semaphore_mem>>) src(%dma_wait3A_140 : memref<128x128xf32, #tpu.memory_space<hbm>>) dst(%dma_wait3A_138 : memref<128x128xf32, #tpu.memory_space<vmem>>)
        %dma_start3A_141 = arith.constant 0 : i32
        %dma_start3A_142 = arith.constant 0 : i32
        %dma_start3A_143 = arith.constant 0 : i32
        %dma_start3A_144 = arith.constant 0 : i32
        %dma_start3A_145 = tpu.memref_slice %arg9[%dma_start3A_141, %dma_start3A_143, %dma_start3A_144] : memref<2x128x128xf32, #tpu.memory_space<vmem>> -> memref<1x128x128xf32, #tpu.memory_space<vmem>>
        %dma_start3A_146 = tpu.memref_squeeze %dma_start3A_145 : memref<1x128x128xf32, #tpu.memory_space<vmem>> -> memref<128x128xf32, #tpu.memory_space<vmem>>
        %dma_start3A_147 = arith.constant 0 : i32
        %dma_start3A_148 = tpu.memref_slice %arg8[%dma_start3A_142, %dma_start3A_147] : memref<2x128xi32, #tpu.memory_space<vmem>> -> memref<1x128xi32, #tpu.memory_space<vmem>>
        %dma_start3A_149 = tpu.memref_squeeze %dma_start3A_148 : memref<1x128xi32, #tpu.memory_space<vmem>> -> memref<128xi32, #tpu.memory_space<vmem>>
        %dma_start3A_150 = arith.constant 0 : i32
        %dma_start3A_151 = arith.constant 0 : i32
        %dma_start3A_152 = tpu.memref_slice %arg7[%dma_start3A_150, %dma_start3A_151] : memref<10000x128xf32, #tpu.memory_space<vmem_shared>> -> memref<10000x128xf32, #tpu.memory_space<vmem_shared>>
        tpu.enqueue_indirect_dma source(%dma_start3A_146 : memref<128x128xf32, #tpu.memory_space<vmem>>) target(%dma_start3A_152 : memref<10000x128xf32, #tpu.memory_space<vmem_shared>>) offsets(%dma_start3A_149 : memref<128xi32, #tpu.memory_space<vmem>>) semaphore(%arg17 : memref<!tpu.dma_semaphore, #tpu.memory_space<semaphore_mem>>) {add = true}
        %dma_wait3A_153 = arith.constant 1 : i32
        %dma_wait3A_154 = arith.constant 0 : i32
        %dma_wait3A_155 = tpu.memref_slice %arg8[%dma_wait3A_153, %dma_wait3A_154] : memref<2x128xi32, #tpu.memory_space<vmem>> -> memref<1x128xi32, #tpu.memory_space<vmem>>
        %dma_wait3A_156 = tpu.memref_squeeze %dma_wait3A_155 : memref<1x128xi32, #tpu.memory_space<vmem>> -> memref<128xi32, #tpu.memory_space<vmem>>
        %dma_wait3A_157 = tpu.memref_slice %arg4[%add3A_96] : memref<320000xi32, #tpu.memory_space<hbm>> -> memref<128xi32, #tpu.memory_space<hbm>>
        %dma_wait3A_158 = arith.constant 0 : i32
        %dma_wait3A_159 = tpu.memref_slice %arg8[%dma_wait3A_153, %dma_wait3A_158] : memref<2x128xi32, #tpu.memory_space<vmem>> -> memref<1x128xi32, #tpu.memory_space<vmem>>
        %dma_wait3A_160 = tpu.memref_squeeze %dma_wait3A_159 : memref<1x128xi32, #tpu.memory_space<vmem>> -> memref<128xi32, #tpu.memory_space<vmem>>
        %dma_wait3A_161 = tpu.memref_slice %arg4[%add3A_96] : memref<320000xi32, #tpu.memory_space<hbm>> -> memref<128xi32, #tpu.memory_space<hbm>>
        tpu.wait_dma2 semaphore(%arg14 : memref<!tpu.dma_semaphore, #tpu.memory_space<semaphore_mem>>) src(%dma_wait3A_161 : memref<128xi32, #tpu.memory_space<hbm>>) dst(%dma_wait3A_160 : memref<128xi32, #tpu.memory_space<vmem>>)
        %dma_wait3A_162 = arith.constant 1 : i32
        %dma_wait3A_163 = arith.constant 0 : i32
        %dma_wait3A_164 = arith.constant 0 : i32
        %dma_wait3A_165 = tpu.memref_slice %arg9[%dma_wait3A_162, %dma_wait3A_163, %dma_wait3A_164] : memref<2x128x128xf32, #tpu.memory_space<vmem>> -> memref<1x128x128xf32, #tpu.memory_space<vmem>>
        %dma_wait3A_166 = tpu.memref_squeeze %dma_wait3A_165 : memref<1x128x128xf32, #tpu.memory_space<vmem>> -> memref<128x128xf32, #tpu.memory_space<vmem>>
        %dma_wait3A_167 = arith.constant 0 : i32
        %dma_wait3A_168 = tpu.memref_slice %arg2[%add3A_106, %dma_wait3A_167] : memref<160000x128xf32, #tpu.memory_space<hbm>> -> memref<128x128xf32, #tpu.memory_space<hbm>>
        %dma_wait3A_169 = arith.constant 0 : i32
        %dma_wait3A_170 = arith.constant 0 : i32
        %dma_wait3A_171 = tpu.memref_slice %arg9[%dma_wait3A_162, %dma_wait3A_169, %dma_wait3A_170] : memref<2x128x128xf32, #tpu.memory_space<vmem>> -> memref<1x128x128xf32, #tpu.memory_space<vmem>>
        %dma_wait3A_172 = tpu.memref_squeeze %dma_wait3A_171 : memref<1x128x128xf32, #tpu.memory_space<vmem>> -> memref<128x128xf32, #tpu.memory_space<vmem>>
        %dma_wait3A_173 = arith.constant 0 : i32
        %dma_wait3A_174 = tpu.memref_slice %arg2[%add3A_106, %dma_wait3A_173] : memref<160000x128xf32, #tpu.memory_space<hbm>> -> memref<128x128xf32, #tpu.memory_space<hbm>>
        tpu.wait_dma2 semaphore(%arg16 : memref<!tpu.dma_semaphore, #tpu.memory_space<semaphore_mem>>) src(%dma_wait3A_174 : memref<128x128xf32, #tpu.memory_space<hbm>>) dst(%dma_wait3A_172 : memref<128x128xf32, #tpu.memory_space<vmem>>)
        %dma_start3A_175 = arith.constant 1 : i32
        %dma_start3A_176 = arith.constant 1 : i32
        %dma_start3A_177 = arith.constant 0 : i32
        %dma_start3A_178 = arith.constant 0 : i32
        %dma_start3A_179 = tpu.memref_slice %arg9[%dma_start3A_175, %dma_start3A_177, %dma_start3A_178] : memref<2x128x128xf32, #tpu.memory_space<vmem>> -> memref<1x128x128xf32, #tpu.memory_space<vmem>>
        %dma_start3A_180 = tpu.memref_squeeze %dma_start3A_179 : memref<1x128x128xf32, #tpu.memory_space<vmem>> -> memref<128x128xf32, #tpu.memory_space<vmem>>
        %dma_start3A_181 = arith.constant 0 : i32
        %dma_start3A_182 = tpu.memref_slice %arg8[%dma_start3A_176, %dma_start3A_181] : memref<2x128xi32, #tpu.memory_space<vmem>> -> memref<1x128xi32, #tpu.memory_space<vmem>>
        %dma_start3A_183 = tpu.memref_squeeze %dma_start3A_182 : memref<1x128xi32, #tpu.memory_space<vmem>> -> memref<128xi32, #tpu.memory_space<vmem>>
        %dma_start3A_184 = arith.constant 0 : i32
        %dma_start3A_185 = arith.constant 0 : i32
        %dma_start3A_186 = tpu.memref_slice %arg7[%dma_start3A_184, %dma_start3A_185] : memref<10000x128xf32, #tpu.memory_space<vmem_shared>> -> memref<10000x128xf32, #tpu.memory_space<vmem_shared>>
        tpu.enqueue_indirect_dma source(%dma_start3A_180 : memref<128x128xf32, #tpu.memory_space<vmem>>) target(%dma_start3A_186 : memref<10000x128xf32, #tpu.memory_space<vmem_shared>>) offsets(%dma_start3A_183 : memref<128xi32, #tpu.memory_space<vmem>>) semaphore(%arg18 : memref<!tpu.dma_semaphore, #tpu.memory_space<semaphore_mem>>) {add = true}
        %dma_wait3A_187 = arith.constant 0 : i32
        %dma_wait3A_188 = arith.constant 0 : i32
        %dma_wait3A_189 = arith.constant 0 : i32
        %dma_wait3A_190 = arith.constant 0 : i32
        %dma_wait3A_191 = tpu.memref_slice %arg9[%dma_wait3A_187, %dma_wait3A_189, %dma_wait3A_190] : memref<2x128x128xf32, #tpu.memory_space<vmem>> -> memref<1x128x128xf32, #tpu.memory_space<vmem>>
        %dma_wait3A_192 = tpu.memref_squeeze %dma_wait3A_191 : memref<1x128x128xf32, #tpu.memory_space<vmem>> -> memref<128x128xf32, #tpu.memory_space<vmem>>
        %dma_wait3A_193 = arith.constant 0 : i32
        %dma_wait3A_194 = tpu.memref_slice %arg8[%dma_wait3A_188, %dma_wait3A_193] : memref<2x128xi32, #tpu.memory_space<vmem>> -> memref<1x128xi32, #tpu.memory_space<vmem>>
        %dma_wait3A_195 = tpu.memref_squeeze %dma_wait3A_194 : memref<1x128xi32, #tpu.memory_space<vmem>> -> memref<128xi32, #tpu.memory_space<vmem>>
        %dma_wait3A_196 = arith.constant 0 : i32
        %dma_wait3A_197 = arith.constant 0 : i32
        %dma_wait3A_198 = tpu.memref_slice %arg7[%dma_wait3A_196, %dma_wait3A_197] : memref<10000x128xf32, #tpu.memory_space<vmem_shared>> -> memref<10000x128xf32, #tpu.memory_space<vmem_shared>>
        tpu.wait_indirect_dma semaphore(%arg17 : memref<!tpu.dma_semaphore, #tpu.memory_space<semaphore_mem>>) src(%dma_wait3A_192 : memref<128x128xf32, #tpu.memory_space<vmem>>) dst(%dma_wait3A_198 : memref<10000x128xf32, #tpu.memory_space<vmem_shared>>)
        %dma_wait3A_199 = arith.constant 1 : i32
        %dma_wait3A_200 = arith.constant 1 : i32
        %dma_wait3A_201 = arith.constant 0 : i32
        %dma_wait3A_202 = arith.constant 0 : i32
        %dma_wait3A_203 = tpu.memref_slice %arg9[%dma_wait3A_199, %dma_wait3A_201, %dma_wait3A_202] : memref<2x128x128xf32, #tpu.memory_space<vmem>> -> memref<1x128x128xf32, #tpu.memory_space<vmem>>
        %dma_wait3A_204 = tpu.memref_squeeze %dma_wait3A_203 : memref<1x128x128xf32, #tpu.memory_space<vmem>> -> memref<128x128xf32, #tpu.memory_space<vmem>>
        %dma_wait3A_205 = arith.constant 0 : i32
        %dma_wait3A_206 = tpu.memref_slice %arg8[%dma_wait3A_200, %dma_wait3A_205] : memref<2x128xi32, #tpu.memory_space<vmem>> -> memref<1x128xi32, #tpu.memory_space<vmem>>
        %dma_wait3A_207 = tpu.memref_squeeze %dma_wait3A_206 : memref<1x128xi32, #tpu.memory_space<vmem>> -> memref<128xi32, #tpu.memory_space<vmem>>
        %dma_wait3A_208 = arith.constant 0 : i32
        %dma_wait3A_209 = arith.constant 0 : i32
        %dma_wait3A_210 = tpu.memref_slice %arg7[%dma_wait3A_208, %dma_wait3A_209] : memref<10000x128xf32, #tpu.memory_space<vmem_shared>> -> memref<10000x128xf32, #tpu.memory_space<vmem_shared>>
        tpu.wait_indirect_dma semaphore(%arg18 : memref<!tpu.dma_semaphore, #tpu.memory_space<semaphore_mem>>) src(%dma_wait3A_204 : memref<128x128xf32, #tpu.memory_space<vmem>>) dst(%dma_wait3A_210 : memref<10000x128xf32, #tpu.memory_space<vmem_shared>>)
      }
      %scan3A_55 = arith.constant 39 : i32
      %add3A_56 = arith.constant 9984 : i32
      %add3A_57 = arith.addi %add3A_32, %add3A_56 : i32
      "tpu.region"() ({
        %run_scoped3A = tpu.sem_alloc : memref<!tpu.dma_semaphore, #tpu.memory_space<semaphore_mem>>
        %dma_start3A = tpu.memref_slice %arg4[%add3A_57] : memref<320000xi32, #tpu.memory_space<hbm>> -> memref<16xi32, #tpu.memory_space<hbm>>
        %dma_start3A_60 = tpu.memref_slice %arg4[%add3A_57] : memref<320000xi32, #tpu.memory_space<hbm>> -> memref<16xi32, #tpu.memory_space<hbm>>
        tpu.enqueue_dma source(%dma_start3A_60 : memref<16xi32, #tpu.memory_space<hbm>>) target(%arg10 : memref<16xi32, #tpu.memory_space<vmem>>) target_semaphore(%run_scoped3A : memref<!tpu.dma_semaphore, #tpu.memory_space<semaphore_mem>>)
        %dma_wait3A = tpu.memref_slice %arg4[%add3A_57] : memref<320000xi32, #tpu.memory_space<hbm>> -> memref<16xi32, #tpu.memory_space<hbm>>
        %dma_wait3A_61 = tpu.memref_slice %arg4[%add3A_57] : memref<320000xi32, #tpu.memory_space<hbm>> -> memref<16xi32, #tpu.memory_space<hbm>>
        tpu.wait_dma2 semaphore(%run_scoped3A : memref<!tpu.dma_semaphore, #tpu.memory_space<semaphore_mem>>) src(%dma_wait3A_61 : memref<16xi32, #tpu.memory_space<hbm>>) dst(%arg10 : memref<16xi32, #tpu.memory_space<vmem>>)
        tpu.yield
      }) : () -> ()
      %add3A_58 = arith.constant 9984 : i32
      %add3A_59 = arith.addi %mul3A_30, %add3A_58 : i32
      "tpu.region"() ({
        %run_scoped3A = tpu.sem_alloc : memref<!tpu.dma_semaphore, #tpu.memory_space<semaphore_mem>>
        %dma_start3A = arith.constant 0 : i32
        %dma_start3A_60 = tpu.memref_slice %arg2[%add3A_59, %dma_start3A] : memref<160000x128xf32, #tpu.memory_space<hbm>> -> memref<16x128xf32, #tpu.memory_space<hbm>>
        %dma_start3A_61 = arith.constant 0 : i32
        %dma_start3A_62 = tpu.memref_slice %arg2[%add3A_59, %dma_start3A_61] : memref<160000x128xf32, #tpu.memory_space<hbm>> -> memref<16x128xf32, #tpu.memory_space<hbm>>
        tpu.enqueue_dma source(%dma_start3A_62 : memref<16x128xf32, #tpu.memory_space<hbm>>) target(%arg11 : memref<16x128xf32, #tpu.memory_space<vmem>>) target_semaphore(%run_scoped3A : memref<!tpu.dma_semaphore, #tpu.memory_space<semaphore_mem>>)
        %dma_wait3A = arith.constant 0 : i32
        %dma_wait3A_63 = tpu.memref_slice %arg2[%add3A_59, %dma_wait3A] : memref<160000x128xf32, #tpu.memory_space<hbm>> -> memref<16x128xf32, #tpu.memory_space<hbm>>
        %dma_wait3A_64 = arith.constant 0 : i32
        %dma_wait3A_65 = tpu.memref_slice %arg2[%add3A_59, %dma_wait3A_64] : memref<160000x128xf32, #tpu.memory_space<hbm>> -> memref<16x128xf32, #tpu.memory_space<hbm>>
        tpu.wait_dma2 semaphore(%run_scoped3A : memref<!tpu.dma_semaphore, #tpu.memory_space<semaphore_mem>>) src(%dma_wait3A_65 : memref<16x128xf32, #tpu.memory_space<hbm>>) dst(%arg11 : memref<16x128xf32, #tpu.memory_space<vmem>>)
        tpu.yield
      }) : () -> ()
      "tpu.region"() ({
        %run_scoped3A = tpu.sem_alloc : memref<!tpu.dma_semaphore, #tpu.memory_space<semaphore_mem>>
        %dma_start3A = arith.constant 0 : i32
        %dma_start3A_60 = arith.constant 0 : i32
        %dma_start3A_61 = tpu.memref_slice %arg7[%dma_start3A, %dma_start3A_60] : memref<10000x128xf32, #tpu.memory_space<vmem_shared>> -> memref<10000x128xf32, #tpu.memory_space<vmem_shared>>
        tpu.enqueue_indirect_dma source(%arg11 : memref<16x128xf32, #tpu.memory_space<vmem>>) target(%dma_start3A_61 : memref<10000x128xf32, #tpu.memory_space<vmem_shared>>) offsets(%arg10 : memref<16xi32, #tpu.memory_space<vmem>>) semaphore(%run_scoped3A : memref<!tpu.dma_semaphore, #tpu.memory_space<semaphore_mem>>) {add = true}
        %dma_wait3A = arith.constant 0 : i32
        %dma_wait3A_62 = arith.constant 0 : i32
        %dma_wait3A_63 = tpu.memref_slice %arg7[%dma_wait3A, %dma_wait3A_62] : memref<10000x128xf32, #tpu.memory_space<vmem_shared>> -> memref<10000x128xf32, #tpu.memory_space<vmem_shared>>
        tpu.wait_indirect_dma semaphore(%run_scoped3A : memref<!tpu.dma_semaphore, #tpu.memory_space<semaphore_mem>>) src(%arg11 : memref<16x128xf32, #tpu.memory_space<vmem>>) dst(%dma_wait3A_63 : memref<10000x128xf32, #tpu.memory_space<vmem_shared>>)
        tpu.yield
      }) : () -> ()
    } else {
    }
    %eq3A_35 = arith.constant 1 : i32
    %eq3A_36 = arith.cmpi eq, %arg0, %eq3A_35 : i32
    %convert_element_type3A_37 = arith.extui %eq3A_36 : i1 to i32
    %cond3A_38 = arith.constant 0 : i32
    %cond3A_39 = arith.cmpi ne, %convert_element_type3A_37, %cond3A_38 : i32
    scf.if %cond3A_39 {
      %scan3A = arith.constant 0 : i32
      %scan3A_51 = arith.constant 0 : i32
      %scan3A_52 = arith.constant 39 : i32
      %scan3A_53 = arith.addi %scan3A_51, %scan3A_52 : i32
      %scan3A_54 = arith.constant 1 : i32
      scf.for %scan3A_60 = %scan3A_51 to %scan3A_53 step %scan3A_54  : i32 {
        %mul3A_61 = arith.constant 2 : i32
        %mul3A_62 = arith.muli %mul3A_61, %scan3A_60 : i32
        %add3A_63 = arith.constant 0 : i32
        %add3A_64 = arith.addi %mul3A_62, %add3A_63 : i32
        %mul3A_65 = arith.constant 128 : i32
        %mul3A_66 = arith.muli %add3A_64, %mul3A_65 : i32
        %add3A_67 = arith.addi %add3A_32, %mul3A_66 : i32
        %dma_start3A = arith.constant 0 : i32
        %dma_start3A_68 = arith.constant 0 : i32
        %dma_start3A_69 = tpu.memref_slice %arg8[%dma_start3A, %dma_start3A_68] : memref<2x128xi32, #tpu.memory_space<vmem>> -> memref<1x128xi32, #tpu.memory_space<vmem>>
        %dma_start3A_70 = tpu.memref_squeeze %dma_start3A_69 : memref<1x128xi32, #tpu.memory_space<vmem>> -> memref<128xi32, #tpu.memory_space<vmem>>
        %dma_start3A_71 = tpu.memref_slice %arg4[%add3A_67] : memref<320000xi32, #tpu.memory_space<hbm>> -> memref<128xi32, #tpu.memory_space<hbm>>
        %dma_start3A_72 = arith.constant 0 : i32
        %dma_start3A_73 = tpu.memref_slice %arg8[%dma_start3A, %dma_start3A_72] : memref<2x128xi32, #tpu.memory_space<vmem>> -> memref<1x128xi32, #tpu.memory_space<vmem>>
        %dma_start3A_74 = tpu.memref_squeeze %dma_start3A_73 : memref<1x128xi32, #tpu.memory_space<vmem>> -> memref<128xi32, #tpu.memory_space<vmem>>
        %dma_start3A_75 = tpu.memref_slice %arg4[%add3A_67] : memref<320000xi32, #tpu.memory_space<hbm>> -> memref<128xi32, #tpu.memory_space<hbm>>
        tpu.enqueue_dma source(%dma_start3A_75 : memref<128xi32, #tpu.memory_space<hbm>>) target(%dma_start3A_74 : memref<128xi32, #tpu.memory_space<vmem>>) target_semaphore(%arg13 : memref<!tpu.dma_semaphore, #tpu.memory_space<semaphore_mem>>)
        %add3A_76 = arith.addi %mul3A_30, %mul3A_66 : i32
        %dma_start3A_77 = arith.constant 0 : i32
        %dma_start3A_78 = arith.constant 0 : i32
        %dma_start3A_79 = arith.constant 0 : i32
        %dma_start3A_80 = tpu.memref_slice %arg9[%dma_start3A_77, %dma_start3A_78, %dma_start3A_79] : memref<2x128x128xf32, #tpu.memory_space<vmem>> -> memref<1x128x128xf32, #tpu.memory_space<vmem>>
        %dma_start3A_81 = tpu.memref_squeeze %dma_start3A_80 : memref<1x128x128xf32, #tpu.memory_space<vmem>> -> memref<128x128xf32, #tpu.memory_space<vmem>>
        %dma_start3A_82 = arith.constant 0 : i32
        %dma_start3A_83 = tpu.memref_slice %arg3[%add3A_76, %dma_start3A_82] : memref<160000x128xf32, #tpu.memory_space<hbm>> -> memref<128x128xf32, #tpu.memory_space<hbm>>
        %dma_start3A_84 = arith.constant 0 : i32
        %dma_start3A_85 = arith.constant 0 : i32
        %dma_start3A_86 = tpu.memref_slice %arg9[%dma_start3A_77, %dma_start3A_84, %dma_start3A_85] : memref<2x128x128xf32, #tpu.memory_space<vmem>> -> memref<1x128x128xf32, #tpu.memory_space<vmem>>
        %dma_start3A_87 = tpu.memref_squeeze %dma_start3A_86 : memref<1x128x128xf32, #tpu.memory_space<vmem>> -> memref<128x128xf32, #tpu.memory_space<vmem>>
        %dma_start3A_88 = arith.constant 0 : i32
        %dma_start3A_89 = tpu.memref_slice %arg3[%add3A_76, %dma_start3A_88] : memref<160000x128xf32, #tpu.memory_space<hbm>> -> memref<128x128xf32, #tpu.memory_space<hbm>>
        tpu.enqueue_dma source(%dma_start3A_89 : memref<128x128xf32, #tpu.memory_space<hbm>>) target(%dma_start3A_87 : memref<128x128xf32, #tpu.memory_space<vmem>>) target_semaphore(%arg15 : memref<!tpu.dma_semaphore, #tpu.memory_space<semaphore_mem>>)
        %mul3A_90 = arith.constant 2 : i32
        %mul3A_91 = arith.muli %mul3A_90, %scan3A_60 : i32
        %add3A_92 = arith.constant 1 : i32
        %add3A_93 = arith.addi %mul3A_91, %add3A_92 : i32
        %mul3A_94 = arith.constant 128 : i32
        %mul3A_95 = arith.muli %add3A_93, %mul3A_94 : i32
        %add3A_96 = arith.addi %add3A_32, %mul3A_95 : i32
        %dma_start3A_97 = arith.constant 1 : i32
        %dma_start3A_98 = arith.constant 0 : i32
        %dma_start3A_99 = tpu.memref_slice %arg8[%dma_start3A_97, %dma_start3A_98] : memref<2x128xi32, #tpu.memory_space<vmem>> -> memref<1x128xi32, #tpu.memory_space<vmem>>
        %dma_start3A_100 = tpu.memref_squeeze %dma_start3A_99 : memref<1x128xi32, #tpu.memory_space<vmem>> -> memref<128xi32, #tpu.memory_space<vmem>>
        %dma_start3A_101 = tpu.memref_slice %arg4[%add3A_96] : memref<320000xi32, #tpu.memory_space<hbm>> -> memref<128xi32, #tpu.memory_space<hbm>>
        %dma_start3A_102 = arith.constant 0 : i32
        %dma_start3A_103 = tpu.memref_slice %arg8[%dma_start3A_97, %dma_start3A_102] : memref<2x128xi32, #tpu.memory_space<vmem>> -> memref<1x128xi32, #tpu.memory_space<vmem>>
        %dma_start3A_104 = tpu.memref_squeeze %dma_start3A_103 : memref<1x128xi32, #tpu.memory_space<vmem>> -> memref<128xi32, #tpu.memory_space<vmem>>
        %dma_start3A_105 = tpu.memref_slice %arg4[%add3A_96] : memref<320000xi32, #tpu.memory_space<hbm>> -> memref<128xi32, #tpu.memory_space<hbm>>
        tpu.enqueue_dma source(%dma_start3A_105 : memref<128xi32, #tpu.memory_space<hbm>>) target(%dma_start3A_104 : memref<128xi32, #tpu.memory_space<vmem>>) target_semaphore(%arg14 : memref<!tpu.dma_semaphore, #tpu.memory_space<semaphore_mem>>)
        %add3A_106 = arith.addi %mul3A_30, %mul3A_95 : i32
        %dma_start3A_107 = arith.constant 1 : i32
        %dma_start3A_108 = arith.constant 0 : i32
        %dma_start3A_109 = arith.constant 0 : i32
        %dma_start3A_110 = tpu.memref_slice %arg9[%dma_start3A_107, %dma_start3A_108, %dma_start3A_109] : memref<2x128x128xf32, #tpu.memory_space<vmem>> -> memref<1x128x128xf32, #tpu.memory_space<vmem>>
        %dma_start3A_111 = tpu.memref_squeeze %dma_start3A_110 : memref<1x128x128xf32, #tpu.memory_space<vmem>> -> memref<128x128xf32, #tpu.memory_space<vmem>>
        %dma_start3A_112 = arith.constant 0 : i32
        %dma_start3A_113 = tpu.memref_slice %arg3[%add3A_106, %dma_start3A_112] : memref<160000x128xf32, #tpu.memory_space<hbm>> -> memref<128x128xf32, #tpu.memory_space<hbm>>
        %dma_start3A_114 = arith.constant 0 : i32
        %dma_start3A_115 = arith.constant 0 : i32
        %dma_start3A_116 = tpu.memref_slice %arg9[%dma_start3A_107, %dma_start3A_114, %dma_start3A_115] : memref<2x128x128xf32, #tpu.memory_space<vmem>> -> memref<1x128x128xf32, #tpu.memory_space<vmem>>
        %dma_start3A_117 = tpu.memref_squeeze %dma_start3A_116 : memref<1x128x128xf32, #tpu.memory_space<vmem>> -> memref<128x128xf32, #tpu.memory_space<vmem>>
        %dma_start3A_118 = arith.constant 0 : i32
        %dma_start3A_119 = tpu.memref_slice %arg3[%add3A_106, %dma_start3A_118] : memref<160000x128xf32, #tpu.memory_space<hbm>> -> memref<128x128xf32, #tpu.memory_space<hbm>>
        tpu.enqueue_dma source(%dma_start3A_119 : memref<128x128xf32, #tpu.memory_space<hbm>>) target(%dma_start3A_117 : memref<128x128xf32, #tpu.memory_space<vmem>>) target_semaphore(%arg16 : memref<!tpu.dma_semaphore, #tpu.memory_space<semaphore_mem>>)
        %dma_wait3A = arith.constant 0 : i32
        %dma_wait3A_120 = arith.constant 0 : i32
        %dma_wait3A_121 = tpu.memref_slice %arg8[%dma_wait3A, %dma_wait3A_120] : memref<2x128xi32, #tpu.memory_space<vmem>> -> memref<1x128xi32, #tpu.memory_space<vmem>>
        %dma_wait3A_122 = tpu.memref_squeeze %dma_wait3A_121 : memref<1x128xi32, #tpu.memory_space<vmem>> -> memref<128xi32, #tpu.memory_space<vmem>>
        %dma_wait3A_123 = tpu.memref_slice %arg4[%add3A_67] : memref<320000xi32, #tpu.memory_space<hbm>> -> memref<128xi32, #tpu.memory_space<hbm>>
        %dma_wait3A_124 = arith.constant 0 : i32
        %dma_wait3A_125 = tpu.memref_slice %arg8[%dma_wait3A, %dma_wait3A_124] : memref<2x128xi32, #tpu.memory_space<vmem>> -> memref<1x128xi32, #tpu.memory_space<vmem>>
        %dma_wait3A_126 = tpu.memref_squeeze %dma_wait3A_125 : memref<1x128xi32, #tpu.memory_space<vmem>> -> memref<128xi32, #tpu.memory_space<vmem>>
        %dma_wait3A_127 = tpu.memref_slice %arg4[%add3A_67] : memref<320000xi32, #tpu.memory_space<hbm>> -> memref<128xi32, #tpu.memory_space<hbm>>
        tpu.wait_dma2 semaphore(%arg13 : memref<!tpu.dma_semaphore, #tpu.memory_space<semaphore_mem>>) src(%dma_wait3A_127 : memref<128xi32, #tpu.memory_space<hbm>>) dst(%dma_wait3A_126 : memref<128xi32, #tpu.memory_space<vmem>>)
        %dma_wait3A_128 = arith.constant 0 : i32
        %dma_wait3A_129 = arith.constant 0 : i32
        %dma_wait3A_130 = arith.constant 0 : i32
        %dma_wait3A_131 = tpu.memref_slice %arg9[%dma_wait3A_128, %dma_wait3A_129, %dma_wait3A_130] : memref<2x128x128xf32, #tpu.memory_space<vmem>> -> memref<1x128x128xf32, #tpu.memory_space<vmem>>
        %dma_wait3A_132 = tpu.memref_squeeze %dma_wait3A_131 : memref<1x128x128xf32, #tpu.memory_space<vmem>> -> memref<128x128xf32, #tpu.memory_space<vmem>>
        %dma_wait3A_133 = arith.constant 0 : i32
        %dma_wait3A_134 = tpu.memref_slice %arg3[%add3A_76, %dma_wait3A_133] : memref<160000x128xf32, #tpu.memory_space<hbm>> -> memref<128x128xf32, #tpu.memory_space<hbm>>
        %dma_wait3A_135 = arith.constant 0 : i32
        %dma_wait3A_136 = arith.constant 0 : i32
        %dma_wait3A_137 = tpu.memref_slice %arg9[%dma_wait3A_128, %dma_wait3A_135, %dma_wait3A_136] : memref<2x128x128xf32, #tpu.memory_space<vmem>> -> memref<1x128x128xf32, #tpu.memory_space<vmem>>
        %dma_wait3A_138 = tpu.memref_squeeze %dma_wait3A_137 : memref<1x128x128xf32, #tpu.memory_space<vmem>> -> memref<128x128xf32, #tpu.memory_space<vmem>>
        %dma_wait3A_139 = arith.constant 0 : i32
        %dma_wait3A_140 = tpu.memref_slice %arg3[%add3A_76, %dma_wait3A_139] : memref<160000x128xf32, #tpu.memory_space<hbm>> -> memref<128x128xf32, #tpu.memory_space<hbm>>
        tpu.wait_dma2 semaphore(%arg15 : memref<!tpu.dma_semaphore, #tpu.memory_space<semaphore_mem>>) src(%dma_wait3A_140 : memref<128x128xf32, #tpu.memory_space<hbm>>) dst(%dma_wait3A_138 : memref<128x128xf32, #tpu.memory_space<vmem>>)
        %dma_start3A_141 = arith.constant 0 : i32
        %dma_start3A_142 = arith.constant 0 : i32
        %dma_start3A_143 = arith.constant 0 : i32
        %dma_start3A_144 = arith.constant 0 : i32
        %dma_start3A_145 = tpu.memref_slice %arg9[%dma_start3A_141, %dma_start3A_143, %dma_start3A_144] : memref<2x128x128xf32, #tpu.memory_space<vmem>> -> memref<1x128x128xf32, #tpu.memory_space<vmem>>
        %dma_start3A_146 = tpu.memref_squeeze %dma_start3A_145 : memref<1x128x128xf32, #tpu.memory_space<vmem>> -> memref<128x128xf32, #tpu.memory_space<vmem>>
        %dma_start3A_147 = arith.constant 0 : i32
        %dma_start3A_148 = tpu.memref_slice %arg8[%dma_start3A_142, %dma_start3A_147] : memref<2x128xi32, #tpu.memory_space<vmem>> -> memref<1x128xi32, #tpu.memory_space<vmem>>
        %dma_start3A_149 = tpu.memref_squeeze %dma_start3A_148 : memref<1x128xi32, #tpu.memory_space<vmem>> -> memref<128xi32, #tpu.memory_space<vmem>>
        %dma_start3A_150 = arith.constant 0 : i32
        %dma_start3A_151 = arith.constant 0 : i32
        %dma_start3A_152 = tpu.memref_slice %arg7[%dma_start3A_150, %dma_start3A_151] : memref<10000x128xf32, #tpu.memory_space<vmem_shared>> -> memref<10000x128xf32, #tpu.memory_space<vmem_shared>>
        tpu.enqueue_indirect_dma source(%dma_start3A_146 : memref<128x128xf32, #tpu.memory_space<vmem>>) target(%dma_start3A_152 : memref<10000x128xf32, #tpu.memory_space<vmem_shared>>) offsets(%dma_start3A_149 : memref<128xi32, #tpu.memory_space<vmem>>) semaphore(%arg17 : memref<!tpu.dma_semaphore, #tpu.memory_space<semaphore_mem>>) {add = true}
        %dma_wait3A_153 = arith.constant 1 : i32
        %dma_wait3A_154 = arith.constant 0 : i32
        %dma_wait3A_155 = tpu.memref_slice %arg8[%dma_wait3A_153, %dma_wait3A_154] : memref<2x128xi32, #tpu.memory_space<vmem>> -> memref<1x128xi32, #tpu.memory_space<vmem>>
        %dma_wait3A_156 = tpu.memref_squeeze %dma_wait3A_155 : memref<1x128xi32, #tpu.memory_space<vmem>> -> memref<128xi32, #tpu.memory_space<vmem>>
        %dma_wait3A_157 = tpu.memref_slice %arg4[%add3A_96] : memref<320000xi32, #tpu.memory_space<hbm>> -> memref<128xi32, #tpu.memory_space<hbm>>
        %dma_wait3A_158 = arith.constant 0 : i32
        %dma_wait3A_159 = tpu.memref_slice %arg8[%dma_wait3A_153, %dma_wait3A_158] : memref<2x128xi32, #tpu.memory_space<vmem>> -> memref<1x128xi32, #tpu.memory_space<vmem>>
        %dma_wait3A_160 = tpu.memref_squeeze %dma_wait3A_159 : memref<1x128xi32, #tpu.memory_space<vmem>> -> memref<128xi32, #tpu.memory_space<vmem>>
        %dma_wait3A_161 = tpu.memref_slice %arg4[%add3A_96] : memref<320000xi32, #tpu.memory_space<hbm>> -> memref<128xi32, #tpu.memory_space<hbm>>
        tpu.wait_dma2 semaphore(%arg14 : memref<!tpu.dma_semaphore, #tpu.memory_space<semaphore_mem>>) src(%dma_wait3A_161 : memref<128xi32, #tpu.memory_space<hbm>>) dst(%dma_wait3A_160 : memref<128xi32, #tpu.memory_space<vmem>>)
        %dma_wait3A_162 = arith.constant 1 : i32
        %dma_wait3A_163 = arith.constant 0 : i32
        %dma_wait3A_164 = arith.constant 0 : i32
        %dma_wait3A_165 = tpu.memref_slice %arg9[%dma_wait3A_162, %dma_wait3A_163, %dma_wait3A_164] : memref<2x128x128xf32, #tpu.memory_space<vmem>> -> memref<1x128x128xf32, #tpu.memory_space<vmem>>
        %dma_wait3A_166 = tpu.memref_squeeze %dma_wait3A_165 : memref<1x128x128xf32, #tpu.memory_space<vmem>> -> memref<128x128xf32, #tpu.memory_space<vmem>>
        %dma_wait3A_167 = arith.constant 0 : i32
        %dma_wait3A_168 = tpu.memref_slice %arg3[%add3A_106, %dma_wait3A_167] : memref<160000x128xf32, #tpu.memory_space<hbm>> -> memref<128x128xf32, #tpu.memory_space<hbm>>
        %dma_wait3A_169 = arith.constant 0 : i32
        %dma_wait3A_170 = arith.constant 0 : i32
        %dma_wait3A_171 = tpu.memref_slice %arg9[%dma_wait3A_162, %dma_wait3A_169, %dma_wait3A_170] : memref<2x128x128xf32, #tpu.memory_space<vmem>> -> memref<1x128x128xf32, #tpu.memory_space<vmem>>
        %dma_wait3A_172 = tpu.memref_squeeze %dma_wait3A_171 : memref<1x128x128xf32, #tpu.memory_space<vmem>> -> memref<128x128xf32, #tpu.memory_space<vmem>>
        %dma_wait3A_173 = arith.constant 0 : i32
        %dma_wait3A_174 = tpu.memref_slice %arg3[%add3A_106, %dma_wait3A_173] : memref<160000x128xf32, #tpu.memory_space<hbm>> -> memref<128x128xf32, #tpu.memory_space<hbm>>
        tpu.wait_dma2 semaphore(%arg16 : memref<!tpu.dma_semaphore, #tpu.memory_space<semaphore_mem>>) src(%dma_wait3A_174 : memref<128x128xf32, #tpu.memory_space<hbm>>) dst(%dma_wait3A_172 : memref<128x128xf32, #tpu.memory_space<vmem>>)
        %dma_start3A_175 = arith.constant 1 : i32
        %dma_start3A_176 = arith.constant 1 : i32
        %dma_start3A_177 = arith.constant 0 : i32
        %dma_start3A_178 = arith.constant 0 : i32
        %dma_start3A_179 = tpu.memref_slice %arg9[%dma_start3A_175, %dma_start3A_177, %dma_start3A_178] : memref<2x128x128xf32, #tpu.memory_space<vmem>> -> memref<1x128x128xf32, #tpu.memory_space<vmem>>
        %dma_start3A_180 = tpu.memref_squeeze %dma_start3A_179 : memref<1x128x128xf32, #tpu.memory_space<vmem>> -> memref<128x128xf32, #tpu.memory_space<vmem>>
        %dma_start3A_181 = arith.constant 0 : i32
        %dma_start3A_182 = tpu.memref_slice %arg8[%dma_start3A_176, %dma_start3A_181] : memref<2x128xi32, #tpu.memory_space<vmem>> -> memref<1x128xi32, #tpu.memory_space<vmem>>
        %dma_start3A_183 = tpu.memref_squeeze %dma_start3A_182 : memref<1x128xi32, #tpu.memory_space<vmem>> -> memref<128xi32, #tpu.memory_space<vmem>>
        %dma_start3A_184 = arith.constant 0 : i32
        %dma_start3A_185 = arith.constant 0 : i32
        %dma_start3A_186 = tpu.memref_slice %arg7[%dma_start3A_184, %dma_start3A_185] : memref<10000x128xf32, #tpu.memory_space<vmem_shared>> -> memref<10000x128xf32, #tpu.memory_space<vmem_shared>>
        tpu.enqueue_indirect_dma source(%dma_start3A_180 : memref<128x128xf32, #tpu.memory_space<vmem>>) target(%dma_start3A_186 : memref<10000x128xf32, #tpu.memory_space<vmem_shared>>) offsets(%dma_start3A_183 : memref<128xi32, #tpu.memory_space<vmem>>) semaphore(%arg18 : memref<!tpu.dma_semaphore, #tpu.memory_space<semaphore_mem>>) {add = true}
        %dma_wait3A_187 = arith.constant 0 : i32
        %dma_wait3A_188 = arith.constant 0 : i32
        %dma_wait3A_189 = arith.constant 0 : i32
        %dma_wait3A_190 = arith.constant 0 : i32
        %dma_wait3A_191 = tpu.memref_slice %arg9[%dma_wait3A_187, %dma_wait3A_189, %dma_wait3A_190] : memref<2x128x128xf32, #tpu.memory_space<vmem>> -> memref<1x128x128xf32, #tpu.memory_space<vmem>>
        %dma_wait3A_192 = tpu.memref_squeeze %dma_wait3A_191 : memref<1x128x128xf32, #tpu.memory_space<vmem>> -> memref<128x128xf32, #tpu.memory_space<vmem>>
        %dma_wait3A_193 = arith.constant 0 : i32
        %dma_wait3A_194 = tpu.memref_slice %arg8[%dma_wait3A_188, %dma_wait3A_193] : memref<2x128xi32, #tpu.memory_space<vmem>> -> memref<1x128xi32, #tpu.memory_space<vmem>>
        %dma_wait3A_195 = tpu.memref_squeeze %dma_wait3A_194 : memref<1x128xi32, #tpu.memory_space<vmem>> -> memref<128xi32, #tpu.memory_space<vmem>>
        %dma_wait3A_196 = arith.constant 0 : i32
        %dma_wait3A_197 = arith.constant 0 : i32
        %dma_wait3A_198 = tpu.memref_slice %arg7[%dma_wait3A_196, %dma_wait3A_197] : memref<10000x128xf32, #tpu.memory_space<vmem_shared>> -> memref<10000x128xf32, #tpu.memory_space<vmem_shared>>
        tpu.wait_indirect_dma semaphore(%arg17 : memref<!tpu.dma_semaphore, #tpu.memory_space<semaphore_mem>>) src(%dma_wait3A_192 : memref<128x128xf32, #tpu.memory_space<vmem>>) dst(%dma_wait3A_198 : memref<10000x128xf32, #tpu.memory_space<vmem_shared>>)
        %dma_wait3A_199 = arith.constant 1 : i32
        %dma_wait3A_200 = arith.constant 1 : i32
        %dma_wait3A_201 = arith.constant 0 : i32
        %dma_wait3A_202 = arith.constant 0 : i32
        %dma_wait3A_203 = tpu.memref_slice %arg9[%dma_wait3A_199, %dma_wait3A_201, %dma_wait3A_202] : memref<2x128x128xf32, #tpu.memory_space<vmem>> -> memref<1x128x128xf32, #tpu.memory_space<vmem>>
        %dma_wait3A_204 = tpu.memref_squeeze %dma_wait3A_203 : memref<1x128x128xf32, #tpu.memory_space<vmem>> -> memref<128x128xf32, #tpu.memory_space<vmem>>
        %dma_wait3A_205 = arith.constant 0 : i32
        %dma_wait3A_206 = tpu.memref_slice %arg8[%dma_wait3A_200, %dma_wait3A_205] : memref<2x128xi32, #tpu.memory_space<vmem>> -> memref<1x128xi32, #tpu.memory_space<vmem>>
        %dma_wait3A_207 = tpu.memref_squeeze %dma_wait3A_206 : memref<1x128xi32, #tpu.memory_space<vmem>> -> memref<128xi32, #tpu.memory_space<vmem>>
        %dma_wait3A_208 = arith.constant 0 : i32
        %dma_wait3A_209 = arith.constant 0 : i32
        %dma_wait3A_210 = tpu.memref_slice %arg7[%dma_wait3A_208, %dma_wait3A_209] : memref<10000x128xf32, #tpu.memory_space<vmem_shared>> -> memref<10000x128xf32, #tpu.memory_space<vmem_shared>>
        tpu.wait_indirect_dma semaphore(%arg18 : memref<!tpu.dma_semaphore, #tpu.memory_space<semaphore_mem>>) src(%dma_wait3A_204 : memref<128x128xf32, #tpu.memory_space<vmem>>) dst(%dma_wait3A_210 : memref<10000x128xf32, #tpu.memory_space<vmem_shared>>)
      }
      %scan3A_55 = arith.constant 39 : i32
      %add3A_56 = arith.constant 9984 : i32
      %add3A_57 = arith.addi %add3A_32, %add3A_56 : i32
      "tpu.region"() ({
        %run_scoped3A = tpu.sem_alloc : memref<!tpu.dma_semaphore, #tpu.memory_space<semaphore_mem>>
        %dma_start3A = tpu.memref_slice %arg4[%add3A_57] : memref<320000xi32, #tpu.memory_space<hbm>> -> memref<16xi32, #tpu.memory_space<hbm>>
        %dma_start3A_60 = tpu.memref_slice %arg4[%add3A_57] : memref<320000xi32, #tpu.memory_space<hbm>> -> memref<16xi32, #tpu.memory_space<hbm>>
        tpu.enqueue_dma source(%dma_start3A_60 : memref<16xi32, #tpu.memory_space<hbm>>) target(%arg10 : memref<16xi32, #tpu.memory_space<vmem>>) target_semaphore(%run_scoped3A : memref<!tpu.dma_semaphore, #tpu.memory_space<semaphore_mem>>)
        %dma_wait3A = tpu.memref_slice %arg4[%add3A_57] : memref<320000xi32, #tpu.memory_space<hbm>> -> memref<16xi32, #tpu.memory_space<hbm>>
        %dma_wait3A_61 = tpu.memref_slice %arg4[%add3A_57] : memref<320000xi32, #tpu.memory_space<hbm>> -> memref<16xi32, #tpu.memory_space<hbm>>
        tpu.wait_dma2 semaphore(%run_scoped3A : memref<!tpu.dma_semaphore, #tpu.memory_space<semaphore_mem>>) src(%dma_wait3A_61 : memref<16xi32, #tpu.memory_space<hbm>>) dst(%arg10 : memref<16xi32, #tpu.memory_space<vmem>>)
        tpu.yield
      }) : () -> ()
      %add3A_58 = arith.constant 9984 : i32
      %add3A_59 = arith.addi %mul3A_30, %add3A_58 : i32
      "tpu.region"() ({
        %run_scoped3A = tpu.sem_alloc : memref<!tpu.dma_semaphore, #tpu.memory_space<semaphore_mem>>
        %dma_start3A = arith.constant 0 : i32
        %dma_start3A_60 = tpu.memref_slice %arg3[%add3A_59, %dma_start3A] : memref<160000x128xf32, #tpu.memory_space<hbm>> -> memref<16x128xf32, #tpu.memory_space<hbm>>
        %dma_start3A_61 = arith.constant 0 : i32
        %dma_start3A_62 = tpu.memref_slice %arg3[%add3A_59, %dma_start3A_61] : memref<160000x128xf32, #tpu.memory_space<hbm>> -> memref<16x128xf32, #tpu.memory_space<hbm>>
        tpu.enqueue_dma source(%dma_start3A_62 : memref<16x128xf32, #tpu.memory_space<hbm>>) target(%arg11 : memref<16x128xf32, #tpu.memory_space<vmem>>) target_semaphore(%run_scoped3A : memref<!tpu.dma_semaphore, #tpu.memory_space<semaphore_mem>>)
        %dma_wait3A = arith.constant 0 : i32
        %dma_wait3A_63 = tpu.memref_slice %arg3[%add3A_59, %dma_wait3A] : memref<160000x128xf32, #tpu.memory_space<hbm>> -> memref<16x128xf32, #tpu.memory_space<hbm>>
        %dma_wait3A_64 = arith.constant 0 : i32
        %dma_wait3A_65 = tpu.memref_slice %arg3[%add3A_59, %dma_wait3A_64] : memref<160000x128xf32, #tpu.memory_space<hbm>> -> memref<16x128xf32, #tpu.memory_space<hbm>>
        tpu.wait_dma2 semaphore(%run_scoped3A : memref<!tpu.dma_semaphore, #tpu.memory_space<semaphore_mem>>) src(%dma_wait3A_65 : memref<16x128xf32, #tpu.memory_space<hbm>>) dst(%arg11 : memref<16x128xf32, #tpu.memory_space<vmem>>)
        tpu.yield
      }) : () -> ()
      "tpu.region"() ({
        %run_scoped3A = tpu.sem_alloc : memref<!tpu.dma_semaphore, #tpu.memory_space<semaphore_mem>>
        %dma_start3A = arith.constant 0 : i32
        %dma_start3A_60 = arith.constant 0 : i32
        %dma_start3A_61 = tpu.memref_slice %arg7[%dma_start3A, %dma_start3A_60] : memref<10000x128xf32, #tpu.memory_space<vmem_shared>> -> memref<10000x128xf32, #tpu.memory_space<vmem_shared>>
        tpu.enqueue_indirect_dma source(%arg11 : memref<16x128xf32, #tpu.memory_space<vmem>>) target(%dma_start3A_61 : memref<10000x128xf32, #tpu.memory_space<vmem_shared>>) offsets(%arg10 : memref<16xi32, #tpu.memory_space<vmem>>) semaphore(%run_scoped3A : memref<!tpu.dma_semaphore, #tpu.memory_space<semaphore_mem>>) {add = true}
        %dma_wait3A = arith.constant 0 : i32
        %dma_wait3A_62 = arith.constant 0 : i32
        %dma_wait3A_63 = tpu.memref_slice %arg7[%dma_wait3A, %dma_wait3A_62] : memref<10000x128xf32, #tpu.memory_space<vmem_shared>> -> memref<10000x128xf32, #tpu.memory_space<vmem_shared>>
        tpu.wait_indirect_dma semaphore(%run_scoped3A : memref<!tpu.dma_semaphore, #tpu.memory_space<semaphore_mem>>) src(%arg11 : memref<16x128xf32, #tpu.memory_space<vmem>>) dst(%dma_wait3A_63 : memref<10000x128xf32, #tpu.memory_space<vmem_shared>>)
        tpu.yield
      }) : () -> ()
    } else {
    }
    %barrier3A_40 = arith.constant 0 : index
    tpu.barrier barrier_id(%barrier3A_40)
    %while3A_41 = arith.constant 0 : i32
    %while3A_42 = arith.constant 0 : i32
    %while3A_43 = arith.subi %select_n3A, %while3A_42 : i32
    %while3A_44 = arith.addi %while3A_42, %while3A_43 : i32
    %while3A_45 = arith.constant 1 : i32
    %while3A_46 = arith.divsi %while3A_43, %while3A_45 : i32
    %while3A_47 = arith.muli %while3A_46, %while3A_45 : i32
    %while3A_48 = arith.addi %while3A_42, %while3A_47 : i32
    %while3A_49 = arith.constant 1 : i32
    scf.for %while3A_51 = %while3A_42 to %while3A_48 step %while3A_49  : i32 {
      %mul3A_52 = arith.constant 16 : i32
      %mul3A_53 = arith.muli %while3A_51, %mul3A_52 : i32
      %add3A_54 = arith.addi %arg1, %mul3A_53 : i32
      %mul3A_55 = arith.constant 80 : i32
      %mul3A_56 = arith.muli %add3A_54, %mul3A_55 : i32
      "tpu.region"() ({
        %run_scoped3A = tpu.sem_alloc : memref<!tpu.dma_semaphore, #tpu.memory_space<semaphore_mem>>
        %dma_start3A = arith.constant 0 : i32
        %dma_start3A_57 = tpu.memref_slice %arg7[%mul3A_56, %dma_start3A] : memref<10000x128xf32, #tpu.memory_space<vmem_shared>> -> memref<80x128xf32, #tpu.memory_space<vmem_shared>>
        %dma_start3A_58 = arith.constant 0 : i32
        %dma_start3A_59 = tpu.memref_slice %arg7[%mul3A_56, %dma_start3A_58] : memref<10000x128xf32, #tpu.memory_space<vmem_shared>> -> memref<80x128xf32, #tpu.memory_space<vmem_shared>>
        tpu.enqueue_dma source(%dma_start3A_59 : memref<80x128xf32, #tpu.memory_space<vmem_shared>>) target(%arg12 : memref<80x128xf32, #tpu.memory_space<vmem>>) target_semaphore(%run_scoped3A : memref<!tpu.dma_semaphore, #tpu.memory_space<semaphore_mem>>)
        %dma_wait3A = arith.constant 0 : i32
        %dma_wait3A_60 = tpu.memref_slice %arg7[%mul3A_56, %dma_wait3A] : memref<10000x128xf32, #tpu.memory_space<vmem_shared>> -> memref<80x128xf32, #tpu.memory_space<vmem_shared>>
        %dma_wait3A_61 = arith.constant 0 : i32
        %dma_wait3A_62 = tpu.memref_slice %arg7[%mul3A_56, %dma_wait3A_61] : memref<10000x128xf32, #tpu.memory_space<vmem_shared>> -> memref<80x128xf32, #tpu.memory_space<vmem_shared>>
        tpu.wait_dma2 semaphore(%run_scoped3A : memref<!tpu.dma_semaphore, #tpu.memory_space<semaphore_mem>>) src(%dma_wait3A_62 : memref<80x128xf32, #tpu.memory_space<vmem_shared>>) dst(%arg12 : memref<80x128xf32, #tpu.memory_space<vmem>>)
        tpu.yield
      }) : () -> ()
      "tpu.region"() ({
        %run_scoped3A = tpu.sem_alloc : memref<!tpu.dma_semaphore, #tpu.memory_space<semaphore_mem>>
        %dma_start3A = arith.constant 0 : i32
        %dma_start3A_57 = tpu.memref_slice %arg6[%arg0, %mul3A_56, %dma_start3A] : memref<2x10000x128xf32, #tpu.memory_space<hbm>> -> memref<1x80x128xf32, #tpu.memory_space<hbm>>
        %dma_start3A_58 = tpu.memref_squeeze %dma_start3A_57 : memref<1x80x128xf32, #tpu.memory_space<hbm>> -> memref<80x128xf32, #tpu.memory_space<hbm>>
        %dma_start3A_59 = arith.constant 0 : i32
        %dma_start3A_60 = tpu.memref_slice %arg6[%arg0, %mul3A_56, %dma_start3A_59] : memref<2x10000x128xf32, #tpu.memory_space<hbm>> -> memref<1x80x128xf32, #tpu.memory_space<hbm>>
        %dma_start3A_61 = tpu.memref_squeeze %dma_start3A_60 : memref<1x80x128xf32, #tpu.memory_space<hbm>> -> memref<80x128xf32, #tpu.memory_space<hbm>>
        tpu.enqueue_dma source(%arg12 : memref<80x128xf32, #tpu.memory_space<vmem>>) target(%dma_start3A_61 : memref<80x128xf32, #tpu.memory_space<hbm>>) target_semaphore(%run_scoped3A : memref<!tpu.dma_semaphore, #tpu.memory_space<semaphore_mem>>)
        %dma_wait3A = arith.constant 0 : i32
        %dma_wait3A_62 = tpu.memref_slice %arg6[%arg0, %mul3A_56, %dma_wait3A] : memref<2x10000x128xf32, #tpu.memory_space<hbm>> -> memref<1x80x128xf32, #tpu.memory_space<hbm>>
        %dma_wait3A_63 = tpu.memref_squeeze %dma_wait3A_62 : memref<1x80x128xf32, #tpu.memory_space<hbm>> -> memref<80x128xf32, #tpu.memory_space<hbm>>
        %dma_wait3A_64 = arith.constant 0 : i32
        %dma_wait3A_65 = tpu.memref_slice %arg6[%arg0, %mul3A_56, %dma_wait3A_64] : memref<2x10000x128xf32, #tpu.memory_space<hbm>> -> memref<1x80x128xf32, #tpu.memory_space<hbm>>
        %dma_wait3A_66 = tpu.memref_squeeze %dma_wait3A_65 : memref<1x80x128xf32, #tpu.memory_space<hbm>> -> memref<80x128xf32, #tpu.memory_space<hbm>>
        tpu.wait_dma2 semaphore(%run_scoped3A : memref<!tpu.dma_semaphore, #tpu.memory_space<semaphore_mem>>) src(%arg12 : memref<80x128xf32, #tpu.memory_space<vmem>>) dst(%dma_wait3A_66 : memref<80x128xf32, #tpu.memory_space<hbm>>)
        tpu.yield
      }) : () -> ()
    }
    %while3A_50 = arith.constant 1 : i32
    scf.for %while3A_51 = %while3A_48 to %while3A_44 step %while3A_50  : i32 {
      %mul3A_52 = arith.constant 16 : i32
      %mul3A_53 = arith.muli %while3A_51, %mul3A_52 : i32
      %add3A_54 = arith.addi %arg1, %mul3A_53 : i32
      %mul3A_55 = arith.constant 80 : i32
      %mul3A_56 = arith.muli %add3A_54, %mul3A_55 : i32
      "tpu.region"() ({
        %run_scoped3A = tpu.sem_alloc : memref<!tpu.dma_semaphore, #tpu.memory_space<semaphore_mem>>
        %dma_start3A = arith.constant 0 : i32
        %dma_start3A_57 = tpu.memref_slice %arg7[%mul3A_56, %dma_start3A] : memref<10000x128xf32, #tpu.memory_space<vmem_shared>> -> memref<80x128xf32, #tpu.memory_space<vmem_shared>>
        %dma_start3A_58 = arith.constant 0 : i32
        %dma_start3A_59 = tpu.memref_slice %arg7[%mul3A_56, %dma_start3A_58] : memref<10000x128xf32, #tpu.memory_space<vmem_shared>> -> memref<80x128xf32, #tpu.memory_space<vmem_shared>>
        tpu.enqueue_dma source(%dma_start3A_59 : memref<80x128xf32, #tpu.memory_space<vmem_shared>>) target(%arg12 : memref<80x128xf32, #tpu.memory_space<vmem>>) target_semaphore(%run_scoped3A : memref<!tpu.dma_semaphore, #tpu.memory_space<semaphore_mem>>)
        %dma_wait3A = arith.constant 0 : i32
        %dma_wait3A_60 = tpu.memref_slice %arg7[%mul3A_56, %dma_wait3A] : memref<10000x128xf32, #tpu.memory_space<vmem_shared>> -> memref<80x128xf32, #tpu.memory_space<vmem_shared>>
        %dma_wait3A_61 = arith.constant 0 : i32
        %dma_wait3A_62 = tpu.memref_slice %arg7[%mul3A_56, %dma_wait3A_61] : memref<10000x128xf32, #tpu.memory_space<vmem_shared>> -> memref<80x128xf32, #tpu.memory_space<vmem_shared>>
        tpu.wait_dma2 semaphore(%run_scoped3A : memref<!tpu.dma_semaphore, #tpu.memory_space<semaphore_mem>>) src(%dma_wait3A_62 : memref<80x128xf32, #tpu.memory_space<vmem_shared>>) dst(%arg12 : memref<80x128xf32, #tpu.memory_space<vmem>>)
        tpu.yield
      }) : () -> ()
      "tpu.region"() ({
        %run_scoped3A = tpu.sem_alloc : memref<!tpu.dma_semaphore, #tpu.memory_space<semaphore_mem>>
        %dma_start3A = arith.constant 0 : i32
        %dma_start3A_57 = tpu.memref_slice %arg6[%arg0, %mul3A_56, %dma_start3A] : memref<2x10000x128xf32, #tpu.memory_space<hbm>> -> memref<1x80x128xf32, #tpu.memory_space<hbm>>
        %dma_start3A_58 = tpu.memref_squeeze %dma_start3A_57 : memref<1x80x128xf32, #tpu.memory_space<hbm>> -> memref<80x128xf32, #tpu.memory_space<hbm>>
        %dma_start3A_59 = arith.constant 0 : i32
        %dma_start3A_60 = tpu.memref_slice %arg6[%arg0, %mul3A_56, %dma_start3A_59] : memref<2x10000x128xf32, #tpu.memory_space<hbm>> -> memref<1x80x128xf32, #tpu.memory_space<hbm>>
        %dma_start3A_61 = tpu.memref_squeeze %dma_start3A_60 : memref<1x80x128xf32, #tpu.memory_space<hbm>> -> memref<80x128xf32, #tpu.memory_space<hbm>>
        tpu.enqueue_dma source(%arg12 : memref<80x128xf32, #tpu.memory_space<vmem>>) target(%dma_start3A_61 : memref<80x128xf32, #tpu.memory_space<hbm>>) target_semaphore(%run_scoped3A : memref<!tpu.dma_semaphore, #tpu.memory_space<semaphore_mem>>)
        %dma_wait3A = arith.constant 0 : i32
        %dma_wait3A_62 = tpu.memref_slice %arg6[%arg0, %mul3A_56, %dma_wait3A] : memref<2x10000x128xf32, #tpu.memory_space<hbm>> -> memref<1x80x128xf32, #tpu.memory_space<hbm>>
        %dma_wait3A_63 = tpu.memref_squeeze %dma_wait3A_62 : memref<1x80x128xf32, #tpu.memory_space<hbm>> -> memref<80x128xf32, #tpu.memory_space<hbm>>
        %dma_wait3A_64 = arith.constant 0 : i32
        %dma_wait3A_65 = tpu.memref_slice %arg6[%arg0, %mul3A_56, %dma_wait3A_64] : memref<2x10000x128xf32, #tpu.memory_space<hbm>> -> memref<1x80x128xf32, #tpu.memory_space<hbm>>
        %dma_wait3A_66 = tpu.memref_squeeze %dma_wait3A_65 : memref<1x80x128xf32, #tpu.memory_space<hbm>> -> memref<80x128xf32, #tpu.memory_space<hbm>>
        tpu.wait_dma2 semaphore(%run_scoped3A : memref<!tpu.dma_semaphore, #tpu.memory_space<semaphore_mem>>) src(%arg12 : memref<80x128xf32, #tpu.memory_space<vmem>>) dst(%dma_wait3A_66 : memref<80x128xf32, #tpu.memory_space<hbm>>)
        tpu.yield
      }) : () -> ()
    }
    return
  }
}

#map = affine_map<(d0, d1) -> (0, 0)>
#map1 = affine_map<(d0, d1) -> (0)>
module attributes {stable_mosaic.version = 14 : i64} {
  func.func @body(%arg0: i32, %arg1: i32, %arg2: memref<10000x128xf32, #tpu.memory_space<hbm>>, %arg3: memref<10000x128xf32, #tpu.memory_space<hbm>>, %arg4: memref<320000xi32, #tpu.memory_space<hbm>>, %arg5: memref<320000xi32, #tpu.memory_space<hbm>>, %arg6: memref<160000x128xf32, #tpu.memory_space<hbm>>, %arg7: memref<160000x128xf32, #tpu.memory_space<hbm>>, %arg8: memref<5000xi32, #tpu.memory_space<vmem>>, %arg9: memref<5000xi32, #tpu.memory_space<vmem>>, %arg10: memref<3x128x128xf32, #tpu.memory_space<vmem>>, %arg11: memref<3x128x128xf32, #tpu.memory_space<vmem>>, %arg12: memref<!tpu.dma_semaphore, #tpu.memory_space<semaphore_mem>>, %arg13: memref<!tpu.dma_semaphore, #tpu.memory_space<semaphore_mem>>, %arg14: memref<!tpu.dma_semaphore, #tpu.memory_space<semaphore_mem>>, %arg15: memref<!tpu.dma_semaphore, #tpu.memory_space<semaphore_mem>>, %arg16: memref<!tpu.dma_semaphore, #tpu.memory_space<semaphore_mem>>, %arg17: memref<!tpu.dma_semaphore, #tpu.memory_space<semaphore_mem>>, %arg18: memref<!tpu.dma_semaphore, #tpu.memory_space<semaphore_mem>>, %arg19: memref<!tpu.dma_semaphore, #tpu.memory_space<semaphore_mem>>, %arg20: memref<!tpu.dma_semaphore, #tpu.memory_space<semaphore_mem>>, %arg21: memref<!tpu.dma_semaphore, #tpu.memory_space<semaphore_mem>>, %arg22: memref<!tpu.dma_semaphore, #tpu.memory_space<semaphore_mem>>, %arg23: memref<!tpu.dma_semaphore, #tpu.memory_space<semaphore_mem>>) attributes {dimension_semantics = [#tpu.dimension_semantics<core_parallel>, #tpu.dimension_semantics<subcore_parallel>], iteration_bounds = array<i64: 2, 16>, scalar_prefetch = 0 : i64, scratch_operands = 16 : i64, tpu.core_type = #tpu.core_type<sc_vector_subcore>, window_params = [{transform_indices = #map}, {transform_indices = #map}, {transform_indices = #map1}, {transform_indices = #map1}, {transform_indices = #map}, {transform_indices = #map}]} {
    %mul3A = arith.constant 16 : i32
    %mul3A_0 = arith.muli %arg0, %mul3A : i32
    %add3A = arith.addi %mul3A_0, %arg1 : i32
    %mul3A_1 = arith.constant 5000 : i32
    %mul3A_2 = arith.muli %add3A, %mul3A_1 : i32
    %add3A_3 = arith.constant 160000 : i32
    %add3A_4 = arith.addi %add3A_3, %mul3A_2 : i32
    "tpu.region"() ({
      %run_scoped3A_51 = tpu.sem_alloc : memref<!tpu.dma_semaphore, #tpu.memory_space<semaphore_mem>>
      %dma_start3A_52 = tpu.memref_slice %arg4[%add3A_4] : memref<320000xi32, #tpu.memory_space<hbm>> -> memref<5000xi32, #tpu.memory_space<hbm>>
      %dma_start3A_53 = tpu.memref_slice %arg4[%add3A_4] : memref<320000xi32, #tpu.memory_space<hbm>> -> memref<5000xi32, #tpu.memory_space<hbm>>
      tpu.enqueue_dma source(%dma_start3A_53 : memref<5000xi32, #tpu.memory_space<hbm>>) target(%arg8 : memref<5000xi32, #tpu.memory_space<vmem>>) target_semaphore(%run_scoped3A_51 : memref<!tpu.dma_semaphore, #tpu.memory_space<semaphore_mem>>)
      %dma_wait3A_54 = tpu.memref_slice %arg4[%add3A_4] : memref<320000xi32, #tpu.memory_space<hbm>> -> memref<5000xi32, #tpu.memory_space<hbm>>
      %dma_wait3A_55 = tpu.memref_slice %arg4[%add3A_4] : memref<320000xi32, #tpu.memory_space<hbm>> -> memref<5000xi32, #tpu.memory_space<hbm>>
      tpu.wait_dma2 semaphore(%run_scoped3A_51 : memref<!tpu.dma_semaphore, #tpu.memory_space<semaphore_mem>>) src(%dma_wait3A_55 : memref<5000xi32, #tpu.memory_space<hbm>>) dst(%arg8 : memref<5000xi32, #tpu.memory_space<vmem>>)
      tpu.yield
    }) : () -> ()
    "tpu.region"() ({
      %run_scoped3A_51 = tpu.sem_alloc : memref<!tpu.dma_semaphore, #tpu.memory_space<semaphore_mem>>
      %dma_start3A_52 = tpu.memref_slice %arg5[%add3A_4] : memref<320000xi32, #tpu.memory_space<hbm>> -> memref<5000xi32, #tpu.memory_space<hbm>>
      %dma_start3A_53 = tpu.memref_slice %arg5[%add3A_4] : memref<320000xi32, #tpu.memory_space<hbm>> -> memref<5000xi32, #tpu.memory_space<hbm>>
      tpu.enqueue_dma source(%dma_start3A_53 : memref<5000xi32, #tpu.memory_space<hbm>>) target(%arg9 : memref<5000xi32, #tpu.memory_space<vmem>>) target_semaphore(%run_scoped3A_51 : memref<!tpu.dma_semaphore, #tpu.memory_space<semaphore_mem>>)
      %dma_wait3A_54 = tpu.memref_slice %arg5[%add3A_4] : memref<320000xi32, #tpu.memory_space<hbm>> -> memref<5000xi32, #tpu.memory_space<hbm>>
      %dma_wait3A_55 = tpu.memref_slice %arg5[%add3A_4] : memref<320000xi32, #tpu.memory_space<hbm>> -> memref<5000xi32, #tpu.memory_space<hbm>>
      tpu.wait_dma2 semaphore(%run_scoped3A_51 : memref<!tpu.dma_semaphore, #tpu.memory_space<semaphore_mem>>) src(%dma_wait3A_55 : memref<5000xi32, #tpu.memory_space<hbm>>) dst(%arg9 : memref<5000xi32, #tpu.memory_space<vmem>>)
      tpu.yield
    }) : () -> ()
    %scan3A = arith.constant 0 : i32
    %scan3A_5 = arith.constant 0 : i32
    %scan3A_6 = arith.constant 13 : i32
    %scan3A_7 = arith.addi %scan3A_5, %scan3A_6 : i32
    %scan3A_8 = arith.constant 1 : i32
    scf.for %scan3A_51 = %scan3A_5 to %scan3A_7 step %scan3A_8  : i32 {
      %mul3A_52 = arith.constant 3 : i32
      %mul3A_53 = arith.muli %mul3A_52, %scan3A_51 : i32
      %add3A_54 = arith.constant 0 : i32
      %add3A_55 = arith.addi %mul3A_53, %add3A_54 : i32
      %mul3A_56 = arith.constant 128 : i32
      %mul3A_57 = arith.muli %add3A_55, %mul3A_56 : i32
      %dma_start3A_58 = arith.constant 0 : i32
      %dma_start3A_59 = arith.constant 0 : i32
      %dma_start3A_60 = arith.constant 0 : i32
      %dma_start3A_61 = tpu.memref_slice %arg10[%dma_start3A_58, %dma_start3A_59, %dma_start3A_60] : memref<3x128x128xf32, #tpu.memory_space<vmem>> -> memref<1x128x128xf32, #tpu.memory_space<vmem>>
      %dma_start3A_62 = tpu.memref_squeeze %dma_start3A_61 : memref<1x128x128xf32, #tpu.memory_space<vmem>> -> memref<128x128xf32, #tpu.memory_space<vmem>>
      %dma_start3A_63 = tpu.memref_slice %arg8[%mul3A_57] : memref<5000xi32, #tpu.memory_space<vmem>> -> memref<128xi32, #tpu.memory_space<vmem>>
      %dma_start3A_64 = arith.constant 0 : i32
      %dma_start3A_65 = arith.constant 0 : i32
      %dma_start3A_66 = tpu.memref_slice %arg2[%dma_start3A_64, %dma_start3A_65] : memref<10000x128xf32, #tpu.memory_space<hbm>> -> memref<10000x128xf32, #tpu.memory_space<hbm>>
      tpu.enqueue_indirect_dma source(%dma_start3A_66 : memref<10000x128xf32, #tpu.memory_space<hbm>>) target(%dma_start3A_62 : memref<128x128xf32, #tpu.memory_space<vmem>>) offsets(%dma_start3A_63 : memref<128xi32, #tpu.memory_space<vmem>>) semaphore(%arg12 : memref<!tpu.dma_semaphore, #tpu.memory_space<semaphore_mem>>)
      %dma_start3A_67 = arith.constant 0 : i32
      %dma_start3A_68 = arith.constant 0 : i32
      %dma_start3A_69 = arith.constant 0 : i32
      %dma_start3A_70 = tpu.memref_slice %arg11[%dma_start3A_67, %dma_start3A_68, %dma_start3A_69] : memref<3x128x128xf32, #tpu.memory_space<vmem>> -> memref<1x128x128xf32, #tpu.memory_space<vmem>>
      %dma_start3A_71 = tpu.memref_squeeze %dma_start3A_70 : memref<1x128x128xf32, #tpu.memory_space<vmem>> -> memref<128x128xf32, #tpu.memory_space<vmem>>
      %dma_start3A_72 = tpu.memref_slice %arg9[%mul3A_57] : memref<5000xi32, #tpu.memory_space<vmem>> -> memref<128xi32, #tpu.memory_space<vmem>>
      %dma_start3A_73 = arith.constant 0 : i32
      %dma_start3A_74 = arith.constant 0 : i32
      %dma_start3A_75 = tpu.memref_slice %arg3[%dma_start3A_73, %dma_start3A_74] : memref<10000x128xf32, #tpu.memory_space<hbm>> -> memref<10000x128xf32, #tpu.memory_space<hbm>>
      tpu.enqueue_indirect_dma source(%dma_start3A_75 : memref<10000x128xf32, #tpu.memory_space<hbm>>) target(%dma_start3A_71 : memref<128x128xf32, #tpu.memory_space<vmem>>) offsets(%dma_start3A_72 : memref<128xi32, #tpu.memory_space<vmem>>) semaphore(%arg15 : memref<!tpu.dma_semaphore, #tpu.memory_space<semaphore_mem>>)
      %mul3A_76 = arith.constant 3 : i32
      %mul3A_77 = arith.muli %mul3A_76, %scan3A_51 : i32
      %add3A_78 = arith.constant 1 : i32
      %add3A_79 = arith.addi %mul3A_77, %add3A_78 : i32
      %mul3A_80 = arith.constant 128 : i32
      %mul3A_81 = arith.muli %add3A_79, %mul3A_80 : i32
      %dma_start3A_82 = arith.constant 1 : i32
      %dma_start3A_83 = arith.constant 0 : i32
      %dma_start3A_84 = arith.constant 0 : i32
      %dma_start3A_85 = tpu.memref_slice %arg10[%dma_start3A_82, %dma_start3A_83, %dma_start3A_84] : memref<3x128x128xf32, #tpu.memory_space<vmem>> -> memref<1x128x128xf32, #tpu.memory_space<vmem>>
      %dma_start3A_86 = tpu.memref_squeeze %dma_start3A_85 : memref<1x128x128xf32, #tpu.memory_space<vmem>> -> memref<128x128xf32, #tpu.memory_space<vmem>>
      %dma_start3A_87 = tpu.memref_slice %arg8[%mul3A_81] : memref<5000xi32, #tpu.memory_space<vmem>> -> memref<128xi32, #tpu.memory_space<vmem>>
      %dma_start3A_88 = arith.constant 0 : i32
      %dma_start3A_89 = arith.constant 0 : i32
      %dma_start3A_90 = tpu.memref_slice %arg2[%dma_start3A_88, %dma_start3A_89] : memref<10000x128xf32, #tpu.memory_space<hbm>> -> memref<10000x128xf32, #tpu.memory_space<hbm>>
      tpu.enqueue_indirect_dma source(%dma_start3A_90 : memref<10000x128xf32, #tpu.memory_space<hbm>>) target(%dma_start3A_86 : memref<128x128xf32, #tpu.memory_space<vmem>>) offsets(%dma_start3A_87 : memref<128xi32, #tpu.memory_space<vmem>>) semaphore(%arg13 : memref<!tpu.dma_semaphore, #tpu.memory_space<semaphore_mem>>)
      %dma_start3A_91 = arith.constant 1 : i32
      %dma_start3A_92 = arith.constant 0 : i32
      %dma_start3A_93 = arith.constant 0 : i32
      %dma_start3A_94 = tpu.memref_slice %arg11[%dma_start3A_91, %dma_start3A_92, %dma_start3A_93] : memref<3x128x128xf32, #tpu.memory_space<vmem>> -> memref<1x128x128xf32, #tpu.memory_space<vmem>>
      %dma_start3A_95 = tpu.memref_squeeze %dma_start3A_94 : memref<1x128x128xf32, #tpu.memory_space<vmem>> -> memref<128x128xf32, #tpu.memory_space<vmem>>
      %dma_start3A_96 = tpu.memref_slice %arg9[%mul3A_81] : memref<5000xi32, #tpu.memory_space<vmem>> -> memref<128xi32, #tpu.memory_space<vmem>>
      %dma_start3A_97 = arith.constant 0 : i32
      %dma_start3A_98 = arith.constant 0 : i32
      %dma_start3A_99 = tpu.memref_slice %arg3[%dma_start3A_97, %dma_start3A_98] : memref<10000x128xf32, #tpu.memory_space<hbm>> -> memref<10000x128xf32, #tpu.memory_space<hbm>>
      tpu.enqueue_indirect_dma source(%dma_start3A_99 : memref<10000x128xf32, #tpu.memory_space<hbm>>) target(%dma_start3A_95 : memref<128x128xf32, #tpu.memory_space<vmem>>) offsets(%dma_start3A_96 : memref<128xi32, #tpu.memory_space<vmem>>) semaphore(%arg16 : memref<!tpu.dma_semaphore, #tpu.memory_space<semaphore_mem>>)
      %mul3A_100 = arith.constant 3 : i32
      %mul3A_101 = arith.muli %mul3A_100, %scan3A_51 : i32
      %add3A_102 = arith.constant 2 : i32
      %add3A_103 = arith.addi %mul3A_101, %add3A_102 : i32
      %mul3A_104 = arith.constant 128 : i32
      %mul3A_105 = arith.muli %add3A_103, %mul3A_104 : i32
      %dma_start3A_106 = arith.constant 2 : i32
      %dma_start3A_107 = arith.constant 0 : i32
      %dma_start3A_108 = arith.constant 0 : i32
      %dma_start3A_109 = tpu.memref_slice %arg10[%dma_start3A_106, %dma_start3A_107, %dma_start3A_108] : memref<3x128x128xf32, #tpu.memory_space<vmem>> -> memref<1x128x128xf32, #tpu.memory_space<vmem>>
      %dma_start3A_110 = tpu.memref_squeeze %dma_start3A_109 : memref<1x128x128xf32, #tpu.memory_space<vmem>> -> memref<128x128xf32, #tpu.memory_space<vmem>>
      %dma_start3A_111 = tpu.memref_slice %arg8[%mul3A_105] : memref<5000xi32, #tpu.memory_space<vmem>> -> memref<128xi32, #tpu.memory_space<vmem>>
      %dma_start3A_112 = arith.constant 0 : i32
      %dma_start3A_113 = arith.constant 0 : i32
      %dma_start3A_114 = tpu.memref_slice %arg2[%dma_start3A_112, %dma_start3A_113] : memref<10000x128xf32, #tpu.memory_space<hbm>> -> memref<10000x128xf32, #tpu.memory_space<hbm>>
      tpu.enqueue_indirect_dma source(%dma_start3A_114 : memref<10000x128xf32, #tpu.memory_space<hbm>>) target(%dma_start3A_110 : memref<128x128xf32, #tpu.memory_space<vmem>>) offsets(%dma_start3A_111 : memref<128xi32, #tpu.memory_space<vmem>>) semaphore(%arg14 : memref<!tpu.dma_semaphore, #tpu.memory_space<semaphore_mem>>)
      %dma_start3A_115 = arith.constant 2 : i32
      %dma_start3A_116 = arith.constant 0 : i32
      %dma_start3A_117 = arith.constant 0 : i32
      %dma_start3A_118 = tpu.memref_slice %arg11[%dma_start3A_115, %dma_start3A_116, %dma_start3A_117] : memref<3x128x128xf32, #tpu.memory_space<vmem>> -> memref<1x128x128xf32, #tpu.memory_space<vmem>>
      %dma_start3A_119 = tpu.memref_squeeze %dma_start3A_118 : memref<1x128x128xf32, #tpu.memory_space<vmem>> -> memref<128x128xf32, #tpu.memory_space<vmem>>
      %dma_start3A_120 = tpu.memref_slice %arg9[%mul3A_105] : memref<5000xi32, #tpu.memory_space<vmem>> -> memref<128xi32, #tpu.memory_space<vmem>>
      %dma_start3A_121 = arith.constant 0 : i32
      %dma_start3A_122 = arith.constant 0 : i32
      %dma_start3A_123 = tpu.memref_slice %arg3[%dma_start3A_121, %dma_start3A_122] : memref<10000x128xf32, #tpu.memory_space<hbm>> -> memref<10000x128xf32, #tpu.memory_space<hbm>>
      tpu.enqueue_indirect_dma source(%dma_start3A_123 : memref<10000x128xf32, #tpu.memory_space<hbm>>) target(%dma_start3A_119 : memref<128x128xf32, #tpu.memory_space<vmem>>) offsets(%dma_start3A_120 : memref<128xi32, #tpu.memory_space<vmem>>) semaphore(%arg17 : memref<!tpu.dma_semaphore, #tpu.memory_space<semaphore_mem>>)
      %mul3A_124 = arith.constant 3 : i32
      %mul3A_125 = arith.muli %mul3A_124, %scan3A_51 : i32
      %add3A_126 = arith.constant 0 : i32
      %add3A_127 = arith.addi %mul3A_125, %add3A_126 : i32
      %mul3A_128 = arith.constant 128 : i32
      %mul3A_129 = arith.muli %add3A_127, %mul3A_128 : i32
      %add3A_130 = arith.addi %mul3A_2, %mul3A_129 : i32
      %dma_wait3A_131 = arith.constant 0 : i32
      %dma_wait3A_132 = arith.constant 0 : i32
      %dma_wait3A_133 = arith.constant 0 : i32
      %dma_wait3A_134 = tpu.memref_slice %arg10[%dma_wait3A_131, %dma_wait3A_132, %dma_wait3A_133] : memref<3x128x128xf32, #tpu.memory_space<vmem>> -> memref<1x128x128xf32, #tpu.memory_space<vmem>>
      %dma_wait3A_135 = tpu.memref_squeeze %dma_wait3A_134 : memref<1x128x128xf32, #tpu.memory_space<vmem>> -> memref<128x128xf32, #tpu.memory_space<vmem>>
      %dma_wait3A_136 = tpu.memref_slice %arg8[%mul3A_57] : memref<5000xi32, #tpu.memory_space<vmem>> -> memref<128xi32, #tpu.memory_space<vmem>>
      %dma_wait3A_137 = arith.constant 0 : i32
      %dma_wait3A_138 = arith.constant 0 : i32
      %dma_wait3A_139 = tpu.memref_slice %arg2[%dma_wait3A_137, %dma_wait3A_138] : memref<10000x128xf32, #tpu.memory_space<hbm>> -> memref<10000x128xf32, #tpu.memory_space<hbm>>
      tpu.wait_indirect_dma semaphore(%arg12 : memref<!tpu.dma_semaphore, #tpu.memory_space<semaphore_mem>>) src(%dma_wait3A_139 : memref<10000x128xf32, #tpu.memory_space<hbm>>) dst(%dma_wait3A_135 : memref<128x128xf32, #tpu.memory_space<vmem>>)
      %dma_start3A_140 = arith.constant 0 : i32
      %dma_start3A_141 = arith.constant 0 : i32
      %dma_start3A_142 = arith.constant 0 : i32
      %dma_start3A_143 = tpu.memref_slice %arg10[%dma_start3A_140, %dma_start3A_141, %dma_start3A_142] : memref<3x128x128xf32, #tpu.memory_space<vmem>> -> memref<1x128x128xf32, #tpu.memory_space<vmem>>
      %dma_start3A_144 = tpu.memref_squeeze %dma_start3A_143 : memref<1x128x128xf32, #tpu.memory_space<vmem>> -> memref<128x128xf32, #tpu.memory_space<vmem>>
      %dma_start3A_145 = arith.constant 0 : i32
      %dma_start3A_146 = tpu.memref_slice %arg6[%add3A_130, %dma_start3A_145] : memref<160000x128xf32, #tpu.memory_space<hbm>> -> memref<128x128xf32, #tpu.memory_space<hbm>>
      %dma_start3A_147 = arith.constant 0 : i32
      %dma_start3A_148 = tpu.memref_slice %arg6[%add3A_130, %dma_start3A_147] : memref<160000x128xf32, #tpu.memory_space<hbm>> -> memref<128x128xf32, #tpu.memory_space<hbm>>
      %dma_start3A_149 = arith.constant 0 : i32
      %dma_start3A_150 = arith.constant 0 : i32
      %dma_start3A_151 = tpu.memref_slice %arg10[%dma_start3A_140, %dma_start3A_149, %dma_start3A_150] : memref<3x128x128xf32, #tpu.memory_space<vmem>> -> memref<1x128x128xf32, #tpu.memory_space<vmem>>
      %dma_start3A_152 = tpu.memref_squeeze %dma_start3A_151 : memref<1x128x128xf32, #tpu.memory_space<vmem>> -> memref<128x128xf32, #tpu.memory_space<vmem>>
      tpu.enqueue_dma source(%dma_start3A_152 : memref<128x128xf32, #tpu.memory_space<vmem>>) target(%dma_start3A_148 : memref<128x128xf32, #tpu.memory_space<hbm>>) target_semaphore(%arg18 : memref<!tpu.dma_semaphore, #tpu.memory_space<semaphore_mem>>)
      %dma_wait3A_153 = arith.constant 0 : i32
      %dma_wait3A_154 = arith.constant 0 : i32
      %dma_wait3A_155 = arith.constant 0 : i32
      %dma_wait3A_156 = tpu.memref_slice %arg11[%dma_wait3A_153, %dma_wait3A_154, %dma_wait3A_155] : memref<3x128x128xf32, #tpu.memory_space<vmem>> -> memref<1x128x128xf32, #tpu.memory_space<vmem>>
      %dma_wait3A_157 = tpu.memref_squeeze %dma_wait3A_156 : memref<1x128x128xf32, #tpu.memory_space<vmem>> -> memref<128x128xf32, #tpu.memory_space<vmem>>
      %dma_wait3A_158 = tpu.memref_slice %arg9[%mul3A_57] : memref<5000xi32, #tpu.memory_space<vmem>> -> memref<128xi32, #tpu.memory_space<vmem>>
      %dma_wait3A_159 = arith.constant 0 : i32
      %dma_wait3A_160 = arith.constant 0 : i32
      %dma_wait3A_161 = tpu.memref_slice %arg3[%dma_wait3A_159, %dma_wait3A_160] : memref<10000x128xf32, #tpu.memory_space<hbm>> -> memref<10000x128xf32, #tpu.memory_space<hbm>>
      tpu.wait_indirect_dma semaphore(%arg15 : memref<!tpu.dma_semaphore, #tpu.memory_space<semaphore_mem>>) src(%dma_wait3A_161 : memref<10000x128xf32, #tpu.memory_space<hbm>>) dst(%dma_wait3A_157 : memref<128x128xf32, #tpu.memory_space<vmem>>)
      %dma_start3A_162 = arith.constant 0 : i32
      %dma_start3A_163 = arith.constant 0 : i32
      %dma_start3A_164 = arith.constant 0 : i32
      %dma_start3A_165 = tpu.memref_slice %arg11[%dma_start3A_162, %dma_start3A_163, %dma_start3A_164] : memref<3x128x128xf32, #tpu.memory_space<vmem>> -> memref<1x128x128xf32, #tpu.memory_space<vmem>>
      %dma_start3A_166 = tpu.memref_squeeze %dma_start3A_165 : memref<1x128x128xf32, #tpu.memory_space<vmem>> -> memref<128x128xf32, #tpu.memory_space<vmem>>
      %dma_start3A_167 = arith.constant 0 : i32
      %dma_start3A_168 = tpu.memref_slice %arg7[%add3A_130, %dma_start3A_167] : memref<160000x128xf32, #tpu.memory_space<hbm>> -> memref<128x128xf32, #tpu.memory_space<hbm>>
      %dma_start3A_169 = arith.constant 0 : i32
      %dma_start3A_170 = tpu.memref_slice %arg7[%add3A_130, %dma_start3A_169] : memref<160000x128xf32, #tpu.memory_space<hbm>> -> memref<128x128xf32, #tpu.memory_space<hbm>>
      %dma_start3A_171 = arith.constant 0 : i32
      %dma_start3A_172 = arith.constant 0 : i32
      %dma_start3A_173 = tpu.memref_slice %arg11[%dma_start3A_162, %dma_start3A_171, %dma_start3A_172] : memref<3x128x128xf32, #tpu.memory_space<vmem>> -> memref<1x128x128xf32, #tpu.memory_space<vmem>>
      %dma_start3A_174 = tpu.memref_squeeze %dma_start3A_173 : memref<1x128x128xf32, #tpu.memory_space<vmem>> -> memref<128x128xf32, #tpu.memory_space<vmem>>
      tpu.enqueue_dma source(%dma_start3A_174 : memref<128x128xf32, #tpu.memory_space<vmem>>) target(%dma_start3A_170 : memref<128x128xf32, #tpu.memory_space<hbm>>) target_semaphore(%arg21 : memref<!tpu.dma_semaphore, #tpu.memory_space<semaphore_mem>>)
      %mul3A_175 = arith.constant 3 : i32
      %mul3A_176 = arith.muli %mul3A_175, %scan3A_51 : i32
      %add3A_177 = arith.constant 1 : i32
      %add3A_178 = arith.addi %mul3A_176, %add3A_177 : i32
      %mul3A_179 = arith.constant 128 : i32
      %mul3A_180 = arith.muli %add3A_178, %mul3A_179 : i32
      %add3A_181 = arith.addi %mul3A_2, %mul3A_180 : i32
      %dma_wait3A_182 = arith.constant 1 : i32
      %dma_wait3A_183 = arith.constant 0 : i32
      %dma_wait3A_184 = arith.constant 0 : i32
      %dma_wait3A_185 = tpu.memref_slice %arg10[%dma_wait3A_182, %dma_wait3A_183, %dma_wait3A_184] : memref<3x128x128xf32, #tpu.memory_space<vmem>> -> memref<1x128x128xf32, #tpu.memory_space<vmem>>
      %dma_wait3A_186 = tpu.memref_squeeze %dma_wait3A_185 : memref<1x128x128xf32, #tpu.memory_space<vmem>> -> memref<128x128xf32, #tpu.memory_space<vmem>>
      %dma_wait3A_187 = tpu.memref_slice %arg8[%mul3A_81] : memref<5000xi32, #tpu.memory_space<vmem>> -> memref<128xi32, #tpu.memory_space<vmem>>
      %dma_wait3A_188 = arith.constant 0 : i32
      %dma_wait3A_189 = arith.constant 0 : i32
      %dma_wait3A_190 = tpu.memref_slice %arg2[%dma_wait3A_188, %dma_wait3A_189] : memref<10000x128xf32, #tpu.memory_space<hbm>> -> memref<10000x128xf32, #tpu.memory_space<hbm>>
      tpu.wait_indirect_dma semaphore(%arg13 : memref<!tpu.dma_semaphore, #tpu.memory_space<semaphore_mem>>) src(%dma_wait3A_190 : memref<10000x128xf32, #tpu.memory_space<hbm>>) dst(%dma_wait3A_186 : memref<128x128xf32, #tpu.memory_space<vmem>>)
      %dma_start3A_191 = arith.constant 1 : i32
      %dma_start3A_192 = arith.constant 0 : i32
      %dma_start3A_193 = arith.constant 0 : i32
      %dma_start3A_194 = tpu.memref_slice %arg10[%dma_start3A_191, %dma_start3A_192, %dma_start3A_193] : memref<3x128x128xf32, #tpu.memory_space<vmem>> -> memref<1x128x128xf32, #tpu.memory_space<vmem>>
      %dma_start3A_195 = tpu.memref_squeeze %dma_start3A_194 : memref<1x128x128xf32, #tpu.memory_space<vmem>> -> memref<128x128xf32, #tpu.memory_space<vmem>>
      %dma_start3A_196 = arith.constant 0 : i32
      %dma_start3A_197 = tpu.memref_slice %arg6[%add3A_181, %dma_start3A_196] : memref<160000x128xf32, #tpu.memory_space<hbm>> -> memref<128x128xf32, #tpu.memory_space<hbm>>
      %dma_start3A_198 = arith.constant 0 : i32
      %dma_start3A_199 = tpu.memref_slice %arg6[%add3A_181, %dma_start3A_198] : memref<160000x128xf32, #tpu.memory_space<hbm>> -> memref<128x128xf32, #tpu.memory_space<hbm>>
      %dma_start3A_200 = arith.constant 0 : i32
      %dma_start3A_201 = arith.constant 0 : i32
      %dma_start3A_202 = tpu.memref_slice %arg10[%dma_start3A_191, %dma_start3A_200, %dma_start3A_201] : memref<3x128x128xf32, #tpu.memory_space<vmem>> -> memref<1x128x128xf32, #tpu.memory_space<vmem>>
      %dma_start3A_203 = tpu.memref_squeeze %dma_start3A_202 : memref<1x128x128xf32, #tpu.memory_space<vmem>> -> memref<128x128xf32, #tpu.memory_space<vmem>>
      tpu.enqueue_dma source(%dma_start3A_203 : memref<128x128xf32, #tpu.memory_space<vmem>>) target(%dma_start3A_199 : memref<128x128xf32, #tpu.memory_space<hbm>>) target_semaphore(%arg19 : memref<!tpu.dma_semaphore, #tpu.memory_space<semaphore_mem>>)
      %dma_wait3A_204 = arith.constant 1 : i32
      %dma_wait3A_205 = arith.constant 0 : i32
      %dma_wait3A_206 = arith.constant 0 : i32
      %dma_wait3A_207 = tpu.memref_slice %arg11[%dma_wait3A_204, %dma_wait3A_205, %dma_wait3A_206] : memref<3x128x128xf32, #tpu.memory_space<vmem>> -> memref<1x128x128xf32, #tpu.memory_space<vmem>>
      %dma_wait3A_208 = tpu.memref_squeeze %dma_wait3A_207 : memref<1x128x128xf32, #tpu.memory_space<vmem>> -> memref<128x128xf32, #tpu.memory_space<vmem>>
      %dma_wait3A_209 = tpu.memref_slice %arg9[%mul3A_81] : memref<5000xi32, #tpu.memory_space<vmem>> -> memref<128xi32, #tpu.memory_space<vmem>>
      %dma_wait3A_210 = arith.constant 0 : i32
      %dma_wait3A_211 = arith.constant 0 : i32
      %dma_wait3A_212 = tpu.memref_slice %arg3[%dma_wait3A_210, %dma_wait3A_211] : memref<10000x128xf32, #tpu.memory_space<hbm>> -> memref<10000x128xf32, #tpu.memory_space<hbm>>
      tpu.wait_indirect_dma semaphore(%arg16 : memref<!tpu.dma_semaphore, #tpu.memory_space<semaphore_mem>>) src(%dma_wait3A_212 : memref<10000x128xf32, #tpu.memory_space<hbm>>) dst(%dma_wait3A_208 : memref<128x128xf32, #tpu.memory_space<vmem>>)
      %dma_start3A_213 = arith.constant 1 : i32
      %dma_start3A_214 = arith.constant 0 : i32
      %dma_start3A_215 = arith.constant 0 : i32
      %dma_start3A_216 = tpu.memref_slice %arg11[%dma_start3A_213, %dma_start3A_214, %dma_start3A_215] : memref<3x128x128xf32, #tpu.memory_space<vmem>> -> memref<1x128x128xf32, #tpu.memory_space<vmem>>
      %dma_start3A_217 = tpu.memref_squeeze %dma_start3A_216 : memref<1x128x128xf32, #tpu.memory_space<vmem>> -> memref<128x128xf32, #tpu.memory_space<vmem>>
      %dma_start3A_218 = arith.constant 0 : i32
      %dma_start3A_219 = tpu.memref_slice %arg7[%add3A_181, %dma_start3A_218] : memref<160000x128xf32, #tpu.memory_space<hbm>> -> memref<128x128xf32, #tpu.memory_space<hbm>>
      %dma_start3A_220 = arith.constant 0 : i32
      %dma_start3A_221 = tpu.memref_slice %arg7[%add3A_181, %dma_start3A_220] : memref<160000x128xf32, #tpu.memory_space<hbm>> -> memref<128x128xf32, #tpu.memory_space<hbm>>
      %dma_start3A_222 = arith.constant 0 : i32
      %dma_start3A_223 = arith.constant 0 : i32
      %dma_start3A_224 = tpu.memref_slice %arg11[%dma_start3A_213, %dma_start3A_222, %dma_start3A_223] : memref<3x128x128xf32, #tpu.memory_space<vmem>> -> memref<1x128x128xf32, #tpu.memory_space<vmem>>
      %dma_start3A_225 = tpu.memref_squeeze %dma_start3A_224 : memref<1x128x128xf32, #tpu.memory_space<vmem>> -> memref<128x128xf32, #tpu.memory_space<vmem>>
      tpu.enqueue_dma source(%dma_start3A_225 : memref<128x128xf32, #tpu.memory_space<vmem>>) target(%dma_start3A_221 : memref<128x128xf32, #tpu.memory_space<hbm>>) target_semaphore(%arg22 : memref<!tpu.dma_semaphore, #tpu.memory_space<semaphore_mem>>)
      %mul3A_226 = arith.constant 3 : i32
      %mul3A_227 = arith.muli %mul3A_226, %scan3A_51 : i32
      %add3A_228 = arith.constant 2 : i32
      %add3A_229 = arith.addi %mul3A_227, %add3A_228 : i32
      %mul3A_230 = arith.constant 128 : i32
      %mul3A_231 = arith.muli %add3A_229, %mul3A_230 : i32
      %add3A_232 = arith.addi %mul3A_2, %mul3A_231 : i32
      %dma_wait3A_233 = arith.constant 2 : i32
      %dma_wait3A_234 = arith.constant 0 : i32
      %dma_wait3A_235 = arith.constant 0 : i32
      %dma_wait3A_236 = tpu.memref_slice %arg10[%dma_wait3A_233, %dma_wait3A_234, %dma_wait3A_235] : memref<3x128x128xf32, #tpu.memory_space<vmem>> -> memref<1x128x128xf32, #tpu.memory_space<vmem>>
      %dma_wait3A_237 = tpu.memref_squeeze %dma_wait3A_236 : memref<1x128x128xf32, #tpu.memory_space<vmem>> -> memref<128x128xf32, #tpu.memory_space<vmem>>
      %dma_wait3A_238 = tpu.memref_slice %arg8[%mul3A_105] : memref<5000xi32, #tpu.memory_space<vmem>> -> memref<128xi32, #tpu.memory_space<vmem>>
      %dma_wait3A_239 = arith.constant 0 : i32
      %dma_wait3A_240 = arith.constant 0 : i32
      %dma_wait3A_241 = tpu.memref_slice %arg2[%dma_wait3A_239, %dma_wait3A_240] : memref<10000x128xf32, #tpu.memory_space<hbm>> -> memref<10000x128xf32, #tpu.memory_space<hbm>>
      tpu.wait_indirect_dma semaphore(%arg14 : memref<!tpu.dma_semaphore, #tpu.memory_space<semaphore_mem>>) src(%dma_wait3A_241 : memref<10000x128xf32, #tpu.memory_space<hbm>>) dst(%dma_wait3A_237 : memref<128x128xf32, #tpu.memory_space<vmem>>)
      %dma_start3A_242 = arith.constant 2 : i32
      %dma_start3A_243 = arith.constant 0 : i32
      %dma_start3A_244 = arith.constant 0 : i32
      %dma_start3A_245 = tpu.memref_slice %arg10[%dma_start3A_242, %dma_start3A_243, %dma_start3A_244] : memref<3x128x128xf32, #tpu.memory_space<vmem>> -> memref<1x128x128xf32, #tpu.memory_space<vmem>>
      %dma_start3A_246 = tpu.memref_squeeze %dma_start3A_245 : memref<1x128x128xf32, #tpu.memory_space<vmem>> -> memref<128x128xf32, #tpu.memory_space<vmem>>
      %dma_start3A_247 = arith.constant 0 : i32
      %dma_start3A_248 = tpu.memref_slice %arg6[%add3A_232, %dma_start3A_247] : memref<160000x128xf32, #tpu.memory_space<hbm>> -> memref<128x128xf32, #tpu.memory_space<hbm>>
      %dma_start3A_249 = arith.constant 0 : i32
      %dma_start3A_250 = tpu.memref_slice %arg6[%add3A_232, %dma_start3A_249] : memref<160000x128xf32, #tpu.memory_space<hbm>> -> memref<128x128xf32, #tpu.memory_space<hbm>>
      %dma_start3A_251 = arith.constant 0 : i32
      %dma_start3A_252 = arith.constant 0 : i32
      %dma_start3A_253 = tpu.memref_slice %arg10[%dma_start3A_242, %dma_start3A_251, %dma_start3A_252] : memref<3x128x128xf32, #tpu.memory_space<vmem>> -> memref<1x128x128xf32, #tpu.memory_space<vmem>>
      %dma_start3A_254 = tpu.memref_squeeze %dma_start3A_253 : memref<1x128x128xf32, #tpu.memory_space<vmem>> -> memref<128x128xf32, #tpu.memory_space<vmem>>
      tpu.enqueue_dma source(%dma_start3A_254 : memref<128x128xf32, #tpu.memory_space<vmem>>) target(%dma_start3A_250 : memref<128x128xf32, #tpu.memory_space<hbm>>) target_semaphore(%arg20 : memref<!tpu.dma_semaphore, #tpu.memory_space<semaphore_mem>>)
      %dma_wait3A_255 = arith.constant 2 : i32
      %dma_wait3A_256 = arith.constant 0 : i32
      %dma_wait3A_257 = arith.constant 0 : i32
      %dma_wait3A_258 = tpu.memref_slice %arg11[%dma_wait3A_255, %dma_wait3A_256, %dma_wait3A_257] : memref<3x128x128xf32, #tpu.memory_space<vmem>> -> memref<1x128x128xf32, #tpu.memory_space<vmem>>
      %dma_wait3A_259 = tpu.memref_squeeze %dma_wait3A_258 : memref<1x128x128xf32, #tpu.memory_space<vmem>> -> memref<128x128xf32, #tpu.memory_space<vmem>>
      %dma_wait3A_260 = tpu.memref_slice %arg9[%mul3A_105] : memref<5000xi32, #tpu.memory_space<vmem>> -> memref<128xi32, #tpu.memory_space<vmem>>
      %dma_wait3A_261 = arith.constant 0 : i32
      %dma_wait3A_262 = arith.constant 0 : i32
      %dma_wait3A_263 = tpu.memref_slice %arg3[%dma_wait3A_261, %dma_wait3A_262] : memref<10000x128xf32, #tpu.memory_space<hbm>> -> memref<10000x128xf32, #tpu.memory_space<hbm>>
      tpu.wait_indirect_dma semaphore(%arg17 : memref<!tpu.dma_semaphore, #tpu.memory_space<semaphore_mem>>) src(%dma_wait3A_263 : memref<10000x128xf32, #tpu.memory_space<hbm>>) dst(%dma_wait3A_259 : memref<128x128xf32, #tpu.memory_space<vmem>>)
      %dma_start3A_264 = arith.constant 2 : i32
      %dma_start3A_265 = arith.constant 0 : i32
      %dma_start3A_266 = arith.constant 0 : i32
      %dma_start3A_267 = tpu.memref_slice %arg11[%dma_start3A_264, %dma_start3A_265, %dma_start3A_266] : memref<3x128x128xf32, #tpu.memory_space<vmem>> -> memref<1x128x128xf32, #tpu.memory_space<vmem>>
      %dma_start3A_268 = tpu.memref_squeeze %dma_start3A_267 : memref<1x128x128xf32, #tpu.memory_space<vmem>> -> memref<128x128xf32, #tpu.memory_space<vmem>>
      %dma_start3A_269 = arith.constant 0 : i32
      %dma_start3A_270 = tpu.memref_slice %arg7[%add3A_232, %dma_start3A_269] : memref<160000x128xf32, #tpu.memory_space<hbm>> -> memref<128x128xf32, #tpu.memory_space<hbm>>
      %dma_start3A_271 = arith.constant 0 : i32
      %dma_start3A_272 = tpu.memref_slice %arg7[%add3A_232, %dma_start3A_271] : memref<160000x128xf32, #tpu.memory_space<hbm>> -> memref<128x128xf32, #tpu.memory_space<hbm>>
      %dma_start3A_273 = arith.constant 0 : i32
      %dma_start3A_274 = arith.constant 0 : i32
      %dma_start3A_275 = tpu.memref_slice %arg11[%dma_start3A_264, %dma_start3A_273, %dma_start3A_274] : memref<3x128x128xf32, #tpu.memory_space<vmem>> -> memref<1x128x128xf32, #tpu.memory_space<vmem>>
      %dma_start3A_276 = tpu.memref_squeeze %dma_start3A_275 : memref<1x128x128xf32, #tpu.memory_space<vmem>> -> memref<128x128xf32, #tpu.memory_space<vmem>>
      tpu.enqueue_dma source(%dma_start3A_276 : memref<128x128xf32, #tpu.memory_space<vmem>>) target(%dma_start3A_272 : memref<128x128xf32, #tpu.memory_space<hbm>>) target_semaphore(%arg23 : memref<!tpu.dma_semaphore, #tpu.memory_space<semaphore_mem>>)
      %dma_wait3A_277 = arith.constant 0 : i32
      %dma_wait3A_278 = arith.constant 0 : i32
      %dma_wait3A_279 = arith.constant 0 : i32
      %dma_wait3A_280 = tpu.memref_slice %arg10[%dma_wait3A_277, %dma_wait3A_278, %dma_wait3A_279] : memref<3x128x128xf32, #tpu.memory_space<vmem>> -> memref<1x128x128xf32, #tpu.memory_space<vmem>>
      %dma_wait3A_281 = tpu.memref_squeeze %dma_wait3A_280 : memref<1x128x128xf32, #tpu.memory_space<vmem>> -> memref<128x128xf32, #tpu.memory_space<vmem>>
      %dma_wait3A_282 = arith.constant 0 : i32
      %dma_wait3A_283 = tpu.memref_slice %arg6[%add3A_130, %dma_wait3A_282] : memref<160000x128xf32, #tpu.memory_space<hbm>> -> memref<128x128xf32, #tpu.memory_space<hbm>>
      %dma_wait3A_284 = arith.constant 0 : i32
      %dma_wait3A_285 = tpu.memref_slice %arg6[%add3A_130, %dma_wait3A_284] : memref<160000x128xf32, #tpu.memory_space<hbm>> -> memref<128x128xf32, #tpu.memory_space<hbm>>
      %dma_wait3A_286 = arith.constant 0 : i32
      %dma_wait3A_287 = arith.constant 0 : i32
      %dma_wait3A_288 = tpu.memref_slice %arg10[%dma_wait3A_277, %dma_wait3A_286, %dma_wait3A_287] : memref<3x128x128xf32, #tpu.memory_space<vmem>> -> memref<1x128x128xf32, #tpu.memory_space<vmem>>
      %dma_wait3A_289 = tpu.memref_squeeze %dma_wait3A_288 : memref<1x128x128xf32, #tpu.memory_space<vmem>> -> memref<128x128xf32, #tpu.memory_space<vmem>>
      tpu.wait_dma2 semaphore(%arg18 : memref<!tpu.dma_semaphore, #tpu.memory_space<semaphore_mem>>) src(%dma_wait3A_289 : memref<128x128xf32, #tpu.memory_space<vmem>>) dst(%dma_wait3A_285 : memref<128x128xf32, #tpu.memory_space<hbm>>)
      %dma_wait3A_290 = arith.constant 0 : i32
      %dma_wait3A_291 = arith.constant 0 : i32
      %dma_wait3A_292 = arith.constant 0 : i32
      %dma_wait3A_293 = tpu.memref_slice %arg11[%dma_wait3A_290, %dma_wait3A_291, %dma_wait3A_292] : memref<3x128x128xf32, #tpu.memory_space<vmem>> -> memref<1x128x128xf32, #tpu.memory_space<vmem>>
      %dma_wait3A_294 = tpu.memref_squeeze %dma_wait3A_293 : memref<1x128x128xf32, #tpu.memory_space<vmem>> -> memref<128x128xf32, #tpu.memory_space<vmem>>
      %dma_wait3A_295 = arith.constant 0 : i32
      %dma_wait3A_296 = tpu.memref_slice %arg7[%add3A_130, %dma_wait3A_295] : memref<160000x128xf32, #tpu.memory_space<hbm>> -> memref<128x128xf32, #tpu.memory_space<hbm>>
      %dma_wait3A_297 = arith.constant 0 : i32
      %dma_wait3A_298 = tpu.memref_slice %arg7[%add3A_130, %dma_wait3A_297] : memref<160000x128xf32, #tpu.memory_space<hbm>> -> memref<128x128xf32, #tpu.memory_space<hbm>>
      %dma_wait3A_299 = arith.constant 0 : i32
      %dma_wait3A_300 = arith.constant 0 : i32
      %dma_wait3A_301 = tpu.memref_slice %arg11[%dma_wait3A_290, %dma_wait3A_299, %dma_wait3A_300] : memref<3x128x128xf32, #tpu.memory_space<vmem>> -> memref<1x128x128xf32, #tpu.memory_space<vmem>>
      %dma_wait3A_302 = tpu.memref_squeeze %dma_wait3A_301 : memref<1x128x128xf32, #tpu.memory_space<vmem>> -> memref<128x128xf32, #tpu.memory_space<vmem>>
      tpu.wait_dma2 semaphore(%arg21 : memref<!tpu.dma_semaphore, #tpu.memory_space<semaphore_mem>>) src(%dma_wait3A_302 : memref<128x128xf32, #tpu.memory_space<vmem>>) dst(%dma_wait3A_298 : memref<128x128xf32, #tpu.memory_space<hbm>>)
      %dma_wait3A_303 = arith.constant 1 : i32
      %dma_wait3A_304 = arith.constant 0 : i32
      %dma_wait3A_305 = arith.constant 0 : i32
      %dma_wait3A_306 = tpu.memref_slice %arg10[%dma_wait3A_303, %dma_wait3A_304, %dma_wait3A_305] : memref<3x128x128xf32, #tpu.memory_space<vmem>> -> memref<1x128x128xf32, #tpu.memory_space<vmem>>
      %dma_wait3A_307 = tpu.memref_squeeze %dma_wait3A_306 : memref<1x128x128xf32, #tpu.memory_space<vmem>> -> memref<128x128xf32, #tpu.memory_space<vmem>>
      %dma_wait3A_308 = arith.constant 0 : i32
      %dma_wait3A_309 = tpu.memref_slice %arg6[%add3A_181, %dma_wait3A_308] : memref<160000x128xf32, #tpu.memory_space<hbm>> -> memref<128x128xf32, #tpu.memory_space<hbm>>
      %dma_wait3A_310 = arith.constant 0 : i32
      %dma_wait3A_311 = tpu.memref_slice %arg6[%add3A_181, %dma_wait3A_310] : memref<160000x128xf32, #tpu.memory_space<hbm>> -> memref<128x128xf32, #tpu.memory_space<hbm>>
      %dma_wait3A_312 = arith.constant 0 : i32
      %dma_wait3A_313 = arith.constant 0 : i32
      %dma_wait3A_314 = tpu.memref_slice %arg10[%dma_wait3A_303, %dma_wait3A_312, %dma_wait3A_313] : memref<3x128x128xf32, #tpu.memory_space<vmem>> -> memref<1x128x128xf32, #tpu.memory_space<vmem>>
      %dma_wait3A_315 = tpu.memref_squeeze %dma_wait3A_314 : memref<1x128x128xf32, #tpu.memory_space<vmem>> -> memref<128x128xf32, #tpu.memory_space<vmem>>
      tpu.wait_dma2 semaphore(%arg19 : memref<!tpu.dma_semaphore, #tpu.memory_space<semaphore_mem>>) src(%dma_wait3A_315 : memref<128x128xf32, #tpu.memory_space<vmem>>) dst(%dma_wait3A_311 : memref<128x128xf32, #tpu.memory_space<hbm>>)
      %dma_wait3A_316 = arith.constant 1 : i32
      %dma_wait3A_317 = arith.constant 0 : i32
      %dma_wait3A_318 = arith.constant 0 : i32
      %dma_wait3A_319 = tpu.memref_slice %arg11[%dma_wait3A_316, %dma_wait3A_317, %dma_wait3A_318] : memref<3x128x128xf32, #tpu.memory_space<vmem>> -> memref<1x128x128xf32, #tpu.memory_space<vmem>>
      %dma_wait3A_320 = tpu.memref_squeeze %dma_wait3A_319 : memref<1x128x128xf32, #tpu.memory_space<vmem>> -> memref<128x128xf32, #tpu.memory_space<vmem>>
      %dma_wait3A_321 = arith.constant 0 : i32
      %dma_wait3A_322 = tpu.memref_slice %arg7[%add3A_181, %dma_wait3A_321] : memref<160000x128xf32, #tpu.memory_space<hbm>> -> memref<128x128xf32, #tpu.memory_space<hbm>>
      %dma_wait3A_323 = arith.constant 0 : i32
      %dma_wait3A_324 = tpu.memref_slice %arg7[%add3A_181, %dma_wait3A_323] : memref<160000x128xf32, #tpu.memory_space<hbm>> -> memref<128x128xf32, #tpu.memory_space<hbm>>
      %dma_wait3A_325 = arith.constant 0 : i32
      %dma_wait3A_326 = arith.constant 0 : i32
      %dma_wait3A_327 = tpu.memref_slice %arg11[%dma_wait3A_316, %dma_wait3A_325, %dma_wait3A_326] : memref<3x128x128xf32, #tpu.memory_space<vmem>> -> memref<1x128x128xf32, #tpu.memory_space<vmem>>
      %dma_wait3A_328 = tpu.memref_squeeze %dma_wait3A_327 : memref<1x128x128xf32, #tpu.memory_space<vmem>> -> memref<128x128xf32, #tpu.memory_space<vmem>>
      tpu.wait_dma2 semaphore(%arg22 : memref<!tpu.dma_semaphore, #tpu.memory_space<semaphore_mem>>) src(%dma_wait3A_328 : memref<128x128xf32, #tpu.memory_space<vmem>>) dst(%dma_wait3A_324 : memref<128x128xf32, #tpu.memory_space<hbm>>)
      %dma_wait3A_329 = arith.constant 2 : i32
      %dma_wait3A_330 = arith.constant 0 : i32
      %dma_wait3A_331 = arith.constant 0 : i32
      %dma_wait3A_332 = tpu.memref_slice %arg10[%dma_wait3A_329, %dma_wait3A_330, %dma_wait3A_331] : memref<3x128x128xf32, #tpu.memory_space<vmem>> -> memref<1x128x128xf32, #tpu.memory_space<vmem>>
      %dma_wait3A_333 = tpu.memref_squeeze %dma_wait3A_332 : memref<1x128x128xf32, #tpu.memory_space<vmem>> -> memref<128x128xf32, #tpu.memory_space<vmem>>
      %dma_wait3A_334 = arith.constant 0 : i32
      %dma_wait3A_335 = tpu.memref_slice %arg6[%add3A_232, %dma_wait3A_334] : memref<160000x128xf32, #tpu.memory_space<hbm>> -> memref<128x128xf32, #tpu.memory_space<hbm>>
      %dma_wait3A_336 = arith.constant 0 : i32
      %dma_wait3A_337 = tpu.memref_slice %arg6[%add3A_232, %dma_wait3A_336] : memref<160000x128xf32, #tpu.memory_space<hbm>> -> memref<128x128xf32, #tpu.memory_space<hbm>>
      %dma_wait3A_338 = arith.constant 0 : i32
      %dma_wait3A_339 = arith.constant 0 : i32
      %dma_wait3A_340 = tpu.memref_slice %arg10[%dma_wait3A_329, %dma_wait3A_338, %dma_wait3A_339] : memref<3x128x128xf32, #tpu.memory_space<vmem>> -> memref<1x128x128xf32, #tpu.memory_space<vmem>>
      %dma_wait3A_341 = tpu.memref_squeeze %dma_wait3A_340 : memref<1x128x128xf32, #tpu.memory_space<vmem>> -> memref<128x128xf32, #tpu.memory_space<vmem>>
      tpu.wait_dma2 semaphore(%arg20 : memref<!tpu.dma_semaphore, #tpu.memory_space<semaphore_mem>>) src(%dma_wait3A_341 : memref<128x128xf32, #tpu.memory_space<vmem>>) dst(%dma_wait3A_337 : memref<128x128xf32, #tpu.memory_space<hbm>>)
      %dma_wait3A_342 = arith.constant 2 : i32
      %dma_wait3A_343 = arith.constant 0 : i32
      %dma_wait3A_344 = arith.constant 0 : i32
      %dma_wait3A_345 = tpu.memref_slice %arg11[%dma_wait3A_342, %dma_wait3A_343, %dma_wait3A_344] : memref<3x128x128xf32, #tpu.memory_space<vmem>> -> memref<1x128x128xf32, #tpu.memory_space<vmem>>
      %dma_wait3A_346 = tpu.memref_squeeze %dma_wait3A_345 : memref<1x128x128xf32, #tpu.memory_space<vmem>> -> memref<128x128xf32, #tpu.memory_space<vmem>>
      %dma_wait3A_347 = arith.constant 0 : i32
      %dma_wait3A_348 = tpu.memref_slice %arg7[%add3A_232, %dma_wait3A_347] : memref<160000x128xf32, #tpu.memory_space<hbm>> -> memref<128x128xf32, #tpu.memory_space<hbm>>
      %dma_wait3A_349 = arith.constant 0 : i32
      %dma_wait3A_350 = tpu.memref_slice %arg7[%add3A_232, %dma_wait3A_349] : memref<160000x128xf32, #tpu.memory_space<hbm>> -> memref<128x128xf32, #tpu.memory_space<hbm>>
      %dma_wait3A_351 = arith.constant 0 : i32
      %dma_wait3A_352 = arith.constant 0 : i32
      %dma_wait3A_353 = tpu.memref_slice %arg11[%dma_wait3A_342, %dma_wait3A_351, %dma_wait3A_352] : memref<3x128x128xf32, #tpu.memory_space<vmem>> -> memref<1x128x128xf32, #tpu.memory_space<vmem>>
      %dma_wait3A_354 = tpu.memref_squeeze %dma_wait3A_353 : memref<1x128x128xf32, #tpu.memory_space<vmem>> -> memref<128x128xf32, #tpu.memory_space<vmem>>
      tpu.wait_dma2 semaphore(%arg23 : memref<!tpu.dma_semaphore, #tpu.memory_space<semaphore_mem>>) src(%dma_wait3A_354 : memref<128x128xf32, #tpu.memory_space<vmem>>) dst(%dma_wait3A_350 : memref<128x128xf32, #tpu.memory_space<hbm>>)
    }
    %scan3A_9 = arith.constant 13 : i32
    %add3A_10 = arith.constant 4992 : i32
    %add3A_11 = arith.addi %mul3A_2, %add3A_10 : i32
    %dma_start3A = arith.constant 0 : i32
    %dma_start3A_12 = arith.constant 0 : i32
    %dma_start3A_13 = arith.constant 0 : i32
    %dma_start3A_14 = tpu.memref_slice %arg10[%dma_start3A, %dma_start3A_12, %dma_start3A_13] : memref<3x128x128xf32, #tpu.memory_space<vmem>> -> memref<1x8x128xf32, #tpu.memory_space<vmem>>
    %dma_start3A_15 = tpu.memref_squeeze %dma_start3A_14 : memref<1x8x128xf32, #tpu.memory_space<vmem>> -> memref<8x128xf32, #tpu.memory_space<vmem>>
    %dma_start3A_16 = arith.constant 4992 : i32
    %dma_start3A_17 = tpu.memref_slice %arg8[%dma_start3A_16] : memref<5000xi32, #tpu.memory_space<vmem>> -> memref<8xi32, #tpu.memory_space<vmem>>
    %dma_start3A_18 = arith.constant 0 : i32
    %dma_start3A_19 = arith.constant 0 : i32
    %dma_start3A_20 = tpu.memref_slice %arg2[%dma_start3A_18, %dma_start3A_19] : memref<10000x128xf32, #tpu.memory_space<hbm>> -> memref<10000x128xf32, #tpu.memory_space<hbm>>
    tpu.enqueue_indirect_dma source(%dma_start3A_20 : memref<10000x128xf32, #tpu.memory_space<hbm>>) target(%dma_start3A_15 : memref<8x128xf32, #tpu.memory_space<vmem>>) offsets(%dma_start3A_17 : memref<8xi32, #tpu.memory_space<vmem>>) semaphore(%arg12 : memref<!tpu.dma_semaphore, #tpu.memory_space<semaphore_mem>>)
    %dma_start3A_21 = arith.constant 0 : i32
    %dma_start3A_22 = arith.constant 0 : i32
    %dma_start3A_23 = arith.constant 0 : i32
    %dma_start3A_24 = tpu.memref_slice %arg11[%dma_start3A_21, %dma_start3A_22, %dma_start3A_23] : memref<3x128x128xf32, #tpu.memory_space<vmem>> -> memref<1x8x128xf32, #tpu.memory_space<vmem>>
    %dma_start3A_25 = tpu.memref_squeeze %dma_start3A_24 : memref<1x8x128xf32, #tpu.memory_space<vmem>> -> memref<8x128xf32, #tpu.memory_space<vmem>>
    %dma_start3A_26 = arith.constant 4992 : i32
    %dma_start3A_27 = tpu.memref_slice %arg9[%dma_start3A_26] : memref<5000xi32, #tpu.memory_space<vmem>> -> memref<8xi32, #tpu.memory_space<vmem>>
    %dma_start3A_28 = arith.constant 0 : i32
    %dma_start3A_29 = arith.constant 0 : i32
    %dma_start3A_30 = tpu.memref_slice %arg3[%dma_start3A_28, %dma_start3A_29] : memref<10000x128xf32, #tpu.memory_space<hbm>> -> memref<10000x128xf32, #tpu.memory_space<hbm>>
    tpu.enqueue_indirect_dma source(%dma_start3A_30 : memref<10000x128xf32, #tpu.memory_space<hbm>>) target(%dma_start3A_25 : memref<8x128xf32, #tpu.memory_space<vmem>>) offsets(%dma_start3A_27 : memref<8xi32, #tpu.memory_space<vmem>>) semaphore(%arg15 : memref<!tpu.dma_semaphore, #tpu.memory_space<semaphore_mem>>)
    %dma_wait3A = arith.constant 0 : i32
    %dma_wait3A_31 = arith.constant 0 : i32
    %dma_wait3A_32 = arith.constant 0 : i32
    %dma_wait3A_33 = tpu.memref_slice %arg10[%dma_wait3A, %dma_wait3A_31, %dma_wait3A_32] : memref<3x128x128xf32, #tpu.memory_space<vmem>> -> memref<1x8x128xf32, #tpu.memory_space<vmem>>
    %dma_wait3A_34 = tpu.memref_squeeze %dma_wait3A_33 : memref<1x8x128xf32, #tpu.memory_space<vmem>> -> memref<8x128xf32, #tpu.memory_space<vmem>>
    %dma_wait3A_35 = arith.constant 4992 : i32
    %dma_wait3A_36 = tpu.memref_slice %arg8[%dma_wait3A_35] : memref<5000xi32, #tpu.memory_space<vmem>> -> memref<8xi32, #tpu.memory_space<vmem>>
    %dma_wait3A_37 = arith.constant 0 : i32
    %dma_wait3A_38 = arith.constant 0 : i32
    %dma_wait3A_39 = tpu.memref_slice %arg2[%dma_wait3A_37, %dma_wait3A_38] : memref<10000x128xf32, #tpu.memory_space<hbm>> -> memref<10000x128xf32, #tpu.memory_space<hbm>>
    tpu.wait_indirect_dma semaphore(%arg12 : memref<!tpu.dma_semaphore, #tpu.memory_space<semaphore_mem>>) src(%dma_wait3A_39 : memref<10000x128xf32, #tpu.memory_space<hbm>>) dst(%dma_wait3A_34 : memref<8x128xf32, #tpu.memory_space<vmem>>)
    %dma_wait3A_40 = arith.constant 0 : i32
    %dma_wait3A_41 = arith.constant 0 : i32
    %dma_wait3A_42 = arith.constant 0 : i32
    %dma_wait3A_43 = tpu.memref_slice %arg11[%dma_wait3A_40, %dma_wait3A_41, %dma_wait3A_42] : memref<3x128x128xf32, #tpu.memory_space<vmem>> -> memref<1x8x128xf32, #tpu.memory_space<vmem>>
    %dma_wait3A_44 = tpu.memref_squeeze %dma_wait3A_43 : memref<1x8x128xf32, #tpu.memory_space<vmem>> -> memref<8x128xf32, #tpu.memory_space<vmem>>
    %dma_wait3A_45 = arith.constant 4992 : i32
    %dma_wait3A_46 = tpu.memref_slice %arg9[%dma_wait3A_45] : memref<5000xi32, #tpu.memory_space<vmem>> -> memref<8xi32, #tpu.memory_space<vmem>>
    %dma_wait3A_47 = arith.constant 0 : i32
    %dma_wait3A_48 = arith.constant 0 : i32
    %dma_wait3A_49 = tpu.memref_slice %arg3[%dma_wait3A_47, %dma_wait3A_48] : memref<10000x128xf32, #tpu.memory_space<hbm>> -> memref<10000x128xf32, #tpu.memory_space<hbm>>
    tpu.wait_indirect_dma semaphore(%arg15 : memref<!tpu.dma_semaphore, #tpu.memory_space<semaphore_mem>>) src(%dma_wait3A_49 : memref<10000x128xf32, #tpu.memory_space<hbm>>) dst(%dma_wait3A_44 : memref<8x128xf32, #tpu.memory_space<vmem>>)
    %run_scoped3A = arith.constant 0 : i32
    "tpu.region"() ({
      %run_scoped3A_51 = tpu.sem_alloc : memref<!tpu.dma_semaphore, #tpu.memory_space<semaphore_mem>>
      %dma_start3A_52 = arith.constant 0 : i32
      %dma_start3A_53 = arith.constant 0 : i32
      %dma_start3A_54 = tpu.memref_slice %arg10[%run_scoped3A, %dma_start3A_52, %dma_start3A_53] : memref<3x128x128xf32, #tpu.memory_space<vmem>> -> memref<1x8x128xf32, #tpu.memory_space<vmem>>
      %dma_start3A_55 = tpu.memref_squeeze %dma_start3A_54 : memref<1x8x128xf32, #tpu.memory_space<vmem>> -> memref<8x128xf32, #tpu.memory_space<vmem>>
      %dma_start3A_56 = arith.constant 0 : i32
      %dma_start3A_57 = tpu.memref_slice %arg6[%add3A_11, %dma_start3A_56] : memref<160000x128xf32, #tpu.memory_space<hbm>> -> memref<8x128xf32, #tpu.memory_space<hbm>>
      %dma_start3A_58 = arith.constant 0 : i32
      %dma_start3A_59 = tpu.memref_slice %arg6[%add3A_11, %dma_start3A_58] : memref<160000x128xf32, #tpu.memory_space<hbm>> -> memref<8x128xf32, #tpu.memory_space<hbm>>
      %dma_start3A_60 = arith.constant 0 : i32
      %dma_start3A_61 = arith.constant 0 : i32
      %dma_start3A_62 = tpu.memref_slice %arg10[%run_scoped3A, %dma_start3A_60, %dma_start3A_61] : memref<3x128x128xf32, #tpu.memory_space<vmem>> -> memref<1x8x128xf32, #tpu.memory_space<vmem>>
      %dma_start3A_63 = tpu.memref_squeeze %dma_start3A_62 : memref<1x8x128xf32, #tpu.memory_space<vmem>> -> memref<8x128xf32, #tpu.memory_space<vmem>>
      tpu.enqueue_dma source(%dma_start3A_63 : memref<8x128xf32, #tpu.memory_space<vmem>>) target(%dma_start3A_59 : memref<8x128xf32, #tpu.memory_space<hbm>>) target_semaphore(%run_scoped3A_51 : memref<!tpu.dma_semaphore, #tpu.memory_space<semaphore_mem>>)
      %dma_wait3A_64 = arith.constant 0 : i32
      %dma_wait3A_65 = arith.constant 0 : i32
      %dma_wait3A_66 = tpu.memref_slice %arg10[%run_scoped3A, %dma_wait3A_64, %dma_wait3A_65] : memref<3x128x128xf32, #tpu.memory_space<vmem>> -> memref<1x8x128xf32, #tpu.memory_space<vmem>>
      %dma_wait3A_67 = tpu.memref_squeeze %dma_wait3A_66 : memref<1x8x128xf32, #tpu.memory_space<vmem>> -> memref<8x128xf32, #tpu.memory_space<vmem>>
      %dma_wait3A_68 = arith.constant 0 : i32
      %dma_wait3A_69 = tpu.memref_slice %arg6[%add3A_11, %dma_wait3A_68] : memref<160000x128xf32, #tpu.memory_space<hbm>> -> memref<8x128xf32, #tpu.memory_space<hbm>>
      %dma_wait3A_70 = arith.constant 0 : i32
      %dma_wait3A_71 = tpu.memref_slice %arg6[%add3A_11, %dma_wait3A_70] : memref<160000x128xf32, #tpu.memory_space<hbm>> -> memref<8x128xf32, #tpu.memory_space<hbm>>
      %dma_wait3A_72 = arith.constant 0 : i32
      %dma_wait3A_73 = arith.constant 0 : i32
      %dma_wait3A_74 = tpu.memref_slice %arg10[%run_scoped3A, %dma_wait3A_72, %dma_wait3A_73] : memref<3x128x128xf32, #tpu.memory_space<vmem>> -> memref<1x8x128xf32, #tpu.memory_space<vmem>>
      %dma_wait3A_75 = tpu.memref_squeeze %dma_wait3A_74 : memref<1x8x128xf32, #tpu.memory_space<vmem>> -> memref<8x128xf32, #tpu.memory_space<vmem>>
      tpu.wait_dma2 semaphore(%run_scoped3A_51 : memref<!tpu.dma_semaphore, #tpu.memory_space<semaphore_mem>>) src(%dma_wait3A_75 : memref<8x128xf32, #tpu.memory_space<vmem>>) dst(%dma_wait3A_71 : memref<8x128xf32, #tpu.memory_space<hbm>>)
      tpu.yield
    }) : () -> ()
    %run_scoped3A_50 = arith.constant 0 : i32
    "tpu.region"() ({
      %run_scoped3A_51 = tpu.sem_alloc : memref<!tpu.dma_semaphore, #tpu.memory_space<semaphore_mem>>
      %dma_start3A_52 = arith.constant 0 : i32
      %dma_start3A_53 = arith.constant 0 : i32
      %dma_start3A_54 = tpu.memref_slice %arg11[%run_scoped3A_50, %dma_start3A_52, %dma_start3A_53] : memref<3x128x128xf32, #tpu.memory_space<vmem>> -> memref<1x8x128xf32, #tpu.memory_space<vmem>>
      %dma_start3A_55 = tpu.memref_squeeze %dma_start3A_54 : memref<1x8x128xf32, #tpu.memory_space<vmem>> -> memref<8x128xf32, #tpu.memory_space<vmem>>
      %dma_start3A_56 = arith.constant 0 : i32
      %dma_start3A_57 = tpu.memref_slice %arg7[%add3A_11, %dma_start3A_56] : memref<160000x128xf32, #tpu.memory_space<hbm>> -> memref<8x128xf32, #tpu.memory_space<hbm>>
      %dma_start3A_58 = arith.constant 0 : i32
      %dma_start3A_59 = tpu.memref_slice %arg7[%add3A_11, %dma_start3A_58] : memref<160000x128xf32, #tpu.memory_space<hbm>> -> memref<8x128xf32, #tpu.memory_space<hbm>>
      %dma_start3A_60 = arith.constant 0 : i32
      %dma_start3A_61 = arith.constant 0 : i32
      %dma_start3A_62 = tpu.memref_slice %arg11[%run_scoped3A_50, %dma_start3A_60, %dma_start3A_61] : memref<3x128x128xf32, #tpu.memory_space<vmem>> -> memref<1x8x128xf32, #tpu.memory_space<vmem>>
      %dma_start3A_63 = tpu.memref_squeeze %dma_start3A_62 : memref<1x8x128xf32, #tpu.memory_space<vmem>> -> memref<8x128xf32, #tpu.memory_space<vmem>>
      tpu.enqueue_dma source(%dma_start3A_63 : memref<8x128xf32, #tpu.memory_space<vmem>>) target(%dma_start3A_59 : memref<8x128xf32, #tpu.memory_space<hbm>>) target_semaphore(%run_scoped3A_51 : memref<!tpu.dma_semaphore, #tpu.memory_space<semaphore_mem>>)
      %dma_wait3A_64 = arith.constant 0 : i32
      %dma_wait3A_65 = arith.constant 0 : i32
      %dma_wait3A_66 = tpu.memref_slice %arg11[%run_scoped3A_50, %dma_wait3A_64, %dma_wait3A_65] : memref<3x128x128xf32, #tpu.memory_space<vmem>> -> memref<1x8x128xf32, #tpu.memory_space<vmem>>
      %dma_wait3A_67 = tpu.memref_squeeze %dma_wait3A_66 : memref<1x8x128xf32, #tpu.memory_space<vmem>> -> memref<8x128xf32, #tpu.memory_space<vmem>>
      %dma_wait3A_68 = arith.constant 0 : i32
      %dma_wait3A_69 = tpu.memref_slice %arg7[%add3A_11, %dma_wait3A_68] : memref<160000x128xf32, #tpu.memory_space<hbm>> -> memref<8x128xf32, #tpu.memory_space<hbm>>
      %dma_wait3A_70 = arith.constant 0 : i32
      %dma_wait3A_71 = tpu.memref_slice %arg7[%add3A_11, %dma_wait3A_70] : memref<160000x128xf32, #tpu.memory_space<hbm>> -> memref<8x128xf32, #tpu.memory_space<hbm>>
      %dma_wait3A_72 = arith.constant 0 : i32
      %dma_wait3A_73 = arith.constant 0 : i32
      %dma_wait3A_74 = tpu.memref_slice %arg11[%run_scoped3A_50, %dma_wait3A_72, %dma_wait3A_73] : memref<3x128x128xf32, #tpu.memory_space<vmem>> -> memref<1x8x128xf32, #tpu.memory_space<vmem>>
      %dma_wait3A_75 = tpu.memref_squeeze %dma_wait3A_74 : memref<1x8x128xf32, #tpu.memory_space<vmem>> -> memref<8x128xf32, #tpu.memory_space<vmem>>
      tpu.wait_dma2 semaphore(%run_scoped3A_51 : memref<!tpu.dma_semaphore, #tpu.memory_space<semaphore_mem>>) src(%dma_wait3A_75 : memref<8x128xf32, #tpu.memory_space<vmem>>) dst(%dma_wait3A_71 : memref<8x128xf32, #tpu.memory_space<hbm>>)
      tpu.yield
    }) : () -> ()
    return
  }
}

module attributes {stable_mosaic.version = 14 : i64} {
  func.func @_q_body(%arg0: i32, %arg1: memref<2000x128xf32, #tpu.memory_space<vmem>>, %arg2: memref<128x128xf32, #tpu.memory_space<vmem>>, %arg3: memref<1x128xf32, #tpu.memory_space<vmem>>, %arg4: memref<1x128xf32, #tpu.memory_space<vmem>>, %arg5: memref<1x128xf32, #tpu.memory_space<vmem>>, %arg6: memref<128x128xf32, #tpu.memory_space<vmem>>, %arg7: memref<1x128xf32, #tpu.memory_space<vmem>>, %arg8: memref<2000x128xf32, #tpu.memory_space<vmem>>) attributes {dimension_semantics = [#tpu.dimension_semantics<arbitrary>], iteration_bounds = array<i64: 5>, scalar_prefetch = 0 : i64, scratch_operands = 0 : i64, tpu.core_type = #tpu.core_type<tc>, window_params = [{transform_indices = @transform_0, window_bounds = array<i64: 2000, 128>}, {pipeline_mode = #tpu.pipeline_mode<synchronous>, transform_indices = @transform_1, window_bounds = array<i64: 128, 128>}, {pipeline_mode = #tpu.pipeline_mode<synchronous>, transform_indices = @transform_2, window_bounds = array<i64: 1, 128>}, {pipeline_mode = #tpu.pipeline_mode<synchronous>, transform_indices = @transform_3, window_bounds = array<i64: 1, 128>}, {pipeline_mode = #tpu.pipeline_mode<synchronous>, transform_indices = @transform_4, window_bounds = array<i64: 1, 128>}, {pipeline_mode = #tpu.pipeline_mode<synchronous>, transform_indices = @transform_5, window_bounds = array<i64: 128, 128>}, {pipeline_mode = #tpu.pipeline_mode<synchronous>, transform_indices = @transform_6, window_bounds = array<i64: 1, 128>}, {transform_indices = @transform_7, window_bounds = array<i64: 2000, 128>}]} {
    %get3A = arith.constant 0 : index
    %get3A_0 = arith.constant 0 : index
    %get3A_1 = vector.load %arg1[%get3A, %get3A_0] : memref<2000x128xf32, #tpu.memory_space<vmem>>, vector<2000x128xf32>
    %get3A_2 = arith.constant 0 : index
    %get3A_3 = arith.constant 0 : index
    %get3A_4 = vector.load %arg2[%get3A_2, %get3A_3] : memref<128x128xf32, #tpu.memory_space<vmem>>, vector<128x128xf32>
    %dot_general3A = arith.constant dense<0.000000e+00> : vector<2000x128xf32>
    %dot_general3A_5 = tpu.matmul %get3A_1, %get3A_4, %dot_general3A {dimension_numbers = #tpu.dot_dimension_numbers<[1], [0], [0], [1], [0, 0, 1, 1], [], []>, transpose_lhs_hint = false} : vector<2000x128xf32>, vector<128x128xf32>, vector<2000x128xf32> -> vector<2000x128xf32>
    %get3A_6 = arith.constant 0 : index
    %get3A_7 = arith.constant 0 : index
    %get3A_8 = vector.load %arg3[%get3A_6, %get3A_7] : memref<1x128xf32, #tpu.memory_space<vmem>>, vector<1x128xf32>
    %add3A = vector.broadcast %get3A_8 : vector<1x128xf32> to vector<2000x128xf32>
    %add3A_9 = arith.addf %dot_general3A_5, %add3A : vector<2000x128xf32>
    %get3A_10 = arith.constant 0 : index
    %get3A_11 = arith.constant 0 : index
    %get3A_12 = vector.load %arg4[%get3A_10, %get3A_11] : memref<1x128xf32, #tpu.memory_space<vmem>>, vector<1x128xf32>
    %get3A_13 = arith.constant 0 : index
    %get3A_14 = arith.constant 0 : index
    %get3A_15 = vector.load %arg5[%get3A_13, %get3A_14] : memref<1x128xf32, #tpu.memory_space<vmem>>, vector<1x128xf32>
    %reduce_sum3A = arith.constant dense<0.000000e+00> : vector<2000xf32>
    %reduce_sum3A_16 = vector.multi_reduction <add>, %add3A_9, %reduce_sum3A [1] : vector<2000x128xf32> to vector<2000xf32>
    %broadcast_in_dim3A = vector.shape_cast %reduce_sum3A_16 : vector<2000xf32> to vector<2000x1xf32>
    %div3A = arith.constant 1.280000e+02 : f32
    %div3A_17 = vector.broadcast %div3A : f32 to vector<2000x1xf32>
    %div3A_18 = arith.divf %broadcast_in_dim3A, %div3A_17 : vector<2000x1xf32>
    %sub3A = vector.broadcast %div3A_18 : vector<2000x1xf32> to vector<2000x128xf32>
    %sub3A_19 = arith.subf %add3A_9, %sub3A : vector<2000x128xf32>
    %sub3A_20 = vector.broadcast %div3A_18 : vector<2000x1xf32> to vector<2000x128xf32>
    %sub3A_21 = arith.subf %add3A_9, %sub3A_20 : vector<2000x128xf32>
    %mul3A = arith.mulf %sub3A_19, %sub3A_21 : vector<2000x128xf32>
    %reduce_sum3A_22 = arith.constant dense<0.000000e+00> : vector<2000xf32>
    %reduce_sum3A_23 = vector.multi_reduction <add>, %mul3A, %reduce_sum3A_22 [1] : vector<2000x128xf32> to vector<2000xf32>
    %broadcast_in_dim3A_24 = vector.shape_cast %reduce_sum3A_23 : vector<2000xf32> to vector<2000x1xf32>
    %div3A_25 = arith.constant 1.280000e+02 : f32
    %div3A_26 = vector.broadcast %div3A_25 : f32 to vector<2000x1xf32>
    %div3A_27 = arith.divf %broadcast_in_dim3A_24, %div3A_26 : vector<2000x1xf32>
    %sub3A_28 = vector.broadcast %div3A_18 : vector<2000x1xf32> to vector<2000x128xf32>
    %sub3A_29 = arith.subf %add3A_9, %sub3A_28 : vector<2000x128xf32>
    %add3A_30 = arith.constant 9.99999974E-6 : f32
    %add3A_31 = vector.broadcast %add3A_30 : f32 to vector<2000x1xf32>
    %add3A_32 = arith.addf %div3A_27, %add3A_31 : vector<2000x1xf32>
    %rsqrt3A = math.rsqrt %add3A_32 : vector<2000x1xf32>
    %mul3A_33 = vector.broadcast %rsqrt3A : vector<2000x1xf32> to vector<2000x128xf32>
    %mul3A_34 = arith.mulf %sub3A_29, %mul3A_33 : vector<2000x128xf32>
    %mul3A_35 = vector.broadcast %get3A_12 : vector<1x128xf32> to vector<2000x128xf32>
    %mul3A_36 = arith.mulf %mul3A_34, %mul3A_35 : vector<2000x128xf32>
    %add3A_37 = vector.broadcast %get3A_15 : vector<1x128xf32> to vector<2000x128xf32>
    %add3A_38 = arith.addf %mul3A_36, %add3A_37 : vector<2000x128xf32>
    %max3A = arith.constant 0.000000e+00 : f32
    %max3A_39 = vector.broadcast %max3A : f32 to vector<2000x128xf32>
    %max3A_40 = arith.maximumf %add3A_38, %max3A_39 : vector<2000x128xf32>
    %get3A_41 = arith.constant 0 : index
    %get3A_42 = arith.constant 0 : index
    %get3A_43 = vector.load %arg6[%get3A_41, %get3A_42] : memref<128x128xf32, #tpu.memory_space<vmem>>, vector<128x128xf32>
    %dot_general3A_44 = arith.constant dense<0.000000e+00> : vector<2000x128xf32>
    %dot_general3A_45 = tpu.matmul %max3A_40, %get3A_43, %dot_general3A_44 {dimension_numbers = #tpu.dot_dimension_numbers<[1], [0], [0], [1], [0, 0, 1, 1], [], []>, transpose_lhs_hint = false} : vector<2000x128xf32>, vector<128x128xf32>, vector<2000x128xf32> -> vector<2000x128xf32>
    %get3A_46 = arith.constant 0 : index
    %get3A_47 = arith.constant 0 : index
    %get3A_48 = vector.load %arg7[%get3A_46, %get3A_47] : memref<1x128xf32, #tpu.memory_space<vmem>>, vector<1x128xf32>
    %add3A_49 = vector.broadcast %get3A_48 : vector<1x128xf32> to vector<2000x128xf32>
    %add3A_50 = arith.addf %dot_general3A_45, %add3A_49 : vector<2000x128xf32>
    %swap3A = arith.constant 0 : index
    %swap3A_51 = arith.constant 0 : index
    %swap3A_52 = vector.load %arg8[%swap3A, %swap3A_51] : memref<2000x128xf32, #tpu.memory_space<vmem>>, vector<2000x128xf32>
    tpu.vector_store %arg8[%swap3A, %swap3A_51], %add3A_50 {strides = array<i32>} : memref<2000x128xf32, #tpu.memory_space<vmem>>, vector<2000x128xf32>,
    return
  }
  func.func @transform_0(%arg0: i32) -> (i32, i32) {
    %c0_i32 = arith.constant 0 : i32
    %c0_i32_0 = arith.constant 0 : i32
    return %arg0, %c0_i32 : i32, i32
  }
  func.func @transform_1(%arg0: i32) -> (i32, i32) {
    %c0_i32 = arith.constant 0 : i32
    %c0_i32_0 = arith.constant 0 : i32
    %c0_i32_1 = arith.constant 0 : i32
    return %c0_i32, %c0_i32_0 : i32, i32
  }
  func.func @transform_2(%arg0: i32) -> (i32, i32) {
    %c0_i32 = arith.constant 0 : i32
    %c0_i32_0 = arith.constant 0 : i32
    %c0_i32_1 = arith.constant 0 : i32
    return %c0_i32, %c0_i32_0 : i32, i32
  }
  func.func @transform_3(%arg0: i32) -> (i32, i32) {
    %c0_i32 = arith.constant 0 : i32
    %c0_i32_0 = arith.constant 0 : i32
    %c0_i32_1 = arith.constant 0 : i32
    return %c0_i32, %c0_i32_0 : i32, i32
  }
  func.func @transform_4(%arg0: i32) -> (i32, i32) {
    %c0_i32 = arith.constant 0 : i32
    %c0_i32_0 = arith.constant 0 : i32
    %c0_i32_1 = arith.constant 0 : i32
    return %c0_i32, %c0_i32_0 : i32, i32
  }
  func.func @transform_5(%arg0: i32) -> (i32, i32) {
    %c0_i32 = arith.constant 0 : i32
    %c0_i32_0 = arith.constant 0 : i32
    %c0_i32_1 = arith.constant 0 : i32
    return %c0_i32, %c0_i32_0 : i32, i32
  }
  func.func @transform_6(%arg0: i32) -> (i32, i32) {
    %c0_i32 = arith.constant 0 : i32
    %c0_i32_0 = arith.constant 0 : i32
    %c0_i32_1 = arith.constant 0 : i32
    return %c0_i32, %c0_i32_0 : i32, i32
  }
  func.func @transform_7(%arg0: i32) -> (i32, i32) {
    %c0_i32 = arith.constant 0 : i32
    %c0_i32_0 = arith.constant 0 : i32
    return %arg0, %c0_i32 : i32, i32
  }
}

module attributes {stable_mosaic.version = 14 : i64} {
  func.func @_edge_body(%arg0: i32, %arg1: memref<2000x128xf32, #tpu.memory_space<vmem>>, %arg2: memref<2000x128xf32, #tpu.memory_space<vmem>>, %arg3: memref<2000x16xf32, #tpu.memory_space<vmem>>, %arg4: memref<128x128xf32, #tpu.memory_space<vmem>>, %arg5: memref<16x128xf32, #tpu.memory_space<vmem>>, %arg6: memref<1x128xf32, #tpu.memory_space<vmem>>, %arg7: memref<1x128xf32, #tpu.memory_space<vmem>>, %arg8: memref<1x128xf32, #tpu.memory_space<vmem>>, %arg9: memref<128x128xf32, #tpu.memory_space<vmem>>, %arg10: memref<1x128xf32, #tpu.memory_space<vmem>>, %arg11: memref<128x128xf32, #tpu.memory_space<vmem>>, %arg12: memref<16x128xf32, #tpu.memory_space<vmem>>, %arg13: memref<1x128xf32, #tpu.memory_space<vmem>>, %arg14: memref<1x128xf32, #tpu.memory_space<vmem>>, %arg15: memref<1x128xf32, #tpu.memory_space<vmem>>, %arg16: memref<128x128xf32, #tpu.memory_space<vmem>>, %arg17: memref<128x128xf32, #tpu.memory_space<vmem>>, %arg18: memref<1x128xf32, #tpu.memory_space<vmem>>, %arg19: memref<1x128xf32, #tpu.memory_space<vmem>>, %arg20: memref<128x16xf32, #tpu.memory_space<vmem>>, %arg21: memref<16x128xf32, #tpu.memory_space<vmem>>, %arg22: memref<16x128xf32, #tpu.memory_space<vmem>>, %arg23: memref<2000x128xf32, #tpu.memory_space<vmem>>, %arg24: memref<2000x128xf32, #tpu.memory_space<vmem>>) attributes {dimension_semantics = [#tpu.dimension_semantics<arbitrary>], iteration_bounds = array<i64: 80>, scalar_prefetch = 0 : i64, scratch_operands = 0 : i64, tpu.core_type = #tpu.core_type<tc>, window_params = [{transform_indices = @transform_0, window_bounds = array<i64: 2000, 128>}, {transform_indices = @transform_1, window_bounds = array<i64: 2000, 128>}, {transform_indices = @transform_2, window_bounds = array<i64: 2000, 16>}, {pipeline_mode = #tpu.pipeline_mode<synchronous>, transform_indices = @transform_3, window_bounds = array<i64: 128, 128>}, {pipeline_mode = #tpu.pipeline_mode<synchronous>, transform_indices = @transform_4, window_bounds = array<i64: 16, 128>}, {pipeline_mode = #tpu.pipeline_mode<synchronous>, transform_indices = @transform_5, window_bounds = array<i64: 1, 128>}, {pipeline_mode = #tpu.pipeline_mode<synchronous>, transform_indices = @transform_6, window_bounds = array<i64: 1, 128>}, {pipeline_mode = #tpu.pipeline_mode<synchronous>, transform_indices = @transform_7, window_bounds = array<i64: 1, 128>}, {pipeline_mode = #tpu.pipeline_mode<synchronous>, transform_indices = @transform_8, window_bounds = array<i64: 128, 128>}, {pipeline_mode = #tpu.pipeline_mode<synchronous>, transform_indices = @transform_9, window_bounds = array<i64: 1, 128>}, {pipeline_mode = #tpu.pipeline_mode<synchronous>, transform_indices = @transform_10, window_bounds = array<i64: 128, 128>}, {pipeline_mode = #tpu.pipeline_mode<synchronous>, transform_indices = @transform_11, window_bounds = array<i64: 16, 128>}, {pipeline_mode = #tpu.pipeline_mode<synchronous>, transform_indices = @transform_12, window_bounds = array<i64: 1, 128>}, {pipeline_mode = #tpu.pipeline_mode<synchronous>, transform_indices = @transform_13, window_bounds = array<i64: 1, 128>}, {pipeline_mode = #tpu.pipeline_mode<synchronous>, transform_indices = @transform_14, window_bounds = array<i64: 1, 128>}, {pipeline_mode = #tpu.pipeline_mode<synchronous>, transform_indices = @transform_15, window_bounds = array<i64: 128, 128>}, {pipeline_mode = #tpu.pipeline_mode<synchronous>, transform_indices = @transform_16, window_bounds = array<i64: 128, 128>}, {pipeline_mode = #tpu.pipeline_mode<synchronous>, transform_indices = @transform_17, window_bounds = array<i64: 1, 128>}, {pipeline_mode = #tpu.pipeline_mode<synchronous>, transform_indices = @transform_18, window_bounds = array<i64: 1, 128>}, {pipeline_mode = #tpu.pipeline_mode<synchronous>, transform_indices = @transform_19, window_bounds = array<i64: 128, 16>}, {pipeline_mode = #tpu.pipeline_mode<synchronous>, transform_indices = @transform_20, window_bounds = array<i64: 16, 128>}, {pipeline_mode = #tpu.pipeline_mode<synchronous>, transform_indices = @transform_21, window_bounds = array<i64: 16, 128>}, {transform_indices = @transform_22, window_bounds = array<i64: 2000, 128>}, {transform_indices = @transform_23, window_bounds = array<i64: 2000, 128>}]} {
    %get3A = arith.constant 0 : index
    %get3A_0 = arith.constant 0 : index
    %get3A_1 = vector.load %arg1[%get3A, %get3A_0] : memref<2000x128xf32, #tpu.memory_space<vmem>>, vector<2000x128xf32>
    %get3A_2 = arith.constant 0 : index
    %get3A_3 = arith.constant 0 : index
    %get3A_4 = vector.load %arg3[%get3A_2, %get3A_3] : memref<2000x16xf32, #tpu.memory_space<vmem>>, vector<2000x16xf32>
    %get3A_5 = arith.constant 0 : index
    %get3A_6 = arith.constant 0 : index
    %get3A_7 = vector.load %arg4[%get3A_5, %get3A_6] : memref<128x128xf32, #tpu.memory_space<vmem>>, vector<128x128xf32>
    %dot_general3A = arith.constant dense<0.000000e+00> : vector<2000x128xf32>
    %dot_general3A_8 = tpu.matmul %get3A_1, %get3A_7, %dot_general3A {dimension_numbers = #tpu.dot_dimension_numbers<[1], [0], [0], [1], [0, 0, 1, 1], [], []>, transpose_lhs_hint = false} : vector<2000x128xf32>, vector<128x128xf32>, vector<2000x128xf32> -> vector<2000x128xf32>
    %get3A_9 = arith.constant 0 : index
    %get3A_10 = arith.constant 0 : index
    %get3A_11 = vector.load %arg5[%get3A_9, %get3A_10] : memref<16x128xf32, #tpu.memory_space<vmem>>, vector<16x128xf32>
    %dot_general3A_12 = arith.constant dense<0.000000e+00> : vector<2000x128xf32>
    %dot_general3A_13 = tpu.matmul %get3A_4, %get3A_11, %dot_general3A_12 {dimension_numbers = #tpu.dot_dimension_numbers<[1], [0], [0], [1], [0, 0, 1, 1], [], []>, transpose_lhs_hint = false} : vector<2000x16xf32>, vector<16x128xf32>, vector<2000x128xf32> -> vector<2000x128xf32>
    %add3A = arith.addf %dot_general3A_8, %dot_general3A_13 : vector<2000x128xf32>
    %get3A_14 = arith.constant 0 : index
    %get3A_15 = arith.constant 0 : index
    %get3A_16 = vector.load %arg6[%get3A_14, %get3A_15] : memref<1x128xf32, #tpu.memory_space<vmem>>, vector<1x128xf32>
    %add3A_17 = vector.broadcast %get3A_16 : vector<1x128xf32> to vector<2000x128xf32>
    %add3A_18 = arith.addf %add3A, %add3A_17 : vector<2000x128xf32>
    %get3A_19 = arith.constant 0 : index
    %get3A_20 = arith.constant 0 : index
    %get3A_21 = vector.load %arg7[%get3A_19, %get3A_20] : memref<1x128xf32, #tpu.memory_space<vmem>>, vector<1x128xf32>
    %get3A_22 = arith.constant 0 : index
    %get3A_23 = arith.constant 0 : index
    %get3A_24 = vector.load %arg8[%get3A_22, %get3A_23] : memref<1x128xf32, #tpu.memory_space<vmem>>, vector<1x128xf32>
    %reduce_sum3A = arith.constant dense<0.000000e+00> : vector<2000xf32>
    %reduce_sum3A_25 = vector.multi_reduction <add>, %add3A_18, %reduce_sum3A [1] : vector<2000x128xf32> to vector<2000xf32>
    %broadcast_in_dim3A = vector.shape_cast %reduce_sum3A_25 : vector<2000xf32> to vector<2000x1xf32>
    %div3A = arith.constant 1.280000e+02 : f32
    %div3A_26 = vector.broadcast %div3A : f32 to vector<2000x1xf32>
    %div3A_27 = arith.divf %broadcast_in_dim3A, %div3A_26 : vector<2000x1xf32>
    %sub3A = vector.broadcast %div3A_27 : vector<2000x1xf32> to vector<2000x128xf32>
    %sub3A_28 = arith.subf %add3A_18, %sub3A : vector<2000x128xf32>
    %sub3A_29 = vector.broadcast %div3A_27 : vector<2000x1xf32> to vector<2000x128xf32>
    %sub3A_30 = arith.subf %add3A_18, %sub3A_29 : vector<2000x128xf32>
    %mul3A = arith.mulf %sub3A_28, %sub3A_30 : vector<2000x128xf32>
    %reduce_sum3A_31 = arith.constant dense<0.000000e+00> : vector<2000xf32>
    %reduce_sum3A_32 = vector.multi_reduction <add>, %mul3A, %reduce_sum3A_31 [1] : vector<2000x128xf32> to vector<2000xf32>
    %broadcast_in_dim3A_33 = vector.shape_cast %reduce_sum3A_32 : vector<2000xf32> to vector<2000x1xf32>
    %div3A_34 = arith.constant 1.280000e+02 : f32
    %div3A_35 = vector.broadcast %div3A_34 : f32 to vector<2000x1xf32>
    %div3A_36 = arith.divf %broadcast_in_dim3A_33, %div3A_35 : vector<2000x1xf32>
    %sub3A_37 = vector.broadcast %div3A_27 : vector<2000x1xf32> to vector<2000x128xf32>
    %sub3A_38 = arith.subf %add3A_18, %sub3A_37 : vector<2000x128xf32>
    %add3A_39 = arith.constant 9.99999974E-6 : f32
    %add3A_40 = vector.broadcast %add3A_39 : f32 to vector<2000x1xf32>
    %add3A_41 = arith.addf %div3A_36, %add3A_40 : vector<2000x1xf32>
    %rsqrt3A = math.rsqrt %add3A_41 : vector<2000x1xf32>
    %mul3A_42 = vector.broadcast %rsqrt3A : vector<2000x1xf32> to vector<2000x128xf32>
    %mul3A_43 = arith.mulf %sub3A_38, %mul3A_42 : vector<2000x128xf32>
    %mul3A_44 = vector.broadcast %get3A_21 : vector<1x128xf32> to vector<2000x128xf32>
    %mul3A_45 = arith.mulf %mul3A_43, %mul3A_44 : vector<2000x128xf32>
    %add3A_46 = vector.broadcast %get3A_24 : vector<1x128xf32> to vector<2000x128xf32>
    %add3A_47 = arith.addf %mul3A_45, %add3A_46 : vector<2000x128xf32>
    %max3A = arith.constant 0.000000e+00 : f32
    %max3A_48 = vector.broadcast %max3A : f32 to vector<2000x128xf32>
    %max3A_49 = arith.maximumf %add3A_47, %max3A_48 : vector<2000x128xf32>
    %get3A_50 = arith.constant 0 : index
    %get3A_51 = arith.constant 0 : index
    %get3A_52 = vector.load %arg9[%get3A_50, %get3A_51] : memref<128x128xf32, #tpu.memory_space<vmem>>, vector<128x128xf32>
    %dot_general3A_53 = arith.constant dense<0.000000e+00> : vector<2000x128xf32>
    %dot_general3A_54 = tpu.matmul %max3A_49, %get3A_52, %dot_general3A_53 {dimension_numbers = #tpu.dot_dimension_numbers<[1], [0], [0], [1], [0, 0, 1, 1], [], []>, transpose_lhs_hint = false} : vector<2000x128xf32>, vector<128x128xf32>, vector<2000x128xf32> -> vector<2000x128xf32>
    %get3A_55 = arith.constant 0 : index
    %get3A_56 = arith.constant 0 : index
    %get3A_57 = vector.load %arg10[%get3A_55, %get3A_56] : memref<1x128xf32, #tpu.memory_space<vmem>>, vector<1x128xf32>
    %add3A_58 = vector.broadcast %get3A_57 : vector<1x128xf32> to vector<2000x128xf32>
    %add3A_59 = arith.addf %dot_general3A_54, %add3A_58 : vector<2000x128xf32>
    %get3A_60 = arith.constant 0 : index
    %get3A_61 = arith.constant 0 : index
    %get3A_62 = vector.load %arg11[%get3A_60, %get3A_61] : memref<128x128xf32, #tpu.memory_space<vmem>>, vector<128x128xf32>
    %dot_general3A_63 = arith.constant dense<0.000000e+00> : vector<2000x128xf32>
    %dot_general3A_64 = tpu.matmul %get3A_1, %get3A_62, %dot_general3A_63 {dimension_numbers = #tpu.dot_dimension_numbers<[1], [0], [0], [1], [0, 0, 1, 1], [], []>, transpose_lhs_hint = false} : vector<2000x128xf32>, vector<128x128xf32>, vector<2000x128xf32> -> vector<2000x128xf32>
    %get3A_65 = arith.constant 0 : index
    %get3A_66 = arith.constant 0 : index
    %get3A_67 = vector.load %arg12[%get3A_65, %get3A_66] : memref<16x128xf32, #tpu.memory_space<vmem>>, vector<16x128xf32>
    %dot_general3A_68 = arith.constant dense<0.000000e+00> : vector<2000x128xf32>
    %dot_general3A_69 = tpu.matmul %get3A_4, %get3A_67, %dot_general3A_68 {dimension_numbers = #tpu.dot_dimension_numbers<[1], [0], [0], [1], [0, 0, 1, 1], [], []>, transpose_lhs_hint = false} : vector<2000x16xf32>, vector<16x128xf32>, vector<2000x128xf32> -> vector<2000x128xf32>
    %add3A_70 = arith.addf %dot_general3A_64, %dot_general3A_69 : vector<2000x128xf32>
    %get3A_71 = arith.constant 0 : index
    %get3A_72 = arith.constant 0 : index
    %get3A_73 = vector.load %arg13[%get3A_71, %get3A_72] : memref<1x128xf32, #tpu.memory_space<vmem>>, vector<1x128xf32>
    %add3A_74 = vector.broadcast %get3A_73 : vector<1x128xf32> to vector<2000x128xf32>
    %add3A_75 = arith.addf %add3A_70, %add3A_74 : vector<2000x128xf32>
    %get3A_76 = arith.constant 0 : index
    %get3A_77 = arith.constant 0 : index
    %get3A_78 = vector.load %arg14[%get3A_76, %get3A_77] : memref<1x128xf32, #tpu.memory_space<vmem>>, vector<1x128xf32>
    %get3A_79 = arith.constant 0 : index
    %get3A_80 = arith.constant 0 : index
    %get3A_81 = vector.load %arg15[%get3A_79, %get3A_80] : memref<1x128xf32, #tpu.memory_space<vmem>>, vector<1x128xf32>
    %reduce_sum3A_82 = arith.constant dense<0.000000e+00> : vector<2000xf32>
    %reduce_sum3A_83 = vector.multi_reduction <add>, %add3A_75, %reduce_sum3A_82 [1] : vector<2000x128xf32> to vector<2000xf32>
    %broadcast_in_dim3A_84 = vector.shape_cast %reduce_sum3A_83 : vector<2000xf32> to vector<2000x1xf32>
    %div3A_85 = arith.constant 1.280000e+02 : f32
    %div3A_86 = vector.broadcast %div3A_85 : f32 to vector<2000x1xf32>
    %div3A_87 = arith.divf %broadcast_in_dim3A_84, %div3A_86 : vector<2000x1xf32>
    %sub3A_88 = vector.broadcast %div3A_87 : vector<2000x1xf32> to vector<2000x128xf32>
    %sub3A_89 = arith.subf %add3A_75, %sub3A_88 : vector<2000x128xf32>
    %sub3A_90 = vector.broadcast %div3A_87 : vector<2000x1xf32> to vector<2000x128xf32>
    %sub3A_91 = arith.subf %add3A_75, %sub3A_90 : vector<2000x128xf32>
    %mul3A_92 = arith.mulf %sub3A_89, %sub3A_91 : vector<2000x128xf32>
    %reduce_sum3A_93 = arith.constant dense<0.000000e+00> : vector<2000xf32>
    %reduce_sum3A_94 = vector.multi_reduction <add>, %mul3A_92, %reduce_sum3A_93 [1] : vector<2000x128xf32> to vector<2000xf32>
    %broadcast_in_dim3A_95 = vector.shape_cast %reduce_sum3A_94 : vector<2000xf32> to vector<2000x1xf32>
    %div3A_96 = arith.constant 1.280000e+02 : f32
    %div3A_97 = vector.broadcast %div3A_96 : f32 to vector<2000x1xf32>
    %div3A_98 = arith.divf %broadcast_in_dim3A_95, %div3A_97 : vector<2000x1xf32>
    %sub3A_99 = vector.broadcast %div3A_87 : vector<2000x1xf32> to vector<2000x128xf32>
    %sub3A_100 = arith.subf %add3A_75, %sub3A_99 : vector<2000x128xf32>
    %add3A_101 = arith.constant 9.99999974E-6 : f32
    %add3A_102 = vector.broadcast %add3A_101 : f32 to vector<2000x1xf32>
    %add3A_103 = arith.addf %div3A_98, %add3A_102 : vector<2000x1xf32>
    %rsqrt3A_104 = math.rsqrt %add3A_103 : vector<2000x1xf32>
    %mul3A_105 = vector.broadcast %rsqrt3A_104 : vector<2000x1xf32> to vector<2000x128xf32>
    %mul3A_106 = arith.mulf %sub3A_100, %mul3A_105 : vector<2000x128xf32>
    %mul3A_107 = vector.broadcast %get3A_78 : vector<1x128xf32> to vector<2000x128xf32>
    %mul3A_108 = arith.mulf %mul3A_106, %mul3A_107 : vector<2000x128xf32>
    %add3A_109 = vector.broadcast %get3A_81 : vector<1x128xf32> to vector<2000x128xf32>
    %add3A_110 = arith.addf %mul3A_108, %add3A_109 : vector<2000x128xf32>
    %max3A_111 = arith.constant 0.000000e+00 : f32
    %max3A_112 = vector.broadcast %max3A_111 : f32 to vector<2000x128xf32>
    %max3A_113 = arith.maximumf %add3A_110, %max3A_112 : vector<2000x128xf32>
    %get3A_114 = arith.constant 0 : index
    %get3A_115 = arith.constant 0 : index
    %get3A_116 = vector.load %arg16[%get3A_114, %get3A_115] : memref<128x128xf32, #tpu.memory_space<vmem>>, vector<128x128xf32>
    %dot_general3A_117 = arith.constant dense<0.000000e+00> : vector<2000x128xf32>
    %dot_general3A_118 = tpu.matmul %max3A_113, %get3A_116, %dot_general3A_117 {dimension_numbers = #tpu.dot_dimension_numbers<[1], [0], [0], [1], [0, 0, 1, 1], [], []>, transpose_lhs_hint = false} : vector<2000x128xf32>, vector<128x128xf32>, vector<2000x128xf32> -> vector<2000x128xf32>
    %get3A_119 = arith.constant 0 : index
    %get3A_120 = arith.constant 0 : index
    %get3A_121 = vector.load %arg18[%get3A_119, %get3A_120] : memref<1x128xf32, #tpu.memory_space<vmem>>, vector<1x128xf32>
    %add3A_122 = vector.broadcast %get3A_121 : vector<1x128xf32> to vector<2000x128xf32>
    %add3A_123 = arith.addf %dot_general3A_118, %add3A_122 : vector<2000x128xf32>
    %get3A_124 = arith.constant 0 : index
    %get3A_125 = arith.constant 0 : index
    %get3A_126 = vector.load %arg17[%get3A_124, %get3A_125] : memref<128x128xf32, #tpu.memory_space<vmem>>, vector<128x128xf32>
    %dot_general3A_127 = arith.constant dense<0.000000e+00> : vector<2000x128xf32>
    %dot_general3A_128 = tpu.matmul %max3A_113, %get3A_126, %dot_general3A_127 {dimension_numbers = #tpu.dot_dimension_numbers<[1], [0], [0], [1], [0, 0, 1, 1], [], []>, transpose_lhs_hint = false} : vector<2000x128xf32>, vector<128x128xf32>, vector<2000x128xf32> -> vector<2000x128xf32>
    %get3A_129 = arith.constant 0 : index
    %get3A_130 = arith.constant 0 : index
    %get3A_131 = vector.load %arg19[%get3A_129, %get3A_130] : memref<1x128xf32, #tpu.memory_space<vmem>>, vector<1x128xf32>
    %add3A_132 = vector.broadcast %get3A_131 : vector<1x128xf32> to vector<2000x128xf32>
    %add3A_133 = arith.addf %dot_general3A_128, %add3A_132 : vector<2000x128xf32>
    %get3A_134 = arith.constant 0 : index
    %get3A_135 = arith.constant 0 : index
    %get3A_136 = vector.load %arg2[%get3A_134, %get3A_135] : memref<2000x128xf32, #tpu.memory_space<vmem>>, vector<2000x128xf32>
    %mul3A_137 = arith.mulf %get3A_136, %add3A_59 : vector<2000x128xf32>
    %get3A_138 = arith.constant 0 : index
    %get3A_139 = arith.constant 0 : index
    %get3A_140 = vector.load %arg20[%get3A_138, %get3A_139] : memref<128x16xf32, #tpu.memory_space<vmem>>, vector<128x16xf32>
    %dot_general3A_141 = arith.constant dense<0.000000e+00> : vector<2000x16xf32>
    %dot_general3A_142 = tpu.matmul %mul3A_137, %get3A_140, %dot_general3A_141 {dimension_numbers = #tpu.dot_dimension_numbers<[1], [0], [0], [1], [0, 0, 1, 1], [], []>, transpose_lhs_hint = false} : vector<2000x128xf32>, vector<128x16xf32>, vector<2000x16xf32> -> vector<2000x16xf32>
    %mul3A_143 = arith.constant 0.353553385 : f32
    %mul3A_144 = vector.broadcast %mul3A_143 : f32 to vector<2000x16xf32>
    %mul3A_145 = arith.mulf %dot_general3A_142, %mul3A_144 : vector<2000x16xf32>
    %exp3A = math.exp %mul3A_145 : vector<2000x16xf32>
    %get3A_146 = arith.constant 0 : index
    %get3A_147 = arith.constant 0 : index
    %get3A_148 = vector.load %arg21[%get3A_146, %get3A_147] : memref<16x128xf32, #tpu.memory_space<vmem>>, vector<16x128xf32>
    %dot_general3A_149 = arith.constant dense<0.000000e+00> : vector<2000x128xf32>
    %dot_general3A_150 = tpu.matmul %exp3A, %get3A_148, %dot_general3A_149 {dimension_numbers = #tpu.dot_dimension_numbers<[1], [0], [0], [1], [0, 0, 1, 1], [], []>, transpose_lhs_hint = false} : vector<2000x16xf32>, vector<16x128xf32>, vector<2000x128xf32> -> vector<2000x128xf32>
    %mul3A_151 = arith.mulf %add3A_123, %dot_general3A_150 : vector<2000x128xf32>
    %swap3A = arith.constant 0 : index
    %swap3A_152 = arith.constant 0 : index
    %swap3A_153 = vector.load %arg23[%swap3A, %swap3A_152] : memref<2000x128xf32, #tpu.memory_space<vmem>>, vector<2000x128xf32>
    tpu.vector_store %arg23[%swap3A, %swap3A_152], %mul3A_151 {strides = array<i32>} : memref<2000x128xf32, #tpu.memory_space<vmem>>, vector<2000x128xf32>,
    %get3A_154 = arith.constant 0 : index
    %get3A_155 = arith.constant 0 : index
    %get3A_156 = vector.load %arg22[%get3A_154, %get3A_155] : memref<16x128xf32, #tpu.memory_space<vmem>>, vector<16x128xf32>
    %dot_general3A_157 = arith.constant dense<0.000000e+00> : vector<2000x128xf32>
    %dot_general3A_158 = tpu.matmul %exp3A, %get3A_156, %dot_general3A_157 {dimension_numbers = #tpu.dot_dimension_numbers<[1], [0], [0], [1], [0, 0, 1, 1], [], []>, transpose_lhs_hint = false} : vector<2000x16xf32>, vector<16x128xf32>, vector<2000x128xf32> -> vector<2000x128xf32>
    %mul3A_159 = arith.mulf %add3A_133, %dot_general3A_158 : vector<2000x128xf32>
    %swap3A_160 = arith.constant 0 : index
    %swap3A_161 = arith.constant 0 : index
    %swap3A_162 = vector.load %arg24[%swap3A_160, %swap3A_161] : memref<2000x128xf32, #tpu.memory_space<vmem>>, vector<2000x128xf32>
    tpu.vector_store %arg24[%swap3A_160, %swap3A_161], %mul3A_159 {strides = array<i32>} : memref<2000x128xf32, #tpu.memory_space<vmem>>, vector<2000x128xf32>,
    return
  }
  func.func @transform_0(%arg0: i32) -> (i32, i32) {
    %c0_i32 = arith.constant 0 : i32
    %c0_i32_0 = arith.constant 0 : i32
    return %arg0, %c0_i32 : i32, i32
  }
  func.func @transform_1(%arg0: i32) -> (i32, i32) {
    %c0_i32 = arith.constant 0 : i32
    %c0_i32_0 = arith.constant 0 : i32
    return %arg0, %c0_i32 : i32, i32
  }
  func.func @transform_2(%arg0: i32) -> (i32, i32) {
    %add3A = arith.constant 0 : i32
    %add3A_0 = arith.addi %arg0, %add3A : i32
    %c0_i32 = arith.constant 0 : i32
    %c0_i32_1 = arith.constant 0 : i32
    return %add3A_0, %c0_i32 : i32, i32
  }
  func.func @transform_3(%arg0: i32) -> (i32, i32) {
    %c0_i32 = arith.constant 0 : i32
    %c0_i32_0 = arith.constant 0 : i32
    %c0_i32_1 = arith.constant 0 : i32
    return %c0_i32, %c0_i32_0 : i32, i32
  }
  func.func @transform_4(%arg0: i32) -> (i32, i32) {
    %c0_i32 = arith.constant 0 : i32
    %c0_i32_0 = arith.constant 0 : i32
    %c0_i32_1 = arith.constant 0 : i32
    return %c0_i32, %c0_i32_0 : i32, i32
  }
  func.func @transform_5(%arg0: i32) -> (i32, i32) {
    %c0_i32 = arith.constant 0 : i32
    %c0_i32_0 = arith.constant 0 : i32
    %c0_i32_1 = arith.constant 0 : i32
    return %c0_i32, %c0_i32_0 : i32, i32
  }
  func.func @transform_6(%arg0: i32) -> (i32, i32) {
    %c0_i32 = arith.constant 0 : i32
    %c0_i32_0 = arith.constant 0 : i32
    %c0_i32_1 = arith.constant 0 : i32
    return %c0_i32, %c0_i32_0 : i32, i32
  }
  func.func @transform_7(%arg0: i32) -> (i32, i32) {
    %c0_i32 = arith.constant 0 : i32
    %c0_i32_0 = arith.constant 0 : i32
    %c0_i32_1 = arith.constant 0 : i32
    return %c0_i32, %c0_i32_0 : i32, i32
  }
  func.func @transform_8(%arg0: i32) -> (i32, i32) {
    %c0_i32 = arith.constant 0 : i32
    %c0_i32_0 = arith.constant 0 : i32
    %c0_i32_1 = arith.constant 0 : i32
    return %c0_i32, %c0_i32_0 : i32, i32
  }
  func.func @transform_9(%arg0: i32) -> (i32, i32) {
    %c0_i32 = arith.constant 0 : i32
    %c0_i32_0 = arith.constant 0 : i32
    %c0_i32_1 = arith.constant 0 : i32
    return %c0_i32, %c0_i32_0 : i32, i32
  }
  func.func @transform_10(%arg0: i32) -> (i32, i32) {
    %c0_i32 = arith.constant 0 : i32
    %c0_i32_0 = arith.constant 0 : i32
    %c0_i32_1 = arith.constant 0 : i32
    return %c0_i32, %c0_i32_0 : i32, i32
  }
  func.func @transform_11(%arg0: i32) -> (i32, i32) {
    %c0_i32 = arith.constant 0 : i32
    %c0_i32_0 = arith.constant 0 : i32
    %c0_i32_1 = arith.constant 0 : i32
    return %c0_i32, %c0_i32_0 : i32, i32
  }
  func.func @transform_12(%arg0: i32) -> (i32, i32) {
    %c0_i32 = arith.constant 0 : i32
    %c0_i32_0 = arith.constant 0 : i32
    %c0_i32_1 = arith.constant 0 : i32
    return %c0_i32, %c0_i32_0 : i32, i32
  }
  func.func @transform_13(%arg0: i32) -> (i32, i32) {
    %c0_i32 = arith.constant 0 : i32
    %c0_i32_0 = arith.constant 0 : i32
    %c0_i32_1 = arith.constant 0 : i32
    return %c0_i32, %c0_i32_0 : i32, i32
  }
  func.func @transform_14(%arg0: i32) -> (i32, i32) {
    %c0_i32 = arith.constant 0 : i32
    %c0_i32_0 = arith.constant 0 : i32
    %c0_i32_1 = arith.constant 0 : i32
    return %c0_i32, %c0_i32_0 : i32, i32
  }
  func.func @transform_15(%arg0: i32) -> (i32, i32) {
    %c0_i32 = arith.constant 0 : i32
    %c0_i32_0 = arith.constant 0 : i32
    %c0_i32_1 = arith.constant 0 : i32
    return %c0_i32, %c0_i32_0 : i32, i32
  }
  func.func @transform_16(%arg0: i32) -> (i32, i32) {
    %c0_i32 = arith.constant 0 : i32
    %c0_i32_0 = arith.constant 0 : i32
    %c0_i32_1 = arith.constant 0 : i32
    return %c0_i32, %c0_i32_0 : i32, i32
  }
  func.func @transform_17(%arg0: i32) -> (i32, i32) {
    %c0_i32 = arith.constant 0 : i32
    %c0_i32_0 = arith.constant 0 : i32
    %c0_i32_1 = arith.constant 0 : i32
    return %c0_i32, %c0_i32_0 : i32, i32
  }
  func.func @transform_18(%arg0: i32) -> (i32, i32) {
    %c0_i32 = arith.constant 0 : i32
    %c0_i32_0 = arith.constant 0 : i32
    %c0_i32_1 = arith.constant 0 : i32
    return %c0_i32, %c0_i32_0 : i32, i32
  }
  func.func @transform_19(%arg0: i32) -> (i32, i32) {
    %c0_i32 = arith.constant 0 : i32
    %c0_i32_0 = arith.constant 0 : i32
    %c0_i32_1 = arith.constant 0 : i32
    return %c0_i32, %c0_i32_0 : i32, i32
  }
  func.func @transform_20(%arg0: i32) -> (i32, i32) {
    %c0_i32 = arith.constant 0 : i32
    %c0_i32_0 = arith.constant 0 : i32
    %c0_i32_1 = arith.constant 0 : i32
    return %c0_i32, %c0_i32_0 : i32, i32
  }
  func.func @transform_21(%arg0: i32) -> (i32, i32) {
    %c0_i32 = arith.constant 0 : i32
    %c0_i32_0 = arith.constant 0 : i32
    %c0_i32_1 = arith.constant 0 : i32
    return %c0_i32, %c0_i32_0 : i32, i32
  }
  func.func @transform_22(%arg0: i32) -> (i32, i32) {
    %c0_i32 = arith.constant 0 : i32
    %c0_i32_0 = arith.constant 0 : i32
    return %arg0, %c0_i32 : i32, i32
  }
  func.func @transform_23(%arg0: i32) -> (i32, i32) {
    %c0_i32 = arith.constant 0 : i32
    %c0_i32_0 = arith.constant 0 : i32
    return %arg0, %c0_i32 : i32, i32
  }
}

module attributes {stable_mosaic.version = 14 : i64} {
  func.func @_edge_body(%arg0: i32, %arg1: memref<2000x128xf32, #tpu.memory_space<vmem>>, %arg2: memref<2000x128xf32, #tpu.memory_space<vmem>>, %arg3: memref<2000x16xf32, #tpu.memory_space<vmem>>, %arg4: memref<128x128xf32, #tpu.memory_space<vmem>>, %arg5: memref<16x128xf32, #tpu.memory_space<vmem>>, %arg6: memref<1x128xf32, #tpu.memory_space<vmem>>, %arg7: memref<1x128xf32, #tpu.memory_space<vmem>>, %arg8: memref<1x128xf32, #tpu.memory_space<vmem>>, %arg9: memref<128x128xf32, #tpu.memory_space<vmem>>, %arg10: memref<1x128xf32, #tpu.memory_space<vmem>>, %arg11: memref<128x128xf32, #tpu.memory_space<vmem>>, %arg12: memref<16x128xf32, #tpu.memory_space<vmem>>, %arg13: memref<1x128xf32, #tpu.memory_space<vmem>>, %arg14: memref<1x128xf32, #tpu.memory_space<vmem>>, %arg15: memref<1x128xf32, #tpu.memory_space<vmem>>, %arg16: memref<128x128xf32, #tpu.memory_space<vmem>>, %arg17: memref<128x128xf32, #tpu.memory_space<vmem>>, %arg18: memref<1x128xf32, #tpu.memory_space<vmem>>, %arg19: memref<1x128xf32, #tpu.memory_space<vmem>>, %arg20: memref<128x16xf32, #tpu.memory_space<vmem>>, %arg21: memref<16x128xf32, #tpu.memory_space<vmem>>, %arg22: memref<16x128xf32, #tpu.memory_space<vmem>>, %arg23: memref<2000x128xf32, #tpu.memory_space<vmem>>, %arg24: memref<2000x128xf32, #tpu.memory_space<vmem>>) attributes {dimension_semantics = [#tpu.dimension_semantics<arbitrary>], iteration_bounds = array<i64: 80>, scalar_prefetch = 0 : i64, scratch_operands = 0 : i64, tpu.core_type = #tpu.core_type<tc>, window_params = [{transform_indices = @transform_0, window_bounds = array<i64: 2000, 128>}, {transform_indices = @transform_1, window_bounds = array<i64: 2000, 128>}, {transform_indices = @transform_2, window_bounds = array<i64: 2000, 16>}, {pipeline_mode = #tpu.pipeline_mode<synchronous>, transform_indices = @transform_3, window_bounds = array<i64: 128, 128>}, {pipeline_mode = #tpu.pipeline_mode<synchronous>, transform_indices = @transform_4, window_bounds = array<i64: 16, 128>}, {pipeline_mode = #tpu.pipeline_mode<synchronous>, transform_indices = @transform_5, window_bounds = array<i64: 1, 128>}, {pipeline_mode = #tpu.pipeline_mode<synchronous>, transform_indices = @transform_6, window_bounds = array<i64: 1, 128>}, {pipeline_mode = #tpu.pipeline_mode<synchronous>, transform_indices = @transform_7, window_bounds = array<i64: 1, 128>}, {pipeline_mode = #tpu.pipeline_mode<synchronous>, transform_indices = @transform_8, window_bounds = array<i64: 128, 128>}, {pipeline_mode = #tpu.pipeline_mode<synchronous>, transform_indices = @transform_9, window_bounds = array<i64: 1, 128>}, {pipeline_mode = #tpu.pipeline_mode<synchronous>, transform_indices = @transform_10, window_bounds = array<i64: 128, 128>}, {pipeline_mode = #tpu.pipeline_mode<synchronous>, transform_indices = @transform_11, window_bounds = array<i64: 16, 128>}, {pipeline_mode = #tpu.pipeline_mode<synchronous>, transform_indices = @transform_12, window_bounds = array<i64: 1, 128>}, {pipeline_mode = #tpu.pipeline_mode<synchronous>, transform_indices = @transform_13, window_bounds = array<i64: 1, 128>}, {pipeline_mode = #tpu.pipeline_mode<synchronous>, transform_indices = @transform_14, window_bounds = array<i64: 1, 128>}, {pipeline_mode = #tpu.pipeline_mode<synchronous>, transform_indices = @transform_15, window_bounds = array<i64: 128, 128>}, {pipeline_mode = #tpu.pipeline_mode<synchronous>, transform_indices = @transform_16, window_bounds = array<i64: 128, 128>}, {pipeline_mode = #tpu.pipeline_mode<synchronous>, transform_indices = @transform_17, window_bounds = array<i64: 1, 128>}, {pipeline_mode = #tpu.pipeline_mode<synchronous>, transform_indices = @transform_18, window_bounds = array<i64: 1, 128>}, {pipeline_mode = #tpu.pipeline_mode<synchronous>, transform_indices = @transform_19, window_bounds = array<i64: 128, 16>}, {pipeline_mode = #tpu.pipeline_mode<synchronous>, transform_indices = @transform_20, window_bounds = array<i64: 16, 128>}, {pipeline_mode = #tpu.pipeline_mode<synchronous>, transform_indices = @transform_21, window_bounds = array<i64: 16, 128>}, {transform_indices = @transform_22, window_bounds = array<i64: 2000, 128>}, {transform_indices = @transform_23, window_bounds = array<i64: 2000, 128>}]} {
    %get3A = arith.constant 0 : index
    %get3A_0 = arith.constant 0 : index
    %get3A_1 = vector.load %arg1[%get3A, %get3A_0] : memref<2000x128xf32, #tpu.memory_space<vmem>>, vector<2000x128xf32>
    %get3A_2 = arith.constant 0 : index
    %get3A_3 = arith.constant 0 : index
    %get3A_4 = vector.load %arg3[%get3A_2, %get3A_3] : memref<2000x16xf32, #tpu.memory_space<vmem>>, vector<2000x16xf32>
    %get3A_5 = arith.constant 0 : index
    %get3A_6 = arith.constant 0 : index
    %get3A_7 = vector.load %arg4[%get3A_5, %get3A_6] : memref<128x128xf32, #tpu.memory_space<vmem>>, vector<128x128xf32>
    %dot_general3A = arith.constant dense<0.000000e+00> : vector<2000x128xf32>
    %dot_general3A_8 = tpu.matmul %get3A_1, %get3A_7, %dot_general3A {dimension_numbers = #tpu.dot_dimension_numbers<[1], [0], [0], [1], [0, 0, 1, 1], [], []>, transpose_lhs_hint = false} : vector<2000x128xf32>, vector<128x128xf32>, vector<2000x128xf32> -> vector<2000x128xf32>
    %get3A_9 = arith.constant 0 : index
    %get3A_10 = arith.constant 0 : index
    %get3A_11 = vector.load %arg5[%get3A_9, %get3A_10] : memref<16x128xf32, #tpu.memory_space<vmem>>, vector<16x128xf32>
    %dot_general3A_12 = arith.constant dense<0.000000e+00> : vector<2000x128xf32>
    %dot_general3A_13 = tpu.matmul %get3A_4, %get3A_11, %dot_general3A_12 {dimension_numbers = #tpu.dot_dimension_numbers<[1], [0], [0], [1], [0, 0, 1, 1], [], []>, transpose_lhs_hint = false} : vector<2000x16xf32>, vector<16x128xf32>, vector<2000x128xf32> -> vector<2000x128xf32>
    %add3A = arith.addf %dot_general3A_8, %dot_general3A_13 : vector<2000x128xf32>
    %get3A_14 = arith.constant 0 : index
    %get3A_15 = arith.constant 0 : index
    %get3A_16 = vector.load %arg6[%get3A_14, %get3A_15] : memref<1x128xf32, #tpu.memory_space<vmem>>, vector<1x128xf32>
    %add3A_17 = vector.broadcast %get3A_16 : vector<1x128xf32> to vector<2000x128xf32>
    %add3A_18 = arith.addf %add3A, %add3A_17 : vector<2000x128xf32>
    %get3A_19 = arith.constant 0 : index
    %get3A_20 = arith.constant 0 : index
    %get3A_21 = vector.load %arg7[%get3A_19, %get3A_20] : memref<1x128xf32, #tpu.memory_space<vmem>>, vector<1x128xf32>
    %get3A_22 = arith.constant 0 : index
    %get3A_23 = arith.constant 0 : index
    %get3A_24 = vector.load %arg8[%get3A_22, %get3A_23] : memref<1x128xf32, #tpu.memory_space<vmem>>, vector<1x128xf32>
    %reduce_sum3A = arith.constant dense<0.000000e+00> : vector<2000xf32>
    %reduce_sum3A_25 = vector.multi_reduction <add>, %add3A_18, %reduce_sum3A [1] : vector<2000x128xf32> to vector<2000xf32>
    %broadcast_in_dim3A = vector.shape_cast %reduce_sum3A_25 : vector<2000xf32> to vector<2000x1xf32>
    %div3A = arith.constant 1.280000e+02 : f32
    %div3A_26 = vector.broadcast %div3A : f32 to vector<2000x1xf32>
    %div3A_27 = arith.divf %broadcast_in_dim3A, %div3A_26 : vector<2000x1xf32>
    %sub3A = vector.broadcast %div3A_27 : vector<2000x1xf32> to vector<2000x128xf32>
    %sub3A_28 = arith.subf %add3A_18, %sub3A : vector<2000x128xf32>
    %sub3A_29 = vector.broadcast %div3A_27 : vector<2000x1xf32> to vector<2000x128xf32>
    %sub3A_30 = arith.subf %add3A_18, %sub3A_29 : vector<2000x128xf32>
    %mul3A = arith.mulf %sub3A_28, %sub3A_30 : vector<2000x128xf32>
    %reduce_sum3A_31 = arith.constant dense<0.000000e+00> : vector<2000xf32>
    %reduce_sum3A_32 = vector.multi_reduction <add>, %mul3A, %reduce_sum3A_31 [1] : vector<2000x128xf32> to vector<2000xf32>
    %broadcast_in_dim3A_33 = vector.shape_cast %reduce_sum3A_32 : vector<2000xf32> to vector<2000x1xf32>
    %div3A_34 = arith.constant 1.280000e+02 : f32
    %div3A_35 = vector.broadcast %div3A_34 : f32 to vector<2000x1xf32>
    %div3A_36 = arith.divf %broadcast_in_dim3A_33, %div3A_35 : vector<2000x1xf32>
    %sub3A_37 = vector.broadcast %div3A_27 : vector<2000x1xf32> to vector<2000x128xf32>
    %sub3A_38 = arith.subf %add3A_18, %sub3A_37 : vector<2000x128xf32>
    %add3A_39 = arith.constant 9.99999974E-6 : f32
    %add3A_40 = vector.broadcast %add3A_39 : f32 to vector<2000x1xf32>
    %add3A_41 = arith.addf %div3A_36, %add3A_40 : vector<2000x1xf32>
    %rsqrt3A = math.rsqrt %add3A_41 : vector<2000x1xf32>
    %mul3A_42 = vector.broadcast %rsqrt3A : vector<2000x1xf32> to vector<2000x128xf32>
    %mul3A_43 = arith.mulf %sub3A_38, %mul3A_42 : vector<2000x128xf32>
    %mul3A_44 = vector.broadcast %get3A_21 : vector<1x128xf32> to vector<2000x128xf32>
    %mul3A_45 = arith.mulf %mul3A_43, %mul3A_44 : vector<2000x128xf32>
    %add3A_46 = vector.broadcast %get3A_24 : vector<1x128xf32> to vector<2000x128xf32>
    %add3A_47 = arith.addf %mul3A_45, %add3A_46 : vector<2000x128xf32>
    %max3A = arith.constant 0.000000e+00 : f32
    %max3A_48 = vector.broadcast %max3A : f32 to vector<2000x128xf32>
    %max3A_49 = arith.maximumf %add3A_47, %max3A_48 : vector<2000x128xf32>
    %get3A_50 = arith.constant 0 : index
    %get3A_51 = arith.constant 0 : index
    %get3A_52 = vector.load %arg9[%get3A_50, %get3A_51] : memref<128x128xf32, #tpu.memory_space<vmem>>, vector<128x128xf32>
    %dot_general3A_53 = arith.constant dense<0.000000e+00> : vector<2000x128xf32>
    %dot_general3A_54 = tpu.matmul %max3A_49, %get3A_52, %dot_general3A_53 {dimension_numbers = #tpu.dot_dimension_numbers<[1], [0], [0], [1], [0, 0, 1, 1], [], []>, transpose_lhs_hint = false} : vector<2000x128xf32>, vector<128x128xf32>, vector<2000x128xf32> -> vector<2000x128xf32>
    %get3A_55 = arith.constant 0 : index
    %get3A_56 = arith.constant 0 : index
    %get3A_57 = vector.load %arg10[%get3A_55, %get3A_56] : memref<1x128xf32, #tpu.memory_space<vmem>>, vector<1x128xf32>
    %add3A_58 = vector.broadcast %get3A_57 : vector<1x128xf32> to vector<2000x128xf32>
    %add3A_59 = arith.addf %dot_general3A_54, %add3A_58 : vector<2000x128xf32>
    %get3A_60 = arith.constant 0 : index
    %get3A_61 = arith.constant 0 : index
    %get3A_62 = vector.load %arg11[%get3A_60, %get3A_61] : memref<128x128xf32, #tpu.memory_space<vmem>>, vector<128x128xf32>
    %dot_general3A_63 = arith.constant dense<0.000000e+00> : vector<2000x128xf32>
    %dot_general3A_64 = tpu.matmul %get3A_1, %get3A_62, %dot_general3A_63 {dimension_numbers = #tpu.dot_dimension_numbers<[1], [0], [0], [1], [0, 0, 1, 1], [], []>, transpose_lhs_hint = false} : vector<2000x128xf32>, vector<128x128xf32>, vector<2000x128xf32> -> vector<2000x128xf32>
    %get3A_65 = arith.constant 0 : index
    %get3A_66 = arith.constant 0 : index
    %get3A_67 = vector.load %arg12[%get3A_65, %get3A_66] : memref<16x128xf32, #tpu.memory_space<vmem>>, vector<16x128xf32>
    %dot_general3A_68 = arith.constant dense<0.000000e+00> : vector<2000x128xf32>
    %dot_general3A_69 = tpu.matmul %get3A_4, %get3A_67, %dot_general3A_68 {dimension_numbers = #tpu.dot_dimension_numbers<[1], [0], [0], [1], [0, 0, 1, 1], [], []>, transpose_lhs_hint = false} : vector<2000x16xf32>, vector<16x128xf32>, vector<2000x128xf32> -> vector<2000x128xf32>
    %add3A_70 = arith.addf %dot_general3A_64, %dot_general3A_69 : vector<2000x128xf32>
    %get3A_71 = arith.constant 0 : index
    %get3A_72 = arith.constant 0 : index
    %get3A_73 = vector.load %arg13[%get3A_71, %get3A_72] : memref<1x128xf32, #tpu.memory_space<vmem>>, vector<1x128xf32>
    %add3A_74 = vector.broadcast %get3A_73 : vector<1x128xf32> to vector<2000x128xf32>
    %add3A_75 = arith.addf %add3A_70, %add3A_74 : vector<2000x128xf32>
    %get3A_76 = arith.constant 0 : index
    %get3A_77 = arith.constant 0 : index
    %get3A_78 = vector.load %arg14[%get3A_76, %get3A_77] : memref<1x128xf32, #tpu.memory_space<vmem>>, vector<1x128xf32>
    %get3A_79 = arith.constant 0 : index
    %get3A_80 = arith.constant 0 : index
    %get3A_81 = vector.load %arg15[%get3A_79, %get3A_80] : memref<1x128xf32, #tpu.memory_space<vmem>>, vector<1x128xf32>
    %reduce_sum3A_82 = arith.constant dense<0.000000e+00> : vector<2000xf32>
    %reduce_sum3A_83 = vector.multi_reduction <add>, %add3A_75, %reduce_sum3A_82 [1] : vector<2000x128xf32> to vector<2000xf32>
    %broadcast_in_dim3A_84 = vector.shape_cast %reduce_sum3A_83 : vector<2000xf32> to vector<2000x1xf32>
    %div3A_85 = arith.constant 1.280000e+02 : f32
    %div3A_86 = vector.broadcast %div3A_85 : f32 to vector<2000x1xf32>
    %div3A_87 = arith.divf %broadcast_in_dim3A_84, %div3A_86 : vector<2000x1xf32>
    %sub3A_88 = vector.broadcast %div3A_87 : vector<2000x1xf32> to vector<2000x128xf32>
    %sub3A_89 = arith.subf %add3A_75, %sub3A_88 : vector<2000x128xf32>
    %sub3A_90 = vector.broadcast %div3A_87 : vector<2000x1xf32> to vector<2000x128xf32>
    %sub3A_91 = arith.subf %add3A_75, %sub3A_90 : vector<2000x128xf32>
    %mul3A_92 = arith.mulf %sub3A_89, %sub3A_91 : vector<2000x128xf32>
    %reduce_sum3A_93 = arith.constant dense<0.000000e+00> : vector<2000xf32>
    %reduce_sum3A_94 = vector.multi_reduction <add>, %mul3A_92, %reduce_sum3A_93 [1] : vector<2000x128xf32> to vector<2000xf32>
    %broadcast_in_dim3A_95 = vector.shape_cast %reduce_sum3A_94 : vector<2000xf32> to vector<2000x1xf32>
    %div3A_96 = arith.constant 1.280000e+02 : f32
    %div3A_97 = vector.broadcast %div3A_96 : f32 to vector<2000x1xf32>
    %div3A_98 = arith.divf %broadcast_in_dim3A_95, %div3A_97 : vector<2000x1xf32>
    %sub3A_99 = vector.broadcast %div3A_87 : vector<2000x1xf32> to vector<2000x128xf32>
    %sub3A_100 = arith.subf %add3A_75, %sub3A_99 : vector<2000x128xf32>
    %add3A_101 = arith.constant 9.99999974E-6 : f32
    %add3A_102 = vector.broadcast %add3A_101 : f32 to vector<2000x1xf32>
    %add3A_103 = arith.addf %div3A_98, %add3A_102 : vector<2000x1xf32>
    %rsqrt3A_104 = math.rsqrt %add3A_103 : vector<2000x1xf32>
    %mul3A_105 = vector.broadcast %rsqrt3A_104 : vector<2000x1xf32> to vector<2000x128xf32>
    %mul3A_106 = arith.mulf %sub3A_100, %mul3A_105 : vector<2000x128xf32>
    %mul3A_107 = vector.broadcast %get3A_78 : vector<1x128xf32> to vector<2000x128xf32>
    %mul3A_108 = arith.mulf %mul3A_106, %mul3A_107 : vector<2000x128xf32>
    %add3A_109 = vector.broadcast %get3A_81 : vector<1x128xf32> to vector<2000x128xf32>
    %add3A_110 = arith.addf %mul3A_108, %add3A_109 : vector<2000x128xf32>
    %max3A_111 = arith.constant 0.000000e+00 : f32
    %max3A_112 = vector.broadcast %max3A_111 : f32 to vector<2000x128xf32>
    %max3A_113 = arith.maximumf %add3A_110, %max3A_112 : vector<2000x128xf32>
    %get3A_114 = arith.constant 0 : index
    %get3A_115 = arith.constant 0 : index
    %get3A_116 = vector.load %arg16[%get3A_114, %get3A_115] : memref<128x128xf32, #tpu.memory_space<vmem>>, vector<128x128xf32>
    %dot_general3A_117 = arith.constant dense<0.000000e+00> : vector<2000x128xf32>
    %dot_general3A_118 = tpu.matmul %max3A_113, %get3A_116, %dot_general3A_117 {dimension_numbers = #tpu.dot_dimension_numbers<[1], [0], [0], [1], [0, 0, 1, 1], [], []>, transpose_lhs_hint = false} : vector<2000x128xf32>, vector<128x128xf32>, vector<2000x128xf32> -> vector<2000x128xf32>
    %get3A_119 = arith.constant 0 : index
    %get3A_120 = arith.constant 0 : index
    %get3A_121 = vector.load %arg18[%get3A_119, %get3A_120] : memref<1x128xf32, #tpu.memory_space<vmem>>, vector<1x128xf32>
    %add3A_122 = vector.broadcast %get3A_121 : vector<1x128xf32> to vector<2000x128xf32>
    %add3A_123 = arith.addf %dot_general3A_118, %add3A_122 : vector<2000x128xf32>
    %get3A_124 = arith.constant 0 : index
    %get3A_125 = arith.constant 0 : index
    %get3A_126 = vector.load %arg17[%get3A_124, %get3A_125] : memref<128x128xf32, #tpu.memory_space<vmem>>, vector<128x128xf32>
    %dot_general3A_127 = arith.constant dense<0.000000e+00> : vector<2000x128xf32>
    %dot_general3A_128 = tpu.matmul %max3A_113, %get3A_126, %dot_general3A_127 {dimension_numbers = #tpu.dot_dimension_numbers<[1], [0], [0], [1], [0, 0, 1, 1], [], []>, transpose_lhs_hint = false} : vector<2000x128xf32>, vector<128x128xf32>, vector<2000x128xf32> -> vector<2000x128xf32>
    %get3A_129 = arith.constant 0 : index
    %get3A_130 = arith.constant 0 : index
    %get3A_131 = vector.load %arg19[%get3A_129, %get3A_130] : memref<1x128xf32, #tpu.memory_space<vmem>>, vector<1x128xf32>
    %add3A_132 = vector.broadcast %get3A_131 : vector<1x128xf32> to vector<2000x128xf32>
    %add3A_133 = arith.addf %dot_general3A_128, %add3A_132 : vector<2000x128xf32>
    %get3A_134 = arith.constant 0 : index
    %get3A_135 = arith.constant 0 : index
    %get3A_136 = vector.load %arg2[%get3A_134, %get3A_135] : memref<2000x128xf32, #tpu.memory_space<vmem>>, vector<2000x128xf32>
    %mul3A_137 = arith.mulf %get3A_136, %add3A_59 : vector<2000x128xf32>
    %get3A_138 = arith.constant 0 : index
    %get3A_139 = arith.constant 0 : index
    %get3A_140 = vector.load %arg20[%get3A_138, %get3A_139] : memref<128x16xf32, #tpu.memory_space<vmem>>, vector<128x16xf32>
    %dot_general3A_141 = arith.constant dense<0.000000e+00> : vector<2000x16xf32>
    %dot_general3A_142 = tpu.matmul %mul3A_137, %get3A_140, %dot_general3A_141 {dimension_numbers = #tpu.dot_dimension_numbers<[1], [0], [0], [1], [0, 0, 1, 1], [], []>, transpose_lhs_hint = false} : vector<2000x128xf32>, vector<128x16xf32>, vector<2000x16xf32> -> vector<2000x16xf32>
    %mul3A_143 = arith.constant 0.353553385 : f32
    %mul3A_144 = vector.broadcast %mul3A_143 : f32 to vector<2000x16xf32>
    %mul3A_145 = arith.mulf %dot_general3A_142, %mul3A_144 : vector<2000x16xf32>
    %exp3A = math.exp %mul3A_145 : vector<2000x16xf32>
    %get3A_146 = arith.constant 0 : index
    %get3A_147 = arith.constant 0 : index
    %get3A_148 = vector.load %arg21[%get3A_146, %get3A_147] : memref<16x128xf32, #tpu.memory_space<vmem>>, vector<16x128xf32>
    %dot_general3A_149 = arith.constant dense<0.000000e+00> : vector<2000x128xf32>
    %dot_general3A_150 = tpu.matmul %exp3A, %get3A_148, %dot_general3A_149 {dimension_numbers = #tpu.dot_dimension_numbers<[1], [0], [0], [1], [0, 0, 1, 1], [], []>, transpose_lhs_hint = false} : vector<2000x16xf32>, vector<16x128xf32>, vector<2000x128xf32> -> vector<2000x128xf32>
    %mul3A_151 = arith.mulf %add3A_123, %dot_general3A_150 : vector<2000x128xf32>
    %swap3A = arith.constant 0 : index
    %swap3A_152 = arith.constant 0 : index
    %swap3A_153 = vector.load %arg23[%swap3A, %swap3A_152] : memref<2000x128xf32, #tpu.memory_space<vmem>>, vector<2000x128xf32>
    tpu.vector_store %arg23[%swap3A, %swap3A_152], %mul3A_151 {strides = array<i32>} : memref<2000x128xf32, #tpu.memory_space<vmem>>, vector<2000x128xf32>,
    %get3A_154 = arith.constant 0 : index
    %get3A_155 = arith.constant 0 : index
    %get3A_156 = vector.load %arg22[%get3A_154, %get3A_155] : memref<16x128xf32, #tpu.memory_space<vmem>>, vector<16x128xf32>
    %dot_general3A_157 = arith.constant dense<0.000000e+00> : vector<2000x128xf32>
    %dot_general3A_158 = tpu.matmul %exp3A, %get3A_156, %dot_general3A_157 {dimension_numbers = #tpu.dot_dimension_numbers<[1], [0], [0], [1], [0, 0, 1, 1], [], []>, transpose_lhs_hint = false} : vector<2000x16xf32>, vector<16x128xf32>, vector<2000x128xf32> -> vector<2000x128xf32>
    %mul3A_159 = arith.mulf %add3A_133, %dot_general3A_158 : vector<2000x128xf32>
    %swap3A_160 = arith.constant 0 : index
    %swap3A_161 = arith.constant 0 : index
    %swap3A_162 = vector.load %arg24[%swap3A_160, %swap3A_161] : memref<2000x128xf32, #tpu.memory_space<vmem>>, vector<2000x128xf32>
    tpu.vector_store %arg24[%swap3A_160, %swap3A_161], %mul3A_159 {strides = array<i32>} : memref<2000x128xf32, #tpu.memory_space<vmem>>, vector<2000x128xf32>,
    return
  }
  func.func @transform_0(%arg0: i32) -> (i32, i32) {
    %c0_i32 = arith.constant 0 : i32
    %c0_i32_0 = arith.constant 0 : i32
    return %arg0, %c0_i32 : i32, i32
  }
  func.func @transform_1(%arg0: i32) -> (i32, i32) {
    %c0_i32 = arith.constant 0 : i32
    %c0_i32_0 = arith.constant 0 : i32
    return %arg0, %c0_i32 : i32, i32
  }
  func.func @transform_2(%arg0: i32) -> (i32, i32) {
    %add3A = arith.constant 80 : i32
    %add3A_0 = arith.addi %arg0, %add3A : i32
    %c0_i32 = arith.constant 0 : i32
    %c0_i32_1 = arith.constant 0 : i32
    return %add3A_0, %c0_i32 : i32, i32
  }
  func.func @transform_3(%arg0: i32) -> (i32, i32) {
    %c0_i32 = arith.constant 0 : i32
    %c0_i32_0 = arith.constant 0 : i32
    %c0_i32_1 = arith.constant 0 : i32
    return %c0_i32, %c0_i32_0 : i32, i32
  }
  func.func @transform_4(%arg0: i32) -> (i32, i32) {
    %c0_i32 = arith.constant 0 : i32
    %c0_i32_0 = arith.constant 0 : i32
    %c0_i32_1 = arith.constant 0 : i32
    return %c0_i32, %c0_i32_0 : i32, i32
  }
  func.func @transform_5(%arg0: i32) -> (i32, i32) {
    %c0_i32 = arith.constant 0 : i32
    %c0_i32_0 = arith.constant 0 : i32
    %c0_i32_1 = arith.constant 0 : i32
    return %c0_i32, %c0_i32_0 : i32, i32
  }
  func.func @transform_6(%arg0: i32) -> (i32, i32) {
    %c0_i32 = arith.constant 0 : i32
    %c0_i32_0 = arith.constant 0 : i32
    %c0_i32_1 = arith.constant 0 : i32
    return %c0_i32, %c0_i32_0 : i32, i32
  }
  func.func @transform_7(%arg0: i32) -> (i32, i32) {
    %c0_i32 = arith.constant 0 : i32
    %c0_i32_0 = arith.constant 0 : i32
    %c0_i32_1 = arith.constant 0 : i32
    return %c0_i32, %c0_i32_0 : i32, i32
  }
  func.func @transform_8(%arg0: i32) -> (i32, i32) {
    %c0_i32 = arith.constant 0 : i32
    %c0_i32_0 = arith.constant 0 : i32
    %c0_i32_1 = arith.constant 0 : i32
    return %c0_i32, %c0_i32_0 : i32, i32
  }
  func.func @transform_9(%arg0: i32) -> (i32, i32) {
    %c0_i32 = arith.constant 0 : i32
    %c0_i32_0 = arith.constant 0 : i32
    %c0_i32_1 = arith.constant 0 : i32
    return %c0_i32, %c0_i32_0 : i32, i32
  }
  func.func @transform_10(%arg0: i32) -> (i32, i32) {
    %c0_i32 = arith.constant 0 : i32
    %c0_i32_0 = arith.constant 0 : i32
    %c0_i32_1 = arith.constant 0 : i32
    return %c0_i32, %c0_i32_0 : i32, i32
  }
  func.func @transform_11(%arg0: i32) -> (i32, i32) {
    %c0_i32 = arith.constant 0 : i32
    %c0_i32_0 = arith.constant 0 : i32
    %c0_i32_1 = arith.constant 0 : i32
    return %c0_i32, %c0_i32_0 : i32, i32
  }
  func.func @transform_12(%arg0: i32) -> (i32, i32) {
    %c0_i32 = arith.constant 0 : i32
    %c0_i32_0 = arith.constant 0 : i32
    %c0_i32_1 = arith.constant 0 : i32
    return %c0_i32, %c0_i32_0 : i32, i32
  }
  func.func @transform_13(%arg0: i32) -> (i32, i32) {
    %c0_i32 = arith.constant 0 : i32
    %c0_i32_0 = arith.constant 0 : i32
    %c0_i32_1 = arith.constant 0 : i32
    return %c0_i32, %c0_i32_0 : i32, i32
  }
  func.func @transform_14(%arg0: i32) -> (i32, i32) {
    %c0_i32 = arith.constant 0 : i32
    %c0_i32_0 = arith.constant 0 : i32
    %c0_i32_1 = arith.constant 0 : i32
    return %c0_i32, %c0_i32_0 : i32, i32
  }
  func.func @transform_15(%arg0: i32) -> (i32, i32) {
    %c0_i32 = arith.constant 0 : i32
    %c0_i32_0 = arith.constant 0 : i32
    %c0_i32_1 = arith.constant 0 : i32
    return %c0_i32, %c0_i32_0 : i32, i32
  }
  func.func @transform_16(%arg0: i32) -> (i32, i32) {
    %c0_i32 = arith.constant 0 : i32
    %c0_i32_0 = arith.constant 0 : i32
    %c0_i32_1 = arith.constant 0 : i32
    return %c0_i32, %c0_i32_0 : i32, i32
  }
  func.func @transform_17(%arg0: i32) -> (i32, i32) {
    %c0_i32 = arith.constant 0 : i32
    %c0_i32_0 = arith.constant 0 : i32
    %c0_i32_1 = arith.constant 0 : i32
    return %c0_i32, %c0_i32_0 : i32, i32
  }
  func.func @transform_18(%arg0: i32) -> (i32, i32) {
    %c0_i32 = arith.constant 0 : i32
    %c0_i32_0 = arith.constant 0 : i32
    %c0_i32_1 = arith.constant 0 : i32
    return %c0_i32, %c0_i32_0 : i32, i32
  }
  func.func @transform_19(%arg0: i32) -> (i32, i32) {
    %c0_i32 = arith.constant 0 : i32
    %c0_i32_0 = arith.constant 0 : i32
    %c0_i32_1 = arith.constant 0 : i32
    return %c0_i32, %c0_i32_0 : i32, i32
  }
  func.func @transform_20(%arg0: i32) -> (i32, i32) {
    %c0_i32 = arith.constant 0 : i32
    %c0_i32_0 = arith.constant 0 : i32
    %c0_i32_1 = arith.constant 0 : i32
    return %c0_i32, %c0_i32_0 : i32, i32
  }
  func.func @transform_21(%arg0: i32) -> (i32, i32) {
    %c0_i32 = arith.constant 0 : i32
    %c0_i32_0 = arith.constant 0 : i32
    %c0_i32_1 = arith.constant 0 : i32
    return %c0_i32, %c0_i32_0 : i32, i32
  }
  func.func @transform_22(%arg0: i32) -> (i32, i32) {
    %c0_i32 = arith.constant 0 : i32
    %c0_i32_0 = arith.constant 0 : i32
    return %arg0, %c0_i32 : i32, i32
  }
  func.func @transform_23(%arg0: i32) -> (i32, i32) {
    %c0_i32 = arith.constant 0 : i32
    %c0_i32_0 = arith.constant 0 : i32
    return %arg0, %c0_i32 : i32, i32
  }
}

module attributes {stable_mosaic.version = 14 : i64} {
  func.func @_out_body(%arg0: i32, %arg1: memref<2000x64xf32, #tpu.memory_space<vmem>>, %arg2: memref<2000x64xf32, #tpu.memory_space<vmem>>, %arg3: memref<2000x64xf32, #tpu.memory_space<vmem>>, %arg4: memref<2000x64xf32, #tpu.memory_space<vmem>>, %arg5: memref<2000x16xf32, #tpu.memory_space<vmem>>, %arg6: memref<2000x16xf32, #tpu.memory_space<vmem>>, %arg7: memref<2000x16xf32, #tpu.memory_space<vmem>>, %arg8: memref<2000x16xf32, #tpu.memory_space<vmem>>, %arg9: memref<2000x128xf32, #tpu.memory_space<vmem>>, %arg10: memref<16x64xf32, #tpu.memory_space<vmem>>, %arg11: memref<16x64xf32, #tpu.memory_space<vmem>>, %arg12: memref<64x128xf32, #tpu.memory_space<vmem>>, %arg13: memref<64x128xf32, #tpu.memory_space<vmem>>, %arg14: memref<128x128xf32, #tpu.memory_space<vmem>>, %arg15: memref<1x128xf32, #tpu.memory_space<vmem>>, %arg16: memref<1x128xf32, #tpu.memory_space<vmem>>, %arg17: memref<1x128xf32, #tpu.memory_space<vmem>>, %arg18: memref<128x128xf32, #tpu.memory_space<vmem>>, %arg19: memref<1x128xf32, #tpu.memory_space<vmem>>, %arg20: memref<2000x128xf32, #tpu.memory_space<vmem>>) attributes {dimension_semantics = [#tpu.dimension_semantics<arbitrary>], iteration_bounds = array<i64: 5>, scalar_prefetch = 0 : i64, scratch_operands = 0 : i64, tpu.core_type = #tpu.core_type<tc>, window_params = [{transform_indices = @transform_0, window_bounds = array<i64: 2000, 64>}, {transform_indices = @transform_1, window_bounds = array<i64: 2000, 64>}, {transform_indices = @transform_2, window_bounds = array<i64: 2000, 64>}, {transform_indices = @transform_3, window_bounds = array<i64: 2000, 64>}, {transform_indices = @transform_4, window_bounds = array<i64: 2000, 16>}, {transform_indices = @transform_5, window_bounds = array<i64: 2000, 16>}, {transform_indices = @transform_6, window_bounds = array<i64: 2000, 16>}, {transform_indices = @transform_7, window_bounds = array<i64: 2000, 16>}, {transform_indices = @transform_8, window_bounds = array<i64: 2000, 128>}, {pipeline_mode = #tpu.pipeline_mode<synchronous>, transform_indices = @transform_9, window_bounds = array<i64: 16, 64>}, {pipeline_mode = #tpu.pipeline_mode<synchronous>, transform_indices = @transform_10, window_bounds = array<i64: 16, 64>}, {pipeline_mode = #tpu.pipeline_mode<synchronous>, transform_indices = @transform_11, window_bounds = array<i64: 64, 128>}, {pipeline_mode = #tpu.pipeline_mode<synchronous>, transform_indices = @transform_12, window_bounds = array<i64: 64, 128>}, {pipeline_mode = #tpu.pipeline_mode<synchronous>, transform_indices = @transform_13, window_bounds = array<i64: 128, 128>}, {pipeline_mode = #tpu.pipeline_mode<synchronous>, transform_indices = @transform_14, window_bounds = array<i64: 1, 128>}, {pipeline_mode = #tpu.pipeline_mode<synchronous>, transform_indices = @transform_15, window_bounds = array<i64: 1, 128>}, {pipeline_mode = #tpu.pipeline_mode<synchronous>, transform_indices = @transform_16, window_bounds = array<i64: 1, 128>}, {pipeline_mode = #tpu.pipeline_mode<synchronous>, transform_indices = @transform_17, window_bounds = array<i64: 128, 128>}, {pipeline_mode = #tpu.pipeline_mode<synchronous>, transform_indices = @transform_18, window_bounds = array<i64: 1, 128>}, {transform_indices = @transform_19, window_bounds = array<i64: 2000, 128>}]} {
    %get3A = arith.constant 0 : index
    %get3A_0 = arith.constant 0 : index
    %get3A_1 = vector.load %arg1[%get3A, %get3A_0] : memref<2000x64xf32, #tpu.memory_space<vmem>>, vector<2000x64xf32>
    %get3A_2 = arith.constant 0 : index
    %get3A_3 = arith.constant 0 : index
    %get3A_4 = vector.load %arg2[%get3A_2, %get3A_3] : memref<2000x64xf32, #tpu.memory_space<vmem>>, vector<2000x64xf32>
    %add3A = arith.addf %get3A_1, %get3A_4 : vector<2000x64xf32>
    %get3A_5 = arith.constant 0 : index
    %get3A_6 = arith.constant 0 : index
    %get3A_7 = vector.load %arg3[%get3A_5, %get3A_6] : memref<2000x64xf32, #tpu.memory_space<vmem>>, vector<2000x64xf32>
    %get3A_8 = arith.constant 0 : index
    %get3A_9 = arith.constant 0 : index
    %get3A_10 = vector.load %arg4[%get3A_8, %get3A_9] : memref<2000x64xf32, #tpu.memory_space<vmem>>, vector<2000x64xf32>
    %add3A_11 = arith.addf %get3A_7, %get3A_10 : vector<2000x64xf32>
    %get3A_12 = arith.constant 0 : index
    %get3A_13 = arith.constant 0 : index
    %get3A_14 = vector.load %arg5[%get3A_12, %get3A_13] : memref<2000x16xf32, #tpu.memory_space<vmem>>, vector<2000x16xf32>
    %get3A_15 = arith.constant 0 : index
    %get3A_16 = arith.constant 0 : index
    %get3A_17 = vector.load %arg6[%get3A_15, %get3A_16] : memref<2000x16xf32, #tpu.memory_space<vmem>>, vector<2000x16xf32>
    %add3A_18 = arith.addf %get3A_14, %get3A_17 : vector<2000x16xf32>
    %get3A_19 = arith.constant 0 : index
    %get3A_20 = arith.constant 0 : index
    %get3A_21 = vector.load %arg7[%get3A_19, %get3A_20] : memref<2000x16xf32, #tpu.memory_space<vmem>>, vector<2000x16xf32>
    %get3A_22 = arith.constant 0 : index
    %get3A_23 = arith.constant 0 : index
    %get3A_24 = vector.load %arg8[%get3A_22, %get3A_23] : memref<2000x16xf32, #tpu.memory_space<vmem>>, vector<2000x16xf32>
    %add3A_25 = arith.addf %get3A_21, %get3A_24 : vector<2000x16xf32>
    %get3A_26 = arith.constant 0 : index
    %get3A_27 = arith.constant 0 : index
    %get3A_28 = vector.load %arg10[%get3A_26, %get3A_27] : memref<16x64xf32, #tpu.memory_space<vmem>>, vector<16x64xf32>
    %dot_general3A = arith.constant dense<0.000000e+00> : vector<2000x64xf32>
    %dot_general3A_29 = tpu.matmul %add3A_18, %get3A_28, %dot_general3A {dimension_numbers = #tpu.dot_dimension_numbers<[1], [0], [0], [1], [0, 0, 1, 1], [], []>, transpose_lhs_hint = false} : vector<2000x16xf32>, vector<16x64xf32>, vector<2000x64xf32> -> vector<2000x64xf32>
    %add3A_30 = arith.constant 1.000000e-16 : f32
    %add3A_31 = vector.broadcast %add3A_30 : f32 to vector<2000x64xf32>
    %add3A_32 = arith.addf %dot_general3A_29, %add3A_31 : vector<2000x64xf32>
    %div3A = arith.divf %add3A, %add3A_32 : vector<2000x64xf32>
    %get3A_33 = arith.constant 0 : index
    %get3A_34 = arith.constant 0 : index
    %get3A_35 = vector.load %arg11[%get3A_33, %get3A_34] : memref<16x64xf32, #tpu.memory_space<vmem>>, vector<16x64xf32>
    %dot_general3A_36 = arith.constant dense<0.000000e+00> : vector<2000x64xf32>
    %dot_general3A_37 = tpu.matmul %add3A_25, %get3A_35, %dot_general3A_36 {dimension_numbers = #tpu.dot_dimension_numbers<[1], [0], [0], [1], [0, 0, 1, 1], [], []>, transpose_lhs_hint = false} : vector<2000x16xf32>, vector<16x64xf32>, vector<2000x64xf32> -> vector<2000x64xf32>
    %add3A_38 = arith.constant 1.000000e-16 : f32
    %add3A_39 = vector.broadcast %add3A_38 : f32 to vector<2000x64xf32>
    %add3A_40 = arith.addf %dot_general3A_37, %add3A_39 : vector<2000x64xf32>
    %div3A_41 = arith.divf %add3A_11, %add3A_40 : vector<2000x64xf32>
    %get3A_42 = arith.constant 0 : index
    %get3A_43 = arith.constant 0 : index
    %get3A_44 = vector.load %arg9[%get3A_42, %get3A_43] : memref<2000x128xf32, #tpu.memory_space<vmem>>, vector<2000x128xf32>
    %get3A_45 = arith.constant 0 : index
    %get3A_46 = arith.constant 0 : index
    %get3A_47 = vector.load %arg12[%get3A_45, %get3A_46] : memref<64x128xf32, #tpu.memory_space<vmem>>, vector<64x128xf32>
    %dot_general3A_48 = arith.constant dense<0.000000e+00> : vector<2000x128xf32>
    %dot_general3A_49 = tpu.matmul %div3A, %get3A_47, %dot_general3A_48 {dimension_numbers = #tpu.dot_dimension_numbers<[1], [0], [0], [1], [0, 0, 1, 1], [], []>, transpose_lhs_hint = false} : vector<2000x64xf32>, vector<64x128xf32>, vector<2000x128xf32> -> vector<2000x128xf32>
    %get3A_50 = arith.constant 0 : index
    %get3A_51 = arith.constant 0 : index
    %get3A_52 = vector.load %arg13[%get3A_50, %get3A_51] : memref<64x128xf32, #tpu.memory_space<vmem>>, vector<64x128xf32>
    %dot_general3A_53 = arith.constant dense<0.000000e+00> : vector<2000x128xf32>
    %dot_general3A_54 = tpu.matmul %div3A_41, %get3A_52, %dot_general3A_53 {dimension_numbers = #tpu.dot_dimension_numbers<[1], [0], [0], [1], [0, 0, 1, 1], [], []>, transpose_lhs_hint = false} : vector<2000x64xf32>, vector<64x128xf32>, vector<2000x128xf32> -> vector<2000x128xf32>
    %add3A_55 = arith.addf %dot_general3A_49, %dot_general3A_54 : vector<2000x128xf32>
    %get3A_56 = arith.constant 0 : index
    %get3A_57 = arith.constant 0 : index
    %get3A_58 = vector.load %arg14[%get3A_56, %get3A_57] : memref<128x128xf32, #tpu.memory_space<vmem>>, vector<128x128xf32>
    %dot_general3A_59 = arith.constant dense<0.000000e+00> : vector<2000x128xf32>
    %dot_general3A_60 = tpu.matmul %get3A_44, %get3A_58, %dot_general3A_59 {dimension_numbers = #tpu.dot_dimension_numbers<[1], [0], [0], [1], [0, 0, 1, 1], [], []>, transpose_lhs_hint = false} : vector<2000x128xf32>, vector<128x128xf32>, vector<2000x128xf32> -> vector<2000x128xf32>
    %add3A_61 = arith.addf %add3A_55, %dot_general3A_60 : vector<2000x128xf32>
    %get3A_62 = arith.constant 0 : index
    %get3A_63 = arith.constant 0 : index
    %get3A_64 = vector.load %arg15[%get3A_62, %get3A_63] : memref<1x128xf32, #tpu.memory_space<vmem>>, vector<1x128xf32>
    %add3A_65 = vector.broadcast %get3A_64 : vector<1x128xf32> to vector<2000x128xf32>
    %add3A_66 = arith.addf %add3A_61, %add3A_65 : vector<2000x128xf32>
    %get3A_67 = arith.constant 0 : index
    %get3A_68 = arith.constant 0 : index
    %get3A_69 = vector.load %arg16[%get3A_67, %get3A_68] : memref<1x128xf32, #tpu.memory_space<vmem>>, vector<1x128xf32>
    %get3A_70 = arith.constant 0 : index
    %get3A_71 = arith.constant 0 : index
    %get3A_72 = vector.load %arg17[%get3A_70, %get3A_71] : memref<1x128xf32, #tpu.memory_space<vmem>>, vector<1x128xf32>
    %reduce_sum3A = arith.constant dense<0.000000e+00> : vector<2000xf32>
    %reduce_sum3A_73 = vector.multi_reduction <add>, %add3A_66, %reduce_sum3A [1] : vector<2000x128xf32> to vector<2000xf32>
    %broadcast_in_dim3A = vector.shape_cast %reduce_sum3A_73 : vector<2000xf32> to vector<2000x1xf32>
    %div3A_74 = arith.constant 1.280000e+02 : f32
    %div3A_75 = vector.broadcast %div3A_74 : f32 to vector<2000x1xf32>
    %div3A_76 = arith.divf %broadcast_in_dim3A, %div3A_75 : vector<2000x1xf32>
    %sub3A = vector.broadcast %div3A_76 : vector<2000x1xf32> to vector<2000x128xf32>
    %sub3A_77 = arith.subf %add3A_66, %sub3A : vector<2000x128xf32>
    %sub3A_78 = vector.broadcast %div3A_76 : vector<2000x1xf32> to vector<2000x128xf32>
    %sub3A_79 = arith.subf %add3A_66, %sub3A_78 : vector<2000x128xf32>
    %mul3A = arith.mulf %sub3A_77, %sub3A_79 : vector<2000x128xf32>
    %reduce_sum3A_80 = arith.constant dense<0.000000e+00> : vector<2000xf32>
    %reduce_sum3A_81 = vector.multi_reduction <add>, %mul3A, %reduce_sum3A_80 [1] : vector<2000x128xf32> to vector<2000xf32>
    %broadcast_in_dim3A_82 = vector.shape_cast %reduce_sum3A_81 : vector<2000xf32> to vector<2000x1xf32>
    %div3A_83 = arith.constant 1.280000e+02 : f32
    %div3A_84 = vector.broadcast %div3A_83 : f32 to vector<2000x1xf32>
    %div3A_85 = arith.divf %broadcast_in_dim3A_82, %div3A_84 : vector<2000x1xf32>
    %sub3A_86 = vector.broadcast %div3A_76 : vector<2000x1xf32> to vector<2000x128xf32>
    %sub3A_87 = arith.subf %add3A_66, %sub3A_86 : vector<2000x128xf32>
    %add3A_88 = arith.constant 9.99999974E-6 : f32
    %add3A_89 = vector.broadcast %add3A_88 : f32 to vector<2000x1xf32>
    %add3A_90 = arith.addf %div3A_85, %add3A_89 : vector<2000x1xf32>
    %rsqrt3A = math.rsqrt %add3A_90 : vector<2000x1xf32>
    %mul3A_91 = vector.broadcast %rsqrt3A : vector<2000x1xf32> to vector<2000x128xf32>
    %mul3A_92 = arith.mulf %sub3A_87, %mul3A_91 : vector<2000x128xf32>
    %mul3A_93 = vector.broadcast %get3A_69 : vector<1x128xf32> to vector<2000x128xf32>
    %mul3A_94 = arith.mulf %mul3A_92, %mul3A_93 : vector<2000x128xf32>
    %add3A_95 = vector.broadcast %get3A_72 : vector<1x128xf32> to vector<2000x128xf32>
    %add3A_96 = arith.addf %mul3A_94, %add3A_95 : vector<2000x128xf32>
    %max3A = arith.constant 0.000000e+00 : f32
    %max3A_97 = vector.broadcast %max3A : f32 to vector<2000x128xf32>
    %max3A_98 = arith.maximumf %add3A_96, %max3A_97 : vector<2000x128xf32>
    %get3A_99 = arith.constant 0 : index
    %get3A_100 = arith.constant 0 : index
    %get3A_101 = vector.load %arg18[%get3A_99, %get3A_100] : memref<128x128xf32, #tpu.memory_space<vmem>>, vector<128x128xf32>
    %dot_general3A_102 = arith.constant dense<0.000000e+00> : vector<2000x128xf32>
    %dot_general3A_103 = tpu.matmul %max3A_98, %get3A_101, %dot_general3A_102 {dimension_numbers = #tpu.dot_dimension_numbers<[1], [0], [0], [1], [0, 0, 1, 1], [], []>, transpose_lhs_hint = false} : vector<2000x128xf32>, vector<128x128xf32>, vector<2000x128xf32> -> vector<2000x128xf32>
    %get3A_104 = arith.constant 0 : index
    %get3A_105 = arith.constant 0 : index
    %get3A_106 = vector.load %arg19[%get3A_104, %get3A_105] : memref<1x128xf32, #tpu.memory_space<vmem>>, vector<1x128xf32>
    %add3A_107 = vector.broadcast %get3A_106 : vector<1x128xf32> to vector<2000x128xf32>
    %add3A_108 = arith.addf %dot_general3A_103, %add3A_107 : vector<2000x128xf32>
    %add3A_109 = arith.addf %add3A_108, %get3A_44 : vector<2000x128xf32>
    %swap3A = arith.constant 0 : index
    %swap3A_110 = arith.constant 0 : index
    %swap3A_111 = vector.load %arg20[%swap3A, %swap3A_110] : memref<2000x128xf32, #tpu.memory_space<vmem>>, vector<2000x128xf32>
    tpu.vector_store %arg20[%swap3A, %swap3A_110], %add3A_109 {strides = array<i32>} : memref<2000x128xf32, #tpu.memory_space<vmem>>, vector<2000x128xf32>,
    return
  }
  func.func @transform_0(%arg0: i32) -> (i32, i32) {
    %c0_i32 = arith.constant 0 : i32
    %c0_i32_0 = arith.constant 0 : i32
    return %arg0, %c0_i32 : i32, i32
  }
  func.func @transform_1(%arg0: i32) -> (i32, i32) {
    %c0_i32 = arith.constant 0 : i32
    %c0_i32_0 = arith.constant 0 : i32
    return %arg0, %c0_i32 : i32, i32
  }
  func.func @transform_2(%arg0: i32) -> (i32, i32) {
    %c0_i32 = arith.constant 0 : i32
    %c0_i32_0 = arith.constant 0 : i32
    return %arg0, %c0_i32 : i32, i32
  }
  func.func @transform_3(%arg0: i32) -> (i32, i32) {
    %c0_i32 = arith.constant 0 : i32
    %c0_i32_0 = arith.constant 0 : i32
    return %arg0, %c0_i32 : i32, i32
  }
  func.func @transform_4(%arg0: i32) -> (i32, i32) {
    %c0_i32 = arith.constant 0 : i32
    %c0_i32_0 = arith.constant 0 : i32
    return %arg0, %c0_i32 : i32, i32
  }
  func.func @transform_5(%arg0: i32) -> (i32, i32) {
    %c0_i32 = arith.constant 0 : i32
    %c0_i32_0 = arith.constant 0 : i32
    return %arg0, %c0_i32 : i32, i32
  }
  func.func @transform_6(%arg0: i32) -> (i32, i32) {
    %c0_i32 = arith.constant 0 : i32
    %c0_i32_0 = arith.constant 0 : i32
    return %arg0, %c0_i32 : i32, i32
  }
  func.func @transform_7(%arg0: i32) -> (i32, i32) {
    %c0_i32 = arith.constant 0 : i32
    %c0_i32_0 = arith.constant 0 : i32
    return %arg0, %c0_i32 : i32, i32
  }
  func.func @transform_8(%arg0: i32) -> (i32, i32) {
    %c0_i32 = arith.constant 0 : i32
    %c0_i32_0 = arith.constant 0 : i32
    return %arg0, %c0_i32 : i32, i32
  }
  func.func @transform_9(%arg0: i32) -> (i32, i32) {
    %c0_i32 = arith.constant 0 : i32
    %c0_i32_0 = arith.constant 0 : i32
    %c0_i32_1 = arith.constant 0 : i32
    return %c0_i32, %c0_i32_0 : i32, i32
  }
  func.func @transform_10(%arg0: i32) -> (i32, i32) {
    %c0_i32 = arith.constant 0 : i32
    %c0_i32_0 = arith.constant 0 : i32
    %c0_i32_1 = arith.constant 0 : i32
    return %c0_i32, %c0_i32_0 : i32, i32
  }
  func.func @transform_11(%arg0: i32) -> (i32, i32) {
    %c0_i32 = arith.constant 0 : i32
    %c0_i32_0 = arith.constant 0 : i32
    %c0_i32_1 = arith.constant 0 : i32
    return %c0_i32, %c0_i32_0 : i32, i32
  }
  func.func @transform_12(%arg0: i32) -> (i32, i32) {
    %c0_i32 = arith.constant 0 : i32
    %c0_i32_0 = arith.constant 0 : i32
    %c0_i32_1 = arith.constant 0 : i32
    return %c0_i32, %c0_i32_0 : i32, i32
  }
  func.func @transform_13(%arg0: i32) -> (i32, i32) {
    %c0_i32 = arith.constant 0 : i32
    %c0_i32_0 = arith.constant 0 : i32
    %c0_i32_1 = arith.constant 0 : i32
    return %c0_i32, %c0_i32_0 : i32, i32
  }
  func.func @transform_14(%arg0: i32) -> (i32, i32) {
    %c0_i32 = arith.constant 0 : i32
    %c0_i32_0 = arith.constant 0 : i32
    %c0_i32_1 = arith.constant 0 : i32
    return %c0_i32, %c0_i32_0 : i32, i32
  }
  func.func @transform_15(%arg0: i32) -> (i32, i32) {
    %c0_i32 = arith.constant 0 : i32
    %c0_i32_0 = arith.constant 0 : i32
    %c0_i32_1 = arith.constant 0 : i32
    return %c0_i32, %c0_i32_0 : i32, i32
  }
  func.func @transform_16(%arg0: i32) -> (i32, i32) {
    %c0_i32 = arith.constant 0 : i32
    %c0_i32_0 = arith.constant 0 : i32
    %c0_i32_1 = arith.constant 0 : i32
    return %c0_i32, %c0_i32_0 : i32, i32
  }
  func.func @transform_17(%arg0: i32) -> (i32, i32) {
    %c0_i32 = arith.constant 0 : i32
    %c0_i32_0 = arith.constant 0 : i32
    %c0_i32_1 = arith.constant 0 : i32
    return %c0_i32, %c0_i32_0 : i32, i32
  }
  func.func @transform_18(%arg0: i32) -> (i32, i32) {
    %c0_i32 = arith.constant 0 : i32
    %c0_i32_0 = arith.constant 0 : i32
    %c0_i32_1 = arith.constant 0 : i32
    return %c0_i32, %c0_i32_0 : i32, i32
  }
  func.func @transform_19(%arg0: i32) -> (i32, i32) {
    %c0_i32 = arith.constant 0 : i32
    %c0_i32_0 = arith.constant 0 : i32
    return %arg0, %c0_i32 : i32, i32
  }
}

</mosaic_0001>

<sc_bundles>
// kernel: kernel.10.cloned.1.call-start
scs
__scs_entry_jumppad:
0x0: {  	(pc) =	sbr.rel $0x88, $3  }
0x1: {  	(tag) =	ssettag $0x0;
	lr =	simm.s32 $0x1  }
0x2: {  	[smem:$0x3F86] =	sst lr;
	_ =	strace $0xD0000000  }
0x3: {  	_ = 	snop  }
0x4: {  	_ = 	snop  }
0x5: {  	_ = 	snop  }
0x6: {  	_ = 	snop  }
0x7: {  	_ = 	snop  }
__scs_overlays_trampoline_lowered:
0x8: {  	[smem:$0x3F95] =	sst s0  }
0x9: {  	[smem:$0x3F96] =	sst s1  }
0xa: {  	[smem:$0x3F97] =	sst s2  }
0xb: {  	[smem:$0x3F98] =	sst s3  }
0xc: {  	[smem:$0x3F99] =	sst s4  }
0xd: {  	[smem:$0x3F9A] =	sst s5  }
0xe: {  	[smem:$0x3F9B] =	sst s6  }
0xf: {  	[smem:$0x3F9C] =	sst s7  }
0x10: {  	[smem:$0x3F9D] =	sst s8  }
0x11: {  	[smem:$0x3F9E] =	sst s9;
	s0 =	simm.s32 @!p0 $0x0  }
0x12: {  	s1 =	sld [smem:$0x3F84];
	s0 =	simm.s32 @p0 $0x1  }
0x13: {  	[smem:$0x3F9F] =	sst s0;
	s0 =	simm.s32 @!p1 $0x0  }
0x14: {  	s2 =	sld [smem:$0x3F83];
	s0 =	simm.s32 @p1 $0x1  }
0x15: {  	[smem:$0x3FA0] =	sst s0;
	s0 =	simm.s32 @!p2 $0x0  }
0x16: {  	s3 =	sld [smem:$0x3FDB];
	s0 =	simm.s32 @p2 $0x1  }
0x17: {  	s4 =	simm.s32 $0x1BF5;
	[smem:$0x3FA2] =	sst s0  }
0x18: {  	s0 =	sld [smem:$0x3F85];
	_ =	swait.ge [sflag:s4], $0x0  }
0x19: {  	s7 =	sld [smem:$0x3F86]  }
0x1a: {  	s8 =	sadd.s32 $0xFFFFE003, lr  }
0x1b: {  	s9 =	sadd.s32 $0xFFFFFEF7, lr;
	s5 =	simm.s32 $0xFFFFFFFF;
	p2 =	slt.u32 s8, $0xFFFFF086  }
0x1c: {  	p1 =	slt.u32 s9, $0xF7A;
	s5 =	simm.s32 @!p2 $0x0  }
0x1d: {  	s5 =	simm.s32 @p1 $0x1;
	p0 =	seq.s32 s7, s2  }
0x1e: {  	s7 =	smul.u32 @!p0 $0xF7A, s2;
	p2 =	seq.s32 @!p0 s5, $0x0  }
0x1f: {  	s9 =	smul.u32 $0xF7A, s1;
	s8 =	simm.s32 @!p0 $0x1BF5;
	p2 =	por !p2, p0  }
0x20: {  	[sflag:s8] =	ssyncset.s32 @!p0 $0xFFFFF086;
	s6 =	sadd.s32 @!p0 s3, s7;
	s7 =	simm.s32 @!p0 $0x108  }
0x21: {  	s3 =	sadd.s32 s3, s9;
	s6 =	sadd.s32 @!p0 $0x88, s6;
	s7 =	simm.s32 @p2 $0x1082  }
0x22: {  	[simem:s7], [sflag:s8] =	dma.local @!p0 [hbm:s6], $0xF7A  }
0x23: {  	s9 =	sor.u32 $0xD0000000, s2;
	s6 =	simm.s32 $0x108;
	_ =	swait.ge @!p0 [sflag:s8], $0x0  }
0x24: {  	s3 =	sadd.s32 $0x88, s3;
	s6 =	simm.s32 @!p1 $0x1082;
	[sflag:s4] =	ssyncset.s32 $0xFFFFF086  }
0x25: {  	[simem:s6], [sflag:s4] =	dma.local [hbm:s3], $0xF7A  }
0x26: {  	[smem:$0x3F86] =	sst s1;
	(tag) =	ssettag s2;
	_ =	strace s9  }
0x27: {  	s1 =	sld [smem:$0x3F96]  }
0x28: {  	s2 =	sld [smem:$0x3F97]  }
0x29: {  	s4 =	sld [smem:$0x3F99]  }
0x2a: {  	p0 =	seq.s32 s5, $0x0;
	s5 =	sld [smem:$0x3F9A]  }
0x2b: {  	s6 =	sld [smem:$0x3F9B]  }
0x2c: {  	s7 =	sld [smem:$0x3F9C]  }
0x2d: {  	s3 =	simm.s32 $0x108;
	s8 =	sld [smem:$0x3F9D]  }
0x2e: {  	s3 =	simm.s32 @!p0 $0x1082;
	s9 =	sld [smem:$0x3F9E]  }
0x2f: {  	lr =	sadd.s32 s0, s3;
	s0 =	sld [smem:$0x3F95]  }
0x30: {  	s3 =	sld [smem:$0x3F98]  }
0x31: {  	[smem:$0x3FA1] =	sst s10  }
0x32: {  	s10 =	sld [smem:$0x3F9F];
	_ =	sdelay $0x3  }
0x33: {  	p0 =	seq.s32 s10, $0x1;
	s10 =	sld [smem:$0x3FA1];
	_ =	sdelay $0x3  }
0x34: {  	[smem:$0x3FA1] =	sst s10  }
0x35: {  	s10 =	sld [smem:$0x3FA0];
	_ =	sdelay $0x3  }
0x36: {  	p1 =	seq.s32 s10, $0x1;
	s10 =	sld [smem:$0x3FA1];
	_ =	sdelay $0x3  }
0x37: {  	[smem:$0x3FA1] =	sst s10  }
0x38: {  	s10 =	sld [smem:$0x3FA2]  }
0x39: {  	_ = 	snop;
	(pc) =	sbr.ind lr, $3  }
0x3a: {  	_ = 	snop  }
0x3b: {  	_ = 	snop  }
0x3c: {  	p2 =	seq.s32 s10, $0x1;
	s10 =	sld [smem:$0x3FA1]  }
0x3d: {  	_ =	shalt  }
0x3e: {  	_ =	shalt  }
0x3f: {  	_ =	shalt  }
0x40: {  	_ =	shalt  }
0x41: {  	_ =	shalt  }
0x42: {  	_ =	shalt  }
0x43: {  	_ =	shalt  }
0x44: {  	_ =	shalt  }
0x45: {  	_ =	shalt  }
0x46: {  	_ =	shalt  }
0x47: {  	_ =	shalt  }
0x48: {  	_ =	shalt  }
0x49: {  	_ =	shalt  }
0x4a: {  	_ =	shalt  }
0x4b: {  	_ =	shalt  }
0x4c: {  	_ =	shalt  }
0x4d: {  	_ =	shalt  }
0x4e: {  	_ =	shalt  }
0x4f: {  	_ =	shalt  }
0x50: {  	_ =	shalt  }
0x51: {  	_ =	shalt  }
0x52: {  	_ =	shalt  }
0x53: {  	_ =	shalt  }
0x54: {  	_ =	shalt  }
0x55: {  	_ =	shalt  }
0x56: {  	_ =	shalt  }
0x57: {  	_ =	shalt  }
0x58: {  	_ =	shalt  }
0x59: {  	_ =	shalt  }
0x5a: {  	_ =	shalt  }
0x5b: {  	_ =	shalt  }
0x5c: {  	_ =	shalt  }
0x5d: {  	_ =	shalt  }
0x5e: {  	_ =	shalt  }
0x5f: {  	_ =	shalt  }
0x60: {  	_ =	shalt  }
0x61: {  	_ =	shalt  }
0x62: {  	_ =	shalt  }
0x63: {  	_ =	shalt  }
0x64: {  	_ =	shalt  }
0x65: {  	_ =	shalt  }
0x66: {  	_ =	shalt  }
0x67: {  	_ =	shalt  }
0x68: {  	_ =	shalt  }
0x69: {  	_ =	shalt  }
0x6a: {  	_ =	shalt  }
0x6b: {  	_ =	shalt  }
0x6c: {  	_ =	shalt  }
0x6d: {  	_ =	shalt  }
0x6e: {  	_ =	shalt  }
0x6f: {  	_ =	shalt  }
0x70: {  	_ =	shalt  }
0x71: {  	_ =	shalt  }
0x72: {  	_ =	shalt  }
0x73: {  	_ =	shalt  }
0x74: {  	_ =	shalt  }
0x75: {  	_ =	shalt  }
0x76: {  	_ =	shalt  }
0x77: {  	_ =	shalt  }
0x78: {  	_ =	shalt  }
0x79: {  	_ =	shalt  }
0x7a: {  	_ =	shalt  }
0x7b: {  	_ =	shalt  }
0x7c: {  	_ =	shalt  }
0x7d: {  	_ =	shalt  }
0x7e: {  	_ =	shalt  }
0x7f: {  	_ =	shalt  }
0x80: {  	_ =	shalt  }
0x81: {  	_ =	shalt  }
0x82: {  	_ =	shalt  }
0x83: {  	_ =	shalt  }
0x84: {  	_ =	shalt  }
0x85: {  	_ =	shalt  }
0x86: {  	_ =	shalt  }
0x87: {  	_ =	shalt  }
.Lfunc_end0:
.L_simem_size_0:
called_computation_lowered:
.L_overlay_start_0:
0x88: {  	s2 =	sld [smem:$0x3FD9]  }
0x89: {  	s3 =	sld [smem:$0x3FFE];
	_ =	sdelay $0x1  }
0x8a: {  	s1 =	srdreg.scid  }
0x8b: {  	s0 =	sand.u32 $0x1, s1  }
0x8c: {  	s17 =	sshll.u32 s0, $0xA;
	s2 =	sadd.s32 s3, s2  }
0x8d: {  	s2 =	sadd.s32 s2, s17  }
0x8e: {  	[smem:$0x3FAD] =	sst s2  }
0x8f: {  	_ = 	snop  }
0x90: {  	s2 =	sld [smem:$0x3FC9]  }
0x91: {  	s18 =	sld [smem:$0x3FD0];
	(tm) =	ssettm $0x1  }
0x92: {  	s4 =	sld [smem:$0x3FFB];
	_ =	sdelay $0x3  }
0x93: {  	_ =	strace s4  }
0x94: {  	s4 =	sld [smem:$0x3FFC];
	_ =	sdelay $0x3  }
0x95: {  	_ =	strace s4  }
0x96: {  	s4 =	sld [smem:$0x3FFD];
	_ =	sdelay $0x3  }
0x97: {  	_ =	strace s4  }
0x98: {  	_ =	strace $0x8FFFFFFF  }
0x99: {  	s19 =	sld [smem:$0x3FDB];
	_ =	sdelay $0x1  }
0x9a: {  	s5 =	simm.s32 $_scs_section_size  }
0x9b: {  	s6 =	simm.s32 $_size__tile_overlayer_lowered;
	s7 =	simm.s32 $_tile_overlayer_lowered  }
0x9c: {  	s22 =	simm.s32 $0x1BFF;
	s21 =	sshll.u32 s7, $0x1;
	s4 =	sadd.s32 s5, s19  }
0x9d: {  	s8 =	simm.s32 $0x0;
	s20 =	sshll.u32 s6, $0x1;
	s6 =	sadd.s32 s21, s4  }
0x9e: {  	[timem:s8], [sflag:s22] =	dma.local [hbm:s6], s20  }
0x9f: {  	_ =	swait.ge [sflag:s22], s20  }
0xa0: {  	s5 =	ssub.s32 $0x0, s20;
	[sflag:s22] =	ssyncset.done $0x0  }
0xa1: {  	[sflag:s22] =	ssyncadd.s32 s5;
	_ =	sdelay $0x1  }
0xa2: {  	s23 =	simm.s32 $0x1B8B  }
0xa3: {  	_ =	swait.ge [sflag:s23], $0x1  }
0xa4: {  	[sflag:s23] =	ssyncset.done $0x0  }
0xa5: {  	s25 =	simm.s32 $0x1B8E;
	s24 =	sld [smem:$0x3FFE];
	[sflag:s23] =	ssyncadd.s32 $0xFFFFFFFF  }
0xa6: {  	s26 =	simm.s32 $execute0_lowered;
	[smem:$0x3FD2] =	sst s25  }
0xa7: {  	s6 =	sshll.u32 s26, $0x1;
	_ =	strace $0x80000046;
	[dreg:$0x1] =	wrdreg $0xFFFFFFFF  }
0xa8: {  	s28 =	simm.s32 $_size_execute0_lowered;
	s4 =	sadd.s32 s4, s6;
	[dreg:$0x0] =	wrdreg $0x0  }
0xa9: {  	s6 =	sshll.u32 s28, $0x1;
	[dreg:$0x2] =	wrdreg s4  }
0xaa: {  	[dreg:$0x3] =	wrdreg s6  }
0xab: {  	[dreg:$0x4] =	wrdreg $0xC0  }
0xac: {  	_ =	task [dreg:s8], $0x5FFFF  }
0xad: {  	[dreg:$0x1] =	wrdreg $0xFFFFFFFF  }
0xae: {  	[dreg:$0x0] =	wrdreg $0x60  }
0xaf: {  	[dreg:$0x2] =	wrdreg s2  }
0xb0: {  	[dreg:$0x3] =	wrdreg s18  }
0xb1: {  	[dreg:$0x4] =	wrdreg s24  }
0xb2: {  	[dreg:$0x5] =	wrdreg $0xA  }
0xb3: {  	_ =	task.clear_ibuf [dreg:s8], $0x6FFFF;
	_ =	strace $0x90000046  }
0xb4: {  	s29 =	simm.s32 $0xA;
	_ =	strace $0x80000048  }
0xb5: {  	_ =	swait.ge [sflag:s29], $0x1  }
0xb6: {  	[sflag:s29] =	ssyncadd.s32 $0xFFFFFFFF  }
0xb7: {  	_ =	strace $0x90000048  }
0xb8: {  	_ =	sfence  }
0xb9: {  	s30 =	sld [smem:$0x0];
	_ =	sdelay $0x2  }
0xba: {  	s31 =	sshll.u32 s1, $0xD;
	s1 =	sshrl.u32 s1, $0x2  }
0xbb: {  	s3 =	sand.u32 $0x4000, s31;
	s1 =	sadd.s32 s1, s30  }
0xbc: {  	s0 =	sor.u32 s3, s0;
	s1 =	sshll.u32 s1, $0x11  }
0xbd: {  	s0 =	sor.u32 s1, s0  }
0xbe: {  	s0 =	sadd.s32 $0x8F2B, s0  }
0xbf: {  	[sflag:s0] =	ssyncadd.remote.s32 $0x1  }
0xc0: {  	_ =	sfence.sel $0xFFFF  }
0xc1: {  	[dreg:$0x0] =	wrdreg $0xFFFFFFFF;
	(pc) =	sbr.abs _section_cstart, $3  }
0xc2: {  	[dreg:$0x1] =	wrdreg $0xFFFFFFFF  }
0xc3: {  	_ =	task.clear_ibuf [dreg:s8], $0x2FFFF;
	_ =	strace $0x9FFFFFFF  }
0xc4: {  	(tm) =	ssettm $0x7FFFFFFF  }
0xc5: {  	_ =	shalt  }
tec
execute0_lowered:
.L_overlay_start_1:
0x0: {  	(tag) =	ssettag $0x1  }
0x1: {  	s1 =	rddreg [dreg:$0x0]  }
0x2: {  	s0 =	srdreg.scid;
	s3 =	rddreg [dreg:$0x1]  }
0x3: {  	s10 =	stileid.u32;
	s5 =	rddreg [dreg:$0x2]  }
0x4: {  	s4 =	simm.s32 $0x0;
	s15 =	simm.s32 $0x80;
	s16 =	simm.s32 $0x2800  }
0x5: {  	s17 =	simm.s32 $0xE800;
	s18 =	simm.s32 $0x6800;
	s19 =	simm.s32 $0x12800  }
0x6: {  	s20 =	simm.s32 $0xA800;
	s21 =	simm.s32 $0x16800;
	s22 =	simm.s32 $0x1  }
0x7: {  	s28 =	simm.s32 $0x6;
	s29 =	simm.s32 $0x7;
	s30 =	simm.s32 $0xA  }
0x8: {  	s31 =	simm.s32 $0x8;
	s14 =	simm.s32 $0xC;
	s0 =	sand.u32 $0x1, s0  }
0x9: {  	s2 =	sshll.u32 s0, $0x4;
	s7 =	ssub.s32 $0x2, s0;
	s0 =	smul.u32 $0x138800, s0  }
0xa: {  	[smem:$0x7FF] =	sst s4;
	s2 =	sor.u32 s10, s2;
	s10 =	smul.u32 $0x13880, s10  }
0xb: {  	s8 =	sadd.s32 $0x1E800, s5;
	s9 =	sshrl.u32 s7, $0x1;
	s6 =	smul.u32 $0x1388, s2  }
0xc: {  	_ =	strace $0x80000047;
	s2 =	smul.u32 $0x9C400, s2;
	s7 =	ssub.s32 s7, s9  }
0xd: {  	s26 =	sadd.s32 s0, s8;
	s25 =	smax.u32 s7, $0x1;
	s6 =	sshrl.u32 s6, $0x3  }
0xe: {  	[dreg:$0x9] =	wrdreg s26;
	s7 =	simm.s32 $0xD;
	s6 =	sadd.s32 s6, s5  }
0xf: {  	s2 =	sshrl.u32 s2, $0x3;
	[dreg:$0x8] =	wrdreg s25;
	s23 =	sadd.s32 $0xAC00, s6  }
0x10: {  	s2 =	sadd.s32 $0x13800, s2;
	s6 =	sadd.s32 $0x14A00, s6;
	[dreg:$0x4] =	wrdreg s23  }
0x11: {  	s5 =	sadd.s32 $0x28F800, s5;
	s24 =	sadd.s32 s8, s2;
	[dreg:$0x5] =	wrdreg s6  }
0x12: {  	s26 =	simm.s32 $0x3;
	s2 =	sadd.s32 s5, s2;
	[dreg:$0x6] =	wrdreg s24  }
0x13: {  	s25 =	simm.s32 $0x5;
	s0 =	sadd.s32 s0, s5;
	[dreg:$0x7] =	wrdreg s2  }
0x14: {  	s5 =	simm.s32 $0x0;
	[dreg:$0xa] =	wrdreg s0;
	s23 =	simm.s32 $0x4  }
0x15: {  	s24 =	simm.s32 $0x2;
	s2 =	simm.s32 $0xB;
	s0 =	simm.s32 $0x9  }
.LBB2_1:
0x16: {  	s6 =	rddreg [dreg:$0x4]  }
0x17: {  	[tilespmem:s4], [sflag:$0xD] =	stream.linear.gather [hbm4b:s6+s4], $0x1388, $0x38;
	[tilespmem:$0x1A800] =	vst v63  }
0x18: {  	_ =	swait.ge [sflag:s7], $0x1388  }
0x19: {  	[sflag:s7] =	ssyncset.done $0x0  }
0x1a: {  	s8 =	simm.s32 $0x1400;
	s12 =	rddreg [dreg:$0x5];
	[sflag:s7] =	ssyncadd.s32 $0xFFFFEC78  }
0x1b: {  	[tilespmem:s8], [sflag:$0xD] =	stream.linear.gather [hbm4b:s12+s4], $0x1388, $0x38;
	[tilespmem:$0x1A800] =	vst v63  }
0x1c: {  	_ =	swait.ge [sflag:s7], $0x1388  }
0x1d: {  	[sflag:s7] =	ssyncset.done $0x0  }
0x1e: {  	s13 =	simm.s32 $0x0;
	[sflag:s7] =	ssyncadd.s32 $0xFFFFEC78  }
0x1f: {  	[tilespmem:s16], [sflag:$0x1] =	stream.indirect.gather [hbm4b:s1+s15], $0x80, s13, s15, $0xb8;
	[tilespmem:$0x1A800] =	vst v63  }
0x20: {  	s7 =	simm.s32 $0x1400  }
0x21: {  	[tilespmem:s17], [sflag:$0x4] =	stream.indirect.gather [hbm4b:s3+s15], $0x80, s7, s15, $0xb8;
	[tilespmem:$0x1A800] =	vst v63  }
0x22: {  	s8 =	simm.s32 $0x80  }
0x23: {  	[tilespmem:s18], [sflag:$0x2] =	stream.indirect.gather [hbm4b:s1+s15], $0x80, s8, s15, $0xb8;
	[tilespmem:$0x1A800] =	vst v63  }
0x24: {  	s9 =	simm.s32 $0x1480  }
0x25: {  	[tilespmem:s19], [sflag:$0x5] =	stream.indirect.gather [hbm4b:s3+s15], $0x80, s9, s15, $0xb8;
	[tilespmem:$0x1A800] =	vst v63  }
0x26: {  	s11 =	simm.s32 $0x100  }
0x27: {  	[tilespmem:s20], [sflag:$0x3] =	stream.indirect.gather [hbm4b:s1+s15], $0x80, s11, s15, $0xb8;
	[tilespmem:$0x1A800] =	vst v63  }
0x28: {  	s12 =	simm.s32 $0x1500  }
0x29: {  	[tilespmem:s21], [sflag:$0x6] =	stream.indirect.gather [hbm4b:s3+s15], $0x80, s12, s15, $0xb8;
	[tilespmem:$0x1A800] =	vst v63  }
0x2a: {  	_ =	swait.ge [sflag:s22], $0x4000  }
0x2b: {  	[sflag:s22] =	ssyncset.done $0x0;
	s11 =	rddreg [dreg:$0x9]  }
0x2c: {  	[sflag:s22] =	ssyncadd.s32 $0xFFFFC000;
	s6 =	sadd.s32 s11, s10  }
0x2d: {  	[hbm4b:s6+s4] =	stream.linear.scatter [tilespmem:s16], [sflag:$0x7], $0x4000, $0x38;
	[tilespmem:$0x1A800] =	vst v63  }
0x2e: {  	_ =	swait.ge [sflag:s23], $0x4000  }
0x2f: {  	[sflag:s23] =	ssyncset.done $0x0;
	s12 =	rddreg [dreg:$0xa]  }
0x30: {  	[sflag:s23] =	ssyncadd.s32 $0xFFFFC000;
	s7 =	sadd.s32 s12, s10  }
0x31: {  	[hbm4b:s7+s4] =	stream.linear.scatter [tilespmem:s17], [sflag:$0xA], $0x4000, $0x38;
	[tilespmem:$0x1A800] =	vst v63  }
0x32: {  	_ =	swait.ge [sflag:s24], $0x4000  }
0x33: {  	[sflag:s24] =	ssyncset.done $0x0  }
0x34: {  	s13 =	sadd.s32 $0x800, s6;
	[sflag:s24] =	ssyncadd.s32 $0xFFFFC000  }
0x35: {  	[hbm4b:s13+s4] =	stream.linear.scatter [tilespmem:s18], [sflag:$0x8], $0x4000, $0x38;
	[tilespmem:$0x1A800] =	vst v63  }
0x36: {  	_ =	swait.ge [sflag:s25], $0x4000  }
0x37: {  	[sflag:s25] =	ssyncset.done $0x0  }
0x38: {  	s9 =	sadd.s32 $0x800, s7;
	[sflag:s25] =	ssyncadd.s32 $0xFFFFC000  }
0x39: {  	[hbm4b:s9+s4] =	stream.linear.scatter [tilespmem:s19], [sflag:$0xB], $0x4000, $0x38;
	[tilespmem:$0x1A800] =	vst v63  }
0x3a: {  	_ =	swait.ge [sflag:s26], $0x4000  }
0x3b: {  	[sflag:s26] =	ssyncset.done $0x0  }
0x3c: {  	s6 =	sadd.s32 $0x1000, s6;
	[sflag:s26] =	ssyncadd.s32 $0xFFFFC000  }
0x3d: {  	[hbm4b:s6+s4] =	stream.linear.scatter [tilespmem:s20], [sflag:$0x9], $0x4000, $0x38;
	[tilespmem:$0x1A800] =	vst v63  }
0x3e: {  	_ =	swait.ge [sflag:s28], $0x4000  }
0x3f: {  	[sflag:s28] =	ssyncset.done $0x0  }
0x40: {  	s13 =	sadd.s32 $0x1000, s7;
	[sflag:s28] =	ssyncadd.s32 $0xFFFFC000  }
0x41: {  	[hbm4b:s13+s4] =	stream.linear.scatter [tilespmem:s21], [sflag:$0xC], $0x4000, $0x38;
	[tilespmem:$0x1A800] =	vst v63  }
0x42: {  	_ =	swait.ge [sflag:s29], $0x4000  }
0x43: {  	[sflag:s29] =	ssyncset.done $0x0  }
0x44: {  	[sflag:s29] =	ssyncadd.s32 $0xFFFFC000  }
0x45: {  	_ =	swait.ge [sflag:s30], $0x4000  }
0x46: {  	[sflag:s30] =	ssyncset.done $0x0  }
0x47: {  	[sflag:s30] =	ssyncadd.s32 $0xFFFFC000  }
0x48: {  	_ =	swait.ge [sflag:s31], $0x4000  }
0x49: {  	[sflag:s31] =	ssyncset.done $0x0  }
0x4a: {  	[sflag:s31] =	ssyncadd.s32 $0xFFFFC000  }
0x4b: {  	_ =	swait.ge [sflag:s2], $0x4000  }
0x4c: {  	[sflag:s2] =	ssyncset.done $0x0  }
0x4d: {  	[sflag:s2] =	ssyncadd.s32 $0xFFFFC000  }
0x4e: {  	_ =	swait.ge [sflag:s0], $0x4000  }
0x4f: {  	[sflag:s0] =	ssyncset.done $0x0  }
0x50: {  	[sflag:s0] =	ssyncadd.s32 $0xFFFFC000  }
0x51: {  	s8 =	simm.s32 $0x600;
	s7 =	sadd.s32 $0x1800, s11;
	_ =	swait.ge [sflag:s14], $0x4000  }
0x52: {  	s9 =	simm.s32 $0xC00;
	s6 =	sadd.s32 $0x1800, s12;
	[sflag:s14] =	ssyncset.done $0x0  }
.LBB2_2:
0x53: {  	s12 =	sshra.s32 s8, $0x2  }
0x54: {  	[sflag:s14] =	ssyncadd.s32 $0xFFFFC000;
	s8 =	smov.u32 s9;
	s11 =	sadd.s32 $0x600, s9  }
0x55: {  	[tilespmem:s16], [sflag:$0x1] =	stream.indirect.gather [hbm4b:s1+s15], $0x80, s12, s15, $0xb8;
	[tilespmem:$0x1A800] =	vst v63  }
0x56: {  	p0 =	sne.s32 s9, $0x4800;
	s9 =	sadd.s32 $0x1400, s12  }
0x57: {  	[tilespmem:s17], [sflag:$0x4] =	stream.indirect.gather [hbm4b:s3+s15], $0x80, s9, s15, $0xb8;
	[tilespmem:$0x1A800] =	vst v63  }
0x58: {  	s9 =	sadd.s32 $0x80, s12  }
0x59: {  	[tilespmem:s18], [sflag:$0x2] =	stream.indirect.gather [hbm4b:s1+s15], $0x80, s9, s15, $0xb8;
	[tilespmem:$0x1A800] =	vst v63  }
0x5a: {  	s9 =	sadd.s32 $0x1480, s12  }
0x5b: {  	[tilespmem:s19], [sflag:$0x5] =	stream.indirect.gather [hbm4b:s3+s15], $0x80, s9, s15, $0xb8;
	[tilespmem:$0x1A800] =	vst v63  }
0x5c: {  	s9 =	sadd.s32 $0x100, s12  }
0x5d: {  	[tilespmem:s20], [sflag:$0x3] =	stream.indirect.gather [hbm4b:s1+s15], $0x80, s9, s15, $0xb8;
	[tilespmem:$0x1A800] =	vst v63  }
0x5e: {  	s9 =	sadd.s32 $0x1500, s12  }
0x5f: {  	[tilespmem:s21], [sflag:$0x6] =	stream.indirect.gather [hbm4b:s3+s15], $0x80, s9, s15, $0xb8;
	[tilespmem:$0x1A800] =	vst v63  }
0x60: {  	_ =	swait.ge [sflag:s22], $0x4000  }
0x61: {  	[sflag:s22] =	ssyncset.done $0x0  }
0x62: {  	s9 =	sadd.s32 s7, s10;
	[sflag:s22] =	ssyncadd.s32 $0xFFFFC000  }
0x63: {  	[hbm4b:s9+s4] =	stream.linear.scatter [tilespmem:s16], [sflag:$0x7], $0x4000, $0x38;
	[tilespmem:$0x1A800] =	vst v63  }
0x64: {  	_ =	swait.ge [sflag:s23], $0x4000  }
0x65: {  	[sflag:s23] =	ssyncset.done $0x0  }
0x66: {  	s12 =	sadd.s32 s6, s10;
	[sflag:s23] =	ssyncadd.s32 $0xFFFFC000  }
0x67: {  	[hbm4b:s12+s4] =	stream.linear.scatter [tilespmem:s17], [sflag:$0xA], $0x4000, $0x38;
	[tilespmem:$0x1A800] =	vst v63  }
0x68: {  	_ =	swait.ge [sflag:s24], $0x4000  }
0x69: {  	[sflag:s24] =	ssyncset.done $0x0  }
0x6a: {  	s13 =	sadd.s32 $0x800, s9;
	[sflag:s24] =	ssyncadd.s32 $0xFFFFC000  }
0x6b: {  	[hbm4b:s13+s4] =	stream.linear.scatter [tilespmem:s18], [sflag:$0x8], $0x4000, $0x38;
	[tilespmem:$0x1A800] =	vst v63  }
0x6c: {  	_ =	swait.ge [sflag:s25], $0x4000  }
0x6d: {  	[sflag:s25] =	ssyncset.done $0x0  }
0x6e: {  	s13 =	sadd.s32 $0x800, s12;
	[sflag:s25] =	ssyncadd.s32 $0xFFFFC000  }
0x6f: {  	[hbm4b:s13+s4] =	stream.linear.scatter [tilespmem:s19], [sflag:$0xB], $0x4000, $0x38;
	[tilespmem:$0x1A800] =	vst v63  }
0x70: {  	_ =	swait.ge [sflag:s26], $0x4000  }
0x71: {  	[sflag:s26] =	ssyncset.done $0x0  }
0x72: {  	s9 =	sadd.s32 $0x1000, s9;
	[sflag:s26] =	ssyncadd.s32 $0xFFFFC000  }
0x73: {  	[hbm4b:s9+s4] =	stream.linear.scatter [tilespmem:s20], [sflag:$0x9], $0x4000, $0x38;
	[tilespmem:$0x1A800] =	vst v63  }
0x74: {  	_ =	swait.ge [sflag:s28], $0x4000  }
0x75: {  	[sflag:s28] =	ssyncset.done $0x0  }
0x76: {  	s9 =	sadd.s32 $0x1000, s12;
	[sflag:s28] =	ssyncadd.s32 $0xFFFFC000  }
0x77: {  	[hbm4b:s9+s4] =	stream.linear.scatter [tilespmem:s21], [sflag:$0xC], $0x4000, $0x38;
	[tilespmem:$0x1A800] =	vst v63  }
0x78: {  	_ =	swait.ge [sflag:s29], $0x4000  }
0x79: {  	[sflag:s29] =	ssyncset.done $0x0  }
0x7a: {  	[sflag:s29] =	ssyncadd.s32 $0xFFFFC000  }
0x7b: {  	_ =	swait.ge [sflag:s30], $0x4000  }
0x7c: {  	[sflag:s30] =	ssyncset.done $0x0  }
0x7d: {  	[sflag:s30] =	ssyncadd.s32 $0xFFFFC000  }
0x7e: {  	_ =	swait.ge [sflag:s31], $0x4000  }
0x7f: {  	[sflag:s31] =	ssyncset.done $0x0  }
0x80: {  	[sflag:s31] =	ssyncadd.s32 $0xFFFFC000  }
0x81: {  	_ =	swait.ge [sflag:s2], $0x4000  }
0x82: {  	[sflag:s2] =	ssyncset.done $0x0  }
0x83: {  	[sflag:s2] =	ssyncadd.s32 $0xFFFFC000  }
.Ltmp0:
0x84: {  	_ =	swait.ge [sflag:s0], $0x4000;
	(pc) =	sbr.rel @p0 .LBB2_2-.Ltmp0, $4  }
0x85: {  	[sflag:s0] =	ssyncset.done $0x0  }
0x86: {  	[sflag:s0] =	ssyncadd.s32 $0xFFFFC000  }
0x87: {  	s6 =	sadd.s32 $0x1800, s6;
	_ =	swait.ge [sflag:s14], $0x4000  }
0x88: {  	s7 =	sadd.s32 $0x1800, s7;
	s9 =	smov.u32 s11;
	[sflag:s14] =	ssyncset.done $0x0  }
0x89: {  	s8 =	sshra.s32 s8, $0x2;
	[sflag:s14] =	ssyncadd.s32 $0xFFFFC000  }
0x8a: {  	[tilespmem:s16], [sflag:$0x1] =	stream.indirect.gather [hbm4b:s1+s15], $0x80, s8, s15, $0xb8;
	[tilespmem:$0x1A800] =	vst v63  }
0x8b: {  	s9 =	sadd.s32 $0x1400, s8  }
0x8c: {  	[tilespmem:s17], [sflag:$0x4] =	stream.indirect.gather [hbm4b:s3+s15], $0x80, s9, s15, $0xb8;
	[tilespmem:$0x1A800] =	vst v63  }
0x8d: {  	s12 =	sadd.s32 $0x80, s8  }
0x8e: {  	[tilespmem:s18], [sflag:$0x2] =	stream.indirect.gather [hbm4b:s1+s15], $0x80, s12, s15, $0xb8;
	[tilespmem:$0x1A800] =	vst v63  }
0x8f: {  	s13 =	sadd.s32 $0x1480, s8  }
0x90: {  	[tilespmem:s19], [sflag:$0x5] =	stream.indirect.gather [hbm4b:s3+s15], $0x80, s13, s15, $0xb8;
	[tilespmem:$0x1A800] =	vst v63  }
0x91: {  	s11 =	sadd.s32 $0x100, s8  }
0x92: {  	[tilespmem:s20], [sflag:$0x3] =	stream.indirect.gather [hbm4b:s1+s15], $0x80, s11, s15, $0xb8;
	[tilespmem:$0x1A800] =	vst v63  }
0x93: {  	s8 =	sadd.s32 $0x1500, s8  }
0x94: {  	[tilespmem:s21], [sflag:$0x6] =	stream.indirect.gather [hbm4b:s3+s15], $0x80, s8, s15, $0xb8;
	[tilespmem:$0x1A800] =	vst v63  }
0x95: {  	_ =	swait.ge [sflag:s22], $0x4000  }
0x96: {  	[sflag:s22] =	ssyncset.done $0x0  }
0x97: {  	s7 =	sadd.s32 s7, s10;
	[sflag:s22] =	ssyncadd.s32 $0xFFFFC000  }
0x98: {  	[hbm4b:s7+s4] =	stream.linear.scatter [tilespmem:s16], [sflag:$0x7], $0x4000, $0x38;
	[tilespmem:$0x1A800] =	vst v63  }
0x99: {  	_ =	swait.ge [sflag:s23], $0x4000  }
0x9a: {  	[sflag:s23] =	ssyncset.done $0x0  }
0x9b: {  	s6 =	sadd.s32 s6, s10;
	[sflag:s23] =	ssyncadd.s32 $0xFFFFC000  }
0x9c: {  	[hbm4b:s6+s4] =	stream.linear.scatter [tilespmem:s17], [sflag:$0xA], $0x4000, $0x38;
	[tilespmem:$0x1A800] =	vst v63  }
0x9d: {  	_ =	swait.ge [sflag:s24], $0x4000  }
0x9e: {  	[sflag:s24] =	ssyncset.done $0x0  }
0x9f: {  	s12 =	sadd.s32 $0x800, s7;
	[sflag:s24] =	ssyncadd.s32 $0xFFFFC000  }
0xa0: {  	[hbm4b:s12+s4] =	stream.linear.scatter [tilespmem:s18], [sflag:$0x8], $0x4000, $0x38;
	[tilespmem:$0x1A800] =	vst v63  }
0xa1: {  	_ =	swait.ge [sflag:s25], $0x4000  }
0xa2: {  	[sflag:s25] =	ssyncset.done $0x0  }
0xa3: {  	s13 =	sadd.s32 $0x800, s6;
	[sflag:s25] =	ssyncadd.s32 $0xFFFFC000  }
0xa4: {  	[hbm4b:s13+s4] =	stream.linear.scatter [tilespmem:s19], [sflag:$0xB], $0x4000, $0x38;
	[tilespmem:$0x1A800] =	vst v63  }
0xa5: {  	_ =	swait.ge [sflag:s26], $0x4000  }
0xa6: {  	[sflag:s26] =	ssyncset.done $0x0  }
0xa7: {  	s7 =	sadd.s32 $0x1000, s7;
	[sflag:s26] =	ssyncadd.s32 $0xFFFFC000  }
0xa8: {  	[hbm4b:s7+s4] =	stream.linear.scatter [tilespmem:s20], [sflag:$0x9], $0x4000, $0x38;
	[tilespmem:$0x1A800] =	vst v63  }
0xa9: {  	_ =	swait.ge [sflag:s28], $0x4000  }
0xaa: {  	[sflag:s28] =	ssyncset.done $0x0  }
0xab: {  	s6 =	sadd.s32 $0x1000, s6;
	[sflag:s28] =	ssyncadd.s32 $0xFFFFC000  }
0xac: {  	[hbm4b:s6+s4] =	stream.linear.scatter [tilespmem:s21], [sflag:$0xC], $0x4000, $0x38;
	[tilespmem:$0x1A800] =	vst v63  }
0xad: {  	_ =	swait.ge [sflag:s29], $0x4000  }
0xae: {  	[sflag:s29] =	ssyncset.done $0x0  }
0xaf: {  	[sflag:s29] =	ssyncadd.s32 $0xFFFFC000  }
0xb0: {  	_ =	swait.ge [sflag:s30], $0x4000  }
0xb1: {  	[sflag:s30] =	ssyncset.done $0x0  }
0xb2: {  	[sflag:s30] =	ssyncadd.s32 $0xFFFFC000  }
0xb3: {  	_ =	swait.ge [sflag:s31], $0x4000  }
0xb4: {  	[sflag:s31] =	ssyncset.done $0x0  }
0xb5: {  	[sflag:s31] =	ssyncadd.s32 $0xFFFFC000  }
0xb6: {  	_ =	swait.ge [sflag:s2], $0x4000  }
0xb7: {  	[sflag:s2] =	ssyncset.done $0x0  }
0xb8: {  	[sflag:s2] =	ssyncadd.s32 $0xFFFFC000  }
0xb9: {  	_ =	swait.ge [sflag:s0], $0x4000  }
0xba: {  	[sflag:s0] =	ssyncset.done $0x0  }
0xbb: {  	[sflag:s0] =	ssyncadd.s32 $0xFFFFC000  }
0xbc: {  	_ =	swait.ge [sflag:s14], $0x4000  }
0xbd: {  	[sflag:s14] =	ssyncset.done $0x0  }
0xbe: {  	s8 =	simm.s32 $0x1380;
	[sflag:s14] =	ssyncadd.s32 $0xFFFFC000  }
0xbf: {  	[tilespmem:s16], [sflag:$0x1] =	stream.indirect.gather [hbm4b:s1+s31], $0x80, s8, s31, $0xb8;
	[tilespmem:$0x1A800] =	vst v63  }
0xc0: {  	s9 =	simm.s32 $0x2780  }
0xc1: {  	[tilespmem:s17], [sflag:$0x4] =	stream.indirect.gather [hbm4b:s3+s31], $0x80, s9, s31, $0xb8;
	[tilespmem:$0x1A800] =	vst v63  }
0xc2: {  	_ =	swait.ge [sflag:s22], $0x400  }
0xc3: {  	[sflag:s22] =	ssyncset.done $0x0  }
0xc4: {  	[sflag:s22] =	ssyncadd.s32 $0xFFFFFC00  }
0xc5: {  	_ =	swait.ge [sflag:s23], $0x400  }
0xc6: {  	[sflag:s23] =	ssyncset.done $0x0  }
0xc7: {  	s7 =	simm.s32 $0xD;
	s11 =	rddreg [dreg:$0x6];
	[sflag:s23] =	ssyncadd.s32 $0xFFFFFC00  }
0xc8: {  	[hbm4b:s11+s4] =	stream.linear.scatter [tilespmem:s16], [sflag:$0xD], $0x400, $0x38;
	[tilespmem:$0x1A800] =	vst v63  }
0xc9: {  	_ =	swait.ge [sflag:s7], $0x400  }
0xca: {  	[sflag:s7] =	ssyncset.done $0x0  }
0xcb: {  	s12 =	rddreg [dreg:$0x7];
	[sflag:s7] =	ssyncadd.s32 $0xFFFFFC00  }
0xcc: {  	[hbm4b:s12+s4] =	stream.linear.scatter [tilespmem:s17], [sflag:$0xD], $0x400, $0x38;
	[tilespmem:$0x1A800] =	vst v63  }
0xcd: {  	_ =	swait.ge [sflag:s7], $0x400  }
0xce: {  	s5 =	sadd.s32 $0x1, s5;
	s13 =	rddreg [dreg:$0x8]  }
0xcf: {  	p0 =	sne.s32 s5, s13  }
.Ltmp1:
0xd0: {  	_ = 	snop;
	(pc) =	sbr.rel @p0 .LBB2_1-.Ltmp1, $3  }
0xd1: {  	_ =	sdelay $0x1  }
0xd2: {  	[sflag:s7] =	ssyncset.done $0x0  }
0xd3: {  	[sflag:s7] =	ssyncadd.s32 $0xFFFFFC00  }
0xd4: {  	_ =	sfence.sel $0x180000  }
0xd5: {  	[bflag:$0x0] =	sbarrier.arrive $0xFFFF  }
0xd6: {  	_ =	strace $0x90000047  }
0xd7: {  	s0 =	stileid.u32;
	[bflag:$0x2] =	sbarrier.arrive $0xFFFF  }
0xd8: {  	p0 =	sne.s32 s0, $0x0;
	s0 =	rddreg [dreg:$0x3]  }
0xd9: {  	s0 =	sadd.s32 @!p0 $0x100000, s0  }
0xda: {  	[sflag:s0] =	ssyncadd.tile.s32 @!p0 $0x1;
	_ =	shalt  }
.Lfunc_end2:
_tile_overlayer_lowered:
.L_overlay_start_2:
0xdb: {  	(tag) =	ssettag $0x2  }
0xdc: {  	s0 =	rddreg [dreg:$0x0];
	s2 =	stileid.u32  }
0xdd: {  	s1 =	rddreg [dreg:$0x1];
	p0 =	sne.s32 s2, $0x0  }
0xde: {  	s3 =	rddreg [dreg:$0x2];
	[bflag:$0x3] =	sbarrier.arrive $0xFFFF;
	s2 =	simm.s32 @!p0 $0x1C0D  }
0xdf: {  	[timem:s3], [sflag:s2] =	dma.local @!p0 [hbm:s0], s1  }
0xe0: {  	s0 =	simm.s32 @!p0 $0xD  }
0xe1: {  	_ =	swait.ge @!p0 [sflag:s0], s1  }
0xe2: {  	s1 =	ssub.s32 @!p0 $0x0, s1;
	[sflag:s0] =	ssyncset.done @!p0 $0x0  }
0xe3: {  	[sflag:s0] =	ssyncadd.s32 @!p0 s1  }
0xe4: {  	[bflag:$0x3] =	sbarrier.arrive $0xFFFF  }
0xe5: {  	_ =	shalt  }

// kernel: kernel.13.cloned.1.call-start
scs
__scs_entry_jumppad:
0x0: {  	(pc) =	sbr.rel $0x88, $3  }
0x1: {  	(tag) =	ssettag $0x0;
	lr =	simm.s32 $0x1  }
0x2: {  	[smem:$0x3F86] =	sst lr;
	_ =	strace $0xD0000000  }
0x3: {  	_ = 	snop  }
0x4: {  	_ = 	snop  }
0x5: {  	_ = 	snop  }
0x6: {  	_ = 	snop  }
0x7: {  	_ = 	snop  }
__scs_overlays_trampoline_lowered:
0x8: {  	[smem:$0x3F95] =	sst s0  }
0x9: {  	[smem:$0x3F96] =	sst s1  }
0xa: {  	[smem:$0x3F97] =	sst s2  }
0xb: {  	[smem:$0x3F98] =	sst s3  }
0xc: {  	[smem:$0x3F99] =	sst s4  }
0xd: {  	[smem:$0x3F9A] =	sst s5  }
0xe: {  	[smem:$0x3F9B] =	sst s6  }
0xf: {  	[smem:$0x3F9C] =	sst s7  }
0x10: {  	[smem:$0x3F9D] =	sst s8  }
0x11: {  	[smem:$0x3F9E] =	sst s9;
	s0 =	simm.s32 @!p0 $0x0  }
0x12: {  	s1 =	sld [smem:$0x3F84];
	s0 =	simm.s32 @p0 $0x1  }
0x13: {  	[smem:$0x3F9F] =	sst s0;
	s0 =	simm.s32 @!p1 $0x0  }
0x14: {  	s2 =	sld [smem:$0x3F83];
	s0 =	simm.s32 @p1 $0x1  }
0x15: {  	[smem:$0x3FA0] =	sst s0;
	s0 =	simm.s32 @!p2 $0x0  }
0x16: {  	s3 =	sld [smem:$0x3FDB];
	s0 =	simm.s32 @p2 $0x1  }
0x17: {  	s4 =	simm.s32 $0x1BF5;
	[smem:$0x3FA2] =	sst s0  }
0x18: {  	s0 =	sld [smem:$0x3F85];
	_ =	swait.ge [sflag:s4], $0x0  }
0x19: {  	s7 =	sld [smem:$0x3F86]  }
0x1a: {  	s8 =	sadd.s32 $0xFFFFE003, lr  }
0x1b: {  	s9 =	sadd.s32 $0xFFFFFEF7, lr;
	s5 =	simm.s32 $0xFFFFFFFF;
	p2 =	slt.u32 s8, $0xFFFFF086  }
0x1c: {  	p1 =	slt.u32 s9, $0xF7A;
	s5 =	simm.s32 @!p2 $0x0  }
0x1d: {  	s5 =	simm.s32 @p1 $0x1;
	p0 =	seq.s32 s7, s2  }
0x1e: {  	s7 =	smul.u32 @!p0 $0xF7A, s2;
	p2 =	seq.s32 @!p0 s5, $0x0  }
0x1f: {  	s9 =	smul.u32 $0xF7A, s1;
	s8 =	simm.s32 @!p0 $0x1BF5;
	p2 =	por !p2, p0  }
0x20: {  	[sflag:s8] =	ssyncset.s32 @!p0 $0xFFFFF086;
	s6 =	sadd.s32 @!p0 s3, s7;
	s7 =	simm.s32 @!p0 $0x108  }
0x21: {  	s3 =	sadd.s32 s3, s9;
	s6 =	sadd.s32 @!p0 $0x88, s6;
	s7 =	simm.s32 @p2 $0x1082  }
0x22: {  	[simem:s7], [sflag:s8] =	dma.local @!p0 [hbm:s6], $0xF7A  }
0x23: {  	s9 =	sor.u32 $0xD0000000, s2;
	s6 =	simm.s32 $0x108;
	_ =	swait.ge @!p0 [sflag:s8], $0x0  }
0x24: {  	s3 =	sadd.s32 $0x88, s3;
	s6 =	simm.s32 @!p1 $0x1082;
	[sflag:s4] =	ssyncset.s32 $0xFFFFF086  }
0x25: {  	[simem:s6], [sflag:s4] =	dma.local [hbm:s3], $0xF7A  }
0x26: {  	[smem:$0x3F86] =	sst s1;
	(tag) =	ssettag s2;
	_ =	strace s9  }
0x27: {  	s1 =	sld [smem:$0x3F96]  }
0x28: {  	s2 =	sld [smem:$0x3F97]  }
0x29: {  	s4 =	sld [smem:$0x3F99]  }
0x2a: {  	p0 =	seq.s32 s5, $0x0;
	s5 =	sld [smem:$0x3F9A]  }
0x2b: {  	s6 =	sld [smem:$0x3F9B]  }
0x2c: {  	s7 =	sld [smem:$0x3F9C]  }
0x2d: {  	s3 =	simm.s32 $0x108;
	s8 =	sld [smem:$0x3F9D]  }
0x2e: {  	s3 =	simm.s32 @!p0 $0x1082;
	s9 =	sld [smem:$0x3F9E]  }
0x2f: {  	lr =	sadd.s32 s0, s3;
	s0 =	sld [smem:$0x3F95]  }
0x30: {  	s3 =	sld [smem:$0x3F98]  }
0x31: {  	[smem:$0x3FA1] =	sst s10  }
0x32: {  	s10 =	sld [smem:$0x3F9F];
	_ =	sdelay $0x3  }
0x33: {  	p0 =	seq.s32 s10, $0x1;
	s10 =	sld [smem:$0x3FA1];
	_ =	sdelay $0x3  }
0x34: {  	[smem:$0x3FA1] =	sst s10  }
0x35: {  	s10 =	sld [smem:$0x3FA0];
	_ =	sdelay $0x3  }
0x36: {  	p1 =	seq.s32 s10, $0x1;
	s10 =	sld [smem:$0x3FA1];
	_ =	sdelay $0x3  }
0x37: {  	[smem:$0x3FA1] =	sst s10  }
0x38: {  	s10 =	sld [smem:$0x3FA2]  }
0x39: {  	_ = 	snop;
	(pc) =	sbr.ind lr, $3  }
0x3a: {  	_ = 	snop  }
0x3b: {  	_ = 	snop  }
0x3c: {  	p2 =	seq.s32 s10, $0x1;
	s10 =	sld [smem:$0x3FA1]  }
0x3d: {  	_ =	shalt  }
0x3e: {  	_ =	shalt  }
0x3f: {  	_ =	shalt  }
0x40: {  	_ =	shalt  }
0x41: {  	_ =	shalt  }
0x42: {  	_ =	shalt  }
0x43: {  	_ =	shalt  }
0x44: {  	_ =	shalt  }
0x45: {  	_ =	shalt  }
0x46: {  	_ =	shalt  }
0x47: {  	_ =	shalt  }
0x48: {  	_ =	shalt  }
0x49: {  	_ =	shalt  }
0x4a: {  	_ =	shalt  }
0x4b: {  	_ =	shalt  }
0x4c: {  	_ =	shalt  }
0x4d: {  	_ =	shalt  }
0x4e: {  	_ =	shalt  }
0x4f: {  	_ =	shalt  }
0x50: {  	_ =	shalt  }
0x51: {  	_ =	shalt  }
0x52: {  	_ =	shalt  }
0x53: {  	_ =	shalt  }
0x54: {  	_ =	shalt  }
0x55: {  	_ =	shalt  }
0x56: {  	_ =	shalt  }
0x57: {  	_ =	shalt  }
0x58: {  	_ =	shalt  }
0x59: {  	_ =	shalt  }
0x5a: {  	_ =	shalt  }
0x5b: {  	_ =	shalt  }
0x5c: {  	_ =	shalt  }
0x5d: {  	_ =	shalt  }
0x5e: {  	_ =	shalt  }
0x5f: {  	_ =	shalt  }
0x60: {  	_ =	shalt  }
0x61: {  	_ =	shalt  }
0x62: {  	_ =	shalt  }
0x63: {  	_ =	shalt  }
0x64: {  	_ =	shalt  }
0x65: {  	_ =	shalt  }
0x66: {  	_ =	shalt  }
0x67: {  	_ =	shalt  }
0x68: {  	_ =	shalt  }
0x69: {  	_ =	shalt  }
0x6a: {  	_ =	shalt  }
0x6b: {  	_ =	shalt  }
0x6c: {  	_ =	shalt  }
0x6d: {  	_ =	shalt  }
0x6e: {  	_ =	shalt  }
0x6f: {  	_ =	shalt  }
0x70: {  	_ =	shalt  }
0x71: {  	_ =	shalt  }
0x72: {  	_ =	shalt  }
0x73: {  	_ =	shalt  }
0x74: {  	_ =	shalt  }
0x75: {  	_ =	shalt  }
0x76: {  	_ =	shalt  }
0x77: {  	_ =	shalt  }
0x78: {  	_ =	shalt  }
0x79: {  	_ =	shalt  }
0x7a: {  	_ =	shalt  }
0x7b: {  	_ =	shalt  }
0x7c: {  	_ =	shalt  }
0x7d: {  	_ =	shalt  }
0x7e: {  	_ =	shalt  }
0x7f: {  	_ =	shalt  }
0x80: {  	_ =	shalt  }
0x81: {  	_ =	shalt  }
0x82: {  	_ =	shalt  }
0x83: {  	_ =	shalt  }
0x84: {  	_ =	shalt  }
0x85: {  	_ =	shalt  }
0x86: {  	_ =	shalt  }
0x87: {  	_ =	shalt  }
.Lfunc_end0:
.L_simem_size_0:
called_computation.1_lowered:
.L_overlay_start_0:
0x88: {  	s2 =	sld [smem:$0x3FD9]  }
0x89: {  	s3 =	sld [smem:$0x3FFE];
	_ =	sdelay $0x1  }
0x8a: {  	s1 =	srdreg.scid  }
0x8b: {  	s0 =	sand.u32 $0x1, s1  }
0x8c: {  	s17 =	sshll.u32 s0, $0xA;
	s2 =	sadd.s32 s3, s2  }
0x8d: {  	s2 =	sadd.s32 s2, s17  }
0x8e: {  	[smem:$0x3FAD] =	sst s2  }
0x8f: {  	_ = 	snop  }
0x90: {  	s18 =	sld [smem:$0x3FC9]  }
0x91: {  	s4 =	sld [smem:$0x3FD0];
	(tm) =	ssettm $0x1  }
0x92: {  	s19 =	sld [smem:$0x3FFB];
	_ =	sdelay $0x3  }
0x93: {  	_ =	strace s19  }
0x94: {  	s2 =	sld [smem:$0x3FFC];
	_ =	sdelay $0x3  }
0x95: {  	_ =	strace s2  }
0x96: {  	s2 =	sld [smem:$0x3FFD];
	_ =	sdelay $0x3  }
0x97: {  	_ =	strace s2  }
0x98: {  	_ =	strace $0x8FFFFFFF  }
0x99: {  	s20 =	sld [smem:$0x3FDB];
	_ =	sdelay $0x1  }
0x9a: {  	s5 =	simm.s32 $_scs_section_size  }
0x9b: {  	s6 =	simm.s32 $_size__tile_overlayer_lowered;
	s7 =	simm.s32 $_tile_overlayer_lowered  }
0x9c: {  	s8 =	simm.s32 $0x1BFF;
	s21 =	sshll.u32 s7, $0x1;
	s5 =	sadd.s32 s5, s20  }
0x9d: {  	s22 =	simm.s32 $0x0;
	s6 =	sshll.u32 s6, $0x1;
	s7 =	sadd.s32 s21, s5  }
0x9e: {  	[timem:s22], [sflag:s8] =	dma.local [hbm:s7], s6  }
0x9f: {  	_ =	swait.ge [sflag:s8], s6  }
0xa0: {  	s6 =	ssub.s32 $0x0, s6;
	[sflag:s8] =	ssyncset.done $0x0  }
0xa1: {  	[sflag:s8] =	ssyncadd.s32 s6;
	_ =	sdelay $0x1  }
0xa2: {  	s23 =	simm.s32 $0x1B8B  }
0xa3: {  	_ =	swait.ge [sflag:s23], $0x1  }
0xa4: {  	[sflag:s23] =	ssyncset.done $0x0  }
0xa5: {  	[sflag:s23] =	ssyncadd.s32 $0xFFFFFFFF  }
0xa6: {  	s6 =	sld [smem:$0x0]  }
0xa7: {  	s7 =	sand.u32 $0xFFFFFFFE, s1  }
0xa8: {  	p0 =	sne.s32 s1, s7  }
0xa9: {  	s7 =	sshll.u32 @p0 s7, $0xE  }
0xaa: {  	s7 =	sadd.s32 @p0 $0x11B8D, s7;
	s8 =	sshll.u32 @p0 s6, $0x11  }
0xab: {  	s7 =	sor.u32 @p0 s8, s7  }
0xac: {  	[sflag:s7] =	ssyncadd.remote.s32 @p0 $0x1;
	_ =	sdelay $0x1  }
0xad: {  	s7 =	simm.s32 @p0 $0x1B8D  }
0xae: {  	_ =	swait.eq @p0 [sflag:s7], $0x1  }
0xaf: {  	[sflag:s7] =	ssyncadd.s32 @p0 $0xFFFFFFFF  }
0xb0: {  	s8 =	sshll.u32 @!p0 s1, $0xE  }
0xb1: {  	s8 =	sor.u32 @!p0 $0x4000, s8;
	s7 =	simm.s32 @!p0 $0x1B8D  }
0xb2: {  	s6 =	sshll.u32 @!p0 s6, $0x11;
	s8 =	sadd.s32 @!p0 $0x11B8D, s8;
	_ =	swait.eq @!p0 [sflag:s7], $0x1  }
0xb3: {  	s6 =	sor.u32 @!p0 s6, s8;
	[sflag:s7] =	ssyncadd.s32 @!p0 $0xFFFFFFFF  }
0xb4: {  	s25 =	simm.s32 $0x1B8E;
	s24 =	sld [smem:$0x3FFE];
	[sflag:s6] =	ssyncadd.remote.s32 @!p0 $0x1  }
0xb5: {  	s26 =	simm.s32 $execute0_lowered;
	[smem:$0x3FD2] =	sst s25  }
0xb6: {  	s7 =	sshll.u32 s26, $0x1;
	_ =	strace $0x80000049;
	[dreg:$0x1] =	wrdreg $0xFFFFFFFF  }
0xb7: {  	s28 =	simm.s32 $_size_execute0_lowered;
	s5 =	sadd.s32 s5, s7;
	[dreg:$0x0] =	wrdreg $0x0  }
0xb8: {  	s7 =	sshll.u32 s28, $0x1;
	[dreg:$0x2] =	wrdreg s5  }
0xb9: {  	[dreg:$0x3] =	wrdreg s7  }
0xba: {  	[dreg:$0x4] =	wrdreg $0xC0  }
0xbb: {  	_ =	task [dreg:s22], $0x5FFFF  }
0xbc: {  	[dreg:$0x1] =	wrdreg $0xFFFFFFFF  }
0xbd: {  	[dreg:$0x0] =	wrdreg $0x60  }
0xbe: {  	[dreg:$0x2] =	wrdreg s18  }
0xbf: {  	[dreg:$0x3] =	wrdreg s4  }
0xc0: {  	[dreg:$0x4] =	wrdreg s24  }
0xc1: {  	[dreg:$0x5] =	wrdreg $0x9  }
0xc2: {  	_ =	task.clear_ibuf [dreg:s22], $0x6FFFF;
	_ =	strace $0x90000049  }
0xc3: {  	s29 =	simm.s32 $0x9;
	_ =	strace $0x8000004B  }
0xc4: {  	_ =	swait.ge [sflag:s29], $0x1  }
0xc5: {  	[sflag:s29] =	ssyncadd.s32 $0xFFFFFFFF  }
0xc6: {  	_ =	strace $0x9000004B  }
0xc7: {  	_ =	sfence  }
0xc8: {  	s30 =	sld [smem:$0x0];
	_ =	sdelay $0x2  }
0xc9: {  	s31 =	sshll.u32 s1, $0xD;
	s1 =	sshrl.u32 s1, $0x2  }
0xca: {  	s4 =	sand.u32 $0x4000, s31;
	s1 =	sadd.s32 s1, s30  }
0xcb: {  	s0 =	sor.u32 s4, s0;
	s1 =	sshll.u32 s1, $0x11  }
0xcc: {  	s0 =	sor.u32 s1, s0  }
0xcd: {  	s0 =	sadd.s32 $0x8F2B, s0  }
0xce: {  	[sflag:s0] =	ssyncadd.remote.s32 $0x1  }
0xcf: {  	_ =	sfence.sel $0xFFFF  }
0xd0: {  	[dreg:$0x0] =	wrdreg $0xFFFFFFFF;
	(pc) =	sbr.abs _section_cstart, $3  }
0xd1: {  	[dreg:$0x1] =	wrdreg $0xFFFFFFFF  }
0xd2: {  	_ =	task.clear_ibuf [dreg:s22], $0x2FFFF;
	_ =	strace $0x9FFFFFFF  }
0xd3: {  	(tm) =	ssettm $0x7FFFFFFF  }
tec
execute0_lowered:
.L_overlay_start_1:
0x0: {  	(tag) =	ssettag $0x1  }
0x1: {  	s0 =	rddreg [dreg:$0x0]  }
0x2: {  	s1 =	srdreg.scid;
	s3 =	rddreg [dreg:$0x1]  }
0x3: {  	s2 =	rddreg [dreg:$0x2];
	s11 =	stileid.u32  }
0x4: {  	s4 =	simm.s32 $0x0;
	s15 =	simm.s32 $0x80;
	s16 =	simm.s32 $0x2800  }
0x5: {  	s17 =	simm.s32 $0xE800;
	s18 =	simm.s32 $0x6800;
	s19 =	simm.s32 $0x12800  }
0x6: {  	s20 =	simm.s32 $0xA800;
	s21 =	simm.s32 $0x16800;
	s28 =	simm.s32 $0x6  }
0x7: {  	s29 =	simm.s32 $0x7;
	s30 =	simm.s32 $0xA;
	s31 =	simm.s32 $0x8  }
0x8: {  	s14 =	simm.s32 $0xC;
	s1 =	sand.u32 $0x1, s1;
	[smem:$0x7FF] =	sst s4  }
0x9: {  	s7 =	sadd.s32 $0x500800, s2;
	s9 =	sadd.s32 $0x771800, s2;
	s5 =	sshll.u32 s1, $0x4  }
0xa: {  	s8 =	ssub.s32 $0x2, s1;
	s1 =	smul.u32 $0x138800, s1;
	s5 =	sor.u32 s11, s5  }
0xb: {  	_ =	strace $0x8000004A;
	s10 =	sshrl.u32 s8, $0x1;
	s6 =	smul.u32 $0x1388, s5  }
0xc: {  	s5 =	smul.u32 $0x9C400, s5;
	s22 =	ssub.s32 s8, s10;
	s26 =	sadd.s32 s1, s7  }
0xd: {  	s10 =	smul.u32 $0x13880, s11;
	s1 =	sadd.s32 s1, s9;
	[dreg:$0x9] =	wrdreg s26  }
0xe: {  	s25 =	smax.u32 s22, $0x1;
	[dreg:$0xa] =	wrdreg s1;
	s6 =	sshrl.u32 s6, $0x3  }
0xf: {  	s22 =	simm.s32 $0x1;
	s26 =	simm.s32 $0x3;
	s2 =	sadd.s32 s2, s6  }
0x10: {  	s5 =	sshrl.u32 s5, $0x3;
	[dreg:$0x8] =	wrdreg s25;
	s23 =	sadd.s32 $0xFA20, s2  }
0x11: {  	s24 =	sadd.s32 $0x13800, s5;
	s2 =	sadd.s32 $0x19820, s2;
	[dreg:$0x4] =	wrdreg s23  }
0x12: {  	s1 =	simm.s32 $0xB;
	s5 =	sadd.s32 s7, s24;
	[dreg:$0x5] =	wrdreg s2  }
0x13: {  	s25 =	simm.s32 $0x5;
	s7 =	simm.s32 $0xD;
	[dreg:$0x6] =	wrdreg s5  }
0x14: {  	s2 =	sadd.s32 s9, s24;
	s23 =	simm.s32 $0x4;
	s24 =	simm.s32 $0x2  }
0x15: {  	s5 =	simm.s32 $0x0;
	[dreg:$0x7] =	wrdreg s2;
	s2 =	simm.s32 $0x9  }
.LBB2_1:
0x16: {  	s6 =	rddreg [dreg:$0x4]  }
0x17: {  	[tilespmem:s4], [sflag:$0xD] =	stream.linear.gather [hbm4b:s6+s4], $0x1388, $0x38;
	[tilespmem:$0x1A800] =	vst v63  }
0x18: {  	_ =	swait.ge [sflag:s7], $0x1388  }
0x19: {  	[sflag:s7] =	ssyncset.done $0x0  }
0x1a: {  	s8 =	simm.s32 $0x1400;
	s12 =	rddreg [dreg:$0x5];
	[sflag:s7] =	ssyncadd.s32 $0xFFFFEC78  }
0x1b: {  	[tilespmem:s8], [sflag:$0xD] =	stream.linear.gather [hbm4b:s12+s4], $0x1388, $0x38;
	[tilespmem:$0x1A800] =	vst v63  }
0x1c: {  	_ =	swait.ge [sflag:s7], $0x1388  }
0x1d: {  	[sflag:s7] =	ssyncset.done $0x0  }
0x1e: {  	s13 =	simm.s32 $0x0;
	[sflag:s7] =	ssyncadd.s32 $0xFFFFEC78  }
0x1f: {  	[tilespmem:s16], [sflag:$0x1] =	stream.indirect.gather [hbm4b:s0+s15], $0x80, s13, s15, $0xb8;
	[tilespmem:$0x1A800] =	vst v63  }
0x20: {  	s7 =	simm.s32 $0x1400  }
0x21: {  	[tilespmem:s17], [sflag:$0x4] =	stream.indirect.gather [hbm4b:s3+s15], $0x80, s7, s15, $0xb8;
	[tilespmem:$0x1A800] =	vst v63  }
0x22: {  	s8 =	simm.s32 $0x80  }
0x23: {  	[tilespmem:s18], [sflag:$0x2] =	stream.indirect.gather [hbm4b:s0+s15], $0x80, s8, s15, $0xb8;
	[tilespmem:$0x1A800] =	vst v63  }
0x24: {  	s9 =	simm.s32 $0x1480  }
0x25: {  	[tilespmem:s19], [sflag:$0x5] =	stream.indirect.gather [hbm4b:s3+s15], $0x80, s9, s15, $0xb8;
	[tilespmem:$0x1A800] =	vst v63  }
0x26: {  	s11 =	simm.s32 $0x100  }
0x27: {  	[tilespmem:s20], [sflag:$0x3] =	stream.indirect.gather [hbm4b:s0+s15], $0x80, s11, s15, $0xb8;
	[tilespmem:$0x1A800] =	vst v63  }
0x28: {  	s12 =	simm.s32 $0x1500  }
0x29: {  	[tilespmem:s21], [sflag:$0x6] =	stream.indirect.gather [hbm4b:s3+s15], $0x80, s12, s15, $0xb8;
	[tilespmem:$0x1A800] =	vst v63  }
0x2a: {  	_ =	swait.ge [sflag:s22], $0x4000  }
0x2b: {  	[sflag:s22] =	ssyncset.done $0x0;
	s11 =	rddreg [dreg:$0x9]  }
0x2c: {  	[sflag:s22] =	ssyncadd.s32 $0xFFFFC000;
	s6 =	sadd.s32 s11, s10  }
0x2d: {  	[hbm4b:s6+s4] =	stream.linear.scatter [tilespmem:s16], [sflag:$0x7], $0x4000, $0x38;
	[tilespmem:$0x1A800] =	vst v63  }
0x2e: {  	_ =	swait.ge [sflag:s23], $0x4000  }
0x2f: {  	[sflag:s23] =	ssyncset.done $0x0;
	s12 =	rddreg [dreg:$0xa]  }
0x30: {  	[sflag:s23] =	ssyncadd.s32 $0xFFFFC000;
	s7 =	sadd.s32 s12, s10  }
0x31: {  	[hbm4b:s7+s4] =	stream.linear.scatter [tilespmem:s17], [sflag:$0xA], $0x4000, $0x38;
	[tilespmem:$0x1A800] =	vst v63  }
0x32: {  	_ =	swait.ge [sflag:s24], $0x4000  }
0x33: {  	[sflag:s24] =	ssyncset.done $0x0  }
0x34: {  	s13 =	sadd.s32 $0x800, s6;
	[sflag:s24] =	ssyncadd.s32 $0xFFFFC000  }
0x35: {  	[hbm4b:s13+s4] =	stream.linear.scatter [tilespmem:s18], [sflag:$0x8], $0x4000, $0x38;
	[tilespmem:$0x1A800] =	vst v63  }
0x36: {  	_ =	swait.ge [sflag:s25], $0x4000  }
0x37: {  	[sflag:s25] =	ssyncset.done $0x0  }
0x38: {  	s9 =	sadd.s32 $0x800, s7;
	[sflag:s25] =	ssyncadd.s32 $0xFFFFC000  }
0x39: {  	[hbm4b:s9+s4] =	stream.linear.scatter [tilespmem:s19], [sflag:$0xB], $0x4000, $0x38;
	[tilespmem:$0x1A800] =	vst v63  }
0x3a: {  	_ =	swait.ge [sflag:s26], $0x4000  }
0x3b: {  	[sflag:s26] =	ssyncset.done $0x0  }
0x3c: {  	s6 =	sadd.s32 $0x1000, s6;
	[sflag:s26] =	ssyncadd.s32 $0xFFFFC000  }
0x3d: {  	[hbm4b:s6+s4] =	stream.linear.scatter [tilespmem:s20], [sflag:$0x9], $0x4000, $0x38;
	[tilespmem:$0x1A800] =	vst v63  }
0x3e: {  	_ =	swait.ge [sflag:s28], $0x4000  }
0x3f: {  	[sflag:s28] =	ssyncset.done $0x0  }
0x40: {  	s13 =	sadd.s32 $0x1000, s7;
	[sflag:s28] =	ssyncadd.s32 $0xFFFFC000  }
0x41: {  	[hbm4b:s13+s4] =	stream.linear.scatter [tilespmem:s21], [sflag:$0xC], $0x4000, $0x38;
	[tilespmem:$0x1A800] =	vst v63  }
0x42: {  	_ =	swait.ge [sflag:s29], $0x4000  }
0x43: {  	[sflag:s29] =	ssyncset.done $0x0  }
0x44: {  	[sflag:s29] =	ssyncadd.s32 $0xFFFFC000  }
0x45: {  	_ =	swait.ge [sflag:s30], $0x4000  }
0x46: {  	[sflag:s30] =	ssyncset.done $0x0  }
0x47: {  	[sflag:s30] =	ssyncadd.s32 $0xFFFFC000  }
0x48: {  	_ =	swait.ge [sflag:s31], $0x4000  }
0x49: {  	[sflag:s31] =	ssyncset.done $0x0  }
0x4a: {  	[sflag:s31] =	ssyncadd.s32 $0xFFFFC000  }
0x4b: {  	_ =	swait.ge [sflag:s1], $0x4000  }
0x4c: {  	[sflag:s1] =	ssyncset.done $0x0  }
0x4d: {  	[sflag:s1] =	ssyncadd.s32 $0xFFFFC000  }
0x4e: {  	_ =	swait.ge [sflag:s2], $0x4000  }
0x4f: {  	[sflag:s2] =	ssyncset.done $0x0  }
0x50: {  	[sflag:s2] =	ssyncadd.s32 $0xFFFFC000  }
0x51: {  	s8 =	simm.s32 $0x600;
	s7 =	sadd.s32 $0x1800, s11;
	_ =	swait.ge [sflag:s14], $0x4000  }
0x52: {  	s9 =	simm.s32 $0xC00;
	s6 =	sadd.s32 $0x1800, s12;
	[sflag:s14] =	ssyncset.done $0x0  }
.LBB2_2:
0x53: {  	s12 =	sshra.s32 s8, $0x2  }
0x54: {  	[sflag:s14] =	ssyncadd.s32 $0xFFFFC000;
	s8 =	smov.u32 s9;
	s11 =	sadd.s32 $0x600, s9  }
0x55: {  	[tilespmem:s16], [sflag:$0x1] =	stream.indirect.gather [hbm4b:s0+s15], $0x80, s12, s15, $0xb8;
	[tilespmem:$0x1A800] =	vst v63  }
0x56: {  	p0 =	sne.s32 s9, $0x4800;
	s9 =	sadd.s32 $0x1400, s12  }
0x57: {  	[tilespmem:s17], [sflag:$0x4] =	stream.indirect.gather [hbm4b:s3+s15], $0x80, s9, s15, $0xb8;
	[tilespmem:$0x1A800] =	vst v63  }
0x58: {  	s9 =	sadd.s32 $0x80, s12  }
0x59: {  	[tilespmem:s18], [sflag:$0x2] =	stream.indirect.gather [hbm4b:s0+s15], $0x80, s9, s15, $0xb8;
	[tilespmem:$0x1A800] =	vst v63  }
0x5a: {  	s9 =	sadd.s32 $0x1480, s12  }
0x5b: {  	[tilespmem:s19], [sflag:$0x5] =	stream.indirect.gather [hbm4b:s3+s15], $0x80, s9, s15, $0xb8;
	[tilespmem:$0x1A800] =	vst v63  }
0x5c: {  	s9 =	sadd.s32 $0x100, s12  }
0x5d: {  	[tilespmem:s20], [sflag:$0x3] =	stream.indirect.gather [hbm4b:s0+s15], $0x80, s9, s15, $0xb8;
	[tilespmem:$0x1A800] =	vst v63  }
0x5e: {  	s9 =	sadd.s32 $0x1500, s12  }
0x5f: {  	[tilespmem:s21], [sflag:$0x6] =	stream.indirect.gather [hbm4b:s3+s15], $0x80, s9, s15, $0xb8;
	[tilespmem:$0x1A800] =	vst v63  }
0x60: {  	_ =	swait.ge [sflag:s22], $0x4000  }
0x61: {  	[sflag:s22] =	ssyncset.done $0x0  }
0x62: {  	s9 =	sadd.s32 s7, s10;
	[sflag:s22] =	ssyncadd.s32 $0xFFFFC000  }
0x63: {  	[hbm4b:s9+s4] =	stream.linear.scatter [tilespmem:s16], [sflag:$0x7], $0x4000, $0x38;
	[tilespmem:$0x1A800] =	vst v63  }
0x64: {  	_ =	swait.ge [sflag:s23], $0x4000  }
0x65: {  	[sflag:s23] =	ssyncset.done $0x0  }
0x66: {  	s12 =	sadd.s32 s6, s10;
	[sflag:s23] =	ssyncadd.s32 $0xFFFFC000  }
0x67: {  	[hbm4b:s12+s4] =	stream.linear.scatter [tilespmem:s17], [sflag:$0xA], $0x4000, $0x38;
	[tilespmem:$0x1A800] =	vst v63  }
0x68: {  	_ =	swait.ge [sflag:s24], $0x4000  }
0x69: {  	[sflag:s24] =	ssyncset.done $0x0  }
0x6a: {  	s13 =	sadd.s32 $0x800, s9;
	[sflag:s24] =	ssyncadd.s32 $0xFFFFC000  }
0x6b: {  	[hbm4b:s13+s4] =	stream.linear.scatter [tilespmem:s18], [sflag:$0x8], $0x4000, $0x38;
	[tilespmem:$0x1A800] =	vst v63  }
0x6c: {  	_ =	swait.ge [sflag:s25], $0x4000  }
0x6d: {  	[sflag:s25] =	ssyncset.done $0x0  }
0x6e: {  	s13 =	sadd.s32 $0x800, s12;
	[sflag:s25] =	ssyncadd.s32 $0xFFFFC000  }
0x6f: {  	[hbm4b:s13+s4] =	stream.linear.scatter [tilespmem:s19], [sflag:$0xB], $0x4000, $0x38;
	[tilespmem:$0x1A800] =	vst v63  }
0x70: {  	_ =	swait.ge [sflag:s26], $0x4000  }
0x71: {  	[sflag:s26] =	ssyncset.done $0x0  }
0x72: {  	s9 =	sadd.s32 $0x1000, s9;
	[sflag:s26] =	ssyncadd.s32 $0xFFFFC000  }
0x73: {  	[hbm4b:s9+s4] =	stream.linear.scatter [tilespmem:s20], [sflag:$0x9], $0x4000, $0x38;
	[tilespmem:$0x1A800] =	vst v63  }
0x74: {  	_ =	swait.ge [sflag:s28], $0x4000  }
0x75: {  	[sflag:s28] =	ssyncset.done $0x0  }
0x76: {  	s9 =	sadd.s32 $0x1000, s12;
	[sflag:s28] =	ssyncadd.s32 $0xFFFFC000  }
0x77: {  	[hbm4b:s9+s4] =	stream.linear.scatter [tilespmem:s21], [sflag:$0xC], $0x4000, $0x38;
	[tilespmem:$0x1A800] =	vst v63  }
0x78: {  	_ =	swait.ge [sflag:s29], $0x4000  }
0x79: {  	[sflag:s29] =	ssyncset.done $0x0  }
0x7a: {  	[sflag:s29] =	ssyncadd.s32 $0xFFFFC000  }
0x7b: {  	_ =	swait.ge [sflag:s30], $0x4000  }
0x7c: {  	[sflag:s30] =	ssyncset.done $0x0  }
0x7d: {  	[sflag:s30] =	ssyncadd.s32 $0xFFFFC000  }
0x7e: {  	_ =	swait.ge [sflag:s31], $0x4000  }
0x7f: {  	[sflag:s31] =	ssyncset.done $0x0  }
0x80: {  	[sflag:s31] =	ssyncadd.s32 $0xFFFFC000  }
0x81: {  	_ =	swait.ge [sflag:s1], $0x4000  }
0x82: {  	[sflag:s1] =	ssyncset.done $0x0  }
0x83: {  	[sflag:s1] =	ssyncadd.s32 $0xFFFFC000  }
.Ltmp0:
0x84: {  	_ =	swait.ge [sflag:s2], $0x4000;
	(pc) =	sbr.rel @p0 .LBB2_2-.Ltmp0, $4  }
0x85: {  	[sflag:s2] =	ssyncset.done $0x0  }
0x86: {  	[sflag:s2] =	ssyncadd.s32 $0xFFFFC000  }
0x87: {  	s6 =	sadd.s32 $0x1800, s6;
	_ =	swait.ge [sflag:s14], $0x4000  }
0x88: {  	s7 =	sadd.s32 $0x1800, s7;
	s9 =	smov.u32 s11;
	[sflag:s14] =	ssyncset.done $0x0  }
0x89: {  	s8 =	sshra.s32 s8, $0x2;
	[sflag:s14] =	ssyncadd.s32 $0xFFFFC000  }
0x8a: {  	[tilespmem:s16], [sflag:$0x1] =	stream.indirect.gather [hbm4b:s0+s15], $0x80, s8, s15, $0xb8;
	[tilespmem:$0x1A800] =	vst v63  }
0x8b: {  	s9 =	sadd.s32 $0x1400, s8  }
0x8c: {  	[tilespmem:s17], [sflag:$0x4] =	stream.indirect.gather [hbm4b:s3+s15], $0x80, s9, s15, $0xb8;
	[tilespmem:$0x1A800] =	vst v63  }
0x8d: {  	s12 =	sadd.s32 $0x80, s8  }
0x8e: {  	[tilespmem:s18], [sflag:$0x2] =	stream.indirect.gather [hbm4b:s0+s15], $0x80, s12, s15, $0xb8;
	[tilespmem:$0x1A800] =	vst v63  }
0x8f: {  	s13 =	sadd.s32 $0x1480, s8  }
0x90: {  	[tilespmem:s19], [sflag:$0x5] =	stream.indirect.gather [hbm4b:s3+s15], $0x80, s13, s15, $0xb8;
	[tilespmem:$0x1A800] =	vst v63  }
0x91: {  	s11 =	sadd.s32 $0x100, s8  }
0x92: {  	[tilespmem:s20], [sflag:$0x3] =	stream.indirect.gather [hbm4b:s0+s15], $0x80, s11, s15, $0xb8;
	[tilespmem:$0x1A800] =	vst v63  }
0x93: {  	s8 =	sadd.s32 $0x1500, s8  }
0x94: {  	[tilespmem:s21], [sflag:$0x6] =	stream.indirect.gather [hbm4b:s3+s15], $0x80, s8, s15, $0xb8;
	[tilespmem:$0x1A800] =	vst v63  }
0x95: {  	_ =	swait.ge [sflag:s22], $0x4000  }
0x96: {  	[sflag:s22] =	ssyncset.done $0x0  }
0x97: {  	s7 =	sadd.s32 s7, s10;
	[sflag:s22] =	ssyncadd.s32 $0xFFFFC000  }
0x98: {  	[hbm4b:s7+s4] =	stream.linear.scatter [tilespmem:s16], [sflag:$0x7], $0x4000, $0x38;
	[tilespmem:$0x1A800] =	vst v63  }
0x99: {  	_ =	swait.ge [sflag:s23], $0x4000  }
0x9a: {  	[sflag:s23] =	ssyncset.done $0x0  }
0x9b: {  	s6 =	sadd.s32 s6, s10;
	[sflag:s23] =	ssyncadd.s32 $0xFFFFC000  }
0x9c: {  	[hbm4b:s6+s4] =	stream.linear.scatter [tilespmem:s17], [sflag:$0xA], $0x4000, $0x38;
	[tilespmem:$0x1A800] =	vst v63  }
0x9d: {  	_ =	swait.ge [sflag:s24], $0x4000  }
0x9e: {  	[sflag:s24] =	ssyncset.done $0x0  }
0x9f: {  	s12 =	sadd.s32 $0x800, s7;
	[sflag:s24] =	ssyncadd.s32 $0xFFFFC000  }
0xa0: {  	[hbm4b:s12+s4] =	stream.linear.scatter [tilespmem:s18], [sflag:$0x8], $0x4000, $0x38;
	[tilespmem:$0x1A800] =	vst v63  }
0xa1: {  	_ =	swait.ge [sflag:s25], $0x4000  }
0xa2: {  	[sflag:s25] =	ssyncset.done $0x0  }
0xa3: {  	s13 =	sadd.s32 $0x800, s6;
	[sflag:s25] =	ssyncadd.s32 $0xFFFFC000  }
0xa4: {  	[hbm4b:s13+s4] =	stream.linear.scatter [tilespmem:s19], [sflag:$0xB], $0x4000, $0x38;
	[tilespmem:$0x1A800] =	vst v63  }
0xa5: {  	_ =	swait.ge [sflag:s26], $0x4000  }
0xa6: {  	[sflag:s26] =	ssyncset.done $0x0  }
0xa7: {  	s7 =	sadd.s32 $0x1000, s7;
	[sflag:s26] =	ssyncadd.s32 $0xFFFFC000  }
0xa8: {  	[hbm4b:s7+s4] =	stream.linear.scatter [tilespmem:s20], [sflag:$0x9], $0x4000, $0x38;
	[tilespmem:$0x1A800] =	vst v63  }
0xa9: {  	_ =	swait.ge [sflag:s28], $0x4000  }
0xaa: {  	[sflag:s28] =	ssyncset.done $0x0  }
0xab: {  	s6 =	sadd.s32 $0x1000, s6;
	[sflag:s28] =	ssyncadd.s32 $0xFFFFC000  }
0xac: {  	[hbm4b:s6+s4] =	stream.linear.scatter [tilespmem:s21], [sflag:$0xC], $0x4000, $0x38;
	[tilespmem:$0x1A800] =	vst v63  }
0xad: {  	_ =	swait.ge [sflag:s29], $0x4000  }
0xae: {  	[sflag:s29] =	ssyncset.done $0x0  }
0xaf: {  	[sflag:s29] =	ssyncadd.s32 $0xFFFFC000  }
0xb0: {  	_ =	swait.ge [sflag:s30], $0x4000  }
0xb1: {  	[sflag:s30] =	ssyncset.done $0x0  }
0xb2: {  	[sflag:s30] =	ssyncadd.s32 $0xFFFFC000  }
0xb3: {  	_ =	swait.ge [sflag:s31], $0x4000  }
0xb4: {  	[sflag:s31] =	ssyncset.done $0x0  }
0xb5: {  	[sflag:s31] =	ssyncadd.s32 $0xFFFFC000  }
0xb6: {  	_ =	swait.ge [sflag:s1], $0x4000  }
0xb7: {  	[sflag:s1] =	ssyncset.done $0x0  }
0xb8: {  	[sflag:s1] =	ssyncadd.s32 $0xFFFFC000  }
0xb9: {  	_ =	swait.ge [sflag:s2], $0x4000  }
0xba: {  	[sflag:s2] =	ssyncset.done $0x0  }
0xbb: {  	[sflag:s2] =	ssyncadd.s32 $0xFFFFC000  }
0xbc: {  	_ =	swait.ge [sflag:s14], $0x4000  }
0xbd: {  	[sflag:s14] =	ssyncset.done $0x0  }
0xbe: {  	s8 =	simm.s32 $0x1380;
	[sflag:s14] =	ssyncadd.s32 $0xFFFFC000  }
0xbf: {  	[tilespmem:s16], [sflag:$0x1] =	stream.indirect.gather [hbm4b:s0+s31], $0x80, s8, s31, $0xb8;
	[tilespmem:$0x1A800] =	vst v63  }
0xc0: {  	s9 =	simm.s32 $0x2780  }
0xc1: {  	[tilespmem:s17], [sflag:$0x4] =	stream.indirect.gather [hbm4b:s3+s31], $0x80, s9, s31, $0xb8;
	[tilespmem:$0x1A800] =	vst v63  }
0xc2: {  	_ =	swait.ge [sflag:s22], $0x400  }
0xc3: {  	[sflag:s22] =	ssyncset.done $0x0  }
0xc4: {  	[sflag:s22] =	ssyncadd.s32 $0xFFFFFC00  }
0xc5: {  	_ =	swait.ge [sflag:s23], $0x400  }
0xc6: {  	[sflag:s23] =	ssyncset.done $0x0  }
0xc7: {  	s7 =	simm.s32 $0xD;
	s11 =	rddreg [dreg:$0x6];
	[sflag:s23] =	ssyncadd.s32 $0xFFFFFC00  }
0xc8: {  	[hbm4b:s11+s4] =	stream.linear.scatter [tilespmem:s16], [sflag:$0xD], $0x400, $0x38;
	[tilespmem:$0x1A800] =	vst v63  }
0xc9: {  	_ =	swait.ge [sflag:s7], $0x400  }
0xca: {  	[sflag:s7] =	ssyncset.done $0x0  }
0xcb: {  	s12 =	rddreg [dreg:$0x7];
	[sflag:s7] =	ssyncadd.s32 $0xFFFFFC00  }
0xcc: {  	[hbm4b:s12+s4] =	stream.linear.scatter [tilespmem:s17], [sflag:$0xD], $0x400, $0x38;
	[tilespmem:$0x1A800] =	vst v63  }
0xcd: {  	_ =	swait.ge [sflag:s7], $0x400  }
0xce: {  	s5 =	sadd.s32 $0x1, s5;
	s13 =	rddreg [dreg:$0x8]  }
0xcf: {  	p0 =	sne.s32 s5, s13  }
.Ltmp1:
0xd0: {  	_ = 	snop;
	(pc) =	sbr.rel @p0 .LBB2_1-.Ltmp1, $3  }
0xd1: {  	_ =	sdelay $0x1  }
0xd2: {  	[sflag:s7] =	ssyncset.done $0x0  }
0xd3: {  	[sflag:s7] =	ssyncadd.s32 $0xFFFFFC00  }
0xd4: {  	_ =	sfence.sel $0x180000  }
0xd5: {  	[bflag:$0x0] =	sbarrier.arrive $0xFFFF  }
0xd6: {  	_ =	strace $0x9000004A  }
0xd7: {  	s0 =	stileid.u32;
	[bflag:$0x2] =	sbarrier.arrive $0xFFFF  }
0xd8: {  	p0 =	sne.s32 s0, $0x0;
	s0 =	rddreg [dreg:$0x3]  }
0xd9: {  	s0 =	sadd.s32 @!p0 $0x100000, s0  }
0xda: {  	[sflag:s0] =	ssyncadd.tile.s32 @!p0 $0x1;
	_ =	shalt  }
.Lfunc_end2:
_tile_overlayer_lowered:
.L_overlay_start_2:
0xdb: {  	(tag) =	ssettag $0x2  }
0xdc: {  	s0 =	rddreg [dreg:$0x0];
	s2 =	stileid.u32  }
0xdd: {  	s1 =	rddreg [dreg:$0x1];
	p0 =	sne.s32 s2, $0x0  }
0xde: {  	s3 =	rddreg [dreg:$0x2];
	[bflag:$0x3] =	sbarrier.arrive $0xFFFF;
	s2 =	simm.s32 @!p0 $0x1C0D  }
0xdf: {  	[timem:s3], [sflag:s2] =	dma.local @!p0 [hbm:s0], s1  }
0xe0: {  	s0 =	simm.s32 @!p0 $0xD  }
0xe1: {  	_ =	swait.ge @!p0 [sflag:s0], s1  }
0xe2: {  	s1 =	ssub.s32 @!p0 $0x0, s1;
	[sflag:s0] =	ssyncset.done @!p0 $0x0  }
0xe3: {  	[sflag:s0] =	ssyncadd.s32 @!p0 s1  }
0xe4: {  	[bflag:$0x3] =	sbarrier.arrive $0xFFFF  }
0xe5: {  	_ =	shalt  }

// kernel: kernel.16.cloned.1.call-start
scs
__scs_entry_jumppad:
0x0: {  	(pc) =	sbr.rel $0x88, $3  }
0x1: {  	(tag) =	ssettag $0x0;
	lr =	simm.s32 $0x1  }
0x2: {  	[smem:$0x3F86] =	sst lr;
	_ =	strace $0xD0000000  }
0x3: {  	_ = 	snop  }
0x4: {  	_ = 	snop  }
0x5: {  	_ = 	snop  }
0x6: {  	_ = 	snop  }
0x7: {  	_ = 	snop  }
__scs_overlays_trampoline_lowered:
0x8: {  	[smem:$0x3F95] =	sst s0  }
0x9: {  	[smem:$0x3F96] =	sst s1  }
0xa: {  	[smem:$0x3F97] =	sst s2  }
0xb: {  	[smem:$0x3F98] =	sst s3  }
0xc: {  	[smem:$0x3F99] =	sst s4  }
0xd: {  	[smem:$0x3F9A] =	sst s5  }
0xe: {  	[smem:$0x3F9B] =	sst s6  }
0xf: {  	[smem:$0x3F9C] =	sst s7  }
0x10: {  	[smem:$0x3F9D] =	sst s8  }
0x11: {  	[smem:$0x3F9E] =	sst s9;
	s0 =	simm.s32 @!p0 $0x0  }
0x12: {  	s1 =	sld [smem:$0x3F84];
	s0 =	simm.s32 @p0 $0x1  }
0x13: {  	[smem:$0x3F9F] =	sst s0;
	s0 =	simm.s32 @!p1 $0x0  }
0x14: {  	s2 =	sld [smem:$0x3F83];
	s0 =	simm.s32 @p1 $0x1  }
0x15: {  	[smem:$0x3FA0] =	sst s0;
	s0 =	simm.s32 @!p2 $0x0  }
0x16: {  	s3 =	sld [smem:$0x3FDB];
	s0 =	simm.s32 @p2 $0x1  }
0x17: {  	s4 =	simm.s32 $0x1BF5;
	[smem:$0x3FA2] =	sst s0  }
0x18: {  	s0 =	sld [smem:$0x3F85];
	_ =	swait.ge [sflag:s4], $0x0  }
0x19: {  	s7 =	sld [smem:$0x3F86]  }
0x1a: {  	s8 =	sadd.s32 $0xFFFFE003, lr  }
0x1b: {  	s9 =	sadd.s32 $0xFFFFFEF7, lr;
	s5 =	simm.s32 $0xFFFFFFFF;
	p2 =	slt.u32 s8, $0xFFFFF086  }
0x1c: {  	p1 =	slt.u32 s9, $0xF7A;
	s5 =	simm.s32 @!p2 $0x0  }
0x1d: {  	s5 =	simm.s32 @p1 $0x1;
	p0 =	seq.s32 s7, s2  }
0x1e: {  	s7 =	smul.u32 @!p0 $0xF7A, s2;
	p2 =	seq.s32 @!p0 s5, $0x0  }
0x1f: {  	s9 =	smul.u32 $0xF7A, s1;
	s8 =	simm.s32 @!p0 $0x1BF5;
	p2 =	por !p2, p0  }
0x20: {  	[sflag:s8] =	ssyncset.s32 @!p0 $0xFFFFF086;
	s6 =	sadd.s32 @!p0 s3, s7;
	s7 =	simm.s32 @!p0 $0x108  }
0x21: {  	s3 =	sadd.s32 s3, s9;
	s6 =	sadd.s32 @!p0 $0x88, s6;
	s7 =	simm.s32 @p2 $0x1082  }
0x22: {  	[simem:s7], [sflag:s8] =	dma.local @!p0 [hbm:s6], $0xF7A  }
0x23: {  	s9 =	sor.u32 $0xD0000000, s2;
	s6 =	simm.s32 $0x108;
	_ =	swait.ge @!p0 [sflag:s8], $0x0  }
0x24: {  	s3 =	sadd.s32 $0x88, s3;
	s6 =	simm.s32 @!p1 $0x1082;
	[sflag:s4] =	ssyncset.s32 $0xFFFFF086  }
0x25: {  	[simem:s6], [sflag:s4] =	dma.local [hbm:s3], $0xF7A  }
0x26: {  	[smem:$0x3F86] =	sst s1;
	(tag) =	ssettag s2;
	_ =	strace s9  }
0x27: {  	s1 =	sld [smem:$0x3F96]  }
0x28: {  	s2 =	sld [smem:$0x3F97]  }
0x29: {  	s4 =	sld [smem:$0x3F99]  }
0x2a: {  	p0 =	seq.s32 s5, $0x0;
	s5 =	sld [smem:$0x3F9A]  }
0x2b: {  	s6 =	sld [smem:$0x3F9B]  }
0x2c: {  	s7 =	sld [smem:$0x3F9C]  }
0x2d: {  	s3 =	simm.s32 $0x108;
	s8 =	sld [smem:$0x3F9D]  }
0x2e: {  	s3 =	simm.s32 @!p0 $0x1082;
	s9 =	sld [smem:$0x3F9E]  }
0x2f: {  	lr =	sadd.s32 s0, s3;
	s0 =	sld [smem:$0x3F95]  }
0x30: {  	s3 =	sld [smem:$0x3F98]  }
0x31: {  	[smem:$0x3FA1] =	sst s10  }
0x32: {  	s10 =	sld [smem:$0x3F9F];
	_ =	sdelay $0x3  }
0x33: {  	p0 =	seq.s32 s10, $0x1;
	s10 =	sld [smem:$0x3FA1];
	_ =	sdelay $0x3  }
0x34: {  	[smem:$0x3FA1] =	sst s10  }
0x35: {  	s10 =	sld [smem:$0x3FA0];
	_ =	sdelay $0x3  }
0x36: {  	p1 =	seq.s32 s10, $0x1;
	s10 =	sld [smem:$0x3FA1];
	_ =	sdelay $0x3  }
0x37: {  	[smem:$0x3FA1] =	sst s10  }
0x38: {  	s10 =	sld [smem:$0x3FA2]  }
0x39: {  	_ = 	snop;
	(pc) =	sbr.ind lr, $3  }
0x3a: {  	_ = 	snop  }
0x3b: {  	_ = 	snop  }
0x3c: {  	p2 =	seq.s32 s10, $0x1;
	s10 =	sld [smem:$0x3FA1]  }
0x3d: {  	_ =	shalt  }
0x3e: {  	_ =	shalt  }
0x3f: {  	_ =	shalt  }
0x40: {  	_ =	shalt  }
0x41: {  	_ =	shalt  }
0x42: {  	_ =	shalt  }
0x43: {  	_ =	shalt  }
0x44: {  	_ =	shalt  }
0x45: {  	_ =	shalt  }
0x46: {  	_ =	shalt  }
0x47: {  	_ =	shalt  }
0x48: {  	_ =	shalt  }
0x49: {  	_ =	shalt  }
0x4a: {  	_ =	shalt  }
0x4b: {  	_ =	shalt  }
0x4c: {  	_ =	shalt  }
0x4d: {  	_ =	shalt  }
0x4e: {  	_ =	shalt  }
0x4f: {  	_ =	shalt  }
0x50: {  	_ =	shalt  }
0x51: {  	_ =	shalt  }
0x52: {  	_ =	shalt  }
0x53: {  	_ =	shalt  }
0x54: {  	_ =	shalt  }
0x55: {  	_ =	shalt  }
0x56: {  	_ =	shalt  }
0x57: {  	_ =	shalt  }
0x58: {  	_ =	shalt  }
0x59: {  	_ =	shalt  }
0x5a: {  	_ =	shalt  }
0x5b: {  	_ =	shalt  }
0x5c: {  	_ =	shalt  }
0x5d: {  	_ =	shalt  }
0x5e: {  	_ =	shalt  }
0x5f: {  	_ =	shalt  }
0x60: {  	_ =	shalt  }
0x61: {  	_ =	shalt  }
0x62: {  	_ =	shalt  }
0x63: {  	_ =	shalt  }
0x64: {  	_ =	shalt  }
0x65: {  	_ =	shalt  }
0x66: {  	_ =	shalt  }
0x67: {  	_ =	shalt  }
0x68: {  	_ =	shalt  }
0x69: {  	_ =	shalt  }
0x6a: {  	_ =	shalt  }
0x6b: {  	_ =	shalt  }
0x6c: {  	_ =	shalt  }
0x6d: {  	_ =	shalt  }
0x6e: {  	_ =	shalt  }
0x6f: {  	_ =	shalt  }
0x70: {  	_ =	shalt  }
0x71: {  	_ =	shalt  }
0x72: {  	_ =	shalt  }
0x73: {  	_ =	shalt  }
0x74: {  	_ =	shalt  }
0x75: {  	_ =	shalt  }
0x76: {  	_ =	shalt  }
0x77: {  	_ =	shalt  }
0x78: {  	_ =	shalt  }
0x79: {  	_ =	shalt  }
0x7a: {  	_ =	shalt  }
0x7b: {  	_ =	shalt  }
0x7c: {  	_ =	shalt  }
0x7d: {  	_ =	shalt  }
0x7e: {  	_ =	shalt  }
0x7f: {  	_ =	shalt  }
0x80: {  	_ =	shalt  }
0x81: {  	_ =	shalt  }
0x82: {  	_ =	shalt  }
0x83: {  	_ =	shalt  }
0x84: {  	_ =	shalt  }
0x85: {  	_ =	shalt  }
0x86: {  	_ =	shalt  }
0x87: {  	_ =	shalt  }
.Lfunc_end0:
.L_simem_size_0:
called_computation.2_lowered:
.L_overlay_start_0:
0x88: {  	s2 =	sld [smem:$0x3FD9]  }
0x89: {  	s3 =	sld [smem:$0x3FFE];
	_ =	sdelay $0x1  }
0x8a: {  	s1 =	srdreg.scid  }
0x8b: {  	s0 =	sand.u32 $0x1, s1  }
0x8c: {  	s17 =	sshll.u32 s0, $0xA;
	s2 =	sadd.s32 s3, s2  }
0x8d: {  	s2 =	sadd.s32 s2, s17  }
0x8e: {  	[smem:$0x3FAD] =	sst s2  }
0x8f: {  	_ = 	snop  }
0x90: {  	(tm) =	ssettm $0x1  }
0x91: {  	s18 =	sld [smem:$0x3FFB];
	_ =	sdelay $0x3  }
0x92: {  	_ =	strace s18  }
0x93: {  	s2 =	sld [smem:$0x3FFC];
	_ =	sdelay $0x3  }
0x94: {  	_ =	strace s2  }
0x95: {  	s2 =	sld [smem:$0x3FFD];
	_ =	sdelay $0x3  }
0x96: {  	_ =	strace s2  }
0x97: {  	_ =	strace $0x8FFFFFFF  }
0x98: {  	s19 =	sld [smem:$0x3FDB];
	_ =	sdelay $0x1  }
0x99: {  	s20 =	simm.s32 $_scs_section_size  }
0x9a: {  	s4 =	simm.s32 $_size__tile_overlayer_lowered;
	s5 =	simm.s32 $_tile_overlayer_lowered  }
0x9b: {  	s6 =	simm.s32 $0x1BFF;
	s21 =	sshll.u32 s5, $0x1;
	s3 =	sadd.s32 s20, s19  }
0x9c: {  	s22 =	simm.s32 $0x0;
	s4 =	sshll.u32 s4, $0x1;
	s5 =	sadd.s32 s21, s3  }
0x9d: {  	[timem:s22], [sflag:s6] =	dma.local [hbm:s5], s4  }
0x9e: {  	_ =	swait.ge [sflag:s6], s4  }
0x9f: {  	s4 =	ssub.s32 $0x0, s4;
	[sflag:s6] =	ssyncset.done $0x0  }
0xa0: {  	[sflag:s6] =	ssyncadd.s32 s4;
	_ =	sdelay $0x1  }
0xa1: {  	s23 =	simm.s32 $0x1B8B  }
0xa2: {  	_ =	swait.ge [sflag:s23], $0x1  }
0xa3: {  	[sflag:s23] =	ssyncset.done $0x0  }
0xa4: {  	[sflag:s23] =	ssyncadd.s32 $0xFFFFFFFF  }
0xa5: {  	s4 =	sld [smem:$0x0]  }
0xa6: {  	s5 =	sand.u32 $0xFFFFFFFE, s1  }
0xa7: {  	p0 =	sne.s32 s1, s5  }
0xa8: {  	s5 =	sshll.u32 @p0 s5, $0xE  }
0xa9: {  	s5 =	sadd.s32 @p0 $0x11B8D, s5;
	s6 =	sshll.u32 @p0 s4, $0x11  }
0xaa: {  	s5 =	sor.u32 @p0 s6, s5  }
0xab: {  	[sflag:s5] =	ssyncadd.remote.s32 @p0 $0x1;
	_ =	sdelay $0x1  }
0xac: {  	s5 =	simm.s32 @p0 $0x1B8D  }
0xad: {  	_ =	swait.eq @p0 [sflag:s5], $0x1  }
0xae: {  	[sflag:s5] =	ssyncadd.s32 @p0 $0xFFFFFFFF  }
0xaf: {  	s6 =	sshll.u32 @!p0 s1, $0xE  }
0xb0: {  	s6 =	sor.u32 @!p0 $0x4000, s6;
	s5 =	simm.s32 @!p0 $0x1B8D  }
0xb1: {  	s4 =	sshll.u32 @!p0 s4, $0x11;
	s6 =	sadd.s32 @!p0 $0x11B8D, s6;
	_ =	swait.eq @!p0 [sflag:s5], $0x1  }
0xb2: {  	s4 =	sor.u32 @!p0 s4, s6;
	[sflag:s5] =	ssyncadd.s32 @!p0 $0xFFFFFFFF  }
0xb3: {  	s25 =	simm.s32 $0x1B8E;
	s24 =	sld [smem:$0x3FFE];
	[sflag:s4] =	ssyncadd.remote.s32 @!p0 $0x1  }
0xb4: {  	s26 =	simm.s32 $execute0_lowered;
	[smem:$0x3FD2] =	sst s25  }
0xb5: {  	s5 =	sshll.u32 s26, $0x1;
	_ =	strace $0x8000004C;
	[dreg:$0x1] =	wrdreg $0xFFFFFFFF  }
0xb6: {  	s28 =	simm.s32 $_size_execute0_lowered;
	s3 =	sadd.s32 s3, s5;
	[dreg:$0x0] =	wrdreg $0x0  }
0xb7: {  	s5 =	sshll.u32 s28, $0x1;
	[dreg:$0x2] =	wrdreg s3  }
0xb8: {  	[dreg:$0x3] =	wrdreg s5  }
0xb9: {  	[dreg:$0x4] =	wrdreg $0xC0  }
0xba: {  	_ =	task [dreg:s22], $0x5FFFF  }
0xbb: {  	[dreg:$0x1] =	wrdreg $0xFFFFFFFF  }
0xbc: {  	[dreg:$0x0] =	wrdreg $0x60  }
0xbd: {  	[dreg:$0x2] =	wrdreg s24  }
0xbe: {  	[dreg:$0x3] =	wrdreg $0x0  }
0xbf: {  	[dreg:$0x4] =	wrdreg $0xA  }
0xc0: {  	_ =	task.clear_ibuf [dreg:s22], $0x5FFFF;
	_ =	strace $0x9000004C  }
0xc1: {  	s29 =	simm.s32 $0xA;
	_ =	strace $0x8000004E  }
0xc2: {  	_ =	swait.ge [sflag:s29], $0x1  }
0xc3: {  	[sflag:s29] =	ssyncadd.s32 $0xFFFFFFFF  }
0xc4: {  	_ =	strace $0x9000004E  }
0xc5: {  	_ =	sfence  }
0xc6: {  	s30 =	sld [smem:$0x0];
	_ =	sdelay $0x2  }
0xc7: {  	s31 =	sshll.u32 s1, $0xD;
	s1 =	sshrl.u32 s1, $0x2  }
0xc8: {  	s4 =	sand.u32 $0x4000, s31;
	s1 =	sadd.s32 s1, s30  }
0xc9: {  	s0 =	sor.u32 s4, s0;
	s1 =	sshll.u32 s1, $0x11  }
0xca: {  	s0 =	sor.u32 s1, s0  }
0xcb: {  	s0 =	sadd.s32 $0x8F2B, s0  }
0xcc: {  	[sflag:s0] =	ssyncadd.remote.s32 $0x1  }
0xcd: {  	_ =	sfence.sel $0xFFFF  }
0xce: {  	[dreg:$0x0] =	wrdreg $0xFFFFFFFF;
	(pc) =	sbr.abs _section_cstart, $3  }
0xcf: {  	[dreg:$0x1] =	wrdreg $0xFFFFFFFF  }
0xd0: {  	_ =	task.clear_ibuf [dreg:s22], $0x2FFFF;
	_ =	strace $0x9FFFFFFF  }
0xd1: {  	(tm) =	ssettm $0x7FFFFFFF  }
tec
execute0_lowered:
.L_overlay_start_1:
0x0: {  	(tag) =	ssettag $0x1  }
0x1: {  	s0 =	rddreg [dreg:$0x0]  }
0x2: {  	s1 =	rddreg [dreg:$0x1];
	s2 =	srdreg.scid  }
0x3: {  	s3 =	simm.s32 $0x0;
	s6 =	stileid.u32;
	s16 =	simm.s32 $0x1C200  }
0x4: {  	s17 =	simm.s32 $0x7;
	s28 =	simm.s32 $0x5;
	s5 =	smul.u32 $0x2800, s6  }
0x5: {  	s29 =	simm.s32 $0x6;
	s30 =	simm.s32 $0x1B980;
	s8 =	smul.u32 $0x2710, s6  }
0x6: {  	s31 =	simm.s32 $0x1BA00;
	s2 =	sand.u32 $0x1, s2;
	s11 =	smul.u32 $0xA000, s6  }
0x7: {  	[smem:$0x7FF] =	sst s3;
	s12 =	sadd.s32 $0xEC7000, s0;
	s23 =	smul.u32 $0x27100, s6  }
0x8: {  	s14 =	sadd.s32 $0x1138000, s0;
	s13 =	sadd.s32 $0x14A00, s0;
	s25 =	smul.u32 $0x4E2, s6  }
0x9: {  	s7 =	sadd.s32 $0x1E800, s0;
	s20 =	ssub.s32 $0x8C, s6;
	s4 =	smul.u32 $0x138800, s2  }
0xa: {  	_ =	strace $0x8000004D;
	[dreg:$0x5] =	wrdreg s7;
	s18 =	ssub.s32 $0x2, s2  }
0xb: {  	s7 =	sshrl.u32 s20, $0x4;
	p0 =	seq.s32 s2, $0x1;
	[dreg:$0x3] =	wrdreg s12  }
0xc: {  	[dreg:$0x4] =	wrdreg s14;
	s20 =	simm.s32 $0x13900;
	s19 =	sshrl.u32 s18, $0x1  }
0xd: {  	s21 =	sadd.s32 $0x2700, s8;
	s24 =	sshrl.u32 s11, $0x2;
	s26 =	sadd.s32 s23, s12  }
0xe: {  	s4 =	sadd.s32 s5, s4;
	s22 =	sshrl.u32 s21, $0x3;
	s9 =	sshll.u32 s21, $0x4  }
0xf: {  	s11 =	sadd.s32 s24, s1;
	s12 =	sadd.s32 $0x800, s26;
	s21 =	simm.s32 $0x17980  }
0x10: {  	s24 =	simm.s32 $0x80;
	s26 =	simm.s32 $0x4;
	s4 =	sshrl.u32 s4, $0x3  }
0x11: {  	s2 =	sadd.s32 s13, s22;
	s13 =	sadd.s32 s25, s13;
	s22 =	simm.s32 $0x1  }
0x12: {  	s25 =	simm.s32 $0x2;
	s0 =	sadd.s32 s4, s0;
	s4 =	ssub.s32 s18, s19  }
0x13: {  	[dreg:$0x6] =	wrdreg s2;
	s2 =	sadd.s32 s23, s14;
	s18 =	simm.s32 $0x13880  }
0x14: {  	s19 =	simm.s32 $0x13980;
	s23 =	simm.s32 $0x3;
	s10 =	smax.u32 s4, $0x1  }
0x15: {  	s14 =	sadd.s32 $0x800, s2;
	s0 =	sadd.s32 $0x1EE00, s0;
	s2 =	simm.s32 $0x0  }
.LBB2_1:
0x16: {  	s4 =	rddreg [dreg:$0x5]  }
0x17: {  	[tilespmem:s16], [sflag:$0x7] =	stream.linear.gather [hbm4b:s4+s3], $0x2800, $0x38;
	[tilespmem:$0x1EA00] =	vst v63  }
0x18: {  	p1 =	sne.s32 s7, $0x1;
	_ =	swait.ge [sflag:s17], $0x2800  }
.Ltmp0:
0x19: {  	[sflag:s17] =	ssyncset.done $0x0;
	(pc) =	sbr.rel @!p1 .LBB2_3-.Ltmp0, $4  }
0x1a: {  	[sflag:s17] =	ssyncadd.s32 $0xFFFFD800  }
0x1b: {  	[spmem:s11] =	stream.linear.scatter [tilespmem:s16], [sflag:$0x7], $0x2800, $0x38;
	[tilespmem:$0x1EA00] =	vst v63  }
0x1c: {  	_ =	swait.ge [sflag:s17], $0x2800  }
0x1d: {  	s5 =	smov.u32 s11;
	s4 =	sadd.s32 $0xFFFFFFFF, s7;
	[sflag:s17] =	ssyncset.done $0x0  }
.LBB2_2:
0x1e: {  	p2 =	sne.s32 s4, $0x1;
	[sflag:s17] =	ssyncadd.s32 $0xFFFFD800;
	s5 =	sadd.s32 $0x28000, s5  }
.Ltmp1:
0x1f: {  	s4 =	sadd.s32 $0xFFFFFFFF, s4;
	(pc) =	sbr.rel @p2 .LBB2_2-.Ltmp1, $4  }
0x20: {  	_ = 	snop  }
0x21: {  	[spmem:s5] =	stream.linear.scatter [tilespmem:s16], [sflag:$0x7], $0x2800, $0x38;
	[tilespmem:$0x1EA00] =	vst v63  }
0x22: {  	_ =	swait.ge [sflag:s17], $0x2800  }
0x23: {  	[sflag:s17] =	ssyncset.done $0x0  }
.LBB2_3:
.Ltmp2:
0x24: {  	(pc) =	sbr.rel @!p0 .LBB2_4-.Ltmp2, $4  }
0x25: {  	_ = 	snop  }
0x26: {  	[sflag:s17] =	ssyncadd.s32 $0xFFFFD800  }
0x27: {  	[bflag:$0x0] =	sbarrier.arrive $0xFFFF  }
0x28: {  	s4 =	sadd.s32 $0x0, s13  }
0x29: {  	[tilespmem:s18], [sflag:$0x1] =	stream.linear.gather [hbm4b:s4+s3], $0x80, $0x38;
	[tilespmem:$0x1EA00] =	vst v63  }
0x2a: {  	s5 =	sadd.s32 $0xFFFFF800, s14  }
0x2b: {  	[tilespmem:s19], [sflag:$0x3] =	stream.linear.gather [hbm4b:s5+s3], $0x4000, $0x38;
	[tilespmem:$0x1EA00] =	vst v63  }
0x2c: {  	s15 =	sadd.s32 $0x10, s4  }
0x2d: {  	[tilespmem:s20], [sflag:$0x2] =	stream.linear.gather [hbm4b:s15+s3], $0x80, $0x38;
	[tilespmem:$0x1EA00] =	vst v63  }
0x2e: {  	_ = 	snop  }
0x2f: {  	[tilespmem:s21], [sflag:$0x4] =	stream.linear.gather [hbm4b:s14+s3], $0x4000, $0x38;
	[tilespmem:$0x1EA00] =	vst v63  }
0x30: {  	_ =	swait.ge [sflag:s22], $0x80  }
0x31: {  	[sflag:s22] =	ssyncset.done $0x0  }
0x32: {  	[sflag:s22] =	ssyncadd.s32 $0xFFFFFF80  }
0x33: {  	_ =	swait.ge [sflag:s23], $0x4000  }
0x34: {  	[sflag:s23] =	ssyncset.done $0x0  }
0x35: {  	[sflag:s23] =	ssyncadd.s32 $0xFFFFC000  }
0x36: {  	[spmem:s1] =	stream.indirect.scatter.add.f32 [tilespmem:s19], [sflag:$0x5], $0x80, s18, s24, $0xb8;
	[tilespmem:$0x1EA00] =	vst v63  }
0x37: {  	_ =	swait.ge [sflag:s25], $0x80  }
0x38: {  	[sflag:s25] =	ssyncset.done $0x0  }
0x39: {  	[sflag:s25] =	ssyncadd.s32 $0xFFFFFF80  }
0x3a: {  	_ =	swait.ge [sflag:s26], $0x4000  }
0x3b: {  	[sflag:s26] =	ssyncset.done $0x0  }
0x3c: {  	[sflag:s26] =	ssyncadd.s32 $0xFFFFC000  }
0x3d: {  	[spmem:s1] =	stream.indirect.scatter.add.f32 [tilespmem:s21], [sflag:$0x6], $0x80, s20, s24, $0xb8;
	[tilespmem:$0x1EA00] =	vst v63  }
0x3e: {  	_ =	swait.ge [sflag:s28], $0x4000  }
0x3f: {  	[sflag:s28] =	ssyncset.done $0x0  }
0x40: {  	[sflag:s28] =	ssyncadd.s32 $0xFFFFC000  }
0x41: {  	s4 =	sadd.s32 $0x1000, s14;
	_ =	swait.ge [sflag:s29], $0x4000  }
0x42: {  	s5 =	simm.s32 $0x20;
	s15 =	simm.s32 $0x40;
	[sflag:s29] =	ssyncset.done $0x0  }
.LBB2_8:
0x43: {  	s6 =	sadd.s32 s5, s13  }
0x44: {  	[sflag:s29] =	ssyncadd.s32 $0xFFFFC000;
	s5 =	smov.u32 s15;
	s8 =	sadd.s32 $0x20, s15  }
0x45: {  	[tilespmem:s18], [sflag:$0x1] =	stream.linear.gather [hbm4b:s6+s3], $0x80, $0x38;
	[tilespmem:$0x1EA00] =	vst v63  }
0x46: {  	p2 =	sne.s32 s15, $0x4C0;
	s15 =	sadd.s32 $0xFFFFF800, s4  }
0x47: {  	[tilespmem:s19], [sflag:$0x3] =	stream.linear.gather [hbm4b:s15+s3], $0x4000, $0x38;
	[tilespmem:$0x1EA00] =	vst v63  }
0x48: {  	s6 =	sadd.s32 $0x10, s6  }
0x49: {  	[tilespmem:s20], [sflag:$0x2] =	stream.linear.gather [hbm4b:s6+s3], $0x80, $0x38;
	[tilespmem:$0x1EA00] =	vst v63  }
0x4a: {  	_ = 	snop  }
0x4b: {  	[tilespmem:s21], [sflag:$0x4] =	stream.linear.gather [hbm4b:s4+s3], $0x4000, $0x38;
	[tilespmem:$0x1EA00] =	vst v63  }
0x4c: {  	_ =	swait.ge [sflag:s22], $0x80  }
0x4d: {  	[sflag:s22] =	ssyncset.done $0x0  }
0x4e: {  	[sflag:s22] =	ssyncadd.s32 $0xFFFFFF80  }
0x4f: {  	_ =	swait.ge [sflag:s23], $0x4000  }
0x50: {  	[sflag:s23] =	ssyncset.done $0x0  }
0x51: {  	[sflag:s23] =	ssyncadd.s32 $0xFFFFC000  }
0x52: {  	[spmem:s1] =	stream.indirect.scatter.add.f32 [tilespmem:s19], [sflag:$0x5], $0x80, s18, s24, $0xb8;
	[tilespmem:$0x1EA00] =	vst v63  }
0x53: {  	_ =	swait.ge [sflag:s25], $0x80  }
0x54: {  	[sflag:s25] =	ssyncset.done $0x0  }
0x55: {  	[sflag:s25] =	ssyncadd.s32 $0xFFFFFF80  }
0x56: {  	_ =	swait.ge [sflag:s26], $0x4000  }
0x57: {  	[sflag:s26] =	ssyncset.done $0x0  }
0x58: {  	[sflag:s26] =	ssyncadd.s32 $0xFFFFC000  }
0x59: {  	[spmem:s1] =	stream.indirect.scatter.add.f32 [tilespmem:s21], [sflag:$0x6], $0x80, s20, s24, $0xb8;
	[tilespmem:$0x1EA00] =	vst v63  }
.Ltmp3:
0x5a: {  	_ =	swait.ge [sflag:s28], $0x4000;
	(pc) =	sbr.rel @p2 .LBB2_8-.Ltmp3, $4  }
0x5b: {  	[sflag:s28] =	ssyncset.done $0x0  }
0x5c: {  	[sflag:s28] =	ssyncadd.s32 $0xFFFFC000  }
0x5d: {  	_ =	swait.ge [sflag:s29], $0x4000  }
0x5e: {  	s15 =	smov.u32 s8;
	s4 =	sadd.s32 $0x1000, s4;
	[sflag:s29] =	ssyncset.done $0x0  }
0x5f: {  	s5 =	sadd.s32 s5, s13;
	[sflag:s29] =	ssyncadd.s32 $0xFFFFC000  }
0x60: {  	[tilespmem:s18], [sflag:$0x1] =	stream.linear.gather [hbm4b:s5+s3], $0x80, $0x38;
	[tilespmem:$0x1EA00] =	vst v63  }
0x61: {  	s6 =	sadd.s32 $0xFFFFF800, s4  }
0x62: {  	[tilespmem:s19], [sflag:$0x3] =	stream.linear.gather [hbm4b:s6+s3], $0x4000, $0x38;
	[tilespmem:$0x1EA00] =	vst v63  }
0x63: {  	s5 =	sadd.s32 $0x10, s5  }
0x64: {  	[tilespmem:s20], [sflag:$0x2] =	stream.linear.gather [hbm4b:s5+s3], $0x80, $0x38;
	[tilespmem:$0x1EA00] =	vst v63  }
0x65: {  	_ = 	snop  }
0x66: {  	[tilespmem:s21], [sflag:$0x4] =	stream.linear.gather [hbm4b:s4+s3], $0x4000, $0x38;
	[tilespmem:$0x1EA00] =	vst v63  }
0x67: {  	_ =	swait.ge [sflag:s22], $0x80  }
0x68: {  	[sflag:s22] =	ssyncset.done $0x0  }
0x69: {  	[sflag:s22] =	ssyncadd.s32 $0xFFFFFF80  }
0x6a: {  	_ =	swait.ge [sflag:s23], $0x4000  }
0x6b: {  	[sflag:s23] =	ssyncset.done $0x0  }
0x6c: {  	[sflag:s23] =	ssyncadd.s32 $0xFFFFC000  }
0x6d: {  	[spmem:s1] =	stream.indirect.scatter.add.f32 [tilespmem:s19], [sflag:$0x5], $0x80, s18, s24, $0xb8;
	[tilespmem:$0x1EA00] =	vst v63  }
0x6e: {  	_ =	swait.ge [sflag:s25], $0x80  }
0x6f: {  	[sflag:s25] =	ssyncset.done $0x0  }
0x70: {  	[sflag:s25] =	ssyncadd.s32 $0xFFFFFF80  }
0x71: {  	_ =	swait.ge [sflag:s26], $0x4000  }
0x72: {  	[sflag:s26] =	ssyncset.done $0x0  }
0x73: {  	[sflag:s26] =	ssyncadd.s32 $0xFFFFC000  }
0x74: {  	[spmem:s1] =	stream.indirect.scatter.add.f32 [tilespmem:s21], [sflag:$0x6], $0x80, s20, s24, $0xb8;
	[tilespmem:$0x1EA00] =	vst v63  }
0x75: {  	_ =	swait.ge [sflag:s28], $0x4000  }
.Ltmp4:
0x76: {  	[sflag:s28] =	ssyncset.done $0x0;
	(pc) =	sbr.rel .LBB2_10-.Ltmp4, $4  }
0x77: {  	[sflag:s28] =	ssyncadd.s32 $0xFFFFC000  }
0x78: {  	_ =	swait.ge [sflag:s29], $0x4000  }
0x79: {  	[sflag:s29] =	ssyncset.done $0x0  }
0x7a: {  	s4 =	rddreg [dreg:$0x4];
	[sflag:s29] =	ssyncadd.s32 $0xFFFFC000  }
.LBB2_4:
0x7b: {  	[tilespmem:s18], [sflag:$0x1] =	stream.linear.gather [hbm4b:s4+s3], $0x80, $0x38;
	[tilespmem:$0x1EA00] =	vst v63  }
0x7c: {  	s5 =	sadd.s32 $0xFFFFF800, s12  }
0x7d: {  	[tilespmem:s19], [sflag:$0x3] =	stream.linear.gather [hbm4b:s5+s3], $0x4000, $0x38;
	[tilespmem:$0x1EA00] =	vst v63  }
0x7e: {  	s15 =	sadd.s32 $0x10, s4  }
0x7f: {  	[tilespmem:s20], [sflag:$0x2] =	stream.linear.gather [hbm4b:s15+s3], $0x80, $0x38;
	[tilespmem:$0x1EA00] =	vst v63  }
0x80: {  	_ = 	snop  }
0x81: {  	[tilespmem:s21], [sflag:$0x4] =	stream.linear.gather [hbm4b:s12+s3], $0x4000, $0x38;
	[tilespmem:$0x1EA00] =	vst v63  }
0x82: {  	_ =	swait.ge [sflag:s22], $0x80  }
0x83: {  	[sflag:s22] =	ssyncset.done $0x0  }
0x84: {  	[sflag:s22] =	ssyncadd.s32 $0xFFFFFF80  }
0x85: {  	_ =	swait.ge [sflag:s23], $0x4000  }
0x86: {  	[sflag:s23] =	ssyncset.done $0x0  }
0x87: {  	[sflag:s23] =	ssyncadd.s32 $0xFFFFC000  }
0x88: {  	[spmem:s1] =	stream.indirect.scatter.add.f32 [tilespmem:s19], [sflag:$0x5], $0x80, s18, s24, $0xb8;
	[tilespmem:$0x1EA00] =	vst v63  }
0x89: {  	_ =	swait.ge [sflag:s25], $0x80  }
0x8a: {  	[sflag:s25] =	ssyncset.done $0x0  }
0x8b: {  	[sflag:s25] =	ssyncadd.s32 $0xFFFFFF80  }
0x8c: {  	_ =	swait.ge [sflag:s26], $0x4000  }
0x8d: {  	[sflag:s26] =	ssyncset.done $0x0  }
0x8e: {  	[sflag:s26] =	ssyncadd.s32 $0xFFFFC000  }
0x8f: {  	[spmem:s1] =	stream.indirect.scatter.add.f32 [tilespmem:s21], [sflag:$0x6], $0x80, s20, s24, $0xb8;
	[tilespmem:$0x1EA00] =	vst v63  }
0x90: {  	_ =	swait.ge [sflag:s28], $0x4000  }
0x91: {  	[sflag:s28] =	ssyncset.done $0x0  }
0x92: {  	[sflag:s28] =	ssyncadd.s32 $0xFFFFC000  }
0x93: {  	s4 =	sadd.s32 $0x1000, s12;
	_ =	swait.ge [sflag:s29], $0x4000  }
0x94: {  	s5 =	simm.s32 $0x20;
	s15 =	simm.s32 $0x40;
	[sflag:s29] =	ssyncset.done $0x0  }
.LBB2_5:
0x95: {  	s6 =	sadd.s32 s5, s13  }
0x96: {  	[sflag:s29] =	ssyncadd.s32 $0xFFFFC000;
	s5 =	smov.u32 s15;
	s8 =	sadd.s32 $0x20, s15  }
0x97: {  	[tilespmem:s18], [sflag:$0x1] =	stream.linear.gather [hbm4b:s6+s3], $0x80, $0x38;
	[tilespmem:$0x1EA00] =	vst v63  }
0x98: {  	p2 =	seq.s32 s15, $0x4C0;
	s15 =	sadd.s32 $0xFFFFF800, s4  }
0x99: {  	[tilespmem:s19], [sflag:$0x3] =	stream.linear.gather [hbm4b:s15+s3], $0x4000, $0x38;
	[tilespmem:$0x1EA00] =	vst v63  }
0x9a: {  	s6 =	sadd.s32 $0x10, s6  }
0x9b: {  	[tilespmem:s20], [sflag:$0x2] =	stream.linear.gather [hbm4b:s6+s3], $0x80, $0x38;
	[tilespmem:$0x1EA00] =	vst v63  }
0x9c: {  	_ = 	snop  }
0x9d: {  	[tilespmem:s21], [sflag:$0x4] =	stream.linear.gather [hbm4b:s4+s3], $0x4000, $0x38;
	[tilespmem:$0x1EA00] =	vst v63  }
0x9e: {  	_ =	swait.ge [sflag:s22], $0x80  }
0x9f: {  	[sflag:s22] =	ssyncset.done $0x0  }
0xa0: {  	[sflag:s22] =	ssyncadd.s32 $0xFFFFFF80  }
0xa1: {  	_ =	swait.ge [sflag:s23], $0x4000  }
0xa2: {  	[sflag:s23] =	ssyncset.done $0x0  }
0xa3: {  	[sflag:s23] =	ssyncadd.s32 $0xFFFFC000  }
0xa4: {  	[spmem:s1] =	stream.indirect.scatter.add.f32 [tilespmem:s19], [sflag:$0x5], $0x80, s18, s24, $0xb8;
	[tilespmem:$0x1EA00] =	vst v63  }
0xa5: {  	_ =	swait.ge [sflag:s25], $0x80  }
0xa6: {  	[sflag:s25] =	ssyncset.done $0x0  }
0xa7: {  	[sflag:s25] =	ssyncadd.s32 $0xFFFFFF80  }
0xa8: {  	_ =	swait.ge [sflag:s26], $0x4000  }
0xa9: {  	[sflag:s26] =	ssyncset.done $0x0  }
0xaa: {  	[sflag:s26] =	ssyncadd.s32 $0xFFFFC000  }
0xab: {  	[spmem:s1] =	stream.indirect.scatter.add.f32 [tilespmem:s21], [sflag:$0x6], $0x80, s20, s24, $0xb8;
	[tilespmem:$0x1EA00] =	vst v63  }
.Ltmp5:
0xac: {  	_ =	swait.ge [sflag:s28], $0x4000;
	(pc) =	sbr.rel @!p2 .LBB2_5-.Ltmp5, $4  }
0xad: {  	[sflag:s28] =	ssyncset.done $0x0  }
0xae: {  	[sflag:s28] =	ssyncadd.s32 $0xFFFFC000  }
0xaf: {  	_ =	swait.ge [sflag:s29], $0x4000  }
0xb0: {  	s15 =	smov.u32 s8;
	s4 =	sadd.s32 $0x1000, s4;
	[sflag:s29] =	ssyncset.done $0x0  }
0xb1: {  	s5 =	sadd.s32 s5, s13;
	[sflag:s29] =	ssyncadd.s32 $0xFFFFC000  }
0xb2: {  	[tilespmem:s18], [sflag:$0x1] =	stream.linear.gather [hbm4b:s5+s3], $0x80, $0x38;
	[tilespmem:$0x1EA00] =	vst v63  }
0xb3: {  	s6 =	sadd.s32 $0xFFFFF800, s4  }
0xb4: {  	[tilespmem:s19], [sflag:$0x3] =	stream.linear.gather [hbm4b:s6+s3], $0x4000, $0x38;
	[tilespmem:$0x1EA00] =	vst v63  }
0xb5: {  	s5 =	sadd.s32 $0x10, s5  }
0xb6: {  	[tilespmem:s20], [sflag:$0x2] =	stream.linear.gather [hbm4b:s5+s3], $0x80, $0x38;
	[tilespmem:$0x1EA00] =	vst v63  }
0xb7: {  	_ = 	snop  }
0xb8: {  	[tilespmem:s21], [sflag:$0x4] =	stream.linear.gather [hbm4b:s4+s3], $0x4000, $0x38;
	[tilespmem:$0x1EA00] =	vst v63  }
0xb9: {  	_ =	swait.ge [sflag:s22], $0x80  }
0xba: {  	[sflag:s22] =	ssyncset.done $0x0  }
0xbb: {  	[sflag:s22] =	ssyncadd.s32 $0xFFFFFF80  }
0xbc: {  	_ =	swait.ge [sflag:s23], $0x4000  }
0xbd: {  	[sflag:s23] =	ssyncset.done $0x0  }
0xbe: {  	[sflag:s23] =	ssyncadd.s32 $0xFFFFC000  }
0xbf: {  	[spmem:s1] =	stream.indirect.scatter.add.f32 [tilespmem:s19], [sflag:$0x5], $0x80, s18, s24, $0xb8;
	[tilespmem:$0x1EA00] =	vst v63  }
0xc0: {  	_ =	swait.ge [sflag:s25], $0x80  }
0xc1: {  	[sflag:s25] =	ssyncset.done $0x0  }
0xc2: {  	[sflag:s25] =	ssyncadd.s32 $0xFFFFFF80  }
0xc3: {  	_ =	swait.ge [sflag:s26], $0x4000  }
0xc4: {  	[sflag:s26] =	ssyncset.done $0x0  }
0xc5: {  	[sflag:s26] =	ssyncadd.s32 $0xFFFFC000  }
0xc6: {  	[spmem:s1] =	stream.indirect.scatter.add.f32 [tilespmem:s21], [sflag:$0x6], $0x80, s20, s24, $0xb8;
	[tilespmem:$0x1EA00] =	vst v63  }
0xc7: {  	_ =	swait.ge [sflag:s28], $0x4000  }
0xc8: {  	[sflag:s28] =	ssyncset.done $0x0  }
0xc9: {  	[sflag:s28] =	ssyncadd.s32 $0xFFFFC000  }
0xca: {  	_ =	swait.ge [sflag:s29], $0x4000  }
0xcb: {  	[sflag:s29] =	ssyncset.done $0x0  }
0xcc: {  	s4 =	rddreg [dreg:$0x3];
	[sflag:s29] =	ssyncadd.s32 $0xFFFFC000  }
.LBB2_10:
0xcd: {  	s5 =	rddreg [dreg:$0x6]  }
0xce: {  	[tilespmem:s30], [sflag:$0x7] =	stream.linear.gather [hbm4b:s5+s3], $0x10, $0x38;
	[tilespmem:$0x1EA00] =	vst v63  }
0xcf: {  	_ =	swait.ge [sflag:s17], $0x10  }
0xd0: {  	[sflag:s17] =	ssyncset.done $0x0  }
0xd1: {  	s4 =	sadd.s32 s4, s9;
	[sflag:s17] =	ssyncadd.s32 $0xFFFFFFF0  }
0xd2: {  	[tilespmem:s31], [sflag:$0x7] =	stream.linear.gather [hbm4b:s4+s3], $0x800, $0x38;
	[tilespmem:$0x1EA00] =	vst v63  }
0xd3: {  	_ =	swait.ge [sflag:s17], $0x800  }
0xd4: {  	[sflag:s17] =	ssyncset.done $0x0  }
0xd5: {  	s15 =	simm.s32 $0x10;
	[sflag:s17] =	ssyncadd.s32 $0xFFFFF800  }
0xd6: {  	[spmem:s1] =	stream.indirect.scatter.add.f32 [tilespmem:s31], [sflag:$0x7], $0x80, s30, s15, $0xb8;
	[tilespmem:$0x1EA00] =	vst v63  }
0xd7: {  	_ =	swait.ge [sflag:s17], $0x800  }
0xd8: {  	[sflag:s17] =	ssyncset.done $0x0  }
0xd9: {  	[sflag:s17] =	ssyncadd.s32 $0xFFFFF800  }
0xda: {  	[bflag:$0x0] =	sbarrier.arrive $0xFFFF  }
0xdb: {  	[tilespmem:s16], [sflag:$0x7] =	stream.linear.gather [spmem:s11], $0x2800, $0x38;
	[tilespmem:$0x1EA00] =	vst v63  }
0xdc: {  	_ =	swait.ge [sflag:s17], $0x2800  }
.Ltmp6:
0xdd: {  	[sflag:s17] =	ssyncset.done $0x0;
	(pc) =	sbr.rel @!p1 .LBB2_12-.Ltmp6, $4  }
0xde: {  	[sflag:s17] =	ssyncadd.s32 $0xFFFFD800  }
0xdf: {  	[hbm4b:s0+s3] =	stream.linear.scatter [tilespmem:s16], [sflag:$0x7], $0x2800, $0x38;
	[tilespmem:$0x1EA00] =	vst v63  }
0xe0: {  	s5 =	smov.u32 s11;
	_ =	swait.ge [sflag:s17], $0x2800  }
0xe1: {  	s4 =	sadd.s32 $0xFFFFFFFF, s7;
	s15 =	smov.u32 s0;
	[sflag:s17] =	ssyncset.done $0x0  }
.LBB2_11:
0xe2: {  	[sflag:s17] =	ssyncadd.s32 $0xFFFFD800;
	s5 =	sadd.s32 $0x28000, s5;
	s15 =	sadd.s32 $0x5000, s15  }
0xe3: {  	[tilespmem:s16], [sflag:$0x7] =	stream.linear.gather [spmem:s5], $0x2800, $0x38;
	[tilespmem:$0x1EA00] =	vst v63  }
0xe4: {  	p1 =	sne.s32 s4, $0x1;
	s4 =	sadd.s32 $0xFFFFFFFF, s4;
	_ =	swait.ge [sflag:s17], $0x2800  }
.Ltmp7:
0xe5: {  	[sflag:s17] =	ssyncset.done $0x0;
	(pc) =	sbr.rel @p1 .LBB2_11-.Ltmp7, $4  }
0xe6: {  	[sflag:s17] =	ssyncadd.s32 $0xFFFFD800  }
0xe7: {  	[hbm4b:s15+s3] =	stream.linear.scatter [tilespmem:s16], [sflag:$0x7], $0x2800, $0x38;
	[tilespmem:$0x1EA00] =	vst v63  }
0xe8: {  	_ =	swait.ge [sflag:s17], $0x2800  }
0xe9: {  	[sflag:s17] =	ssyncset.done $0x0  }
.LBB2_12:
0xea: {  	s2 =	sadd.s32 $0x1, s2  }
0xeb: {  	p1 =	sne.s32 s2, s10  }
.Ltmp8:
0xec: {  	_ = 	snop;
	(pc) =	sbr.rel @p1 .LBB2_1-.Ltmp8, $2  }
0xed: {  	_ =	sdelay $0x2  }
0xee: {  	[sflag:s17] =	ssyncadd.s32 $0xFFFFD800  }
0xef: {  	_ =	sfence.sel $0x180000  }
0xf0: {  	[bflag:$0x0] =	sbarrier.arrive $0xFFFF  }
0xf1: {  	_ =	strace $0x9000004D  }
0xf2: {  	s0 =	stileid.u32;
	[bflag:$0x2] =	sbarrier.arrive $0xFFFF  }
0xf3: {  	p0 =	sne.s32 s0, $0x0;
	s0 =	rddreg [dreg:$0x2]  }
0xf4: {  	s0 =	sadd.s32 @!p0 $0x100000, s0  }
0xf5: {  	[sflag:s0] =	ssyncadd.tile.s32 @!p0 $0x1;
	_ =	shalt  }
.Lfunc_end2:
_tile_overlayer_lowered:
.L_overlay_start_2:
0xf6: {  	(tag) =	ssettag $0x2  }
0xf7: {  	s0 =	rddreg [dreg:$0x0];
	s2 =	stileid.u32  }
0xf8: {  	s1 =	rddreg [dreg:$0x1];
	p0 =	sne.s32 s2, $0x0  }
0xf9: {  	s3 =	rddreg [dreg:$0x2];
	[bflag:$0x3] =	sbarrier.arrive $0xFFFF;
	s2 =	simm.s32 @!p0 $0x1C07  }
0xfa: {  	[timem:s3], [sflag:s2] =	dma.local @!p0 [hbm:s0], s1  }
0xfb: {  	s0 =	simm.s32 @!p0 $0x7  }
0xfc: {  	_ =	swait.ge @!p0 [sflag:s0], s1  }
0xfd: {  	s1 =	ssub.s32 @!p0 $0x0, s1;
	[sflag:s0] =	ssyncset.done @!p0 $0x0  }
0xfe: {  	[sflag:s0] =	ssyncadd.s32 @!p0 s1  }
0xff: {  	[bflag:$0x3] =	sbarrier.arrive $0xFFFF  }
0x100: {  	_ =	shalt  }

// kernel: kernel.19.cloned.1.call-start
scs
__scs_entry_jumppad:
0x0: {  	(pc) =	sbr.rel $0x88, $3  }
0x1: {  	(tag) =	ssettag $0x0;
	lr =	simm.s32 $0x1  }
0x2: {  	[smem:$0x3F86] =	sst lr;
	_ =	strace $0xD0000000  }
0x3: {  	_ = 	snop  }
0x4: {  	_ = 	snop  }
0x5: {  	_ = 	snop  }
0x6: {  	_ = 	snop  }
0x7: {  	_ = 	snop  }
__scs_overlays_trampoline_lowered:
0x8: {  	[smem:$0x3F95] =	sst s0  }
0x9: {  	[smem:$0x3F96] =	sst s1  }
0xa: {  	[smem:$0x3F97] =	sst s2  }
0xb: {  	[smem:$0x3F98] =	sst s3  }
0xc: {  	[smem:$0x3F99] =	sst s4  }
0xd: {  	[smem:$0x3F9A] =	sst s5  }
0xe: {  	[smem:$0x3F9B] =	sst s6  }
0xf: {  	[smem:$0x3F9C] =	sst s7  }
0x10: {  	[smem:$0x3F9D] =	sst s8  }
0x11: {  	[smem:$0x3F9E] =	sst s9;
	s0 =	simm.s32 @!p0 $0x0  }
0x12: {  	s1 =	sld [smem:$0x3F84];
	s0 =	simm.s32 @p0 $0x1  }
0x13: {  	[smem:$0x3F9F] =	sst s0;
	s0 =	simm.s32 @!p1 $0x0  }
0x14: {  	s2 =	sld [smem:$0x3F83];
	s0 =	simm.s32 @p1 $0x1  }
0x15: {  	[smem:$0x3FA0] =	sst s0;
	s0 =	simm.s32 @!p2 $0x0  }
0x16: {  	s3 =	sld [smem:$0x3FDB];
	s0 =	simm.s32 @p2 $0x1  }
0x17: {  	s4 =	simm.s32 $0x1BF5;
	[smem:$0x3FA2] =	sst s0  }
0x18: {  	s0 =	sld [smem:$0x3F85];
	_ =	swait.ge [sflag:s4], $0x0  }
0x19: {  	s7 =	sld [smem:$0x3F86]  }
0x1a: {  	s8 =	sadd.s32 $0xFFFFE003, lr  }
0x1b: {  	s9 =	sadd.s32 $0xFFFFFEF7, lr;
	s5 =	simm.s32 $0xFFFFFFFF;
	p2 =	slt.u32 s8, $0xFFFFF086  }
0x1c: {  	p1 =	slt.u32 s9, $0xF7A;
	s5 =	simm.s32 @!p2 $0x0  }
0x1d: {  	s5 =	simm.s32 @p1 $0x1;
	p0 =	seq.s32 s7, s2  }
0x1e: {  	s7 =	smul.u32 @!p0 $0xF7A, s2;
	p2 =	seq.s32 @!p0 s5, $0x0  }
0x1f: {  	s9 =	smul.u32 $0xF7A, s1;
	s8 =	simm.s32 @!p0 $0x1BF5;
	p2 =	por !p2, p0  }
0x20: {  	[sflag:s8] =	ssyncset.s32 @!p0 $0xFFFFF086;
	s6 =	sadd.s32 @!p0 s3, s7;
	s7 =	simm.s32 @!p0 $0x108  }
0x21: {  	s3 =	sadd.s32 s3, s9;
	s6 =	sadd.s32 @!p0 $0x88, s6;
	s7 =	simm.s32 @p2 $0x1082  }
0x22: {  	[simem:s7], [sflag:s8] =	dma.local @!p0 [hbm:s6], $0xF7A  }
0x23: {  	s9 =	sor.u32 $0xD0000000, s2;
	s6 =	simm.s32 $0x108;
	_ =	swait.ge @!p0 [sflag:s8], $0x0  }
0x24: {  	s3 =	sadd.s32 $0x88, s3;
	s6 =	simm.s32 @!p1 $0x1082;
	[sflag:s4] =	ssyncset.s32 $0xFFFFF086  }
0x25: {  	[simem:s6], [sflag:s4] =	dma.local [hbm:s3], $0xF7A  }
0x26: {  	[smem:$0x3F86] =	sst s1;
	(tag) =	ssettag s2;
	_ =	strace s9  }
0x27: {  	s1 =	sld [smem:$0x3F96]  }
0x28: {  	s2 =	sld [smem:$0x3F97]  }
0x29: {  	s4 =	sld [smem:$0x3F99]  }
0x2a: {  	p0 =	seq.s32 s5, $0x0;
	s5 =	sld [smem:$0x3F9A]  }
0x2b: {  	s6 =	sld [smem:$0x3F9B]  }
0x2c: {  	s7 =	sld [smem:$0x3F9C]  }
0x2d: {  	s3 =	simm.s32 $0x108;
	s8 =	sld [smem:$0x3F9D]  }
0x2e: {  	s3 =	simm.s32 @!p0 $0x1082;
	s9 =	sld [smem:$0x3F9E]  }
0x2f: {  	lr =	sadd.s32 s0, s3;
	s0 =	sld [smem:$0x3F95]  }
0x30: {  	s3 =	sld [smem:$0x3F98]  }
0x31: {  	[smem:$0x3FA1] =	sst s10  }
0x32: {  	s10 =	sld [smem:$0x3F9F];
	_ =	sdelay $0x3  }
0x33: {  	p0 =	seq.s32 s10, $0x1;
	s10 =	sld [smem:$0x3FA1];
	_ =	sdelay $0x3  }
0x34: {  	[smem:$0x3FA1] =	sst s10  }
0x35: {  	s10 =	sld [smem:$0x3FA0];
	_ =	sdelay $0x3  }
0x36: {  	p1 =	seq.s32 s10, $0x1;
	s10 =	sld [smem:$0x3FA1];
	_ =	sdelay $0x3  }
0x37: {  	[smem:$0x3FA1] =	sst s10  }
0x38: {  	s10 =	sld [smem:$0x3FA2]  }
0x39: {  	_ = 	snop;
	(pc) =	sbr.ind lr, $3  }
0x3a: {  	_ = 	snop  }
0x3b: {  	_ = 	snop  }
0x3c: {  	p2 =	seq.s32 s10, $0x1;
	s10 =	sld [smem:$0x3FA1]  }
0x3d: {  	_ =	shalt  }
0x3e: {  	_ =	shalt  }
0x3f: {  	_ =	shalt  }
0x40: {  	_ =	shalt  }
0x41: {  	_ =	shalt  }
0x42: {  	_ =	shalt  }
0x43: {  	_ =	shalt  }
0x44: {  	_ =	shalt  }
0x45: {  	_ =	shalt  }
0x46: {  	_ =	shalt  }
0x47: {  	_ =	shalt  }
0x48: {  	_ =	shalt  }
0x49: {  	_ =	shalt  }
0x4a: {  	_ =	shalt  }
0x4b: {  	_ =	shalt  }
0x4c: {  	_ =	shalt  }
0x4d: {  	_ =	shalt  }
0x4e: {  	_ =	shalt  }
0x4f: {  	_ =	shalt  }
0x50: {  	_ =	shalt  }
0x51: {  	_ =	shalt  }
0x52: {  	_ =	shalt  }
0x53: {  	_ =	shalt  }
0x54: {  	_ =	shalt  }
0x55: {  	_ =	shalt  }
0x56: {  	_ =	shalt  }
0x57: {  	_ =	shalt  }
0x58: {  	_ =	shalt  }
0x59: {  	_ =	shalt  }
0x5a: {  	_ =	shalt  }
0x5b: {  	_ =	shalt  }
0x5c: {  	_ =	shalt  }
0x5d: {  	_ =	shalt  }
0x5e: {  	_ =	shalt  }
0x5f: {  	_ =	shalt  }
0x60: {  	_ =	shalt  }
0x61: {  	_ =	shalt  }
0x62: {  	_ =	shalt  }
0x63: {  	_ =	shalt  }
0x64: {  	_ =	shalt  }
0x65: {  	_ =	shalt  }
0x66: {  	_ =	shalt  }
0x67: {  	_ =	shalt  }
0x68: {  	_ =	shalt  }
0x69: {  	_ =	shalt  }
0x6a: {  	_ =	shalt  }
0x6b: {  	_ =	shalt  }
0x6c: {  	_ =	shalt  }
0x6d: {  	_ =	shalt  }
0x6e: {  	_ =	shalt  }
0x6f: {  	_ =	shalt  }
0x70: {  	_ =	shalt  }
0x71: {  	_ =	shalt  }
0x72: {  	_ =	shalt  }
0x73: {  	_ =	shalt  }
0x74: {  	_ =	shalt  }
0x75: {  	_ =	shalt  }
0x76: {  	_ =	shalt  }
0x77: {  	_ =	shalt  }
0x78: {  	_ =	shalt  }
0x79: {  	_ =	shalt  }
0x7a: {  	_ =	shalt  }
0x7b: {  	_ =	shalt  }
0x7c: {  	_ =	shalt  }
0x7d: {  	_ =	shalt  }
0x7e: {  	_ =	shalt  }
0x7f: {  	_ =	shalt  }
0x80: {  	_ =	shalt  }
0x81: {  	_ =	shalt  }
0x82: {  	_ =	shalt  }
0x83: {  	_ =	shalt  }
0x84: {  	_ =	shalt  }
0x85: {  	_ =	shalt  }
0x86: {  	_ =	shalt  }
0x87: {  	_ =	shalt  }
.Lfunc_end0:
.L_simem_size_0:
called_computation.3_lowered:
.L_overlay_start_0:
0x88: {  	s2 =	sld [smem:$0x3FD9]  }
0x89: {  	s3 =	sld [smem:$0x3FFE];
	_ =	sdelay $0x1  }
0x8a: {  	s1 =	srdreg.scid  }
0x8b: {  	s0 =	sand.u32 $0x1, s1  }
0x8c: {  	s17 =	sshll.u32 s0, $0xA;
	s2 =	sadd.s32 s3, s2  }
0x8d: {  	s2 =	sadd.s32 s2, s17  }
0x8e: {  	[smem:$0x3FAD] =	sst s2  }
0x8f: {  	_ = 	snop  }
0x90: {  	(tm) =	ssettm $0x1  }
0x91: {  	s18 =	sld [smem:$0x3FFB];
	_ =	sdelay $0x3  }
0x92: {  	_ =	strace s18  }
0x93: {  	s2 =	sld [smem:$0x3FFC];
	_ =	sdelay $0x3  }
0x94: {  	_ =	strace s2  }
0x95: {  	s2 =	sld [smem:$0x3FFD];
	_ =	sdelay $0x3  }
0x96: {  	_ =	strace s2  }
0x97: {  	_ =	strace $0x8FFFFFFF  }
0x98: {  	s19 =	sld [smem:$0x3FDB];
	_ =	sdelay $0x1  }
0x99: {  	s20 =	simm.s32 $_scs_section_size  }
0x9a: {  	s4 =	simm.s32 $_size__tile_overlayer_lowered;
	s5 =	simm.s32 $_tile_overlayer_lowered  }
0x9b: {  	s6 =	simm.s32 $0x1BFF;
	s21 =	sshll.u32 s5, $0x1;
	s3 =	sadd.s32 s20, s19  }
0x9c: {  	s22 =	simm.s32 $0x0;
	s4 =	sshll.u32 s4, $0x1;
	s5 =	sadd.s32 s21, s3  }
0x9d: {  	[timem:s22], [sflag:s6] =	dma.local [hbm:s5], s4  }
0x9e: {  	_ =	swait.ge [sflag:s6], s4  }
0x9f: {  	s4 =	ssub.s32 $0x0, s4;
	[sflag:s6] =	ssyncset.done $0x0  }
0xa0: {  	[sflag:s6] =	ssyncadd.s32 s4;
	_ =	sdelay $0x1  }
0xa1: {  	s23 =	simm.s32 $0x1B8B  }
0xa2: {  	_ =	swait.ge [sflag:s23], $0x1  }
0xa3: {  	[sflag:s23] =	ssyncset.done $0x0  }
0xa4: {  	[sflag:s23] =	ssyncadd.s32 $0xFFFFFFFF  }
0xa5: {  	s4 =	sld [smem:$0x0]  }
0xa6: {  	s5 =	sand.u32 $0xFFFFFFFE, s1  }
0xa7: {  	p0 =	sne.s32 s1, s5  }
0xa8: {  	s5 =	sshll.u32 @p0 s5, $0xE  }
0xa9: {  	s5 =	sadd.s32 @p0 $0x11B8D, s5;
	s6 =	sshll.u32 @p0 s4, $0x11  }
0xaa: {  	s5 =	sor.u32 @p0 s6, s5  }
0xab: {  	[sflag:s5] =	ssyncadd.remote.s32 @p0 $0x1;
	_ =	sdelay $0x1  }
0xac: {  	s5 =	simm.s32 @p0 $0x1B8D  }
0xad: {  	_ =	swait.eq @p0 [sflag:s5], $0x1  }
0xae: {  	[sflag:s5] =	ssyncadd.s32 @p0 $0xFFFFFFFF  }
0xaf: {  	s6 =	sshll.u32 @!p0 s1, $0xE  }
0xb0: {  	s6 =	sor.u32 @!p0 $0x4000, s6;
	s5 =	simm.s32 @!p0 $0x1B8D  }
0xb1: {  	s4 =	sshll.u32 @!p0 s4, $0x11;
	s6 =	sadd.s32 @!p0 $0x11B8D, s6;
	_ =	swait.eq @!p0 [sflag:s5], $0x1  }
0xb2: {  	s4 =	sor.u32 @!p0 s4, s6;
	[sflag:s5] =	ssyncadd.s32 @!p0 $0xFFFFFFFF  }
0xb3: {  	s25 =	simm.s32 $0x1B8E;
	s24 =	sld [smem:$0x3FFE];
	[sflag:s4] =	ssyncadd.remote.s32 @!p0 $0x1  }
0xb4: {  	s26 =	simm.s32 $execute0_lowered;
	[smem:$0x3FD2] =	sst s25  }
0xb5: {  	s5 =	sshll.u32 s26, $0x1;
	_ =	strace $0x8000004F;
	[dreg:$0x1] =	wrdreg $0xFFFFFFFF  }
0xb6: {  	s28 =	simm.s32 $_size_execute0_lowered;
	s3 =	sadd.s32 s3, s5;
	[dreg:$0x0] =	wrdreg $0x0  }
0xb7: {  	s5 =	sshll.u32 s28, $0x1;
	[dreg:$0x2] =	wrdreg s3  }
0xb8: {  	[dreg:$0x3] =	wrdreg s5  }
0xb9: {  	[dreg:$0x4] =	wrdreg $0xC0  }
0xba: {  	_ =	task [dreg:s22], $0x5FFFF  }
0xbb: {  	[dreg:$0x1] =	wrdreg $0xFFFFFFFF  }
0xbc: {  	[dreg:$0x0] =	wrdreg $0x60  }
0xbd: {  	[dreg:$0x2] =	wrdreg s24  }
0xbe: {  	[dreg:$0x3] =	wrdreg $0x0  }
0xbf: {  	[dreg:$0x4] =	wrdreg $0x9  }
0xc0: {  	_ =	task.clear_ibuf [dreg:s22], $0x5FFFF;
	_ =	strace $0x9000004F  }
0xc1: {  	s29 =	simm.s32 $0x9;
	_ =	strace $0x80000051  }
0xc2: {  	_ =	swait.ge [sflag:s29], $0x1  }
0xc3: {  	[sflag:s29] =	ssyncadd.s32 $0xFFFFFFFF  }
0xc4: {  	_ =	strace $0x90000051  }
0xc5: {  	_ =	sfence  }
0xc6: {  	s30 =	sld [smem:$0x0];
	_ =	sdelay $0x2  }
0xc7: {  	s31 =	sshll.u32 s1, $0xD;
	s1 =	sshrl.u32 s1, $0x2  }
0xc8: {  	s4 =	sand.u32 $0x4000, s31;
	s1 =	sadd.s32 s1, s30  }
0xc9: {  	s0 =	sor.u32 s4, s0;
	s1 =	sshll.u32 s1, $0x11  }
0xca: {  	s0 =	sor.u32 s1, s0  }
0xcb: {  	s0 =	sadd.s32 $0x8F2B, s0  }
0xcc: {  	[sflag:s0] =	ssyncadd.remote.s32 $0x1  }
0xcd: {  	_ =	sfence.sel $0xFFFF  }
0xce: {  	[dreg:$0x0] =	wrdreg $0xFFFFFFFF;
	(pc) =	sbr.abs _section_cstart, $3  }
0xcf: {  	[dreg:$0x1] =	wrdreg $0xFFFFFFFF  }
0xd0: {  	_ =	task.clear_ibuf [dreg:s22], $0x2FFFF;
	_ =	strace $0x9FFFFFFF  }
0xd1: {  	(tm) =	ssettm $0x7FFFFFFF  }
tec
execute0_lowered:
.L_overlay_start_1:
0x0: {  	(tag) =	ssettag $0x1  }
0x1: {  	s0 =	rddreg [dreg:$0x0]  }
0x2: {  	s1 =	rddreg [dreg:$0x1];
	s3 =	simm.s32 $0x0  }
0x3: {  	s2 =	srdreg.scid;
	s6 =	stileid.u32;
	s28 =	simm.s32 $0x5  }
0x4: {  	s29 =	simm.s32 $0x6;
	s30 =	simm.s32 $0x1B980;
	s5 =	smul.u32 $0x2800, s6  }
0x5: {  	s31 =	simm.s32 $0x1BA00;
	[smem:$0x7FF] =	sst s3;
	s8 =	smul.u32 $0x2710, s6  }
0x6: {  	s2 =	sand.u32 $0x1, s2;
	s14 =	sadd.s32 $0x6D000, s0;
	s9 =	smul.u32 $0x138800, s6  }
0x7: {  	s15 =	sadd.s32 $0x13A9000, s0;
	s12 =	sadd.s32 $0x14A00, s0;
	s22 =	smul.u32 $0xA000, s6  }
0x8: {  	s7 =	sadd.s32 $0x1E800, s0;
	s19 =	ssub.s32 $0x8C, s6;
	s13 =	smul.u32 $0x4E2, s6  }
0x9: {  	s25 =	smul.u32 $0x27100, s6;
	_ =	strace $0x80000050;
	[dreg:$0x5] =	wrdreg s7  }
0xa: {  	s4 =	smul.u32 $0x138800, s2;
	s16 =	ssub.s32 $0x2, s2;
	[dreg:$0x3] =	wrdreg s14  }
0xb: {  	s7 =	sshrl.u32 s19, $0x4;
	p0 =	seq.s32 s2, $0x1;
	[dreg:$0x4] =	wrdreg s15  }
0xc: {  	s19 =	simm.s32 $0x13980;
	s2 =	simm.s32 $0x0;
	s17 =	sshrl.u32 s16, $0x1  }
0xd: {  	s20 =	sshrl.u32 s8, $0x3;
	s23 =	sshrl.u32 s9, $0x3;
	s24 =	sshrl.u32 s22, $0x2  }
0xe: {  	s26 =	sadd.s32 s13, s12;
	s22 =	simm.s32 $0x1;
	s4 =	sadd.s32 s5, s4  }
0xf: {  	s18 =	ssub.s32 s16, s17;
	s21 =	sadd.s32 s12, s20;
	s9 =	sadd.s32 $0x27000, s23  }
0x10: {  	s11 =	sadd.s32 s24, s1;
	s12 =	sadd.s32 s25, s14;
	s13 =	sadd.s32 $0x4E30, s26  }
0x11: {  	s14 =	sadd.s32 s25, s15;
	s16 =	simm.s32 $0x1C200;
	s17 =	simm.s32 $0x7  }
0x12: {  	s20 =	simm.s32 $0x13900;
	s23 =	simm.s32 $0x3;
	s24 =	simm.s32 $0x80  }
0x13: {  	s25 =	simm.s32 $0x2;
	s26 =	simm.s32 $0x4;
	s4 =	sshrl.u32 s4, $0x3  }
0x14: {  	s8 =	sadd.s32 $0x5300, s21;
	s10 =	smax.u32 s18, $0x1;
	s0 =	sadd.s32 s4, s0  }
0x15: {  	s18 =	simm.s32 $0x13880;
	s21 =	simm.s32 $0x17980;
	s15 =	sadd.s32 $0x2DE000, s0  }
.LBB2_1:
0x16: {  	s0 =	rddreg [dreg:$0x5]  }
0x17: {  	[tilespmem:s16], [sflag:$0x7] =	stream.linear.gather [hbm4b:s0+s3], $0x2800, $0x38;
	[tilespmem:$0x1EA00] =	vst v63  }
0x18: {  	p1 =	sne.s32 s7, $0x1;
	_ =	swait.ge [sflag:s17], $0x2800  }
.Ltmp0:
0x19: {  	[sflag:s17] =	ssyncset.done $0x0;
	(pc) =	sbr.rel @!p1 .LBB2_3-.Ltmp0, $4  }
0x1a: {  	[sflag:s17] =	ssyncadd.s32 $0xFFFFD800  }
0x1b: {  	[spmem:s11] =	stream.linear.scatter [tilespmem:s16], [sflag:$0x7], $0x2800, $0x38;
	[tilespmem:$0x1EA00] =	vst v63  }
0x1c: {  	_ =	swait.ge [sflag:s17], $0x2800  }
0x1d: {  	s4 =	smov.u32 s11;
	s0 =	sadd.s32 $0xFFFFFFFF, s7;
	[sflag:s17] =	ssyncset.done $0x0  }
.LBB2_2:
0x1e: {  	p2 =	sne.s32 s0, $0x1;
	[sflag:s17] =	ssyncadd.s32 $0xFFFFD800;
	s4 =	sadd.s32 $0x28000, s4  }
.Ltmp1:
0x1f: {  	s0 =	sadd.s32 $0xFFFFFFFF, s0;
	(pc) =	sbr.rel @p2 .LBB2_2-.Ltmp1, $4  }
0x20: {  	_ = 	snop  }
0x21: {  	[spmem:s4] =	stream.linear.scatter [tilespmem:s16], [sflag:$0x7], $0x2800, $0x38;
	[tilespmem:$0x1EA00] =	vst v63  }
0x22: {  	_ =	swait.ge [sflag:s17], $0x2800  }
0x23: {  	[sflag:s17] =	ssyncset.done $0x0  }
.LBB2_3:
.Ltmp2:
0x24: {  	(pc) =	sbr.rel @!p0 .LBB2_4-.Ltmp2, $4  }
0x25: {  	_ = 	snop  }
0x26: {  	[sflag:s17] =	ssyncadd.s32 $0xFFFFD800  }
0x27: {  	[bflag:$0x0] =	sbarrier.arrive $0xFFFF  }
0x28: {  	s0 =	sadd.s32 $0xFFFFFFF0, s13  }
0x29: {  	[tilespmem:s18], [sflag:$0x1] =	stream.linear.gather [hbm4b:s0+s3], $0x80, $0x38;
	[tilespmem:$0x1EA00] =	vst v63  }
0x2a: {  	s6 =	sadd.s32 $0x0, s14  }
0x2b: {  	[tilespmem:s19], [sflag:$0x3] =	stream.linear.gather [hbm4b:s6+s3], $0x4000, $0x38;
	[tilespmem:$0x1EA00] =	vst v63  }
0x2c: {  	_ = 	snop  }
0x2d: {  	[tilespmem:s20], [sflag:$0x2] =	stream.linear.gather [hbm4b:s13+s3], $0x80, $0x38;
	[tilespmem:$0x1EA00] =	vst v63  }
0x2e: {  	s0 =	sadd.s32 $0x800, s6  }
0x2f: {  	[tilespmem:s21], [sflag:$0x4] =	stream.linear.gather [hbm4b:s0+s3], $0x4000, $0x38;
	[tilespmem:$0x1EA00] =	vst v63  }
0x30: {  	_ =	swait.ge [sflag:s22], $0x80  }
0x31: {  	[sflag:s22] =	ssyncset.done $0x0  }
0x32: {  	[sflag:s22] =	ssyncadd.s32 $0xFFFFFF80  }
0x33: {  	_ =	swait.ge [sflag:s23], $0x4000  }
0x34: {  	[sflag:s23] =	ssyncset.done $0x0  }
0x35: {  	[sflag:s23] =	ssyncadd.s32 $0xFFFFC000  }
0x36: {  	[spmem:s1] =	stream.indirect.scatter.add.f32 [tilespmem:s19], [sflag:$0x5], $0x80, s18, s24, $0xb8;
	[tilespmem:$0x1EA00] =	vst v63  }
0x37: {  	_ =	swait.ge [sflag:s25], $0x80  }
0x38: {  	[sflag:s25] =	ssyncset.done $0x0  }
0x39: {  	[sflag:s25] =	ssyncadd.s32 $0xFFFFFF80  }
0x3a: {  	_ =	swait.ge [sflag:s26], $0x4000  }
0x3b: {  	[sflag:s26] =	ssyncset.done $0x0  }
0x3c: {  	[sflag:s26] =	ssyncadd.s32 $0xFFFFC000  }
0x3d: {  	[spmem:s1] =	stream.indirect.scatter.add.f32 [tilespmem:s21], [sflag:$0x6], $0x80, s20, s24, $0xb8;
	[tilespmem:$0x1EA00] =	vst v63  }
0x3e: {  	_ =	swait.ge [sflag:s28], $0x4000  }
0x3f: {  	[sflag:s28] =	ssyncset.done $0x0  }
0x40: {  	[sflag:s28] =	ssyncadd.s32 $0xFFFFC000  }
0x41: {  	s4 =	simm.s32 $0x1000;
	_ =	swait.ge [sflag:s29], $0x4000  }
0x42: {  	s5 =	sadd.s32 $0x20, s13;
	s0 =	simm.s32 $0x2000;
	[sflag:s29] =	ssyncset.done $0x0  }
.LBB2_8:
0x43: {  	p2 =	sne.s32 s0, $0x26000;
	s6 =	sadd.s32 $0xFFFFFFF0, s5;
	[sflag:s29] =	ssyncadd.s32 $0xFFFFC000  }
0x44: {  	[tilespmem:s18], [sflag:$0x1] =	stream.linear.gather [hbm4b:s6+s3], $0x80, $0x38;
	[tilespmem:$0x1EA00] =	vst v63  }
0x45: {  	s6 =	sadd.s32 s4, s14;
	s4 =	smov.u32 s0;
	s0 =	sadd.s32 $0x1000, s0  }
0x46: {  	[tilespmem:s19], [sflag:$0x3] =	stream.linear.gather [hbm4b:s6+s3], $0x4000, $0x38;
	[tilespmem:$0x1EA00] =	vst v63  }
0x47: {  	_ = 	snop  }
0x48: {  	[tilespmem:s20], [sflag:$0x2] =	stream.linear.gather [hbm4b:s5+s3], $0x80, $0x38;
	[tilespmem:$0x1EA00] =	vst v63  }
0x49: {  	s6 =	sadd.s32 $0x800, s6  }
0x4a: {  	[tilespmem:s21], [sflag:$0x4] =	stream.linear.gather [hbm4b:s6+s3], $0x4000, $0x38;
	[tilespmem:$0x1EA00] =	vst v63  }
0x4b: {  	_ =	swait.ge [sflag:s22], $0x80  }
0x4c: {  	[sflag:s22] =	ssyncset.done $0x0  }
0x4d: {  	[sflag:s22] =	ssyncadd.s32 $0xFFFFFF80  }
0x4e: {  	_ =	swait.ge [sflag:s23], $0x4000  }
0x4f: {  	[sflag:s23] =	ssyncset.done $0x0  }
0x50: {  	[sflag:s23] =	ssyncadd.s32 $0xFFFFC000  }
0x51: {  	[spmem:s1] =	stream.indirect.scatter.add.f32 [tilespmem:s19], [sflag:$0x5], $0x80, s18, s24, $0xb8;
	[tilespmem:$0x1EA00] =	vst v63  }
0x52: {  	_ =	swait.ge [sflag:s25], $0x80  }
0x53: {  	[sflag:s25] =	ssyncset.done $0x0  }
0x54: {  	[sflag:s25] =	ssyncadd.s32 $0xFFFFFF80  }
0x55: {  	_ =	swait.ge [sflag:s26], $0x4000  }
0x56: {  	[sflag:s26] =	ssyncset.done $0x0  }
0x57: {  	[sflag:s26] =	ssyncadd.s32 $0xFFFFC000  }
0x58: {  	[spmem:s1] =	stream.indirect.scatter.add.f32 [tilespmem:s21], [sflag:$0x6], $0x80, s20, s24, $0xb8;
	[tilespmem:$0x1EA00] =	vst v63  }
.Ltmp3:
0x59: {  	_ =	swait.ge [sflag:s28], $0x4000;
	(pc) =	sbr.rel @p2 .LBB2_8-.Ltmp3, $4  }
0x5a: {  	[sflag:s28] =	ssyncset.done $0x0  }
0x5b: {  	[sflag:s28] =	ssyncadd.s32 $0xFFFFC000  }
0x5c: {  	_ =	swait.ge [sflag:s29], $0x4000  }
0x5d: {  	s5 =	sadd.s32 $0x20, s5;
	[sflag:s29] =	ssyncset.done $0x0  }
0x5e: {  	s0 =	sadd.s32 $0xFFFFFFF0, s5;
	[sflag:s29] =	ssyncadd.s32 $0xFFFFC000  }
0x5f: {  	[tilespmem:s18], [sflag:$0x1] =	stream.linear.gather [hbm4b:s0+s3], $0x80, $0x38;
	[tilespmem:$0x1EA00] =	vst v63  }
0x60: {  	s6 =	sadd.s32 s4, s14  }
0x61: {  	[tilespmem:s19], [sflag:$0x3] =	stream.linear.gather [hbm4b:s6+s3], $0x4000, $0x38;
	[tilespmem:$0x1EA00] =	vst v63  }
0x62: {  	_ = 	snop  }
0x63: {  	[tilespmem:s20], [sflag:$0x2] =	stream.linear.gather [hbm4b:s5+s3], $0x80, $0x38;
	[tilespmem:$0x1EA00] =	vst v63  }
0x64: {  	s0 =	sadd.s32 $0x800, s6  }
0x65: {  	[tilespmem:s21], [sflag:$0x4] =	stream.linear.gather [hbm4b:s0+s3], $0x4000, $0x38;
	[tilespmem:$0x1EA00] =	vst v63  }
0x66: {  	_ =	swait.ge [sflag:s22], $0x80  }
0x67: {  	[sflag:s22] =	ssyncset.done $0x0  }
0x68: {  	[sflag:s22] =	ssyncadd.s32 $0xFFFFFF80  }
0x69: {  	_ =	swait.ge [sflag:s23], $0x4000  }
0x6a: {  	[sflag:s23] =	ssyncset.done $0x0  }
0x6b: {  	[sflag:s23] =	ssyncadd.s32 $0xFFFFC000  }
0x6c: {  	[spmem:s1] =	stream.indirect.scatter.add.f32 [tilespmem:s19], [sflag:$0x5], $0x80, s18, s24, $0xb8;
	[tilespmem:$0x1EA00] =	vst v63  }
0x6d: {  	_ =	swait.ge [sflag:s25], $0x80  }
0x6e: {  	[sflag:s25] =	ssyncset.done $0x0  }
0x6f: {  	[sflag:s25] =	ssyncadd.s32 $0xFFFFFF80  }
0x70: {  	_ =	swait.ge [sflag:s26], $0x4000  }
0x71: {  	[sflag:s26] =	ssyncset.done $0x0  }
0x72: {  	[sflag:s26] =	ssyncadd.s32 $0xFFFFC000  }
0x73: {  	[spmem:s1] =	stream.indirect.scatter.add.f32 [tilespmem:s21], [sflag:$0x6], $0x80, s20, s24, $0xb8;
	[tilespmem:$0x1EA00] =	vst v63  }
0x74: {  	_ =	swait.ge [sflag:s28], $0x4000  }
.Ltmp4:
0x75: {  	[sflag:s28] =	ssyncset.done $0x0;
	(pc) =	sbr.rel .LBB2_10-.Ltmp4, $4  }
0x76: {  	[sflag:s28] =	ssyncadd.s32 $0xFFFFC000  }
0x77: {  	_ =	swait.ge [sflag:s29], $0x4000  }
0x78: {  	[sflag:s29] =	ssyncset.done $0x0  }
0x79: {  	s0 =	rddreg [dreg:$0x4];
	[sflag:s29] =	ssyncadd.s32 $0xFFFFC000  }
.LBB2_4:
0x7a: {  	[tilespmem:s18], [sflag:$0x1] =	stream.linear.gather [hbm4b:s0+s3], $0x80, $0x38;
	[tilespmem:$0x1EA00] =	vst v63  }
0x7b: {  	s6 =	sadd.s32 $0x0, s12  }
0x7c: {  	[tilespmem:s19], [sflag:$0x3] =	stream.linear.gather [hbm4b:s6+s3], $0x4000, $0x38;
	[tilespmem:$0x1EA00] =	vst v63  }
0x7d: {  	_ = 	snop  }
0x7e: {  	[tilespmem:s20], [sflag:$0x2] =	stream.linear.gather [hbm4b:s13+s3], $0x80, $0x38;
	[tilespmem:$0x1EA00] =	vst v63  }
0x7f: {  	s0 =	sadd.s32 $0x800, s6  }
0x80: {  	[tilespmem:s21], [sflag:$0x4] =	stream.linear.gather [hbm4b:s0+s3], $0x4000, $0x38;
	[tilespmem:$0x1EA00] =	vst v63  }
0x81: {  	_ =	swait.ge [sflag:s22], $0x80  }
0x82: {  	[sflag:s22] =	ssyncset.done $0x0  }
0x83: {  	[sflag:s22] =	ssyncadd.s32 $0xFFFFFF80  }
0x84: {  	_ =	swait.ge [sflag:s23], $0x4000  }
0x85: {  	[sflag:s23] =	ssyncset.done $0x0  }
0x86: {  	[sflag:s23] =	ssyncadd.s32 $0xFFFFC000  }
0x87: {  	[spmem:s1] =	stream.indirect.scatter.add.f32 [tilespmem:s19], [sflag:$0x5], $0x80, s18, s24, $0xb8;
	[tilespmem:$0x1EA00] =	vst v63  }
0x88: {  	_ =	swait.ge [sflag:s25], $0x80  }
0x89: {  	[sflag:s25] =	ssyncset.done $0x0  }
0x8a: {  	[sflag:s25] =	ssyncadd.s32 $0xFFFFFF80  }
0x8b: {  	_ =	swait.ge [sflag:s26], $0x4000  }
0x8c: {  	[sflag:s26] =	ssyncset.done $0x0  }
0x8d: {  	[sflag:s26] =	ssyncadd.s32 $0xFFFFC000  }
0x8e: {  	[spmem:s1] =	stream.indirect.scatter.add.f32 [tilespmem:s21], [sflag:$0x6], $0x80, s20, s24, $0xb8;
	[tilespmem:$0x1EA00] =	vst v63  }
0x8f: {  	_ =	swait.ge [sflag:s28], $0x4000  }
0x90: {  	[sflag:s28] =	ssyncset.done $0x0  }
0x91: {  	[sflag:s28] =	ssyncadd.s32 $0xFFFFC000  }
0x92: {  	s4 =	simm.s32 $0x1000;
	_ =	swait.ge [sflag:s29], $0x4000  }
0x93: {  	s5 =	sadd.s32 $0x20, s13;
	s0 =	simm.s32 $0x2000;
	[sflag:s29] =	ssyncset.done $0x0  }
.LBB2_5:
0x94: {  	p2 =	seq.s32 s0, $0x26000;
	s6 =	sadd.s32 $0xFFFFFFF0, s5;
	[sflag:s29] =	ssyncadd.s32 $0xFFFFC000  }
0x95: {  	[tilespmem:s18], [sflag:$0x1] =	stream.linear.gather [hbm4b:s6+s3], $0x80, $0x38;
	[tilespmem:$0x1EA00] =	vst v63  }
0x96: {  	s6 =	sadd.s32 s4, s12;
	s4 =	smov.u32 s0;
	s0 =	sadd.s32 $0x1000, s0  }
0x97: {  	[tilespmem:s19], [sflag:$0x3] =	stream.linear.gather [hbm4b:s6+s3], $0x4000, $0x38;
	[tilespmem:$0x1EA00] =	vst v63  }
0x98: {  	_ = 	snop  }
0x99: {  	[tilespmem:s20], [sflag:$0x2] =	stream.linear.gather [hbm4b:s5+s3], $0x80, $0x38;
	[tilespmem:$0x1EA00] =	vst v63  }
0x9a: {  	s6 =	sadd.s32 $0x800, s6  }
0x9b: {  	[tilespmem:s21], [sflag:$0x4] =	stream.linear.gather [hbm4b:s6+s3], $0x4000, $0x38;
	[tilespmem:$0x1EA00] =	vst v63  }
0x9c: {  	_ =	swait.ge [sflag:s22], $0x80  }
0x9d: {  	[sflag:s22] =	ssyncset.done $0x0  }
0x9e: {  	[sflag:s22] =	ssyncadd.s32 $0xFFFFFF80  }
0x9f: {  	_ =	swait.ge [sflag:s23], $0x4000  }
0xa0: {  	[sflag:s23] =	ssyncset.done $0x0  }
0xa1: {  	[sflag:s23] =	ssyncadd.s32 $0xFFFFC000  }
0xa2: {  	[spmem:s1] =	stream.indirect.scatter.add.f32 [tilespmem:s19], [sflag:$0x5], $0x80, s18, s24, $0xb8;
	[tilespmem:$0x1EA00] =	vst v63  }
0xa3: {  	_ =	swait.ge [sflag:s25], $0x80  }
0xa4: {  	[sflag:s25] =	ssyncset.done $0x0  }
0xa5: {  	[sflag:s25] =	ssyncadd.s32 $0xFFFFFF80  }
0xa6: {  	_ =	swait.ge [sflag:s26], $0x4000  }
0xa7: {  	[sflag:s26] =	ssyncset.done $0x0  }
0xa8: {  	[sflag:s26] =	ssyncadd.s32 $0xFFFFC000  }
0xa9: {  	[spmem:s1] =	stream.indirect.scatter.add.f32 [tilespmem:s21], [sflag:$0x6], $0x80, s20, s24, $0xb8;
	[tilespmem:$0x1EA00] =	vst v63  }
.Ltmp5:
0xaa: {  	_ =	swait.ge [sflag:s28], $0x4000;
	(pc) =	sbr.rel @!p2 .LBB2_5-.Ltmp5, $4  }
0xab: {  	[sflag:s28] =	ssyncset.done $0x0  }
0xac: {  	[sflag:s28] =	ssyncadd.s32 $0xFFFFC000  }
0xad: {  	_ =	swait.ge [sflag:s29], $0x4000  }
0xae: {  	s5 =	sadd.s32 $0x20, s5;
	[sflag:s29] =	ssyncset.done $0x0  }
0xaf: {  	s0 =	sadd.s32 $0xFFFFFFF0, s5;
	[sflag:s29] =	ssyncadd.s32 $0xFFFFC000  }
0xb0: {  	[tilespmem:s18], [sflag:$0x1] =	stream.linear.gather [hbm4b:s0+s3], $0x80, $0x38;
	[tilespmem:$0x1EA00] =	vst v63  }
0xb1: {  	s6 =	sadd.s32 s4, s12  }
0xb2: {  	[tilespmem:s19], [sflag:$0x3] =	stream.linear.gather [hbm4b:s6+s3], $0x4000, $0x38;
	[tilespmem:$0x1EA00] =	vst v63  }
0xb3: {  	_ = 	snop  }
0xb4: {  	[tilespmem:s20], [sflag:$0x2] =	stream.linear.gather [hbm4b:s5+s3], $0x80, $0x38;
	[tilespmem:$0x1EA00] =	vst v63  }
0xb5: {  	s0 =	sadd.s32 $0x800, s6  }
0xb6: {  	[tilespmem:s21], [sflag:$0x4] =	stream.linear.gather [hbm4b:s0+s3], $0x4000, $0x38;
	[tilespmem:$0x1EA00] =	vst v63  }
0xb7: {  	_ =	swait.ge [sflag:s22], $0x80  }
0xb8: {  	[sflag:s22] =	ssyncset.done $0x0  }
0xb9: {  	[sflag:s22] =	ssyncadd.s32 $0xFFFFFF80  }
0xba: {  	_ =	swait.ge [sflag:s23], $0x4000  }
0xbb: {  	[sflag:s23] =	ssyncset.done $0x0  }
0xbc: {  	[sflag:s23] =	ssyncadd.s32 $0xFFFFC000  }
0xbd: {  	[spmem:s1] =	stream.indirect.scatter.add.f32 [tilespmem:s19], [sflag:$0x5], $0x80, s18, s24, $0xb8;
	[tilespmem:$0x1EA00] =	vst v63  }
0xbe: {  	_ =	swait.ge [sflag:s25], $0x80  }
0xbf: {  	[sflag:s25] =	ssyncset.done $0x0  }
0xc0: {  	[sflag:s25] =	ssyncadd.s32 $0xFFFFFF80  }
0xc1: {  	_ =	swait.ge [sflag:s26], $0x4000  }
0xc2: {  	[sflag:s26] =	ssyncset.done $0x0  }
0xc3: {  	[sflag:s26] =	ssyncadd.s32 $0xFFFFC000  }
0xc4: {  	[spmem:s1] =	stream.indirect.scatter.add.f32 [tilespmem:s21], [sflag:$0x6], $0x80, s20, s24, $0xb8;
	[tilespmem:$0x1EA00] =	vst v63  }
0xc5: {  	_ =	swait.ge [sflag:s28], $0x4000  }
0xc6: {  	[sflag:s28] =	ssyncset.done $0x0  }
0xc7: {  	[sflag:s28] =	ssyncadd.s32 $0xFFFFC000  }
0xc8: {  	_ =	swait.ge [sflag:s29], $0x4000  }
0xc9: {  	[sflag:s29] =	ssyncset.done $0x0  }
0xca: {  	s0 =	rddreg [dreg:$0x3];
	[sflag:s29] =	ssyncadd.s32 $0xFFFFC000  }
.LBB2_10:
0xcb: {  	[tilespmem:s30], [sflag:$0x7] =	stream.linear.gather [hbm4b:s8+s3], $0x10, $0x38;
	[tilespmem:$0x1EA00] =	vst v63  }
0xcc: {  	_ =	swait.ge [sflag:s17], $0x10  }
0xcd: {  	[sflag:s17] =	ssyncset.done $0x0  }
0xce: {  	s0 =	sadd.s32 s0, s9;
	[sflag:s17] =	ssyncadd.s32 $0xFFFFFFF0  }
0xcf: {  	[tilespmem:s31], [sflag:$0x7] =	stream.linear.gather [hbm4b:s0+s3], $0x800, $0x38;
	[tilespmem:$0x1EA00] =	vst v63  }
0xd0: {  	_ =	swait.ge [sflag:s17], $0x800  }
0xd1: {  	[sflag:s17] =	ssyncset.done $0x0  }
0xd2: {  	s6 =	simm.s32 $0x10;
	[sflag:s17] =	ssyncadd.s32 $0xFFFFF800  }
0xd3: {  	[spmem:s1] =	stream.indirect.scatter.add.f32 [tilespmem:s31], [sflag:$0x7], $0x80, s30, s6, $0xb8;
	[tilespmem:$0x1EA00] =	vst v63  }
0xd4: {  	_ =	swait.ge [sflag:s17], $0x800  }
0xd5: {  	[sflag:s17] =	ssyncset.done $0x0  }
0xd6: {  	[sflag:s17] =	ssyncadd.s32 $0xFFFFF800  }
0xd7: {  	[bflag:$0x0] =	sbarrier.arrive $0xFFFF  }
0xd8: {  	[tilespmem:s16], [sflag:$0x7] =	stream.linear.gather [spmem:s11], $0x2800, $0x38;
	[tilespmem:$0x1EA00] =	vst v63  }
0xd9: {  	_ =	swait.ge [sflag:s17], $0x2800  }
.Ltmp6:
0xda: {  	[sflag:s17] =	ssyncset.done $0x0;
	(pc) =	sbr.rel @!p1 .LBB2_12-.Ltmp6, $4  }
0xdb: {  	[sflag:s17] =	ssyncadd.s32 $0xFFFFD800  }
0xdc: {  	[hbm4b:s15+s3] =	stream.linear.scatter [tilespmem:s16], [sflag:$0x7], $0x2800, $0x38;
	[tilespmem:$0x1EA00] =	vst v63  }
0xdd: {  	s4 =	smov.u32 s11;
	_ =	swait.ge [sflag:s17], $0x2800  }
0xde: {  	s5 =	smov.u32 s15;
	s0 =	sadd.s32 $0xFFFFFFFF, s7;
	[sflag:s17] =	ssyncset.done $0x0  }
.LBB2_11:
0xdf: {  	[sflag:s17] =	ssyncadd.s32 $0xFFFFD800;
	s4 =	sadd.s32 $0x28000, s4;
	s5 =	sadd.s32 $0x5000, s5  }
0xe0: {  	[tilespmem:s16], [sflag:$0x7] =	stream.linear.gather [spmem:s4], $0x2800, $0x38;
	[tilespmem:$0x1EA00] =	vst v63  }
0xe1: {  	p1 =	sne.s32 s0, $0x1;
	s0 =	sadd.s32 $0xFFFFFFFF, s0;
	_ =	swait.ge [sflag:s17], $0x2800  }
.Ltmp7:
0xe2: {  	[sflag:s17] =	ssyncset.done $0x0;
	(pc) =	sbr.rel @p1 .LBB2_11-.Ltmp7, $4  }
0xe3: {  	[sflag:s17] =	ssyncadd.s32 $0xFFFFD800  }
0xe4: {  	[hbm4b:s5+s3] =	stream.linear.scatter [tilespmem:s16], [sflag:$0x7], $0x2800, $0x38;
	[tilespmem:$0x1EA00] =	vst v63  }
0xe5: {  	_ =	swait.ge [sflag:s17], $0x2800  }
0xe6: {  	[sflag:s17] =	ssyncset.done $0x0  }
.LBB2_12:
0xe7: {  	s2 =	sadd.s32 $0x1, s2  }
0xe8: {  	p1 =	sne.s32 s2, s10  }
.Ltmp8:
0xe9: {  	_ = 	snop;
	(pc) =	sbr.rel @p1 .LBB2_1-.Ltmp8, $2  }
0xea: {  	_ =	sdelay $0x2  }
0xeb: {  	[sflag:s17] =	ssyncadd.s32 $0xFFFFD800  }
0xec: {  	_ =	sfence.sel $0x180000  }
0xed: {  	[bflag:$0x0] =	sbarrier.arrive $0xFFFF  }
0xee: {  	_ =	strace $0x90000050  }
0xef: {  	s0 =	stileid.u32;
	[bflag:$0x2] =	sbarrier.arrive $0xFFFF  }
0xf0: {  	p0 =	sne.s32 s0, $0x0;
	s0 =	rddreg [dreg:$0x2]  }
0xf1: {  	s0 =	sadd.s32 @!p0 $0x100000, s0  }
0xf2: {  	[sflag:s0] =	ssyncadd.tile.s32 @!p0 $0x1;
	_ =	shalt  }
.Lfunc_end2:
_tile_overlayer_lowered:
.L_overlay_start_2:
0xf3: {  	(tag) =	ssettag $0x2  }
0xf4: {  	s0 =	rddreg [dreg:$0x0];
	s2 =	stileid.u32  }
0xf5: {  	s1 =	rddreg [dreg:$0x1];
	p0 =	sne.s32 s2, $0x0  }
0xf6: {  	s3 =	rddreg [dreg:$0x2];
	[bflag:$0x3] =	sbarrier.arrive $0xFFFF;
	s2 =	simm.s32 @!p0 $0x1C07  }
0xf7: {  	[timem:s3], [sflag:s2] =	dma.local @!p0 [hbm:s0], s1  }
0xf8: {  	s0 =	simm.s32 @!p0 $0x7  }
0xf9: {  	_ =	swait.ge @!p0 [sflag:s0], s1  }
0xfa: {  	s1 =	ssub.s32 @!p0 $0x0, s1;
	[sflag:s0] =	ssyncset.done @!p0 $0x0  }
0xfb: {  	[sflag:s0] =	ssyncadd.s32 @!p0 s1  }
0xfc: {  	[bflag:$0x3] =	sbarrier.arrive $0xFFFF  }
0xfd: {  	_ =	shalt  }

</sc_bundles>
